<compile_context>
chip_gen: v7x
topology: tpu7x:2x2x1
jax: 0.10.2.dev20260603
libtpu: 0.0.44.dev20260713+nightly
codegen_flags: <defaults>
</compile_context>

<pallas_src>
import functools

import jax
import jax.numpy as jnp
from jax import lax
from jax.experimental import pallas as pl
from jax.experimental.pallas import tpu as pltpu
from jax.experimental.pallas import tpu_sc as plsc

B = 32
N = 20000
CIN = 10
COUT = 9
SCALE = 1.0 / 640.0

NW = 32
TCOLS = 157
FULLCOLS = TCOLS - 1
ROUNDS = 5

IN_PLANES = [0, 1, 2, 3, 4, 6, 7, 8, 9]
OUT_SRC = [0, 1, 2, 3, 6, 7, 8, 9, 4]
NBUF = len(IN_PLANES)

_mesh = plsc.VectorSubcoreMesh(core_axis_name="c", subcore_axis_name="s")


SETS = 3
LASTW = FULLCOLS - (ROUNDS - 1) * NW


@functools.partial(
    pl.kernel,
    mesh=_mesh,
    out_type=jax.ShapeDtypeStruct((COUT, B, N), jnp.float32),
    compiler_params=pltpu.CompilerParams(needs_layout_passes=False),
    scratch_types=(
        [pltpu.VMEM((16, 256), jnp.float32) for _ in range(SETS * NBUF)]
        + [pltpu.SemaphoreType.DMA for _ in range(2 * SETS)]
    ),
)
def _adapter(pred_hbm, out_hbm, *refs):
    bufs = [dict(zip(IN_PLANES, refs[s * NBUF:(s + 1) * NBUF]))
            for s in range(SETS)]
    sem_i = refs[SETS * NBUF:SETS * NBUF + SETS]
    sem_o = refs[SETS * NBUF + SETS:SETS * NBUF + 2 * SETS]

    cid = lax.axis_index("c")
    sid = lax.axis_index("s")
    wid = sid * 2 + cid

    def compute(buf):
        @plsc.parallel_loop(0, 16 * 16, unroll=4)
        def body(i):
            r = i // 16
            j = (i % 16) * 16
            x1 = buf[0][r, pl.ds(j, 16)]
            y1 = buf[1][r, pl.ds(j, 16)]
            x2 = buf[2][r, pl.ds(j, 16)]
            y2 = buf[3][r, pl.ds(j, 16)]
            buf[2][r, pl.ds(j, 16)] = (x2 - x1) * SCALE
            buf[3][r, pl.ds(j, 16)] = (y2 - y1) * SCALE
            buf[0][r, pl.ds(j, 16)] = x1 * SCALE
            buf[1][r, pl.ds(j, 16)] = y1 * SCALE

    def rowcol_of(k):
        u = wid + NW * k
        return (u % 2) * 16, (u // 2) * 256

    IN_ORDER = [4, 6, 7, 8, 9, 0, 1, 2, 3]
    COPY_OUT = [(4, 6), (5, 7), (6, 8), (7, 9), (8, 4)]
    BBOX_OUT = [(0, 0), (1, 1), (2, 2), (3, 3)]

    def in_copies(k):
        s = k % SETS
        row, col = rowcol_of(k)
        return [pltpu.make_async_copy(
            pred_hbm.at[c, pl.ds(row, 16), pl.ds(col, 256)],
            bufs[s][c], sem_i[s])
            for c in IN_ORDER]

    def out_copies(k, pairs=COPY_OUT + BBOX_OUT):
        s = k % SETS
        row, col = rowcol_of(k)
        return [pltpu.make_async_copy(
            bufs[s][src],
            out_hbm.at[o, pl.ds(row, 16), pl.ds(col, 256)], sem_o[s])
            for o, src in pairs]

    def start(cps):
        for cp in cps:
            cp.start()

    def wait(cps):
        for cp in cps:
            cp.wait()

    start(in_copies(0))
    start(in_copies(1))

    def do_round(k):
        ins = in_copies(k)
        wait(ins[:5])
        start(out_copies(k, COPY_OUT))
        wait(ins[5:])
        compute(bufs[k % SETS])
        start(out_copies(k, BBOX_OUT))

    for k in range(ROUNDS - 1):
        do_round(k)
        nk = k + 2
        if nk <= ROUNDS - 1:
            pk = nk - SETS
            if pk >= 0:
                wait(out_copies(pk))
            if nk < ROUNDS - 1:
                start(in_copies(nk))
            else:
                @pl.when(wid < LASTW)
                def _issue_last():
                    start(in_copies(nk))

    @pl.when(wid < LASTW)
    def _last_round():
        do_round(ROUNDS - 1)

    wait(out_copies(ROUNDS - 3))
    wait(out_copies(ROUNDS - 2))

    @pl.when(wid < LASTW)
    def _drain_last():
        wait(out_copies(ROUNDS - 1))


def _tail_body(x_ref, alias_ref, o_ref):
    x = x_ref[...]
    bb = x[0:4]
    wh = bb[2:4] - bb[0:2]
    o_ref[...] = jnp.concatenate(
        [bb[0:2] * SCALE, wh * SCALE, x[6:10], x[4:5]], axis=0)


_tail_call = pl.pallas_call(
    _tail_body,
    out_shape=jax.ShapeDtypeStruct((COUT, B, N), jnp.float32),
    grid=(1,),
    in_specs=[
        pl.BlockSpec((CIN, B, 128), lambda i: (0, 0, FULLCOLS)),
        pl.BlockSpec(memory_space=pl.ANY),
    ],
    out_specs=pl.BlockSpec((COUT, B, 128), lambda i: (0, 0, FULLCOLS)),
    input_output_aliases={1: 0},
)


def kernel(predictions):
    planar = jnp.transpose(predictions, (2, 0, 1))
    main = _adapter(planar)
    full = _tail_call(planar, main)
    return jnp.transpose(full, (1, 2, 0))

# --- scband reference (transcript-rebuilt; emitter-appended) ---
"""Pipeline reference for scband-detection-output-adapter-68444598829325 (READ-ONLY COPY).

The authoritative reference and input builder live on the scoring server;
editing this copy changes nothing except your own understanding.
"""

import jax, jax.numpy as jnp
import numpy as np

# Input format layout (channels): bboxes[0:4] in XYXY, label[4], distance[5], attributes[6:10]
# Output format layout: bboxes (normalized XYWH), attributes, label  -> 9 channels
# Rearranged channel indexes gathered from the input tensor:
REARRANGE_IDX = jnp.array([0, 1, 2, 3, 6, 7, 8, 9, 4], dtype=jnp.int32)
IMAGE_SHAPE = (640, 640)  # (rows, cols)


def setup_inputs(seed: int = 0) -> dict:
    key = jax.random.key(seed)
    # predictions in pixel coordinates, roughly within a 640x640 image
    predictions = jax.random.uniform(key, (32, 20000, 10), dtype=jnp.float32) * 640.0
    return {"predictions": predictions}


def reference(predictions):
    # 1) rearrange channels per output format (gather on last axis)
    x = jnp.take(predictions, REARRANGE_IDX, axis=-1)
    # 2) convert bbox slice (first 4 channels of rearranged tensor) from XYXY -> normalized XYWH
    bboxes = x[..., 0:4]
    rest = x[..., 4:]
    x1 = bboxes[..., 0]
    y1 = bboxes[..., 1]
    x2 = bboxes[..., 2]
    y2 = bboxes[..., 3]
    w = x2 - x1
    h = y2 - y1
    rows, cols = IMAGE_SHAPE
    scale = jnp.array([cols, rows, cols, rows], dtype=predictions.dtype)
    norm_bboxes = jnp.stack([x1, y1, w, h], axis=-1) / scale
    out = jnp.concatenate([norm_bboxes, rest], axis=-1)
    return out

if __name__ == "__main__":
    import jax
    _d = setup_inputs()
    print(jax.jit(kernel)(*tuple(_d.values())))

</pallas_src>

<mosaic_0001>
#map = affine_map<(d0, d1) -> (0, 0, 0)>
module attributes {stable_mosaic.version = 14 : i64} {
  func.func @_adapter(%arg0: i32, %arg1: i32, %arg2: memref<10x32x20000xf32, #tpu.memory_space<hbm>>, %arg3: memref<9x32x20000xf32, #tpu.memory_space<hbm>>, %arg4: memref<16x256xf32, #tpu.memory_space<vmem>>, %arg5: memref<16x256xf32, #tpu.memory_space<vmem>>, %arg6: memref<16x256xf32, #tpu.memory_space<vmem>>, %arg7: memref<16x256xf32, #tpu.memory_space<vmem>>, %arg8: memref<16x256xf32, #tpu.memory_space<vmem>>, %arg9: memref<16x256xf32, #tpu.memory_space<vmem>>, %arg10: memref<16x256xf32, #tpu.memory_space<vmem>>, %arg11: memref<16x256xf32, #tpu.memory_space<vmem>>, %arg12: memref<16x256xf32, #tpu.memory_space<vmem>>, %arg13: memref<16x256xf32, #tpu.memory_space<vmem>>, %arg14: memref<16x256xf32, #tpu.memory_space<vmem>>, %arg15: memref<16x256xf32, #tpu.memory_space<vmem>>, %arg16: memref<16x256xf32, #tpu.memory_space<vmem>>, %arg17: memref<16x256xf32, #tpu.memory_space<vmem>>, %arg18: memref<16x256xf32, #tpu.memory_space<vmem>>, %arg19: memref<16x256xf32, #tpu.memory_space<vmem>>, %arg20: memref<16x256xf32, #tpu.memory_space<vmem>>, %arg21: memref<16x256xf32, #tpu.memory_space<vmem>>, %arg22: memref<16x256xf32, #tpu.memory_space<vmem>>, %arg23: memref<16x256xf32, #tpu.memory_space<vmem>>, %arg24: memref<16x256xf32, #tpu.memory_space<vmem>>, %arg25: memref<16x256xf32, #tpu.memory_space<vmem>>, %arg26: memref<16x256xf32, #tpu.memory_space<vmem>>, %arg27: memref<16x256xf32, #tpu.memory_space<vmem>>, %arg28: memref<16x256xf32, #tpu.memory_space<vmem>>, %arg29: memref<16x256xf32, #tpu.memory_space<vmem>>, %arg30: memref<16x256xf32, #tpu.memory_space<vmem>>, %arg31: memref<!tpu.dma_semaphore, #tpu.memory_space<semaphore_mem>>, %arg32: memref<!tpu.dma_semaphore, #tpu.memory_space<semaphore_mem>>, %arg33: memref<!tpu.dma_semaphore, #tpu.memory_space<semaphore_mem>>, %arg34: memref<!tpu.dma_semaphore, #tpu.memory_space<semaphore_mem>>, %arg35: memref<!tpu.dma_semaphore, #tpu.memory_space<semaphore_mem>>, %arg36: memref<!tpu.dma_semaphore, #tpu.memory_space<semaphore_mem>>) attributes {dimension_semantics = [#tpu.dimension_semantics<core_parallel>, #tpu.dimension_semantics<subcore_parallel>], iteration_bounds = array<i64: 2, 16>, scalar_prefetch = 0 : i64, scratch_operands = 33 : i64, tpu.core_type = #tpu.core_type<sc_vector_subcore>, window_params = [{transform_indices = #map}, {transform_indices = #map}]} {
    %mul3A = arith.constant 2 : i32
    %mul3A_0 = arith.muli %arg1, %mul3A : i32
    %add3A = arith.addi %mul3A_0, %arg0 : i32
    %add3A_1 = arith.constant 0 : i32
    %add3A_2 = arith.addi %add3A, %add3A_1 : i32
    %jit3A = arith.constant 2 : i32
    %eq3A = arith.constant 0 : i32
    %eq3A_3 = arith.cmpi eq, %jit3A, %eq3A : i32
    %jit3A_4 = arith.constant 1 : i32
    %select_n3A = arith.select %eq3A_3, %jit3A_4, %jit3A : i32
    %rem3A = arith.remsi %add3A_2, %select_n3A : i32
    %ne3A = arith.constant 0 : i32
    %ne3A_5 = arith.cmpi ne, %rem3A, %ne3A : i32
    %lt3A = arith.constant 0 : i32
    %lt3A_6 = arith.cmpi slt, %rem3A, %lt3A : i32
    %lt3A_7 = arith.constant 0 : i32
    %lt3A_8 = arith.cmpi slt, %select_n3A, %lt3A_7 : i32
    %ne3A_9 = arith.xori %lt3A_6, %lt3A_8 : i1
    %and3A = arith.andi %ne3A_9, %ne3A_5 : i1
    %add3A_10 = arith.addi %rem3A, %select_n3A : i32
    %select_n3A_11 = arith.select %and3A, %add3A_10, %rem3A : i32
    %mul3A_12 = arith.constant 16 : i32
    %mul3A_13 = arith.muli %select_n3A_11, %mul3A_12 : i32
    %jit3A_14 = arith.constant 2 : i32
    %div3A = arith.divsi %add3A_2, %jit3A_14 : i32
    %sign3A = arith.constant 0 : i32
    %sign3A_15 = arith.cmpi sgt, %add3A_2, %sign3A : i32
    %sign3A_16 = arith.extui %sign3A_15 : i1 to i32
    %sign3A_17 = arith.constant 0 : i32
    %sign3A_18 = arith.cmpi slt, %add3A_2, %sign3A_17 : i32
    %sign3A_19 = arith.extui %sign3A_18 : i1 to i32
    %sign3A_20 = arith.subi %sign3A_16, %sign3A_19 : i32
    %sign3A_21 = arith.constant 0 : i32
    %sign3A_22 = arith.cmpi sgt, %jit3A_14, %sign3A_21 : i32
    %sign3A_23 = arith.extui %sign3A_22 : i1 to i32
    %sign3A_24 = arith.constant 0 : i32
    %sign3A_25 = arith.cmpi slt, %jit3A_14, %sign3A_24 : i32
    %sign3A_26 = arith.extui %sign3A_25 : i1 to i32
    %sign3A_27 = arith.subi %sign3A_23, %sign3A_26 : i32
    %ne3A_28 = arith.cmpi ne, %sign3A_20, %sign3A_27 : i32
    %rem3A_29 = arith.remsi %add3A_2, %jit3A_14 : i32
    %ne3A_30 = arith.constant 0 : i32
    %ne3A_31 = arith.cmpi ne, %rem3A_29, %ne3A_30 : i32
    %and3A_32 = arith.andi %ne3A_28, %ne3A_31 : i1
    %sub3A = arith.constant 1 : i32
    %sub3A_33 = arith.subi %div3A, %sub3A : i32
    %select_n3A_34 = arith.select %and3A_32, %sub3A_33, %div3A : i32
    %mul3A_35 = arith.constant 256 : i32
    %mul3A_36 = arith.muli %select_n3A_34, %mul3A_35 : i32
    %dma_start3A = arith.constant 4 : i32
    %dma_start3A_37 = tpu.memref_slice %arg2[%dma_start3A, %mul3A_13, %mul3A_36] : memref<10x32x20000xf32, #tpu.memory_space<hbm>> -> memref<1x16x256xf32, #tpu.memory_space<hbm>>
    %dma_start3A_38 = tpu.memref_squeeze %dma_start3A_37 : memref<1x16x256xf32, #tpu.memory_space<hbm>> -> memref<16x256xf32, #tpu.memory_space<hbm>>
    %dma_start3A_39 = tpu.memref_slice %arg2[%dma_start3A, %mul3A_13, %mul3A_36] : memref<10x32x20000xf32, #tpu.memory_space<hbm>> -> memref<1x16x256xf32, #tpu.memory_space<hbm>>
    %dma_start3A_40 = tpu.memref_squeeze %dma_start3A_39 : memref<1x16x256xf32, #tpu.memory_space<hbm>> -> memref<16x256xf32, #tpu.memory_space<hbm>>
    tpu.enqueue_dma source(%dma_start3A_40 : memref<16x256xf32, #tpu.memory_space<hbm>>) target(%arg8 : memref<16x256xf32, #tpu.memory_space<vmem>>) target_semaphore(%arg31 : memref<!tpu.dma_semaphore, #tpu.memory_space<semaphore_mem>>)
    %dma_start3A_41 = arith.constant 6 : i32
    %dma_start3A_42 = tpu.memref_slice %arg2[%dma_start3A_41, %mul3A_13, %mul3A_36] : memref<10x32x20000xf32, #tpu.memory_space<hbm>> -> memref<1x16x256xf32, #tpu.memory_space<hbm>>
    %dma_start3A_43 = tpu.memref_squeeze %dma_start3A_42 : memref<1x16x256xf32, #tpu.memory_space<hbm>> -> memref<16x256xf32, #tpu.memory_space<hbm>>
    %dma_start3A_44 = tpu.memref_slice %arg2[%dma_start3A_41, %mul3A_13, %mul3A_36] : memref<10x32x20000xf32, #tpu.memory_space<hbm>> -> memref<1x16x256xf32, #tpu.memory_space<hbm>>
    %dma_start3A_45 = tpu.memref_squeeze %dma_start3A_44 : memref<1x16x256xf32, #tpu.memory_space<hbm>> -> memref<16x256xf32, #tpu.memory_space<hbm>>
    tpu.enqueue_dma source(%dma_start3A_45 : memref<16x256xf32, #tpu.memory_space<hbm>>) target(%arg9 : memref<16x256xf32, #tpu.memory_space<vmem>>) target_semaphore(%arg31 : memref<!tpu.dma_semaphore, #tpu.memory_space<semaphore_mem>>)
    %dma_start3A_46 = arith.constant 7 : i32
    %dma_start3A_47 = tpu.memref_slice %arg2[%dma_start3A_46, %mul3A_13, %mul3A_36] : memref<10x32x20000xf32, #tpu.memory_space<hbm>> -> memref<1x16x256xf32, #tpu.memory_space<hbm>>
    %dma_start3A_48 = tpu.memref_squeeze %dma_start3A_47 : memref<1x16x256xf32, #tpu.memory_space<hbm>> -> memref<16x256xf32, #tpu.memory_space<hbm>>
    %dma_start3A_49 = tpu.memref_slice %arg2[%dma_start3A_46, %mul3A_13, %mul3A_36] : memref<10x32x20000xf32, #tpu.memory_space<hbm>> -> memref<1x16x256xf32, #tpu.memory_space<hbm>>
    %dma_start3A_50 = tpu.memref_squeeze %dma_start3A_49 : memref<1x16x256xf32, #tpu.memory_space<hbm>> -> memref<16x256xf32, #tpu.memory_space<hbm>>
    tpu.enqueue_dma source(%dma_start3A_50 : memref<16x256xf32, #tpu.memory_space<hbm>>) target(%arg10 : memref<16x256xf32, #tpu.memory_space<vmem>>) target_semaphore(%arg31 : memref<!tpu.dma_semaphore, #tpu.memory_space<semaphore_mem>>)
    %dma_start3A_51 = arith.constant 8 : i32
    %dma_start3A_52 = tpu.memref_slice %arg2[%dma_start3A_51, %mul3A_13, %mul3A_36] : memref<10x32x20000xf32, #tpu.memory_space<hbm>> -> memref<1x16x256xf32, #tpu.memory_space<hbm>>
    %dma_start3A_53 = tpu.memref_squeeze %dma_start3A_52 : memref<1x16x256xf32, #tpu.memory_space<hbm>> -> memref<16x256xf32, #tpu.memory_space<hbm>>
    %dma_start3A_54 = tpu.memref_slice %arg2[%dma_start3A_51, %mul3A_13, %mul3A_36] : memref<10x32x20000xf32, #tpu.memory_space<hbm>> -> memref<1x16x256xf32, #tpu.memory_space<hbm>>
    %dma_start3A_55 = tpu.memref_squeeze %dma_start3A_54 : memref<1x16x256xf32, #tpu.memory_space<hbm>> -> memref<16x256xf32, #tpu.memory_space<hbm>>
    tpu.enqueue_dma source(%dma_start3A_55 : memref<16x256xf32, #tpu.memory_space<hbm>>) target(%arg11 : memref<16x256xf32, #tpu.memory_space<vmem>>) target_semaphore(%arg31 : memref<!tpu.dma_semaphore, #tpu.memory_space<semaphore_mem>>)
    %dma_start3A_56 = arith.constant 9 : i32
    %dma_start3A_57 = tpu.memref_slice %arg2[%dma_start3A_56, %mul3A_13, %mul3A_36] : memref<10x32x20000xf32, #tpu.memory_space<hbm>> -> memref<1x16x256xf32, #tpu.memory_space<hbm>>
    %dma_start3A_58 = tpu.memref_squeeze %dma_start3A_57 : memref<1x16x256xf32, #tpu.memory_space<hbm>> -> memref<16x256xf32, #tpu.memory_space<hbm>>
    %dma_start3A_59 = tpu.memref_slice %arg2[%dma_start3A_56, %mul3A_13, %mul3A_36] : memref<10x32x20000xf32, #tpu.memory_space<hbm>> -> memref<1x16x256xf32, #tpu.memory_space<hbm>>
    %dma_start3A_60 = tpu.memref_squeeze %dma_start3A_59 : memref<1x16x256xf32, #tpu.memory_space<hbm>> -> memref<16x256xf32, #tpu.memory_space<hbm>>
    tpu.enqueue_dma source(%dma_start3A_60 : memref<16x256xf32, #tpu.memory_space<hbm>>) target(%arg12 : memref<16x256xf32, #tpu.memory_space<vmem>>) target_semaphore(%arg31 : memref<!tpu.dma_semaphore, #tpu.memory_space<semaphore_mem>>)
    %dma_start3A_61 = arith.constant 0 : i32
    %dma_start3A_62 = tpu.memref_slice %arg2[%dma_start3A_61, %mul3A_13, %mul3A_36] : memref<10x32x20000xf32, #tpu.memory_space<hbm>> -> memref<1x16x256xf32, #tpu.memory_space<hbm>>
    %dma_start3A_63 = tpu.memref_squeeze %dma_start3A_62 : memref<1x16x256xf32, #tpu.memory_space<hbm>> -> memref<16x256xf32, #tpu.memory_space<hbm>>
    %dma_start3A_64 = tpu.memref_slice %arg2[%dma_start3A_61, %mul3A_13, %mul3A_36] : memref<10x32x20000xf32, #tpu.memory_space<hbm>> -> memref<1x16x256xf32, #tpu.memory_space<hbm>>
    %dma_start3A_65 = tpu.memref_squeeze %dma_start3A_64 : memref<1x16x256xf32, #tpu.memory_space<hbm>> -> memref<16x256xf32, #tpu.memory_space<hbm>>
    tpu.enqueue_dma source(%dma_start3A_65 : memref<16x256xf32, #tpu.memory_space<hbm>>) target(%arg4 : memref<16x256xf32, #tpu.memory_space<vmem>>) target_semaphore(%arg31 : memref<!tpu.dma_semaphore, #tpu.memory_space<semaphore_mem>>)
    %dma_start3A_66 = arith.constant 1 : i32
    %dma_start3A_67 = tpu.memref_slice %arg2[%dma_start3A_66, %mul3A_13, %mul3A_36] : memref<10x32x20000xf32, #tpu.memory_space<hbm>> -> memref<1x16x256xf32, #tpu.memory_space<hbm>>
    %dma_start3A_68 = tpu.memref_squeeze %dma_start3A_67 : memref<1x16x256xf32, #tpu.memory_space<hbm>> -> memref<16x256xf32, #tpu.memory_space<hbm>>
    %dma_start3A_69 = tpu.memref_slice %arg2[%dma_start3A_66, %mul3A_13, %mul3A_36] : memref<10x32x20000xf32, #tpu.memory_space<hbm>> -> memref<1x16x256xf32, #tpu.memory_space<hbm>>
    %dma_start3A_70 = tpu.memref_squeeze %dma_start3A_69 : memref<1x16x256xf32, #tpu.memory_space<hbm>> -> memref<16x256xf32, #tpu.memory_space<hbm>>
    tpu.enqueue_dma source(%dma_start3A_70 : memref<16x256xf32, #tpu.memory_space<hbm>>) target(%arg5 : memref<16x256xf32, #tpu.memory_space<vmem>>) target_semaphore(%arg31 : memref<!tpu.dma_semaphore, #tpu.memory_space<semaphore_mem>>)
    %dma_start3A_71 = arith.constant 2 : i32
    %dma_start3A_72 = tpu.memref_slice %arg2[%dma_start3A_71, %mul3A_13, %mul3A_36] : memref<10x32x20000xf32, #tpu.memory_space<hbm>> -> memref<1x16x256xf32, #tpu.memory_space<hbm>>
    %dma_start3A_73 = tpu.memref_squeeze %dma_start3A_72 : memref<1x16x256xf32, #tpu.memory_space<hbm>> -> memref<16x256xf32, #tpu.memory_space<hbm>>
    %dma_start3A_74 = tpu.memref_slice %arg2[%dma_start3A_71, %mul3A_13, %mul3A_36] : memref<10x32x20000xf32, #tpu.memory_space<hbm>> -> memref<1x16x256xf32, #tpu.memory_space<hbm>>
    %dma_start3A_75 = tpu.memref_squeeze %dma_start3A_74 : memref<1x16x256xf32, #tpu.memory_space<hbm>> -> memref<16x256xf32, #tpu.memory_space<hbm>>
    tpu.enqueue_dma source(%dma_start3A_75 : memref<16x256xf32, #tpu.memory_space<hbm>>) target(%arg6 : memref<16x256xf32, #tpu.memory_space<vmem>>) target_semaphore(%arg31 : memref<!tpu.dma_semaphore, #tpu.memory_space<semaphore_mem>>)
    %dma_start3A_76 = arith.constant 3 : i32
    %dma_start3A_77 = tpu.memref_slice %arg2[%dma_start3A_76, %mul3A_13, %mul3A_36] : memref<10x32x20000xf32, #tpu.memory_space<hbm>> -> memref<1x16x256xf32, #tpu.memory_space<hbm>>
    %dma_start3A_78 = tpu.memref_squeeze %dma_start3A_77 : memref<1x16x256xf32, #tpu.memory_space<hbm>> -> memref<16x256xf32, #tpu.memory_space<hbm>>
    %dma_start3A_79 = tpu.memref_slice %arg2[%dma_start3A_76, %mul3A_13, %mul3A_36] : memref<10x32x20000xf32, #tpu.memory_space<hbm>> -> memref<1x16x256xf32, #tpu.memory_space<hbm>>
    %dma_start3A_80 = tpu.memref_squeeze %dma_start3A_79 : memref<1x16x256xf32, #tpu.memory_space<hbm>> -> memref<16x256xf32, #tpu.memory_space<hbm>>
    tpu.enqueue_dma source(%dma_start3A_80 : memref<16x256xf32, #tpu.memory_space<hbm>>) target(%arg7 : memref<16x256xf32, #tpu.memory_space<vmem>>) target_semaphore(%arg31 : memref<!tpu.dma_semaphore, #tpu.memory_space<semaphore_mem>>)
    %add3A_81 = arith.constant 32 : i32
    %add3A_82 = arith.addi %add3A, %add3A_81 : i32
    %jit3A_83 = arith.constant 2 : i32
    %eq3A_84 = arith.constant 0 : i32
    %eq3A_85 = arith.cmpi eq, %jit3A_83, %eq3A_84 : i32
    %jit3A_86 = arith.constant 1 : i32
    %select_n3A_87 = arith.select %eq3A_85, %jit3A_86, %jit3A_83 : i32
    %rem3A_88 = arith.remsi %add3A_82, %select_n3A_87 : i32
    %ne3A_89 = arith.constant 0 : i32
    %ne3A_90 = arith.cmpi ne, %rem3A_88, %ne3A_89 : i32
    %lt3A_91 = arith.constant 0 : i32
    %lt3A_92 = arith.cmpi slt, %rem3A_88, %lt3A_91 : i32
    %lt3A_93 = arith.constant 0 : i32
    %lt3A_94 = arith.cmpi slt, %select_n3A_87, %lt3A_93 : i32
    %ne3A_95 = arith.xori %lt3A_92, %lt3A_94 : i1
    %and3A_96 = arith.andi %ne3A_95, %ne3A_90 : i1
    %add3A_97 = arith.addi %rem3A_88, %select_n3A_87 : i32
    %select_n3A_98 = arith.select %and3A_96, %add3A_97, %rem3A_88 : i32
    %mul3A_99 = arith.constant 16 : i32
    %mul3A_100 = arith.muli %select_n3A_98, %mul3A_99 : i32
    %jit3A_101 = arith.constant 2 : i32
    %div3A_102 = arith.divsi %add3A_82, %jit3A_101 : i32
    %sign3A_103 = arith.constant 0 : i32
    %sign3A_104 = arith.cmpi sgt, %add3A_82, %sign3A_103 : i32
    %sign3A_105 = arith.extui %sign3A_104 : i1 to i32
    %sign3A_106 = arith.constant 0 : i32
    %sign3A_107 = arith.cmpi slt, %add3A_82, %sign3A_106 : i32
    %sign3A_108 = arith.extui %sign3A_107 : i1 to i32
    %sign3A_109 = arith.subi %sign3A_105, %sign3A_108 : i32
    %sign3A_110 = arith.constant 0 : i32
    %sign3A_111 = arith.cmpi sgt, %jit3A_101, %sign3A_110 : i32
    %sign3A_112 = arith.extui %sign3A_111 : i1 to i32
    %sign3A_113 = arith.constant 0 : i32
    %sign3A_114 = arith.cmpi slt, %jit3A_101, %sign3A_113 : i32
    %sign3A_115 = arith.extui %sign3A_114 : i1 to i32
    %sign3A_116 = arith.subi %sign3A_112, %sign3A_115 : i32
    %ne3A_117 = arith.cmpi ne, %sign3A_109, %sign3A_116 : i32
    %rem3A_118 = arith.remsi %add3A_82, %jit3A_101 : i32
    %ne3A_119 = arith.constant 0 : i32
    %ne3A_120 = arith.cmpi ne, %rem3A_118, %ne3A_119 : i32
    %and3A_121 = arith.andi %ne3A_117, %ne3A_120 : i1
    %sub3A_122 = arith.constant 1 : i32
    %sub3A_123 = arith.subi %div3A_102, %sub3A_122 : i32
    %select_n3A_124 = arith.select %and3A_121, %sub3A_123, %div3A_102 : i32
    %mul3A_125 = arith.constant 256 : i32
    %mul3A_126 = arith.muli %select_n3A_124, %mul3A_125 : i32
    %dma_start3A_127 = arith.constant 4 : i32
    %dma_start3A_128 = tpu.memref_slice %arg2[%dma_start3A_127, %mul3A_100, %mul3A_126] : memref<10x32x20000xf32, #tpu.memory_space<hbm>> -> memref<1x16x256xf32, #tpu.memory_space<hbm>>
    %dma_start3A_129 = tpu.memref_squeeze %dma_start3A_128 : memref<1x16x256xf32, #tpu.memory_space<hbm>> -> memref<16x256xf32, #tpu.memory_space<hbm>>
    %dma_start3A_130 = tpu.memref_slice %arg2[%dma_start3A_127, %mul3A_100, %mul3A_126] : memref<10x32x20000xf32, #tpu.memory_space<hbm>> -> memref<1x16x256xf32, #tpu.memory_space<hbm>>
    %dma_start3A_131 = tpu.memref_squeeze %dma_start3A_130 : memref<1x16x256xf32, #tpu.memory_space<hbm>> -> memref<16x256xf32, #tpu.memory_space<hbm>>
    tpu.enqueue_dma source(%dma_start3A_131 : memref<16x256xf32, #tpu.memory_space<hbm>>) target(%arg17 : memref<16x256xf32, #tpu.memory_space<vmem>>) target_semaphore(%arg32 : memref<!tpu.dma_semaphore, #tpu.memory_space<semaphore_mem>>)
    %dma_start3A_132 = arith.constant 6 : i32
    %dma_start3A_133 = tpu.memref_slice %arg2[%dma_start3A_132, %mul3A_100, %mul3A_126] : memref<10x32x20000xf32, #tpu.memory_space<hbm>> -> memref<1x16x256xf32, #tpu.memory_space<hbm>>
    %dma_start3A_134 = tpu.memref_squeeze %dma_start3A_133 : memref<1x16x256xf32, #tpu.memory_space<hbm>> -> memref<16x256xf32, #tpu.memory_space<hbm>>
    %dma_start3A_135 = tpu.memref_slice %arg2[%dma_start3A_132, %mul3A_100, %mul3A_126] : memref<10x32x20000xf32, #tpu.memory_space<hbm>> -> memref<1x16x256xf32, #tpu.memory_space<hbm>>
    %dma_start3A_136 = tpu.memref_squeeze %dma_start3A_135 : memref<1x16x256xf32, #tpu.memory_space<hbm>> -> memref<16x256xf32, #tpu.memory_space<hbm>>
    tpu.enqueue_dma source(%dma_start3A_136 : memref<16x256xf32, #tpu.memory_space<hbm>>) target(%arg18 : memref<16x256xf32, #tpu.memory_space<vmem>>) target_semaphore(%arg32 : memref<!tpu.dma_semaphore, #tpu.memory_space<semaphore_mem>>)
    %dma_start3A_137 = arith.constant 7 : i32
    %dma_start3A_138 = tpu.memref_slice %arg2[%dma_start3A_137, %mul3A_100, %mul3A_126] : memref<10x32x20000xf32, #tpu.memory_space<hbm>> -> memref<1x16x256xf32, #tpu.memory_space<hbm>>
    %dma_start3A_139 = tpu.memref_squeeze %dma_start3A_138 : memref<1x16x256xf32, #tpu.memory_space<hbm>> -> memref<16x256xf32, #tpu.memory_space<hbm>>
    %dma_start3A_140 = tpu.memref_slice %arg2[%dma_start3A_137, %mul3A_100, %mul3A_126] : memref<10x32x20000xf32, #tpu.memory_space<hbm>> -> memref<1x16x256xf32, #tpu.memory_space<hbm>>
    %dma_start3A_141 = tpu.memref_squeeze %dma_start3A_140 : memref<1x16x256xf32, #tpu.memory_space<hbm>> -> memref<16x256xf32, #tpu.memory_space<hbm>>
    tpu.enqueue_dma source(%dma_start3A_141 : memref<16x256xf32, #tpu.memory_space<hbm>>) target(%arg19 : memref<16x256xf32, #tpu.memory_space<vmem>>) target_semaphore(%arg32 : memref<!tpu.dma_semaphore, #tpu.memory_space<semaphore_mem>>)
    %dma_start3A_142 = arith.constant 8 : i32
    %dma_start3A_143 = tpu.memref_slice %arg2[%dma_start3A_142, %mul3A_100, %mul3A_126] : memref<10x32x20000xf32, #tpu.memory_space<hbm>> -> memref<1x16x256xf32, #tpu.memory_space<hbm>>
    %dma_start3A_144 = tpu.memref_squeeze %dma_start3A_143 : memref<1x16x256xf32, #tpu.memory_space<hbm>> -> memref<16x256xf32, #tpu.memory_space<hbm>>
    %dma_start3A_145 = tpu.memref_slice %arg2[%dma_start3A_142, %mul3A_100, %mul3A_126] : memref<10x32x20000xf32, #tpu.memory_space<hbm>> -> memref<1x16x256xf32, #tpu.memory_space<hbm>>
    %dma_start3A_146 = tpu.memref_squeeze %dma_start3A_145 : memref<1x16x256xf32, #tpu.memory_space<hbm>> -> memref<16x256xf32, #tpu.memory_space<hbm>>
    tpu.enqueue_dma source(%dma_start3A_146 : memref<16x256xf32, #tpu.memory_space<hbm>>) target(%arg20 : memref<16x256xf32, #tpu.memory_space<vmem>>) target_semaphore(%arg32 : memref<!tpu.dma_semaphore, #tpu.memory_space<semaphore_mem>>)
    %dma_start3A_147 = arith.constant 9 : i32
    %dma_start3A_148 = tpu.memref_slice %arg2[%dma_start3A_147, %mul3A_100, %mul3A_126] : memref<10x32x20000xf32, #tpu.memory_space<hbm>> -> memref<1x16x256xf32, #tpu.memory_space<hbm>>
    %dma_start3A_149 = tpu.memref_squeeze %dma_start3A_148 : memref<1x16x256xf32, #tpu.memory_space<hbm>> -> memref<16x256xf32, #tpu.memory_space<hbm>>
    %dma_start3A_150 = tpu.memref_slice %arg2[%dma_start3A_147, %mul3A_100, %mul3A_126] : memref<10x32x20000xf32, #tpu.memory_space<hbm>> -> memref<1x16x256xf32, #tpu.memory_space<hbm>>
    %dma_start3A_151 = tpu.memref_squeeze %dma_start3A_150 : memref<1x16x256xf32, #tpu.memory_space<hbm>> -> memref<16x256xf32, #tpu.memory_space<hbm>>
    tpu.enqueue_dma source(%dma_start3A_151 : memref<16x256xf32, #tpu.memory_space<hbm>>) target(%arg21 : memref<16x256xf32, #tpu.memory_space<vmem>>) target_semaphore(%arg32 : memref<!tpu.dma_semaphore, #tpu.memory_space<semaphore_mem>>)
    %dma_start3A_152 = arith.constant 0 : i32
    %dma_start3A_153 = tpu.memref_slice %arg2[%dma_start3A_152, %mul3A_100, %mul3A_126] : memref<10x32x20000xf32, #tpu.memory_space<hbm>> -> memref<1x16x256xf32, #tpu.memory_space<hbm>>
    %dma_start3A_154 = tpu.memref_squeeze %dma_start3A_153 : memref<1x16x256xf32, #tpu.memory_space<hbm>> -> memref<16x256xf32, #tpu.memory_space<hbm>>
    %dma_start3A_155 = tpu.memref_slice %arg2[%dma_start3A_152, %mul3A_100, %mul3A_126] : memref<10x32x20000xf32, #tpu.memory_space<hbm>> -> memref<1x16x256xf32, #tpu.memory_space<hbm>>
    %dma_start3A_156 = tpu.memref_squeeze %dma_start3A_155 : memref<1x16x256xf32, #tpu.memory_space<hbm>> -> memref<16x256xf32, #tpu.memory_space<hbm>>
    tpu.enqueue_dma source(%dma_start3A_156 : memref<16x256xf32, #tpu.memory_space<hbm>>) target(%arg13 : memref<16x256xf32, #tpu.memory_space<vmem>>) target_semaphore(%arg32 : memref<!tpu.dma_semaphore, #tpu.memory_space<semaphore_mem>>)
    %dma_start3A_157 = arith.constant 1 : i32
    %dma_start3A_158 = tpu.memref_slice %arg2[%dma_start3A_157, %mul3A_100, %mul3A_126] : memref<10x32x20000xf32, #tpu.memory_space<hbm>> -> memref<1x16x256xf32, #tpu.memory_space<hbm>>
    %dma_start3A_159 = tpu.memref_squeeze %dma_start3A_158 : memref<1x16x256xf32, #tpu.memory_space<hbm>> -> memref<16x256xf32, #tpu.memory_space<hbm>>
    %dma_start3A_160 = tpu.memref_slice %arg2[%dma_start3A_157, %mul3A_100, %mul3A_126] : memref<10x32x20000xf32, #tpu.memory_space<hbm>> -> memref<1x16x256xf32, #tpu.memory_space<hbm>>
    %dma_start3A_161 = tpu.memref_squeeze %dma_start3A_160 : memref<1x16x256xf32, #tpu.memory_space<hbm>> -> memref<16x256xf32, #tpu.memory_space<hbm>>
    tpu.enqueue_dma source(%dma_start3A_161 : memref<16x256xf32, #tpu.memory_space<hbm>>) target(%arg14 : memref<16x256xf32, #tpu.memory_space<vmem>>) target_semaphore(%arg32 : memref<!tpu.dma_semaphore, #tpu.memory_space<semaphore_mem>>)
    %dma_start3A_162 = arith.constant 2 : i32
    %dma_start3A_163 = tpu.memref_slice %arg2[%dma_start3A_162, %mul3A_100, %mul3A_126] : memref<10x32x20000xf32, #tpu.memory_space<hbm>> -> memref<1x16x256xf32, #tpu.memory_space<hbm>>
    %dma_start3A_164 = tpu.memref_squeeze %dma_start3A_163 : memref<1x16x256xf32, #tpu.memory_space<hbm>> -> memref<16x256xf32, #tpu.memory_space<hbm>>
    %dma_start3A_165 = tpu.memref_slice %arg2[%dma_start3A_162, %mul3A_100, %mul3A_126] : memref<10x32x20000xf32, #tpu.memory_space<hbm>> -> memref<1x16x256xf32, #tpu.memory_space<hbm>>
    %dma_start3A_166 = tpu.memref_squeeze %dma_start3A_165 : memref<1x16x256xf32, #tpu.memory_space<hbm>> -> memref<16x256xf32, #tpu.memory_space<hbm>>
    tpu.enqueue_dma source(%dma_start3A_166 : memref<16x256xf32, #tpu.memory_space<hbm>>) target(%arg15 : memref<16x256xf32, #tpu.memory_space<vmem>>) target_semaphore(%arg32 : memref<!tpu.dma_semaphore, #tpu.memory_space<semaphore_mem>>)
    %dma_start3A_167 = arith.constant 3 : i32
    %dma_start3A_168 = tpu.memref_slice %arg2[%dma_start3A_167, %mul3A_100, %mul3A_126] : memref<10x32x20000xf32, #tpu.memory_space<hbm>> -> memref<1x16x256xf32, #tpu.memory_space<hbm>>
    %dma_start3A_169 = tpu.memref_squeeze %dma_start3A_168 : memref<1x16x256xf32, #tpu.memory_space<hbm>> -> memref<16x256xf32, #tpu.memory_space<hbm>>
    %dma_start3A_170 = tpu.memref_slice %arg2[%dma_start3A_167, %mul3A_100, %mul3A_126] : memref<10x32x20000xf32, #tpu.memory_space<hbm>> -> memref<1x16x256xf32, #tpu.memory_space<hbm>>
    %dma_start3A_171 = tpu.memref_squeeze %dma_start3A_170 : memref<1x16x256xf32, #tpu.memory_space<hbm>> -> memref<16x256xf32, #tpu.memory_space<hbm>>
    tpu.enqueue_dma source(%dma_start3A_171 : memref<16x256xf32, #tpu.memory_space<hbm>>) target(%arg16 : memref<16x256xf32, #tpu.memory_space<vmem>>) target_semaphore(%arg32 : memref<!tpu.dma_semaphore, #tpu.memory_space<semaphore_mem>>)
    %add3A_172 = arith.constant 0 : i32
    %add3A_173 = arith.addi %add3A, %add3A_172 : i32
    %jit3A_174 = arith.constant 2 : i32
    %eq3A_175 = arith.constant 0 : i32
    %eq3A_176 = arith.cmpi eq, %jit3A_174, %eq3A_175 : i32
    %jit3A_177 = arith.constant 1 : i32
    %select_n3A_178 = arith.select %eq3A_176, %jit3A_177, %jit3A_174 : i32
    %rem3A_179 = arith.remsi %add3A_173, %select_n3A_178 : i32
    %ne3A_180 = arith.constant 0 : i32
    %ne3A_181 = arith.cmpi ne, %rem3A_179, %ne3A_180 : i32
    %lt3A_182 = arith.constant 0 : i32
    %lt3A_183 = arith.cmpi slt, %rem3A_179, %lt3A_182 : i32
    %lt3A_184 = arith.constant 0 : i32
    %lt3A_185 = arith.cmpi slt, %select_n3A_178, %lt3A_184 : i32
    %ne3A_186 = arith.xori %lt3A_183, %lt3A_185 : i1
    %and3A_187 = arith.andi %ne3A_186, %ne3A_181 : i1
    %add3A_188 = arith.addi %rem3A_179, %select_n3A_178 : i32
    %select_n3A_189 = arith.select %and3A_187, %add3A_188, %rem3A_179 : i32
    %mul3A_190 = arith.constant 16 : i32
    %mul3A_191 = arith.muli %select_n3A_189, %mul3A_190 : i32
    %jit3A_192 = arith.constant 2 : i32
    %div3A_193 = arith.divsi %add3A_173, %jit3A_192 : i32
    %sign3A_194 = arith.constant 0 : i32
    %sign3A_195 = arith.cmpi sgt, %add3A_173, %sign3A_194 : i32
    %sign3A_196 = arith.extui %sign3A_195 : i1 to i32
    %sign3A_197 = arith.constant 0 : i32
    %sign3A_198 = arith.cmpi slt, %add3A_173, %sign3A_197 : i32
    %sign3A_199 = arith.extui %sign3A_198 : i1 to i32
    %sign3A_200 = arith.subi %sign3A_196, %sign3A_199 : i32
    %sign3A_201 = arith.constant 0 : i32
    %sign3A_202 = arith.cmpi sgt, %jit3A_192, %sign3A_201 : i32
    %sign3A_203 = arith.extui %sign3A_202 : i1 to i32
    %sign3A_204 = arith.constant 0 : i32
    %sign3A_205 = arith.cmpi slt, %jit3A_192, %sign3A_204 : i32
    %sign3A_206 = arith.extui %sign3A_205 : i1 to i32
    %sign3A_207 = arith.subi %sign3A_203, %sign3A_206 : i32
    %ne3A_208 = arith.cmpi ne, %sign3A_200, %sign3A_207 : i32
    %rem3A_209 = arith.remsi %add3A_173, %jit3A_192 : i32
    %ne3A_210 = arith.constant 0 : i32
    %ne3A_211 = arith.cmpi ne, %rem3A_209, %ne3A_210 : i32
    %and3A_212 = arith.andi %ne3A_208, %ne3A_211 : i1
    %sub3A_213 = arith.constant 1 : i32
    %sub3A_214 = arith.subi %div3A_193, %sub3A_213 : i32
    %select_n3A_215 = arith.select %and3A_212, %sub3A_214, %div3A_193 : i32
    %mul3A_216 = arith.constant 256 : i32
    %mul3A_217 = arith.muli %select_n3A_215, %mul3A_216 : i32
    %dma_wait3A = arith.constant 4 : i32
    %dma_wait3A_218 = tpu.memref_slice %arg2[%dma_wait3A, %mul3A_191, %mul3A_217] : memref<10x32x20000xf32, #tpu.memory_space<hbm>> -> memref<1x16x256xf32, #tpu.memory_space<hbm>>
    %dma_wait3A_219 = tpu.memref_squeeze %dma_wait3A_218 : memref<1x16x256xf32, #tpu.memory_space<hbm>> -> memref<16x256xf32, #tpu.memory_space<hbm>>
    %dma_wait3A_220 = tpu.memref_slice %arg2[%dma_wait3A, %mul3A_191, %mul3A_217] : memref<10x32x20000xf32, #tpu.memory_space<hbm>> -> memref<1x16x256xf32, #tpu.memory_space<hbm>>
    %dma_wait3A_221 = tpu.memref_squeeze %dma_wait3A_220 : memref<1x16x256xf32, #tpu.memory_space<hbm>> -> memref<16x256xf32, #tpu.memory_space<hbm>>
    tpu.wait_dma2 semaphore(%arg31 : memref<!tpu.dma_semaphore, #tpu.memory_space<semaphore_mem>>) src(%dma_wait3A_221 : memref<16x256xf32, #tpu.memory_space<hbm>>) dst(%arg8 : memref<16x256xf32, #tpu.memory_space<vmem>>)
    %dma_wait3A_222 = arith.constant 6 : i32
    %dma_wait3A_223 = tpu.memref_slice %arg2[%dma_wait3A_222, %mul3A_191, %mul3A_217] : memref<10x32x20000xf32, #tpu.memory_space<hbm>> -> memref<1x16x256xf32, #tpu.memory_space<hbm>>
    %dma_wait3A_224 = tpu.memref_squeeze %dma_wait3A_223 : memref<1x16x256xf32, #tpu.memory_space<hbm>> -> memref<16x256xf32, #tpu.memory_space<hbm>>
    %dma_wait3A_225 = tpu.memref_slice %arg2[%dma_wait3A_222, %mul3A_191, %mul3A_217] : memref<10x32x20000xf32, #tpu.memory_space<hbm>> -> memref<1x16x256xf32, #tpu.memory_space<hbm>>
    %dma_wait3A_226 = tpu.memref_squeeze %dma_wait3A_225 : memref<1x16x256xf32, #tpu.memory_space<hbm>> -> memref<16x256xf32, #tpu.memory_space<hbm>>
    tpu.wait_dma2 semaphore(%arg31 : memref<!tpu.dma_semaphore, #tpu.memory_space<semaphore_mem>>) src(%dma_wait3A_226 : memref<16x256xf32, #tpu.memory_space<hbm>>) dst(%arg9 : memref<16x256xf32, #tpu.memory_space<vmem>>)
    %dma_wait3A_227 = arith.constant 7 : i32
    %dma_wait3A_228 = tpu.memref_slice %arg2[%dma_wait3A_227, %mul3A_191, %mul3A_217] : memref<10x32x20000xf32, #tpu.memory_space<hbm>> -> memref<1x16x256xf32, #tpu.memory_space<hbm>>
    %dma_wait3A_229 = tpu.memref_squeeze %dma_wait3A_228 : memref<1x16x256xf32, #tpu.memory_space<hbm>> -> memref<16x256xf32, #tpu.memory_space<hbm>>
    %dma_wait3A_230 = tpu.memref_slice %arg2[%dma_wait3A_227, %mul3A_191, %mul3A_217] : memref<10x32x20000xf32, #tpu.memory_space<hbm>> -> memref<1x16x256xf32, #tpu.memory_space<hbm>>
    %dma_wait3A_231 = tpu.memref_squeeze %dma_wait3A_230 : memref<1x16x256xf32, #tpu.memory_space<hbm>> -> memref<16x256xf32, #tpu.memory_space<hbm>>
    tpu.wait_dma2 semaphore(%arg31 : memref<!tpu.dma_semaphore, #tpu.memory_space<semaphore_mem>>) src(%dma_wait3A_231 : memref<16x256xf32, #tpu.memory_space<hbm>>) dst(%arg10 : memref<16x256xf32, #tpu.memory_space<vmem>>)
    %dma_wait3A_232 = arith.constant 8 : i32
    %dma_wait3A_233 = tpu.memref_slice %arg2[%dma_wait3A_232, %mul3A_191, %mul3A_217] : memref<10x32x20000xf32, #tpu.memory_space<hbm>> -> memref<1x16x256xf32, #tpu.memory_space<hbm>>
    %dma_wait3A_234 = tpu.memref_squeeze %dma_wait3A_233 : memref<1x16x256xf32, #tpu.memory_space<hbm>> -> memref<16x256xf32, #tpu.memory_space<hbm>>
    %dma_wait3A_235 = tpu.memref_slice %arg2[%dma_wait3A_232, %mul3A_191, %mul3A_217] : memref<10x32x20000xf32, #tpu.memory_space<hbm>> -> memref<1x16x256xf32, #tpu.memory_space<hbm>>
    %dma_wait3A_236 = tpu.memref_squeeze %dma_wait3A_235 : memref<1x16x256xf32, #tpu.memory_space<hbm>> -> memref<16x256xf32, #tpu.memory_space<hbm>>
    tpu.wait_dma2 semaphore(%arg31 : memref<!tpu.dma_semaphore, #tpu.memory_space<semaphore_mem>>) src(%dma_wait3A_236 : memref<16x256xf32, #tpu.memory_space<hbm>>) dst(%arg11 : memref<16x256xf32, #tpu.memory_space<vmem>>)
    %dma_wait3A_237 = arith.constant 9 : i32
    %dma_wait3A_238 = tpu.memref_slice %arg2[%dma_wait3A_237, %mul3A_191, %mul3A_217] : memref<10x32x20000xf32, #tpu.memory_space<hbm>> -> memref<1x16x256xf32, #tpu.memory_space<hbm>>
    %dma_wait3A_239 = tpu.memref_squeeze %dma_wait3A_238 : memref<1x16x256xf32, #tpu.memory_space<hbm>> -> memref<16x256xf32, #tpu.memory_space<hbm>>
    %dma_wait3A_240 = tpu.memref_slice %arg2[%dma_wait3A_237, %mul3A_191, %mul3A_217] : memref<10x32x20000xf32, #tpu.memory_space<hbm>> -> memref<1x16x256xf32, #tpu.memory_space<hbm>>
    %dma_wait3A_241 = tpu.memref_squeeze %dma_wait3A_240 : memref<1x16x256xf32, #tpu.memory_space<hbm>> -> memref<16x256xf32, #tpu.memory_space<hbm>>
    tpu.wait_dma2 semaphore(%arg31 : memref<!tpu.dma_semaphore, #tpu.memory_space<semaphore_mem>>) src(%dma_wait3A_241 : memref<16x256xf32, #tpu.memory_space<hbm>>) dst(%arg12 : memref<16x256xf32, #tpu.memory_space<vmem>>)
    %add3A_242 = arith.constant 0 : i32
    %add3A_243 = arith.addi %add3A, %add3A_242 : i32
    %jit3A_244 = arith.constant 2 : i32
    %eq3A_245 = arith.constant 0 : i32
    %eq3A_246 = arith.cmpi eq, %jit3A_244, %eq3A_245 : i32
    %jit3A_247 = arith.constant 1 : i32
    %select_n3A_248 = arith.select %eq3A_246, %jit3A_247, %jit3A_244 : i32
    %rem3A_249 = arith.remsi %add3A_243, %select_n3A_248 : i32
    %ne3A_250 = arith.constant 0 : i32
    %ne3A_251 = arith.cmpi ne, %rem3A_249, %ne3A_250 : i32
    %lt3A_252 = arith.constant 0 : i32
    %lt3A_253 = arith.cmpi slt, %rem3A_249, %lt3A_252 : i32
    %lt3A_254 = arith.constant 0 : i32
    %lt3A_255 = arith.cmpi slt, %select_n3A_248, %lt3A_254 : i32
    %ne3A_256 = arith.xori %lt3A_253, %lt3A_255 : i1
    %and3A_257 = arith.andi %ne3A_256, %ne3A_251 : i1
    %add3A_258 = arith.addi %rem3A_249, %select_n3A_248 : i32
    %select_n3A_259 = arith.select %and3A_257, %add3A_258, %rem3A_249 : i32
    %mul3A_260 = arith.constant 16 : i32
    %mul3A_261 = arith.muli %select_n3A_259, %mul3A_260 : i32
    %jit3A_262 = arith.constant 2 : i32
    %div3A_263 = arith.divsi %add3A_243, %jit3A_262 : i32
    %sign3A_264 = arith.constant 0 : i32
    %sign3A_265 = arith.cmpi sgt, %add3A_243, %sign3A_264 : i32
    %sign3A_266 = arith.extui %sign3A_265 : i1 to i32
    %sign3A_267 = arith.constant 0 : i32
    %sign3A_268 = arith.cmpi slt, %add3A_243, %sign3A_267 : i32
    %sign3A_269 = arith.extui %sign3A_268 : i1 to i32
    %sign3A_270 = arith.subi %sign3A_266, %sign3A_269 : i32
    %sign3A_271 = arith.constant 0 : i32
    %sign3A_272 = arith.cmpi sgt, %jit3A_262, %sign3A_271 : i32
    %sign3A_273 = arith.extui %sign3A_272 : i1 to i32
    %sign3A_274 = arith.constant 0 : i32
    %sign3A_275 = arith.cmpi slt, %jit3A_262, %sign3A_274 : i32
    %sign3A_276 = arith.extui %sign3A_275 : i1 to i32
    %sign3A_277 = arith.subi %sign3A_273, %sign3A_276 : i32
    %ne3A_278 = arith.cmpi ne, %sign3A_270, %sign3A_277 : i32
    %rem3A_279 = arith.remsi %add3A_243, %jit3A_262 : i32
    %ne3A_280 = arith.constant 0 : i32
    %ne3A_281 = arith.cmpi ne, %rem3A_279, %ne3A_280 : i32
    %and3A_282 = arith.andi %ne3A_278, %ne3A_281 : i1
    %sub3A_283 = arith.constant 1 : i32
    %sub3A_284 = arith.subi %div3A_263, %sub3A_283 : i32
    %select_n3A_285 = arith.select %and3A_282, %sub3A_284, %div3A_263 : i32
    %mul3A_286 = arith.constant 256 : i32
    %mul3A_287 = arith.muli %select_n3A_285, %mul3A_286 : i32
    %dma_start3A_288 = arith.constant 4 : i32
    %dma_start3A_289 = tpu.memref_slice %arg3[%dma_start3A_288, %mul3A_261, %mul3A_287] : memref<9x32x20000xf32, #tpu.memory_space<hbm>> -> memref<1x16x256xf32, #tpu.memory_space<hbm>>
    %dma_start3A_290 = tpu.memref_squeeze %dma_start3A_289 : memref<1x16x256xf32, #tpu.memory_space<hbm>> -> memref<16x256xf32, #tpu.memory_space<hbm>>
    %dma_start3A_291 = tpu.memref_slice %arg3[%dma_start3A_288, %mul3A_261, %mul3A_287] : memref<9x32x20000xf32, #tpu.memory_space<hbm>> -> memref<1x16x256xf32, #tpu.memory_space<hbm>>
    %dma_start3A_292 = tpu.memref_squeeze %dma_start3A_291 : memref<1x16x256xf32, #tpu.memory_space<hbm>> -> memref<16x256xf32, #tpu.memory_space<hbm>>
    tpu.enqueue_dma source(%arg9 : memref<16x256xf32, #tpu.memory_space<vmem>>) target(%dma_start3A_292 : memref<16x256xf32, #tpu.memory_space<hbm>>) target_semaphore(%arg34 : memref<!tpu.dma_semaphore, #tpu.memory_space<semaphore_mem>>)
    %dma_start3A_293 = arith.constant 5 : i32
    %dma_start3A_294 = tpu.memref_slice %arg3[%dma_start3A_293, %mul3A_261, %mul3A_287] : memref<9x32x20000xf32, #tpu.memory_space<hbm>> -> memref<1x16x256xf32, #tpu.memory_space<hbm>>
    %dma_start3A_295 = tpu.memref_squeeze %dma_start3A_294 : memref<1x16x256xf32, #tpu.memory_space<hbm>> -> memref<16x256xf32, #tpu.memory_space<hbm>>
    %dma_start3A_296 = tpu.memref_slice %arg3[%dma_start3A_293, %mul3A_261, %mul3A_287] : memref<9x32x20000xf32, #tpu.memory_space<hbm>> -> memref<1x16x256xf32, #tpu.memory_space<hbm>>
    %dma_start3A_297 = tpu.memref_squeeze %dma_start3A_296 : memref<1x16x256xf32, #tpu.memory_space<hbm>> -> memref<16x256xf32, #tpu.memory_space<hbm>>
    tpu.enqueue_dma source(%arg10 : memref<16x256xf32, #tpu.memory_space<vmem>>) target(%dma_start3A_297 : memref<16x256xf32, #tpu.memory_space<hbm>>) target_semaphore(%arg34 : memref<!tpu.dma_semaphore, #tpu.memory_space<semaphore_mem>>)
    %dma_start3A_298 = arith.constant 6 : i32
    %dma_start3A_299 = tpu.memref_slice %arg3[%dma_start3A_298, %mul3A_261, %mul3A_287] : memref<9x32x20000xf32, #tpu.memory_space<hbm>> -> memref<1x16x256xf32, #tpu.memory_space<hbm>>
    %dma_start3A_300 = tpu.memref_squeeze %dma_start3A_299 : memref<1x16x256xf32, #tpu.memory_space<hbm>> -> memref<16x256xf32, #tpu.memory_space<hbm>>
    %dma_start3A_301 = tpu.memref_slice %arg3[%dma_start3A_298, %mul3A_261, %mul3A_287] : memref<9x32x20000xf32, #tpu.memory_space<hbm>> -> memref<1x16x256xf32, #tpu.memory_space<hbm>>
    %dma_start3A_302 = tpu.memref_squeeze %dma_start3A_301 : memref<1x16x256xf32, #tpu.memory_space<hbm>> -> memref<16x256xf32, #tpu.memory_space<hbm>>
    tpu.enqueue_dma source(%arg11 : memref<16x256xf32, #tpu.memory_space<vmem>>) target(%dma_start3A_302 : memref<16x256xf32, #tpu.memory_space<hbm>>) target_semaphore(%arg34 : memref<!tpu.dma_semaphore, #tpu.memory_space<semaphore_mem>>)
    %dma_start3A_303 = arith.constant 7 : i32
    %dma_start3A_304 = tpu.memref_slice %arg3[%dma_start3A_303, %mul3A_261, %mul3A_287] : memref<9x32x20000xf32, #tpu.memory_space<hbm>> -> memref<1x16x256xf32, #tpu.memory_space<hbm>>
    %dma_start3A_305 = tpu.memref_squeeze %dma_start3A_304 : memref<1x16x256xf32, #tpu.memory_space<hbm>> -> memref<16x256xf32, #tpu.memory_space<hbm>>
    %dma_start3A_306 = tpu.memref_slice %arg3[%dma_start3A_303, %mul3A_261, %mul3A_287] : memref<9x32x20000xf32, #tpu.memory_space<hbm>> -> memref<1x16x256xf32, #tpu.memory_space<hbm>>
    %dma_start3A_307 = tpu.memref_squeeze %dma_start3A_306 : memref<1x16x256xf32, #tpu.memory_space<hbm>> -> memref<16x256xf32, #tpu.memory_space<hbm>>
    tpu.enqueue_dma source(%arg12 : memref<16x256xf32, #tpu.memory_space<vmem>>) target(%dma_start3A_307 : memref<16x256xf32, #tpu.memory_space<hbm>>) target_semaphore(%arg34 : memref<!tpu.dma_semaphore, #tpu.memory_space<semaphore_mem>>)
    %dma_start3A_308 = arith.constant 8 : i32
    %dma_start3A_309 = tpu.memref_slice %arg3[%dma_start3A_308, %mul3A_261, %mul3A_287] : memref<9x32x20000xf32, #tpu.memory_space<hbm>> -> memref<1x16x256xf32, #tpu.memory_space<hbm>>
    %dma_start3A_310 = tpu.memref_squeeze %dma_start3A_309 : memref<1x16x256xf32, #tpu.memory_space<hbm>> -> memref<16x256xf32, #tpu.memory_space<hbm>>
    %dma_start3A_311 = tpu.memref_slice %arg3[%dma_start3A_308, %mul3A_261, %mul3A_287] : memref<9x32x20000xf32, #tpu.memory_space<hbm>> -> memref<1x16x256xf32, #tpu.memory_space<hbm>>
    %dma_start3A_312 = tpu.memref_squeeze %dma_start3A_311 : memref<1x16x256xf32, #tpu.memory_space<hbm>> -> memref<16x256xf32, #tpu.memory_space<hbm>>
    tpu.enqueue_dma source(%arg8 : memref<16x256xf32, #tpu.memory_space<vmem>>) target(%dma_start3A_312 : memref<16x256xf32, #tpu.memory_space<hbm>>) target_semaphore(%arg34 : memref<!tpu.dma_semaphore, #tpu.memory_space<semaphore_mem>>)
    %dma_wait3A_313 = arith.constant 0 : i32
    %dma_wait3A_314 = tpu.memref_slice %arg2[%dma_wait3A_313, %mul3A_191, %mul3A_217] : memref<10x32x20000xf32, #tpu.memory_space<hbm>> -> memref<1x16x256xf32, #tpu.memory_space<hbm>>
    %dma_wait3A_315 = tpu.memref_squeeze %dma_wait3A_314 : memref<1x16x256xf32, #tpu.memory_space<hbm>> -> memref<16x256xf32, #tpu.memory_space<hbm>>
    %dma_wait3A_316 = tpu.memref_slice %arg2[%dma_wait3A_313, %mul3A_191, %mul3A_217] : memref<10x32x20000xf32, #tpu.memory_space<hbm>> -> memref<1x16x256xf32, #tpu.memory_space<hbm>>
    %dma_wait3A_317 = tpu.memref_squeeze %dma_wait3A_316 : memref<1x16x256xf32, #tpu.memory_space<hbm>> -> memref<16x256xf32, #tpu.memory_space<hbm>>
    tpu.wait_dma2 semaphore(%arg31 : memref<!tpu.dma_semaphore, #tpu.memory_space<semaphore_mem>>) src(%dma_wait3A_317 : memref<16x256xf32, #tpu.memory_space<hbm>>) dst(%arg4 : memref<16x256xf32, #tpu.memory_space<vmem>>)
    %dma_wait3A_318 = arith.constant 1 : i32
    %dma_wait3A_319 = tpu.memref_slice %arg2[%dma_wait3A_318, %mul3A_191, %mul3A_217] : memref<10x32x20000xf32, #tpu.memory_space<hbm>> -> memref<1x16x256xf32, #tpu.memory_space<hbm>>
    %dma_wait3A_320 = tpu.memref_squeeze %dma_wait3A_319 : memref<1x16x256xf32, #tpu.memory_space<hbm>> -> memref<16x256xf32, #tpu.memory_space<hbm>>
    %dma_wait3A_321 = tpu.memref_slice %arg2[%dma_wait3A_318, %mul3A_191, %mul3A_217] : memref<10x32x20000xf32, #tpu.memory_space<hbm>> -> memref<1x16x256xf32, #tpu.memory_space<hbm>>
    %dma_wait3A_322 = tpu.memref_squeeze %dma_wait3A_321 : memref<1x16x256xf32, #tpu.memory_space<hbm>> -> memref<16x256xf32, #tpu.memory_space<hbm>>
    tpu.wait_dma2 semaphore(%arg31 : memref<!tpu.dma_semaphore, #tpu.memory_space<semaphore_mem>>) src(%dma_wait3A_322 : memref<16x256xf32, #tpu.memory_space<hbm>>) dst(%arg5 : memref<16x256xf32, #tpu.memory_space<vmem>>)
    %dma_wait3A_323 = arith.constant 2 : i32
    %dma_wait3A_324 = tpu.memref_slice %arg2[%dma_wait3A_323, %mul3A_191, %mul3A_217] : memref<10x32x20000xf32, #tpu.memory_space<hbm>> -> memref<1x16x256xf32, #tpu.memory_space<hbm>>
    %dma_wait3A_325 = tpu.memref_squeeze %dma_wait3A_324 : memref<1x16x256xf32, #tpu.memory_space<hbm>> -> memref<16x256xf32, #tpu.memory_space<hbm>>
    %dma_wait3A_326 = tpu.memref_slice %arg2[%dma_wait3A_323, %mul3A_191, %mul3A_217] : memref<10x32x20000xf32, #tpu.memory_space<hbm>> -> memref<1x16x256xf32, #tpu.memory_space<hbm>>
    %dma_wait3A_327 = tpu.memref_squeeze %dma_wait3A_326 : memref<1x16x256xf32, #tpu.memory_space<hbm>> -> memref<16x256xf32, #tpu.memory_space<hbm>>
    tpu.wait_dma2 semaphore(%arg31 : memref<!tpu.dma_semaphore, #tpu.memory_space<semaphore_mem>>) src(%dma_wait3A_327 : memref<16x256xf32, #tpu.memory_space<hbm>>) dst(%arg6 : memref<16x256xf32, #tpu.memory_space<vmem>>)
    %dma_wait3A_328 = arith.constant 3 : i32
    %dma_wait3A_329 = tpu.memref_slice %arg2[%dma_wait3A_328, %mul3A_191, %mul3A_217] : memref<10x32x20000xf32, #tpu.memory_space<hbm>> -> memref<1x16x256xf32, #tpu.memory_space<hbm>>
    %dma_wait3A_330 = tpu.memref_squeeze %dma_wait3A_329 : memref<1x16x256xf32, #tpu.memory_space<hbm>> -> memref<16x256xf32, #tpu.memory_space<hbm>>
    %dma_wait3A_331 = tpu.memref_slice %arg2[%dma_wait3A_328, %mul3A_191, %mul3A_217] : memref<10x32x20000xf32, #tpu.memory_space<hbm>> -> memref<1x16x256xf32, #tpu.memory_space<hbm>>
    %dma_wait3A_332 = tpu.memref_squeeze %dma_wait3A_331 : memref<1x16x256xf32, #tpu.memory_space<hbm>> -> memref<16x256xf32, #tpu.memory_space<hbm>>
    tpu.wait_dma2 semaphore(%arg31 : memref<!tpu.dma_semaphore, #tpu.memory_space<semaphore_mem>>) src(%dma_wait3A_332 : memref<16x256xf32, #tpu.memory_space<hbm>>) dst(%arg7 : memref<16x256xf32, #tpu.memory_space<vmem>>)
    %parallel_loop3A = arith.constant 0 : i32
    %parallel_loop3A_333 = arith.constant 256 : i32
    %parallel_loop3A_334 = arith.constant 1 : i32
    scf.for %parallel_loop3A_1653 = %parallel_loop3A to %parallel_loop3A_333 step %parallel_loop3A_334  : i32 {
      %parallel_loop3A_1654 = arith.constant 16 : i32
      %parallel_loop3A_1655 = arith.divsi %parallel_loop3A_1653, %parallel_loop3A_1654 : i32
      %parallel_loop3A_1656 = arith.constant 0 : i32
      %parallel_loop3A_1657 = arith.cmpi sgt, %parallel_loop3A_1653, %parallel_loop3A_1656 : i32
      %parallel_loop3A_1658 = arith.extui %parallel_loop3A_1657 : i1 to i32
      %parallel_loop3A_1659 = arith.constant 0 : i32
      %parallel_loop3A_1660 = arith.cmpi slt, %parallel_loop3A_1653, %parallel_loop3A_1659 : i32
      %parallel_loop3A_1661 = arith.extui %parallel_loop3A_1660 : i1 to i32
      %parallel_loop3A_1662 = arith.subi %parallel_loop3A_1658, %parallel_loop3A_1661 : i32
      %parallel_loop3A_1663 = arith.constant 0 : i32
      %parallel_loop3A_1664 = arith.cmpi sgt, %parallel_loop3A_1654, %parallel_loop3A_1663 : i32
      %parallel_loop3A_1665 = arith.extui %parallel_loop3A_1664 : i1 to i32
      %parallel_loop3A_1666 = arith.constant 0 : i32
      %parallel_loop3A_1667 = arith.cmpi slt, %parallel_loop3A_1654, %parallel_loop3A_1666 : i32
      %parallel_loop3A_1668 = arith.extui %parallel_loop3A_1667 : i1 to i32
      %parallel_loop3A_1669 = arith.subi %parallel_loop3A_1665, %parallel_loop3A_1668 : i32
      %parallel_loop3A_1670 = arith.cmpi ne, %parallel_loop3A_1662, %parallel_loop3A_1669 : i32
      %parallel_loop3A_1671 = arith.remsi %parallel_loop3A_1653, %parallel_loop3A_1654 : i32
      %parallel_loop3A_1672 = arith.constant 0 : i32
      %parallel_loop3A_1673 = arith.cmpi ne, %parallel_loop3A_1671, %parallel_loop3A_1672 : i32
      %parallel_loop3A_1674 = arith.andi %parallel_loop3A_1670, %parallel_loop3A_1673 : i1
      %parallel_loop3A_1675 = arith.constant 1 : i32
      %parallel_loop3A_1676 = arith.subi %parallel_loop3A_1655, %parallel_loop3A_1675 : i32
      %parallel_loop3A_1677 = arith.select %parallel_loop3A_1674, %parallel_loop3A_1676, %parallel_loop3A_1655 : i32
      %parallel_loop3A_1678 = arith.constant 16 : i32
      %parallel_loop3A_1679 = arith.constant 0 : i32
      %parallel_loop3A_1680 = arith.cmpi eq, %parallel_loop3A_1678, %parallel_loop3A_1679 : i32
      %parallel_loop3A_1681 = arith.constant 1 : i32
      %parallel_loop3A_1682 = arith.select %parallel_loop3A_1680, %parallel_loop3A_1681, %parallel_loop3A_1678 : i32
      %parallel_loop3A_1683 = arith.remsi %parallel_loop3A_1653, %parallel_loop3A_1682 : i32
      %parallel_loop3A_1684 = arith.constant 0 : i32
      %parallel_loop3A_1685 = arith.cmpi ne, %parallel_loop3A_1683, %parallel_loop3A_1684 : i32
      %parallel_loop3A_1686 = arith.constant 0 : i32
      %parallel_loop3A_1687 = arith.cmpi slt, %parallel_loop3A_1683, %parallel_loop3A_1686 : i32
      %parallel_loop3A_1688 = arith.constant 0 : i32
      %parallel_loop3A_1689 = arith.cmpi slt, %parallel_loop3A_1682, %parallel_loop3A_1688 : i32
      %parallel_loop3A_1690 = arith.xori %parallel_loop3A_1687, %parallel_loop3A_1689 : i1
      %parallel_loop3A_1691 = arith.andi %parallel_loop3A_1690, %parallel_loop3A_1685 : i1
      %parallel_loop3A_1692 = arith.addi %parallel_loop3A_1683, %parallel_loop3A_1682 : i32
      %parallel_loop3A_1693 = arith.select %parallel_loop3A_1691, %parallel_loop3A_1692, %parallel_loop3A_1683 : i32
      %parallel_loop3A_1694 = arith.constant 16 : i32
      %parallel_loop3A_1695 = arith.muli %parallel_loop3A_1693, %parallel_loop3A_1694 : i32
      %parallel_loop3A_1696 = arith.index_cast %parallel_loop3A_1677 : i32 to index
      %parallel_loop3A_1697 = arith.index_cast %parallel_loop3A_1695 : i32 to index
      %parallel_loop3A_1698 = tpu.vector_load %arg4[%parallel_loop3A_1696, %parallel_loop3A_1697] {strides = array<i32>} : memref<16x256xf32, #tpu.memory_space<vmem>>, vector<16xf32>,
      %parallel_loop3A_1699 = arith.index_cast %parallel_loop3A_1677 : i32 to index
      %parallel_loop3A_1700 = arith.index_cast %parallel_loop3A_1695 : i32 to index
      %parallel_loop3A_1701 = tpu.vector_load %arg5[%parallel_loop3A_1699, %parallel_loop3A_1700] {strides = array<i32>} : memref<16x256xf32, #tpu.memory_space<vmem>>, vector<16xf32>,
      %parallel_loop3A_1702 = arith.index_cast %parallel_loop3A_1677 : i32 to index
      %parallel_loop3A_1703 = arith.index_cast %parallel_loop3A_1695 : i32 to index
      %parallel_loop3A_1704 = tpu.vector_load %arg6[%parallel_loop3A_1702, %parallel_loop3A_1703] {strides = array<i32>} : memref<16x256xf32, #tpu.memory_space<vmem>>, vector<16xf32>,
      %parallel_loop3A_1705 = arith.index_cast %parallel_loop3A_1677 : i32 to index
      %parallel_loop3A_1706 = arith.index_cast %parallel_loop3A_1695 : i32 to index
      %parallel_loop3A_1707 = tpu.vector_load %arg7[%parallel_loop3A_1705, %parallel_loop3A_1706] {strides = array<i32>} : memref<16x256xf32, #tpu.memory_space<vmem>>, vector<16xf32>,
      %parallel_loop3A_1708 = arith.subf %parallel_loop3A_1704, %parallel_loop3A_1698 : vector<16xf32>
      %parallel_loop3A_1709 = arith.constant 1.562500e-03 : f32
      %parallel_loop3A_1710 = vector.broadcast %parallel_loop3A_1709 : f32 to vector<16xf32>
      %parallel_loop3A_1711 = arith.mulf %parallel_loop3A_1708, %parallel_loop3A_1710 : vector<16xf32>
      %parallel_loop3A_1712 = arith.index_cast %parallel_loop3A_1677 : i32 to index
      %parallel_loop3A_1713 = arith.index_cast %parallel_loop3A_1695 : i32 to index
      %parallel_loop3A_1714 = tpu.vector_load %arg6[%parallel_loop3A_1712, %parallel_loop3A_1713] {strides = array<i32>} : memref<16x256xf32, #tpu.memory_space<vmem>>, vector<16xf32>,
      tpu.vector_store %arg6[%parallel_loop3A_1712, %parallel_loop3A_1713], %parallel_loop3A_1711 {strides = array<i32>} : memref<16x256xf32, #tpu.memory_space<vmem>>, vector<16xf32>,
      %parallel_loop3A_1715 = arith.subf %parallel_loop3A_1707, %parallel_loop3A_1701 : vector<16xf32>
      %parallel_loop3A_1716 = arith.constant 1.562500e-03 : f32
      %parallel_loop3A_1717 = vector.broadcast %parallel_loop3A_1716 : f32 to vector<16xf32>
      %parallel_loop3A_1718 = arith.mulf %parallel_loop3A_1715, %parallel_loop3A_1717 : vector<16xf32>
      %parallel_loop3A_1719 = arith.index_cast %parallel_loop3A_1677 : i32 to index
      %parallel_loop3A_1720 = arith.index_cast %parallel_loop3A_1695 : i32 to index
      %parallel_loop3A_1721 = tpu.vector_load %arg7[%parallel_loop3A_1719, %parallel_loop3A_1720] {strides = array<i32>} : memref<16x256xf32, #tpu.memory_space<vmem>>, vector<16xf32>,
      tpu.vector_store %arg7[%parallel_loop3A_1719, %parallel_loop3A_1720], %parallel_loop3A_1718 {strides = array<i32>} : memref<16x256xf32, #tpu.memory_space<vmem>>, vector<16xf32>,
      %parallel_loop3A_1722 = arith.constant 1.562500e-03 : f32
      %parallel_loop3A_1723 = vector.broadcast %parallel_loop3A_1722 : f32 to vector<16xf32>
      %parallel_loop3A_1724 = arith.mulf %parallel_loop3A_1698, %parallel_loop3A_1723 : vector<16xf32>
      %parallel_loop3A_1725 = arith.index_cast %parallel_loop3A_1677 : i32 to index
      %parallel_loop3A_1726 = arith.index_cast %parallel_loop3A_1695 : i32 to index
      %parallel_loop3A_1727 = tpu.vector_load %arg4[%parallel_loop3A_1725, %parallel_loop3A_1726] {strides = array<i32>} : memref<16x256xf32, #tpu.memory_space<vmem>>, vector<16xf32>,
      tpu.vector_store %arg4[%parallel_loop3A_1725, %parallel_loop3A_1726], %parallel_loop3A_1724 {strides = array<i32>} : memref<16x256xf32, #tpu.memory_space<vmem>>, vector<16xf32>,
      %parallel_loop3A_1728 = arith.constant 1.562500e-03 : f32
      %parallel_loop3A_1729 = vector.broadcast %parallel_loop3A_1728 : f32 to vector<16xf32>
      %parallel_loop3A_1730 = arith.mulf %parallel_loop3A_1701, %parallel_loop3A_1729 : vector<16xf32>
      %parallel_loop3A_1731 = arith.index_cast %parallel_loop3A_1677 : i32 to index
      %parallel_loop3A_1732 = arith.index_cast %parallel_loop3A_1695 : i32 to index
      %parallel_loop3A_1733 = tpu.vector_load %arg5[%parallel_loop3A_1731, %parallel_loop3A_1732] {strides = array<i32>} : memref<16x256xf32, #tpu.memory_space<vmem>>, vector<16xf32>,
      tpu.vector_store %arg5[%parallel_loop3A_1731, %parallel_loop3A_1732], %parallel_loop3A_1730 {strides = array<i32>} : memref<16x256xf32, #tpu.memory_space<vmem>>, vector<16xf32>,
    } {sc.loop_unroll_factor = 4 : i64, sc.parallel_access}
    %add3A_335 = arith.constant 0 : i32
    %add3A_336 = arith.addi %add3A, %add3A_335 : i32
    %jit3A_337 = arith.constant 2 : i32
    %eq3A_338 = arith.constant 0 : i32
    %eq3A_339 = arith.cmpi eq, %jit3A_337, %eq3A_338 : i32
    %jit3A_340 = arith.constant 1 : i32
    %select_n3A_341 = arith.select %eq3A_339, %jit3A_340, %jit3A_337 : i32
    %rem3A_342 = arith.remsi %add3A_336, %select_n3A_341 : i32
    %ne3A_343 = arith.constant 0 : i32
    %ne3A_344 = arith.cmpi ne, %rem3A_342, %ne3A_343 : i32
    %lt3A_345 = arith.constant 0 : i32
    %lt3A_346 = arith.cmpi slt, %rem3A_342, %lt3A_345 : i32
    %lt3A_347 = arith.constant 0 : i32
    %lt3A_348 = arith.cmpi slt, %select_n3A_341, %lt3A_347 : i32
    %ne3A_349 = arith.xori %lt3A_346, %lt3A_348 : i1
    %and3A_350 = arith.andi %ne3A_349, %ne3A_344 : i1
    %add3A_351 = arith.addi %rem3A_342, %select_n3A_341 : i32
    %select_n3A_352 = arith.select %and3A_350, %add3A_351, %rem3A_342 : i32
    %mul3A_353 = arith.constant 16 : i32
    %mul3A_354 = arith.muli %select_n3A_352, %mul3A_353 : i32
    %jit3A_355 = arith.constant 2 : i32
    %div3A_356 = arith.divsi %add3A_336, %jit3A_355 : i32
    %sign3A_357 = arith.constant 0 : i32
    %sign3A_358 = arith.cmpi sgt, %add3A_336, %sign3A_357 : i32
    %sign3A_359 = arith.extui %sign3A_358 : i1 to i32
    %sign3A_360 = arith.constant 0 : i32
    %sign3A_361 = arith.cmpi slt, %add3A_336, %sign3A_360 : i32
    %sign3A_362 = arith.extui %sign3A_361 : i1 to i32
    %sign3A_363 = arith.subi %sign3A_359, %sign3A_362 : i32
    %sign3A_364 = arith.constant 0 : i32
    %sign3A_365 = arith.cmpi sgt, %jit3A_355, %sign3A_364 : i32
    %sign3A_366 = arith.extui %sign3A_365 : i1 to i32
    %sign3A_367 = arith.constant 0 : i32
    %sign3A_368 = arith.cmpi slt, %jit3A_355, %sign3A_367 : i32
    %sign3A_369 = arith.extui %sign3A_368 : i1 to i32
    %sign3A_370 = arith.subi %sign3A_366, %sign3A_369 : i32
    %ne3A_371 = arith.cmpi ne, %sign3A_363, %sign3A_370 : i32
    %rem3A_372 = arith.remsi %add3A_336, %jit3A_355 : i32
    %ne3A_373 = arith.constant 0 : i32
    %ne3A_374 = arith.cmpi ne, %rem3A_372, %ne3A_373 : i32
    %and3A_375 = arith.andi %ne3A_371, %ne3A_374 : i1
    %sub3A_376 = arith.constant 1 : i32
    %sub3A_377 = arith.subi %div3A_356, %sub3A_376 : i32
    %select_n3A_378 = arith.select %and3A_375, %sub3A_377, %div3A_356 : i32
    %mul3A_379 = arith.constant 256 : i32
    %mul3A_380 = arith.muli %select_n3A_378, %mul3A_379 : i32
    %dma_start3A_381 = arith.constant 0 : i32
    %dma_start3A_382 = tpu.memref_slice %arg3[%dma_start3A_381, %mul3A_354, %mul3A_380] : memref<9x32x20000xf32, #tpu.memory_space<hbm>> -> memref<1x16x256xf32, #tpu.memory_space<hbm>>
    %dma_start3A_383 = tpu.memref_squeeze %dma_start3A_382 : memref<1x16x256xf32, #tpu.memory_space<hbm>> -> memref<16x256xf32, #tpu.memory_space<hbm>>
    %dma_start3A_384 = tpu.memref_slice %arg3[%dma_start3A_381, %mul3A_354, %mul3A_380] : memref<9x32x20000xf32, #tpu.memory_space<hbm>> -> memref<1x16x256xf32, #tpu.memory_space<hbm>>
    %dma_start3A_385 = tpu.memref_squeeze %dma_start3A_384 : memref<1x16x256xf32, #tpu.memory_space<hbm>> -> memref<16x256xf32, #tpu.memory_space<hbm>>
    tpu.enqueue_dma source(%arg4 : memref<16x256xf32, #tpu.memory_space<vmem>>) target(%dma_start3A_385 : memref<16x256xf32, #tpu.memory_space<hbm>>) target_semaphore(%arg34 : memref<!tpu.dma_semaphore, #tpu.memory_space<semaphore_mem>>)
    %dma_start3A_386 = arith.constant 1 : i32
    %dma_start3A_387 = tpu.memref_slice %arg3[%dma_start3A_386, %mul3A_354, %mul3A_380] : memref<9x32x20000xf32, #tpu.memory_space<hbm>> -> memref<1x16x256xf32, #tpu.memory_space<hbm>>
    %dma_start3A_388 = tpu.memref_squeeze %dma_start3A_387 : memref<1x16x256xf32, #tpu.memory_space<hbm>> -> memref<16x256xf32, #tpu.memory_space<hbm>>
    %dma_start3A_389 = tpu.memref_slice %arg3[%dma_start3A_386, %mul3A_354, %mul3A_380] : memref<9x32x20000xf32, #tpu.memory_space<hbm>> -> memref<1x16x256xf32, #tpu.memory_space<hbm>>
    %dma_start3A_390 = tpu.memref_squeeze %dma_start3A_389 : memref<1x16x256xf32, #tpu.memory_space<hbm>> -> memref<16x256xf32, #tpu.memory_space<hbm>>
    tpu.enqueue_dma source(%arg5 : memref<16x256xf32, #tpu.memory_space<vmem>>) target(%dma_start3A_390 : memref<16x256xf32, #tpu.memory_space<hbm>>) target_semaphore(%arg34 : memref<!tpu.dma_semaphore, #tpu.memory_space<semaphore_mem>>)
    %dma_start3A_391 = arith.constant 2 : i32
    %dma_start3A_392 = tpu.memref_slice %arg3[%dma_start3A_391, %mul3A_354, %mul3A_380] : memref<9x32x20000xf32, #tpu.memory_space<hbm>> -> memref<1x16x256xf32, #tpu.memory_space<hbm>>
    %dma_start3A_393 = tpu.memref_squeeze %dma_start3A_392 : memref<1x16x256xf32, #tpu.memory_space<hbm>> -> memref<16x256xf32, #tpu.memory_space<hbm>>
    %dma_start3A_394 = tpu.memref_slice %arg3[%dma_start3A_391, %mul3A_354, %mul3A_380] : memref<9x32x20000xf32, #tpu.memory_space<hbm>> -> memref<1x16x256xf32, #tpu.memory_space<hbm>>
    %dma_start3A_395 = tpu.memref_squeeze %dma_start3A_394 : memref<1x16x256xf32, #tpu.memory_space<hbm>> -> memref<16x256xf32, #tpu.memory_space<hbm>>
    tpu.enqueue_dma source(%arg6 : memref<16x256xf32, #tpu.memory_space<vmem>>) target(%dma_start3A_395 : memref<16x256xf32, #tpu.memory_space<hbm>>) target_semaphore(%arg34 : memref<!tpu.dma_semaphore, #tpu.memory_space<semaphore_mem>>)
    %dma_start3A_396 = arith.constant 3 : i32
    %dma_start3A_397 = tpu.memref_slice %arg3[%dma_start3A_396, %mul3A_354, %mul3A_380] : memref<9x32x20000xf32, #tpu.memory_space<hbm>> -> memref<1x16x256xf32, #tpu.memory_space<hbm>>
    %dma_start3A_398 = tpu.memref_squeeze %dma_start3A_397 : memref<1x16x256xf32, #tpu.memory_space<hbm>> -> memref<16x256xf32, #tpu.memory_space<hbm>>
    %dma_start3A_399 = tpu.memref_slice %arg3[%dma_start3A_396, %mul3A_354, %mul3A_380] : memref<9x32x20000xf32, #tpu.memory_space<hbm>> -> memref<1x16x256xf32, #tpu.memory_space<hbm>>
    %dma_start3A_400 = tpu.memref_squeeze %dma_start3A_399 : memref<1x16x256xf32, #tpu.memory_space<hbm>> -> memref<16x256xf32, #tpu.memory_space<hbm>>
    tpu.enqueue_dma source(%arg7 : memref<16x256xf32, #tpu.memory_space<vmem>>) target(%dma_start3A_400 : memref<16x256xf32, #tpu.memory_space<hbm>>) target_semaphore(%arg34 : memref<!tpu.dma_semaphore, #tpu.memory_space<semaphore_mem>>)
    %add3A_401 = arith.constant 64 : i32
    %add3A_402 = arith.addi %add3A, %add3A_401 : i32
    %jit3A_403 = arith.constant 2 : i32
    %eq3A_404 = arith.constant 0 : i32
    %eq3A_405 = arith.cmpi eq, %jit3A_403, %eq3A_404 : i32
    %jit3A_406 = arith.constant 1 : i32
    %select_n3A_407 = arith.select %eq3A_405, %jit3A_406, %jit3A_403 : i32
    %rem3A_408 = arith.remsi %add3A_402, %select_n3A_407 : i32
    %ne3A_409 = arith.constant 0 : i32
    %ne3A_410 = arith.cmpi ne, %rem3A_408, %ne3A_409 : i32
    %lt3A_411 = arith.constant 0 : i32
    %lt3A_412 = arith.cmpi slt, %rem3A_408, %lt3A_411 : i32
    %lt3A_413 = arith.constant 0 : i32
    %lt3A_414 = arith.cmpi slt, %select_n3A_407, %lt3A_413 : i32
    %ne3A_415 = arith.xori %lt3A_412, %lt3A_414 : i1
    %and3A_416 = arith.andi %ne3A_415, %ne3A_410 : i1
    %add3A_417 = arith.addi %rem3A_408, %select_n3A_407 : i32
    %select_n3A_418 = arith.select %and3A_416, %add3A_417, %rem3A_408 : i32
    %mul3A_419 = arith.constant 16 : i32
    %mul3A_420 = arith.muli %select_n3A_418, %mul3A_419 : i32
    %jit3A_421 = arith.constant 2 : i32
    %div3A_422 = arith.divsi %add3A_402, %jit3A_421 : i32
    %sign3A_423 = arith.constant 0 : i32
    %sign3A_424 = arith.cmpi sgt, %add3A_402, %sign3A_423 : i32
    %sign3A_425 = arith.extui %sign3A_424 : i1 to i32
    %sign3A_426 = arith.constant 0 : i32
    %sign3A_427 = arith.cmpi slt, %add3A_402, %sign3A_426 : i32
    %sign3A_428 = arith.extui %sign3A_427 : i1 to i32
    %sign3A_429 = arith.subi %sign3A_425, %sign3A_428 : i32
    %sign3A_430 = arith.constant 0 : i32
    %sign3A_431 = arith.cmpi sgt, %jit3A_421, %sign3A_430 : i32
    %sign3A_432 = arith.extui %sign3A_431 : i1 to i32
    %sign3A_433 = arith.constant 0 : i32
    %sign3A_434 = arith.cmpi slt, %jit3A_421, %sign3A_433 : i32
    %sign3A_435 = arith.extui %sign3A_434 : i1 to i32
    %sign3A_436 = arith.subi %sign3A_432, %sign3A_435 : i32
    %ne3A_437 = arith.cmpi ne, %sign3A_429, %sign3A_436 : i32
    %rem3A_438 = arith.remsi %add3A_402, %jit3A_421 : i32
    %ne3A_439 = arith.constant 0 : i32
    %ne3A_440 = arith.cmpi ne, %rem3A_438, %ne3A_439 : i32
    %and3A_441 = arith.andi %ne3A_437, %ne3A_440 : i1
    %sub3A_442 = arith.constant 1 : i32
    %sub3A_443 = arith.subi %div3A_422, %sub3A_442 : i32
    %select_n3A_444 = arith.select %and3A_441, %sub3A_443, %div3A_422 : i32
    %mul3A_445 = arith.constant 256 : i32
    %mul3A_446 = arith.muli %select_n3A_444, %mul3A_445 : i32
    %dma_start3A_447 = arith.constant 4 : i32
    %dma_start3A_448 = tpu.memref_slice %arg2[%dma_start3A_447, %mul3A_420, %mul3A_446] : memref<10x32x20000xf32, #tpu.memory_space<hbm>> -> memref<1x16x256xf32, #tpu.memory_space<hbm>>
    %dma_start3A_449 = tpu.memref_squeeze %dma_start3A_448 : memref<1x16x256xf32, #tpu.memory_space<hbm>> -> memref<16x256xf32, #tpu.memory_space<hbm>>
    %dma_start3A_450 = tpu.memref_slice %arg2[%dma_start3A_447, %mul3A_420, %mul3A_446] : memref<10x32x20000xf32, #tpu.memory_space<hbm>> -> memref<1x16x256xf32, #tpu.memory_space<hbm>>
    %dma_start3A_451 = tpu.memref_squeeze %dma_start3A_450 : memref<1x16x256xf32, #tpu.memory_space<hbm>> -> memref<16x256xf32, #tpu.memory_space<hbm>>
    tpu.enqueue_dma source(%dma_start3A_451 : memref<16x256xf32, #tpu.memory_space<hbm>>) target(%arg26 : memref<16x256xf32, #tpu.memory_space<vmem>>) target_semaphore(%arg33 : memref<!tpu.dma_semaphore, #tpu.memory_space<semaphore_mem>>)
    %dma_start3A_452 = arith.constant 6 : i32
    %dma_start3A_453 = tpu.memref_slice %arg2[%dma_start3A_452, %mul3A_420, %mul3A_446] : memref<10x32x20000xf32, #tpu.memory_space<hbm>> -> memref<1x16x256xf32, #tpu.memory_space<hbm>>
    %dma_start3A_454 = tpu.memref_squeeze %dma_start3A_453 : memref<1x16x256xf32, #tpu.memory_space<hbm>> -> memref<16x256xf32, #tpu.memory_space<hbm>>
    %dma_start3A_455 = tpu.memref_slice %arg2[%dma_start3A_452, %mul3A_420, %mul3A_446] : memref<10x32x20000xf32, #tpu.memory_space<hbm>> -> memref<1x16x256xf32, #tpu.memory_space<hbm>>
    %dma_start3A_456 = tpu.memref_squeeze %dma_start3A_455 : memref<1x16x256xf32, #tpu.memory_space<hbm>> -> memref<16x256xf32, #tpu.memory_space<hbm>>
    tpu.enqueue_dma source(%dma_start3A_456 : memref<16x256xf32, #tpu.memory_space<hbm>>) target(%arg27 : memref<16x256xf32, #tpu.memory_space<vmem>>) target_semaphore(%arg33 : memref<!tpu.dma_semaphore, #tpu.memory_space<semaphore_mem>>)
    %dma_start3A_457 = arith.constant 7 : i32
    %dma_start3A_458 = tpu.memref_slice %arg2[%dma_start3A_457, %mul3A_420, %mul3A_446] : memref<10x32x20000xf32, #tpu.memory_space<hbm>> -> memref<1x16x256xf32, #tpu.memory_space<hbm>>
    %dma_start3A_459 = tpu.memref_squeeze %dma_start3A_458 : memref<1x16x256xf32, #tpu.memory_space<hbm>> -> memref<16x256xf32, #tpu.memory_space<hbm>>
    %dma_start3A_460 = tpu.memref_slice %arg2[%dma_start3A_457, %mul3A_420, %mul3A_446] : memref<10x32x20000xf32, #tpu.memory_space<hbm>> -> memref<1x16x256xf32, #tpu.memory_space<hbm>>
    %dma_start3A_461 = tpu.memref_squeeze %dma_start3A_460 : memref<1x16x256xf32, #tpu.memory_space<hbm>> -> memref<16x256xf32, #tpu.memory_space<hbm>>
    tpu.enqueue_dma source(%dma_start3A_461 : memref<16x256xf32, #tpu.memory_space<hbm>>) target(%arg28 : memref<16x256xf32, #tpu.memory_space<vmem>>) target_semaphore(%arg33 : memref<!tpu.dma_semaphore, #tpu.memory_space<semaphore_mem>>)
    %dma_start3A_462 = arith.constant 8 : i32
    %dma_start3A_463 = tpu.memref_slice %arg2[%dma_start3A_462, %mul3A_420, %mul3A_446] : memref<10x32x20000xf32, #tpu.memory_space<hbm>> -> memref<1x16x256xf32, #tpu.memory_space<hbm>>
    %dma_start3A_464 = tpu.memref_squeeze %dma_start3A_463 : memref<1x16x256xf32, #tpu.memory_space<hbm>> -> memref<16x256xf32, #tpu.memory_space<hbm>>
    %dma_start3A_465 = tpu.memref_slice %arg2[%dma_start3A_462, %mul3A_420, %mul3A_446] : memref<10x32x20000xf32, #tpu.memory_space<hbm>> -> memref<1x16x256xf32, #tpu.memory_space<hbm>>
    %dma_start3A_466 = tpu.memref_squeeze %dma_start3A_465 : memref<1x16x256xf32, #tpu.memory_space<hbm>> -> memref<16x256xf32, #tpu.memory_space<hbm>>
    tpu.enqueue_dma source(%dma_start3A_466 : memref<16x256xf32, #tpu.memory_space<hbm>>) target(%arg29 : memref<16x256xf32, #tpu.memory_space<vmem>>) target_semaphore(%arg33 : memref<!tpu.dma_semaphore, #tpu.memory_space<semaphore_mem>>)
    %dma_start3A_467 = arith.constant 9 : i32
    %dma_start3A_468 = tpu.memref_slice %arg2[%dma_start3A_467, %mul3A_420, %mul3A_446] : memref<10x32x20000xf32, #tpu.memory_space<hbm>> -> memref<1x16x256xf32, #tpu.memory_space<hbm>>
    %dma_start3A_469 = tpu.memref_squeeze %dma_start3A_468 : memref<1x16x256xf32, #tpu.memory_space<hbm>> -> memref<16x256xf32, #tpu.memory_space<hbm>>
    %dma_start3A_470 = tpu.memref_slice %arg2[%dma_start3A_467, %mul3A_420, %mul3A_446] : memref<10x32x20000xf32, #tpu.memory_space<hbm>> -> memref<1x16x256xf32, #tpu.memory_space<hbm>>
    %dma_start3A_471 = tpu.memref_squeeze %dma_start3A_470 : memref<1x16x256xf32, #tpu.memory_space<hbm>> -> memref<16x256xf32, #tpu.memory_space<hbm>>
    tpu.enqueue_dma source(%dma_start3A_471 : memref<16x256xf32, #tpu.memory_space<hbm>>) target(%arg30 : memref<16x256xf32, #tpu.memory_space<vmem>>) target_semaphore(%arg33 : memref<!tpu.dma_semaphore, #tpu.memory_space<semaphore_mem>>)
    %dma_start3A_472 = arith.constant 0 : i32
    %dma_start3A_473 = tpu.memref_slice %arg2[%dma_start3A_472, %mul3A_420, %mul3A_446] : memref<10x32x20000xf32, #tpu.memory_space<hbm>> -> memref<1x16x256xf32, #tpu.memory_space<hbm>>
    %dma_start3A_474 = tpu.memref_squeeze %dma_start3A_473 : memref<1x16x256xf32, #tpu.memory_space<hbm>> -> memref<16x256xf32, #tpu.memory_space<hbm>>
    %dma_start3A_475 = tpu.memref_slice %arg2[%dma_start3A_472, %mul3A_420, %mul3A_446] : memref<10x32x20000xf32, #tpu.memory_space<hbm>> -> memref<1x16x256xf32, #tpu.memory_space<hbm>>
    %dma_start3A_476 = tpu.memref_squeeze %dma_start3A_475 : memref<1x16x256xf32, #tpu.memory_space<hbm>> -> memref<16x256xf32, #tpu.memory_space<hbm>>
    tpu.enqueue_dma source(%dma_start3A_476 : memref<16x256xf32, #tpu.memory_space<hbm>>) target(%arg22 : memref<16x256xf32, #tpu.memory_space<vmem>>) target_semaphore(%arg33 : memref<!tpu.dma_semaphore, #tpu.memory_space<semaphore_mem>>)
    %dma_start3A_477 = arith.constant 1 : i32
    %dma_start3A_478 = tpu.memref_slice %arg2[%dma_start3A_477, %mul3A_420, %mul3A_446] : memref<10x32x20000xf32, #tpu.memory_space<hbm>> -> memref<1x16x256xf32, #tpu.memory_space<hbm>>
    %dma_start3A_479 = tpu.memref_squeeze %dma_start3A_478 : memref<1x16x256xf32, #tpu.memory_space<hbm>> -> memref<16x256xf32, #tpu.memory_space<hbm>>
    %dma_start3A_480 = tpu.memref_slice %arg2[%dma_start3A_477, %mul3A_420, %mul3A_446] : memref<10x32x20000xf32, #tpu.memory_space<hbm>> -> memref<1x16x256xf32, #tpu.memory_space<hbm>>
    %dma_start3A_481 = tpu.memref_squeeze %dma_start3A_480 : memref<1x16x256xf32, #tpu.memory_space<hbm>> -> memref<16x256xf32, #tpu.memory_space<hbm>>
    tpu.enqueue_dma source(%dma_start3A_481 : memref<16x256xf32, #tpu.memory_space<hbm>>) target(%arg23 : memref<16x256xf32, #tpu.memory_space<vmem>>) target_semaphore(%arg33 : memref<!tpu.dma_semaphore, #tpu.memory_space<semaphore_mem>>)
    %dma_start3A_482 = arith.constant 2 : i32
    %dma_start3A_483 = tpu.memref_slice %arg2[%dma_start3A_482, %mul3A_420, %mul3A_446] : memref<10x32x20000xf32, #tpu.memory_space<hbm>> -> memref<1x16x256xf32, #tpu.memory_space<hbm>>
    %dma_start3A_484 = tpu.memref_squeeze %dma_start3A_483 : memref<1x16x256xf32, #tpu.memory_space<hbm>> -> memref<16x256xf32, #tpu.memory_space<hbm>>
    %dma_start3A_485 = tpu.memref_slice %arg2[%dma_start3A_482, %mul3A_420, %mul3A_446] : memref<10x32x20000xf32, #tpu.memory_space<hbm>> -> memref<1x16x256xf32, #tpu.memory_space<hbm>>
    %dma_start3A_486 = tpu.memref_squeeze %dma_start3A_485 : memref<1x16x256xf32, #tpu.memory_space<hbm>> -> memref<16x256xf32, #tpu.memory_space<hbm>>
    tpu.enqueue_dma source(%dma_start3A_486 : memref<16x256xf32, #tpu.memory_space<hbm>>) target(%arg24 : memref<16x256xf32, #tpu.memory_space<vmem>>) target_semaphore(%arg33 : memref<!tpu.dma_semaphore, #tpu.memory_space<semaphore_mem>>)
    %dma_start3A_487 = arith.constant 3 : i32
    %dma_start3A_488 = tpu.memref_slice %arg2[%dma_start3A_487, %mul3A_420, %mul3A_446] : memref<10x32x20000xf32, #tpu.memory_space<hbm>> -> memref<1x16x256xf32, #tpu.memory_space<hbm>>
    %dma_start3A_489 = tpu.memref_squeeze %dma_start3A_488 : memref<1x16x256xf32, #tpu.memory_space<hbm>> -> memref<16x256xf32, #tpu.memory_space<hbm>>
    %dma_start3A_490 = tpu.memref_slice %arg2[%dma_start3A_487, %mul3A_420, %mul3A_446] : memref<10x32x20000xf32, #tpu.memory_space<hbm>> -> memref<1x16x256xf32, #tpu.memory_space<hbm>>
    %dma_start3A_491 = tpu.memref_squeeze %dma_start3A_490 : memref<1x16x256xf32, #tpu.memory_space<hbm>> -> memref<16x256xf32, #tpu.memory_space<hbm>>
    tpu.enqueue_dma source(%dma_start3A_491 : memref<16x256xf32, #tpu.memory_space<hbm>>) target(%arg25 : memref<16x256xf32, #tpu.memory_space<vmem>>) target_semaphore(%arg33 : memref<!tpu.dma_semaphore, #tpu.memory_space<semaphore_mem>>)
    %add3A_492 = arith.constant 32 : i32
    %add3A_493 = arith.addi %add3A, %add3A_492 : i32
    %jit3A_494 = arith.constant 2 : i32
    %eq3A_495 = arith.constant 0 : i32
    %eq3A_496 = arith.cmpi eq, %jit3A_494, %eq3A_495 : i32
    %jit3A_497 = arith.constant 1 : i32
    %select_n3A_498 = arith.select %eq3A_496, %jit3A_497, %jit3A_494 : i32
    %rem3A_499 = arith.remsi %add3A_493, %select_n3A_498 : i32
    %ne3A_500 = arith.constant 0 : i32
    %ne3A_501 = arith.cmpi ne, %rem3A_499, %ne3A_500 : i32
    %lt3A_502 = arith.constant 0 : i32
    %lt3A_503 = arith.cmpi slt, %rem3A_499, %lt3A_502 : i32
    %lt3A_504 = arith.constant 0 : i32
    %lt3A_505 = arith.cmpi slt, %select_n3A_498, %lt3A_504 : i32
    %ne3A_506 = arith.xori %lt3A_503, %lt3A_505 : i1
    %and3A_507 = arith.andi %ne3A_506, %ne3A_501 : i1
    %add3A_508 = arith.addi %rem3A_499, %select_n3A_498 : i32
    %select_n3A_509 = arith.select %and3A_507, %add3A_508, %rem3A_499 : i32
    %mul3A_510 = arith.constant 16 : i32
    %mul3A_511 = arith.muli %select_n3A_509, %mul3A_510 : i32
    %jit3A_512 = arith.constant 2 : i32
    %div3A_513 = arith.divsi %add3A_493, %jit3A_512 : i32
    %sign3A_514 = arith.constant 0 : i32
    %sign3A_515 = arith.cmpi sgt, %add3A_493, %sign3A_514 : i32
    %sign3A_516 = arith.extui %sign3A_515 : i1 to i32
    %sign3A_517 = arith.constant 0 : i32
    %sign3A_518 = arith.cmpi slt, %add3A_493, %sign3A_517 : i32
    %sign3A_519 = arith.extui %sign3A_518 : i1 to i32
    %sign3A_520 = arith.subi %sign3A_516, %sign3A_519 : i32
    %sign3A_521 = arith.constant 0 : i32
    %sign3A_522 = arith.cmpi sgt, %jit3A_512, %sign3A_521 : i32
    %sign3A_523 = arith.extui %sign3A_522 : i1 to i32
    %sign3A_524 = arith.constant 0 : i32
    %sign3A_525 = arith.cmpi slt, %jit3A_512, %sign3A_524 : i32
    %sign3A_526 = arith.extui %sign3A_525 : i1 to i32
    %sign3A_527 = arith.subi %sign3A_523, %sign3A_526 : i32
    %ne3A_528 = arith.cmpi ne, %sign3A_520, %sign3A_527 : i32
    %rem3A_529 = arith.remsi %add3A_493, %jit3A_512 : i32
    %ne3A_530 = arith.constant 0 : i32
    %ne3A_531 = arith.cmpi ne, %rem3A_529, %ne3A_530 : i32
    %and3A_532 = arith.andi %ne3A_528, %ne3A_531 : i1
    %sub3A_533 = arith.constant 1 : i32
    %sub3A_534 = arith.subi %div3A_513, %sub3A_533 : i32
    %select_n3A_535 = arith.select %and3A_532, %sub3A_534, %div3A_513 : i32
    %mul3A_536 = arith.constant 256 : i32
    %mul3A_537 = arith.muli %select_n3A_535, %mul3A_536 : i32
    %dma_wait3A_538 = arith.constant 4 : i32
    %dma_wait3A_539 = tpu.memref_slice %arg2[%dma_wait3A_538, %mul3A_511, %mul3A_537] : memref<10x32x20000xf32, #tpu.memory_space<hbm>> -> memref<1x16x256xf32, #tpu.memory_space<hbm>>
    %dma_wait3A_540 = tpu.memref_squeeze %dma_wait3A_539 : memref<1x16x256xf32, #tpu.memory_space<hbm>> -> memref<16x256xf32, #tpu.memory_space<hbm>>
    %dma_wait3A_541 = tpu.memref_slice %arg2[%dma_wait3A_538, %mul3A_511, %mul3A_537] : memref<10x32x20000xf32, #tpu.memory_space<hbm>> -> memref<1x16x256xf32, #tpu.memory_space<hbm>>
    %dma_wait3A_542 = tpu.memref_squeeze %dma_wait3A_541 : memref<1x16x256xf32, #tpu.memory_space<hbm>> -> memref<16x256xf32, #tpu.memory_space<hbm>>
    tpu.wait_dma2 semaphore(%arg32 : memref<!tpu.dma_semaphore, #tpu.memory_space<semaphore_mem>>) src(%dma_wait3A_542 : memref<16x256xf32, #tpu.memory_space<hbm>>) dst(%arg17 : memref<16x256xf32, #tpu.memory_space<vmem>>)
    %dma_wait3A_543 = arith.constant 6 : i32
    %dma_wait3A_544 = tpu.memref_slice %arg2[%dma_wait3A_543, %mul3A_511, %mul3A_537] : memref<10x32x20000xf32, #tpu.memory_space<hbm>> -> memref<1x16x256xf32, #tpu.memory_space<hbm>>
    %dma_wait3A_545 = tpu.memref_squeeze %dma_wait3A_544 : memref<1x16x256xf32, #tpu.memory_space<hbm>> -> memref<16x256xf32, #tpu.memory_space<hbm>>
    %dma_wait3A_546 = tpu.memref_slice %arg2[%dma_wait3A_543, %mul3A_511, %mul3A_537] : memref<10x32x20000xf32, #tpu.memory_space<hbm>> -> memref<1x16x256xf32, #tpu.memory_space<hbm>>
    %dma_wait3A_547 = tpu.memref_squeeze %dma_wait3A_546 : memref<1x16x256xf32, #tpu.memory_space<hbm>> -> memref<16x256xf32, #tpu.memory_space<hbm>>
    tpu.wait_dma2 semaphore(%arg32 : memref<!tpu.dma_semaphore, #tpu.memory_space<semaphore_mem>>) src(%dma_wait3A_547 : memref<16x256xf32, #tpu.memory_space<hbm>>) dst(%arg18 : memref<16x256xf32, #tpu.memory_space<vmem>>)
    %dma_wait3A_548 = arith.constant 7 : i32
    %dma_wait3A_549 = tpu.memref_slice %arg2[%dma_wait3A_548, %mul3A_511, %mul3A_537] : memref<10x32x20000xf32, #tpu.memory_space<hbm>> -> memref<1x16x256xf32, #tpu.memory_space<hbm>>
    %dma_wait3A_550 = tpu.memref_squeeze %dma_wait3A_549 : memref<1x16x256xf32, #tpu.memory_space<hbm>> -> memref<16x256xf32, #tpu.memory_space<hbm>>
    %dma_wait3A_551 = tpu.memref_slice %arg2[%dma_wait3A_548, %mul3A_511, %mul3A_537] : memref<10x32x20000xf32, #tpu.memory_space<hbm>> -> memref<1x16x256xf32, #tpu.memory_space<hbm>>
    %dma_wait3A_552 = tpu.memref_squeeze %dma_wait3A_551 : memref<1x16x256xf32, #tpu.memory_space<hbm>> -> memref<16x256xf32, #tpu.memory_space<hbm>>
    tpu.wait_dma2 semaphore(%arg32 : memref<!tpu.dma_semaphore, #tpu.memory_space<semaphore_mem>>) src(%dma_wait3A_552 : memref<16x256xf32, #tpu.memory_space<hbm>>) dst(%arg19 : memref<16x256xf32, #tpu.memory_space<vmem>>)
    %dma_wait3A_553 = arith.constant 8 : i32
    %dma_wait3A_554 = tpu.memref_slice %arg2[%dma_wait3A_553, %mul3A_511, %mul3A_537] : memref<10x32x20000xf32, #tpu.memory_space<hbm>> -> memref<1x16x256xf32, #tpu.memory_space<hbm>>
    %dma_wait3A_555 = tpu.memref_squeeze %dma_wait3A_554 : memref<1x16x256xf32, #tpu.memory_space<hbm>> -> memref<16x256xf32, #tpu.memory_space<hbm>>
    %dma_wait3A_556 = tpu.memref_slice %arg2[%dma_wait3A_553, %mul3A_511, %mul3A_537] : memref<10x32x20000xf32, #tpu.memory_space<hbm>> -> memref<1x16x256xf32, #tpu.memory_space<hbm>>
    %dma_wait3A_557 = tpu.memref_squeeze %dma_wait3A_556 : memref<1x16x256xf32, #tpu.memory_space<hbm>> -> memref<16x256xf32, #tpu.memory_space<hbm>>
    tpu.wait_dma2 semaphore(%arg32 : memref<!tpu.dma_semaphore, #tpu.memory_space<semaphore_mem>>) src(%dma_wait3A_557 : memref<16x256xf32, #tpu.memory_space<hbm>>) dst(%arg20 : memref<16x256xf32, #tpu.memory_space<vmem>>)
    %dma_wait3A_558 = arith.constant 9 : i32
    %dma_wait3A_559 = tpu.memref_slice %arg2[%dma_wait3A_558, %mul3A_511, %mul3A_537] : memref<10x32x20000xf32, #tpu.memory_space<hbm>> -> memref<1x16x256xf32, #tpu.memory_space<hbm>>
    %dma_wait3A_560 = tpu.memref_squeeze %dma_wait3A_559 : memref<1x16x256xf32, #tpu.memory_space<hbm>> -> memref<16x256xf32, #tpu.memory_space<hbm>>
    %dma_wait3A_561 = tpu.memref_slice %arg2[%dma_wait3A_558, %mul3A_511, %mul3A_537] : memref<10x32x20000xf32, #tpu.memory_space<hbm>> -> memref<1x16x256xf32, #tpu.memory_space<hbm>>
    %dma_wait3A_562 = tpu.memref_squeeze %dma_wait3A_561 : memref<1x16x256xf32, #tpu.memory_space<hbm>> -> memref<16x256xf32, #tpu.memory_space<hbm>>
    tpu.wait_dma2 semaphore(%arg32 : memref<!tpu.dma_semaphore, #tpu.memory_space<semaphore_mem>>) src(%dma_wait3A_562 : memref<16x256xf32, #tpu.memory_space<hbm>>) dst(%arg21 : memref<16x256xf32, #tpu.memory_space<vmem>>)
    %add3A_563 = arith.constant 32 : i32
    %add3A_564 = arith.addi %add3A, %add3A_563 : i32
    %jit3A_565 = arith.constant 2 : i32
    %eq3A_566 = arith.constant 0 : i32
    %eq3A_567 = arith.cmpi eq, %jit3A_565, %eq3A_566 : i32
    %jit3A_568 = arith.constant 1 : i32
    %select_n3A_569 = arith.select %eq3A_567, %jit3A_568, %jit3A_565 : i32
    %rem3A_570 = arith.remsi %add3A_564, %select_n3A_569 : i32
    %ne3A_571 = arith.constant 0 : i32
    %ne3A_572 = arith.cmpi ne, %rem3A_570, %ne3A_571 : i32
    %lt3A_573 = arith.constant 0 : i32
    %lt3A_574 = arith.cmpi slt, %rem3A_570, %lt3A_573 : i32
    %lt3A_575 = arith.constant 0 : i32
    %lt3A_576 = arith.cmpi slt, %select_n3A_569, %lt3A_575 : i32
    %ne3A_577 = arith.xori %lt3A_574, %lt3A_576 : i1
    %and3A_578 = arith.andi %ne3A_577, %ne3A_572 : i1
    %add3A_579 = arith.addi %rem3A_570, %select_n3A_569 : i32
    %select_n3A_580 = arith.select %and3A_578, %add3A_579, %rem3A_570 : i32
    %mul3A_581 = arith.constant 16 : i32
    %mul3A_582 = arith.muli %select_n3A_580, %mul3A_581 : i32
    %jit3A_583 = arith.constant 2 : i32
    %div3A_584 = arith.divsi %add3A_564, %jit3A_583 : i32
    %sign3A_585 = arith.constant 0 : i32
    %sign3A_586 = arith.cmpi sgt, %add3A_564, %sign3A_585 : i32
    %sign3A_587 = arith.extui %sign3A_586 : i1 to i32
    %sign3A_588 = arith.constant 0 : i32
    %sign3A_589 = arith.cmpi slt, %add3A_564, %sign3A_588 : i32
    %sign3A_590 = arith.extui %sign3A_589 : i1 to i32
    %sign3A_591 = arith.subi %sign3A_587, %sign3A_590 : i32
    %sign3A_592 = arith.constant 0 : i32
    %sign3A_593 = arith.cmpi sgt, %jit3A_583, %sign3A_592 : i32
    %sign3A_594 = arith.extui %sign3A_593 : i1 to i32
    %sign3A_595 = arith.constant 0 : i32
    %sign3A_596 = arith.cmpi slt, %jit3A_583, %sign3A_595 : i32
    %sign3A_597 = arith.extui %sign3A_596 : i1 to i32
    %sign3A_598 = arith.subi %sign3A_594, %sign3A_597 : i32
    %ne3A_599 = arith.cmpi ne, %sign3A_591, %sign3A_598 : i32
    %rem3A_600 = arith.remsi %add3A_564, %jit3A_583 : i32
    %ne3A_601 = arith.constant 0 : i32
    %ne3A_602 = arith.cmpi ne, %rem3A_600, %ne3A_601 : i32
    %and3A_603 = arith.andi %ne3A_599, %ne3A_602 : i1
    %sub3A_604 = arith.constant 1 : i32
    %sub3A_605 = arith.subi %div3A_584, %sub3A_604 : i32
    %select_n3A_606 = arith.select %and3A_603, %sub3A_605, %div3A_584 : i32
    %mul3A_607 = arith.constant 256 : i32
    %mul3A_608 = arith.muli %select_n3A_606, %mul3A_607 : i32
    %dma_start3A_609 = arith.constant 4 : i32
    %dma_start3A_610 = tpu.memref_slice %arg3[%dma_start3A_609, %mul3A_582, %mul3A_608] : memref<9x32x20000xf32, #tpu.memory_space<hbm>> -> memref<1x16x256xf32, #tpu.memory_space<hbm>>
    %dma_start3A_611 = tpu.memref_squeeze %dma_start3A_610 : memref<1x16x256xf32, #tpu.memory_space<hbm>> -> memref<16x256xf32, #tpu.memory_space<hbm>>
    %dma_start3A_612 = tpu.memref_slice %arg3[%dma_start3A_609, %mul3A_582, %mul3A_608] : memref<9x32x20000xf32, #tpu.memory_space<hbm>> -> memref<1x16x256xf32, #tpu.memory_space<hbm>>
    %dma_start3A_613 = tpu.memref_squeeze %dma_start3A_612 : memref<1x16x256xf32, #tpu.memory_space<hbm>> -> memref<16x256xf32, #tpu.memory_space<hbm>>
    tpu.enqueue_dma source(%arg18 : memref<16x256xf32, #tpu.memory_space<vmem>>) target(%dma_start3A_613 : memref<16x256xf32, #tpu.memory_space<hbm>>) target_semaphore(%arg35 : memref<!tpu.dma_semaphore, #tpu.memory_space<semaphore_mem>>)
    %dma_start3A_614 = arith.constant 5 : i32
    %dma_start3A_615 = tpu.memref_slice %arg3[%dma_start3A_614, %mul3A_582, %mul3A_608] : memref<9x32x20000xf32, #tpu.memory_space<hbm>> -> memref<1x16x256xf32, #tpu.memory_space<hbm>>
    %dma_start3A_616 = tpu.memref_squeeze %dma_start3A_615 : memref<1x16x256xf32, #tpu.memory_space<hbm>> -> memref<16x256xf32, #tpu.memory_space<hbm>>
    %dma_start3A_617 = tpu.memref_slice %arg3[%dma_start3A_614, %mul3A_582, %mul3A_608] : memref<9x32x20000xf32, #tpu.memory_space<hbm>> -> memref<1x16x256xf32, #tpu.memory_space<hbm>>
    %dma_start3A_618 = tpu.memref_squeeze %dma_start3A_617 : memref<1x16x256xf32, #tpu.memory_space<hbm>> -> memref<16x256xf32, #tpu.memory_space<hbm>>
    tpu.enqueue_dma source(%arg19 : memref<16x256xf32, #tpu.memory_space<vmem>>) target(%dma_start3A_618 : memref<16x256xf32, #tpu.memory_space<hbm>>) target_semaphore(%arg35 : memref<!tpu.dma_semaphore, #tpu.memory_space<semaphore_mem>>)
    %dma_start3A_619 = arith.constant 6 : i32
    %dma_start3A_620 = tpu.memref_slice %arg3[%dma_start3A_619, %mul3A_582, %mul3A_608] : memref<9x32x20000xf32, #tpu.memory_space<hbm>> -> memref<1x16x256xf32, #tpu.memory_space<hbm>>
    %dma_start3A_621 = tpu.memref_squeeze %dma_start3A_620 : memref<1x16x256xf32, #tpu.memory_space<hbm>> -> memref<16x256xf32, #tpu.memory_space<hbm>>
    %dma_start3A_622 = tpu.memref_slice %arg3[%dma_start3A_619, %mul3A_582, %mul3A_608] : memref<9x32x20000xf32, #tpu.memory_space<hbm>> -> memref<1x16x256xf32, #tpu.memory_space<hbm>>
    %dma_start3A_623 = tpu.memref_squeeze %dma_start3A_622 : memref<1x16x256xf32, #tpu.memory_space<hbm>> -> memref<16x256xf32, #tpu.memory_space<hbm>>
    tpu.enqueue_dma source(%arg20 : memref<16x256xf32, #tpu.memory_space<vmem>>) target(%dma_start3A_623 : memref<16x256xf32, #tpu.memory_space<hbm>>) target_semaphore(%arg35 : memref<!tpu.dma_semaphore, #tpu.memory_space<semaphore_mem>>)
    %dma_start3A_624 = arith.constant 7 : i32
    %dma_start3A_625 = tpu.memref_slice %arg3[%dma_start3A_624, %mul3A_582, %mul3A_608] : memref<9x32x20000xf32, #tpu.memory_space<hbm>> -> memref<1x16x256xf32, #tpu.memory_space<hbm>>
    %dma_start3A_626 = tpu.memref_squeeze %dma_start3A_625 : memref<1x16x256xf32, #tpu.memory_space<hbm>> -> memref<16x256xf32, #tpu.memory_space<hbm>>
    %dma_start3A_627 = tpu.memref_slice %arg3[%dma_start3A_624, %mul3A_582, %mul3A_608] : memref<9x32x20000xf32, #tpu.memory_space<hbm>> -> memref<1x16x256xf32, #tpu.memory_space<hbm>>
    %dma_start3A_628 = tpu.memref_squeeze %dma_start3A_627 : memref<1x16x256xf32, #tpu.memory_space<hbm>> -> memref<16x256xf32, #tpu.memory_space<hbm>>
    tpu.enqueue_dma source(%arg21 : memref<16x256xf32, #tpu.memory_space<vmem>>) target(%dma_start3A_628 : memref<16x256xf32, #tpu.memory_space<hbm>>) target_semaphore(%arg35 : memref<!tpu.dma_semaphore, #tpu.memory_space<semaphore_mem>>)
    %dma_start3A_629 = arith.constant 8 : i32
    %dma_start3A_630 = tpu.memref_slice %arg3[%dma_start3A_629, %mul3A_582, %mul3A_608] : memref<9x32x20000xf32, #tpu.memory_space<hbm>> -> memref<1x16x256xf32, #tpu.memory_space<hbm>>
    %dma_start3A_631 = tpu.memref_squeeze %dma_start3A_630 : memref<1x16x256xf32, #tpu.memory_space<hbm>> -> memref<16x256xf32, #tpu.memory_space<hbm>>
    %dma_start3A_632 = tpu.memref_slice %arg3[%dma_start3A_629, %mul3A_582, %mul3A_608] : memref<9x32x20000xf32, #tpu.memory_space<hbm>> -> memref<1x16x256xf32, #tpu.memory_space<hbm>>
    %dma_start3A_633 = tpu.memref_squeeze %dma_start3A_632 : memref<1x16x256xf32, #tpu.memory_space<hbm>> -> memref<16x256xf32, #tpu.memory_space<hbm>>
    tpu.enqueue_dma source(%arg17 : memref<16x256xf32, #tpu.memory_space<vmem>>) target(%dma_start3A_633 : memref<16x256xf32, #tpu.memory_space<hbm>>) target_semaphore(%arg35 : memref<!tpu.dma_semaphore, #tpu.memory_space<semaphore_mem>>)
    %dma_wait3A_634 = arith.constant 0 : i32
    %dma_wait3A_635 = tpu.memref_slice %arg2[%dma_wait3A_634, %mul3A_511, %mul3A_537] : memref<10x32x20000xf32, #tpu.memory_space<hbm>> -> memref<1x16x256xf32, #tpu.memory_space<hbm>>
    %dma_wait3A_636 = tpu.memref_squeeze %dma_wait3A_635 : memref<1x16x256xf32, #tpu.memory_space<hbm>> -> memref<16x256xf32, #tpu.memory_space<hbm>>
    %dma_wait3A_637 = tpu.memref_slice %arg2[%dma_wait3A_634, %mul3A_511, %mul3A_537] : memref<10x32x20000xf32, #tpu.memory_space<hbm>> -> memref<1x16x256xf32, #tpu.memory_space<hbm>>
    %dma_wait3A_638 = tpu.memref_squeeze %dma_wait3A_637 : memref<1x16x256xf32, #tpu.memory_space<hbm>> -> memref<16x256xf32, #tpu.memory_space<hbm>>
    tpu.wait_dma2 semaphore(%arg32 : memref<!tpu.dma_semaphore, #tpu.memory_space<semaphore_mem>>) src(%dma_wait3A_638 : memref<16x256xf32, #tpu.memory_space<hbm>>) dst(%arg13 : memref<16x256xf32, #tpu.memory_space<vmem>>)
    %dma_wait3A_639 = arith.constant 1 : i32
    %dma_wait3A_640 = tpu.memref_slice %arg2[%dma_wait3A_639, %mul3A_511, %mul3A_537] : memref<10x32x20000xf32, #tpu.memory_space<hbm>> -> memref<1x16x256xf32, #tpu.memory_space<hbm>>
    %dma_wait3A_641 = tpu.memref_squeeze %dma_wait3A_640 : memref<1x16x256xf32, #tpu.memory_space<hbm>> -> memref<16x256xf32, #tpu.memory_space<hbm>>
    %dma_wait3A_642 = tpu.memref_slice %arg2[%dma_wait3A_639, %mul3A_511, %mul3A_537] : memref<10x32x20000xf32, #tpu.memory_space<hbm>> -> memref<1x16x256xf32, #tpu.memory_space<hbm>>
    %dma_wait3A_643 = tpu.memref_squeeze %dma_wait3A_642 : memref<1x16x256xf32, #tpu.memory_space<hbm>> -> memref<16x256xf32, #tpu.memory_space<hbm>>
    tpu.wait_dma2 semaphore(%arg32 : memref<!tpu.dma_semaphore, #tpu.memory_space<semaphore_mem>>) src(%dma_wait3A_643 : memref<16x256xf32, #tpu.memory_space<hbm>>) dst(%arg14 : memref<16x256xf32, #tpu.memory_space<vmem>>)
    %dma_wait3A_644 = arith.constant 2 : i32
    %dma_wait3A_645 = tpu.memref_slice %arg2[%dma_wait3A_644, %mul3A_511, %mul3A_537] : memref<10x32x20000xf32, #tpu.memory_space<hbm>> -> memref<1x16x256xf32, #tpu.memory_space<hbm>>
    %dma_wait3A_646 = tpu.memref_squeeze %dma_wait3A_645 : memref<1x16x256xf32, #tpu.memory_space<hbm>> -> memref<16x256xf32, #tpu.memory_space<hbm>>
    %dma_wait3A_647 = tpu.memref_slice %arg2[%dma_wait3A_644, %mul3A_511, %mul3A_537] : memref<10x32x20000xf32, #tpu.memory_space<hbm>> -> memref<1x16x256xf32, #tpu.memory_space<hbm>>
    %dma_wait3A_648 = tpu.memref_squeeze %dma_wait3A_647 : memref<1x16x256xf32, #tpu.memory_space<hbm>> -> memref<16x256xf32, #tpu.memory_space<hbm>>
    tpu.wait_dma2 semaphore(%arg32 : memref<!tpu.dma_semaphore, #tpu.memory_space<semaphore_mem>>) src(%dma_wait3A_648 : memref<16x256xf32, #tpu.memory_space<hbm>>) dst(%arg15 : memref<16x256xf32, #tpu.memory_space<vmem>>)
    %dma_wait3A_649 = arith.constant 3 : i32
    %dma_wait3A_650 = tpu.memref_slice %arg2[%dma_wait3A_649, %mul3A_511, %mul3A_537] : memref<10x32x20000xf32, #tpu.memory_space<hbm>> -> memref<1x16x256xf32, #tpu.memory_space<hbm>>
    %dma_wait3A_651 = tpu.memref_squeeze %dma_wait3A_650 : memref<1x16x256xf32, #tpu.memory_space<hbm>> -> memref<16x256xf32, #tpu.memory_space<hbm>>
    %dma_wait3A_652 = tpu.memref_slice %arg2[%dma_wait3A_649, %mul3A_511, %mul3A_537] : memref<10x32x20000xf32, #tpu.memory_space<hbm>> -> memref<1x16x256xf32, #tpu.memory_space<hbm>>
    %dma_wait3A_653 = tpu.memref_squeeze %dma_wait3A_652 : memref<1x16x256xf32, #tpu.memory_space<hbm>> -> memref<16x256xf32, #tpu.memory_space<hbm>>
    tpu.wait_dma2 semaphore(%arg32 : memref<!tpu.dma_semaphore, #tpu.memory_space<semaphore_mem>>) src(%dma_wait3A_653 : memref<16x256xf32, #tpu.memory_space<hbm>>) dst(%arg16 : memref<16x256xf32, #tpu.memory_space<vmem>>)
    %parallel_loop3A_654 = arith.constant 0 : i32
    %parallel_loop3A_655 = arith.constant 256 : i32
    %parallel_loop3A_656 = arith.constant 1 : i32
    scf.for %parallel_loop3A_1653 = %parallel_loop3A_654 to %parallel_loop3A_655 step %parallel_loop3A_656  : i32 {
      %parallel_loop3A_1654 = arith.constant 16 : i32
      %parallel_loop3A_1655 = arith.divsi %parallel_loop3A_1653, %parallel_loop3A_1654 : i32
      %parallel_loop3A_1656 = arith.constant 0 : i32
      %parallel_loop3A_1657 = arith.cmpi sgt, %parallel_loop3A_1653, %parallel_loop3A_1656 : i32
      %parallel_loop3A_1658 = arith.extui %parallel_loop3A_1657 : i1 to i32
      %parallel_loop3A_1659 = arith.constant 0 : i32
      %parallel_loop3A_1660 = arith.cmpi slt, %parallel_loop3A_1653, %parallel_loop3A_1659 : i32
      %parallel_loop3A_1661 = arith.extui %parallel_loop3A_1660 : i1 to i32
      %parallel_loop3A_1662 = arith.subi %parallel_loop3A_1658, %parallel_loop3A_1661 : i32
      %parallel_loop3A_1663 = arith.constant 0 : i32
      %parallel_loop3A_1664 = arith.cmpi sgt, %parallel_loop3A_1654, %parallel_loop3A_1663 : i32
      %parallel_loop3A_1665 = arith.extui %parallel_loop3A_1664 : i1 to i32
      %parallel_loop3A_1666 = arith.constant 0 : i32
      %parallel_loop3A_1667 = arith.cmpi slt, %parallel_loop3A_1654, %parallel_loop3A_1666 : i32
      %parallel_loop3A_1668 = arith.extui %parallel_loop3A_1667 : i1 to i32
      %parallel_loop3A_1669 = arith.subi %parallel_loop3A_1665, %parallel_loop3A_1668 : i32
      %parallel_loop3A_1670 = arith.cmpi ne, %parallel_loop3A_1662, %parallel_loop3A_1669 : i32
      %parallel_loop3A_1671 = arith.remsi %parallel_loop3A_1653, %parallel_loop3A_1654 : i32
      %parallel_loop3A_1672 = arith.constant 0 : i32
      %parallel_loop3A_1673 = arith.cmpi ne, %parallel_loop3A_1671, %parallel_loop3A_1672 : i32
      %parallel_loop3A_1674 = arith.andi %parallel_loop3A_1670, %parallel_loop3A_1673 : i1
      %parallel_loop3A_1675 = arith.constant 1 : i32
      %parallel_loop3A_1676 = arith.subi %parallel_loop3A_1655, %parallel_loop3A_1675 : i32
      %parallel_loop3A_1677 = arith.select %parallel_loop3A_1674, %parallel_loop3A_1676, %parallel_loop3A_1655 : i32
      %parallel_loop3A_1678 = arith.constant 16 : i32
      %parallel_loop3A_1679 = arith.constant 0 : i32
      %parallel_loop3A_1680 = arith.cmpi eq, %parallel_loop3A_1678, %parallel_loop3A_1679 : i32
      %parallel_loop3A_1681 = arith.constant 1 : i32
      %parallel_loop3A_1682 = arith.select %parallel_loop3A_1680, %parallel_loop3A_1681, %parallel_loop3A_1678 : i32
      %parallel_loop3A_1683 = arith.remsi %parallel_loop3A_1653, %parallel_loop3A_1682 : i32
      %parallel_loop3A_1684 = arith.constant 0 : i32
      %parallel_loop3A_1685 = arith.cmpi ne, %parallel_loop3A_1683, %parallel_loop3A_1684 : i32
      %parallel_loop3A_1686 = arith.constant 0 : i32
      %parallel_loop3A_1687 = arith.cmpi slt, %parallel_loop3A_1683, %parallel_loop3A_1686 : i32
      %parallel_loop3A_1688 = arith.constant 0 : i32
      %parallel_loop3A_1689 = arith.cmpi slt, %parallel_loop3A_1682, %parallel_loop3A_1688 : i32
      %parallel_loop3A_1690 = arith.xori %parallel_loop3A_1687, %parallel_loop3A_1689 : i1
      %parallel_loop3A_1691 = arith.andi %parallel_loop3A_1690, %parallel_loop3A_1685 : i1
      %parallel_loop3A_1692 = arith.addi %parallel_loop3A_1683, %parallel_loop3A_1682 : i32
      %parallel_loop3A_1693 = arith.select %parallel_loop3A_1691, %parallel_loop3A_1692, %parallel_loop3A_1683 : i32
      %parallel_loop3A_1694 = arith.constant 16 : i32
      %parallel_loop3A_1695 = arith.muli %parallel_loop3A_1693, %parallel_loop3A_1694 : i32
      %parallel_loop3A_1696 = arith.index_cast %parallel_loop3A_1677 : i32 to index
      %parallel_loop3A_1697 = arith.index_cast %parallel_loop3A_1695 : i32 to index
      %parallel_loop3A_1698 = tpu.vector_load %arg13[%parallel_loop3A_1696, %parallel_loop3A_1697] {strides = array<i32>} : memref<16x256xf32, #tpu.memory_space<vmem>>, vector<16xf32>,
      %parallel_loop3A_1699 = arith.index_cast %parallel_loop3A_1677 : i32 to index
      %parallel_loop3A_1700 = arith.index_cast %parallel_loop3A_1695 : i32 to index
      %parallel_loop3A_1701 = tpu.vector_load %arg14[%parallel_loop3A_1699, %parallel_loop3A_1700] {strides = array<i32>} : memref<16x256xf32, #tpu.memory_space<vmem>>, vector<16xf32>,
      %parallel_loop3A_1702 = arith.index_cast %parallel_loop3A_1677 : i32 to index
      %parallel_loop3A_1703 = arith.index_cast %parallel_loop3A_1695 : i32 to index
      %parallel_loop3A_1704 = tpu.vector_load %arg15[%parallel_loop3A_1702, %parallel_loop3A_1703] {strides = array<i32>} : memref<16x256xf32, #tpu.memory_space<vmem>>, vector<16xf32>,
      %parallel_loop3A_1705 = arith.index_cast %parallel_loop3A_1677 : i32 to index
      %parallel_loop3A_1706 = arith.index_cast %parallel_loop3A_1695 : i32 to index
      %parallel_loop3A_1707 = tpu.vector_load %arg16[%parallel_loop3A_1705, %parallel_loop3A_1706] {strides = array<i32>} : memref<16x256xf32, #tpu.memory_space<vmem>>, vector<16xf32>,
      %parallel_loop3A_1708 = arith.subf %parallel_loop3A_1704, %parallel_loop3A_1698 : vector<16xf32>
      %parallel_loop3A_1709 = arith.constant 1.562500e-03 : f32
      %parallel_loop3A_1710 = vector.broadcast %parallel_loop3A_1709 : f32 to vector<16xf32>
      %parallel_loop3A_1711 = arith.mulf %parallel_loop3A_1708, %parallel_loop3A_1710 : vector<16xf32>
      %parallel_loop3A_1712 = arith.index_cast %parallel_loop3A_1677 : i32 to index
      %parallel_loop3A_1713 = arith.index_cast %parallel_loop3A_1695 : i32 to index
      %parallel_loop3A_1714 = tpu.vector_load %arg15[%parallel_loop3A_1712, %parallel_loop3A_1713] {strides = array<i32>} : memref<16x256xf32, #tpu.memory_space<vmem>>, vector<16xf32>,
      tpu.vector_store %arg15[%parallel_loop3A_1712, %parallel_loop3A_1713], %parallel_loop3A_1711 {strides = array<i32>} : memref<16x256xf32, #tpu.memory_space<vmem>>, vector<16xf32>,
      %parallel_loop3A_1715 = arith.subf %parallel_loop3A_1707, %parallel_loop3A_1701 : vector<16xf32>
      %parallel_loop3A_1716 = arith.constant 1.562500e-03 : f32
      %parallel_loop3A_1717 = vector.broadcast %parallel_loop3A_1716 : f32 to vector<16xf32>
      %parallel_loop3A_1718 = arith.mulf %parallel_loop3A_1715, %parallel_loop3A_1717 : vector<16xf32>
      %parallel_loop3A_1719 = arith.index_cast %parallel_loop3A_1677 : i32 to index
      %parallel_loop3A_1720 = arith.index_cast %parallel_loop3A_1695 : i32 to index
      %parallel_loop3A_1721 = tpu.vector_load %arg16[%parallel_loop3A_1719, %parallel_loop3A_1720] {strides = array<i32>} : memref<16x256xf32, #tpu.memory_space<vmem>>, vector<16xf32>,
      tpu.vector_store %arg16[%parallel_loop3A_1719, %parallel_loop3A_1720], %parallel_loop3A_1718 {strides = array<i32>} : memref<16x256xf32, #tpu.memory_space<vmem>>, vector<16xf32>,
      %parallel_loop3A_1722 = arith.constant 1.562500e-03 : f32
      %parallel_loop3A_1723 = vector.broadcast %parallel_loop3A_1722 : f32 to vector<16xf32>
      %parallel_loop3A_1724 = arith.mulf %parallel_loop3A_1698, %parallel_loop3A_1723 : vector<16xf32>
      %parallel_loop3A_1725 = arith.index_cast %parallel_loop3A_1677 : i32 to index
      %parallel_loop3A_1726 = arith.index_cast %parallel_loop3A_1695 : i32 to index
      %parallel_loop3A_1727 = tpu.vector_load %arg13[%parallel_loop3A_1725, %parallel_loop3A_1726] {strides = array<i32>} : memref<16x256xf32, #tpu.memory_space<vmem>>, vector<16xf32>,
      tpu.vector_store %arg13[%parallel_loop3A_1725, %parallel_loop3A_1726], %parallel_loop3A_1724 {strides = array<i32>} : memref<16x256xf32, #tpu.memory_space<vmem>>, vector<16xf32>,
      %parallel_loop3A_1728 = arith.constant 1.562500e-03 : f32
      %parallel_loop3A_1729 = vector.broadcast %parallel_loop3A_1728 : f32 to vector<16xf32>
      %parallel_loop3A_1730 = arith.mulf %parallel_loop3A_1701, %parallel_loop3A_1729 : vector<16xf32>
      %parallel_loop3A_1731 = arith.index_cast %parallel_loop3A_1677 : i32 to index
      %parallel_loop3A_1732 = arith.index_cast %parallel_loop3A_1695 : i32 to index
      %parallel_loop3A_1733 = tpu.vector_load %arg14[%parallel_loop3A_1731, %parallel_loop3A_1732] {strides = array<i32>} : memref<16x256xf32, #tpu.memory_space<vmem>>, vector<16xf32>,
      tpu.vector_store %arg14[%parallel_loop3A_1731, %parallel_loop3A_1732], %parallel_loop3A_1730 {strides = array<i32>} : memref<16x256xf32, #tpu.memory_space<vmem>>, vector<16xf32>,
    } {sc.loop_unroll_factor = 4 : i64, sc.parallel_access}
    %add3A_657 = arith.constant 32 : i32
    %add3A_658 = arith.addi %add3A, %add3A_657 : i32
    %jit3A_659 = arith.constant 2 : i32
    %eq3A_660 = arith.constant 0 : i32
    %eq3A_661 = arith.cmpi eq, %jit3A_659, %eq3A_660 : i32
    %jit3A_662 = arith.constant 1 : i32
    %select_n3A_663 = arith.select %eq3A_661, %jit3A_662, %jit3A_659 : i32
    %rem3A_664 = arith.remsi %add3A_658, %select_n3A_663 : i32
    %ne3A_665 = arith.constant 0 : i32
    %ne3A_666 = arith.cmpi ne, %rem3A_664, %ne3A_665 : i32
    %lt3A_667 = arith.constant 0 : i32
    %lt3A_668 = arith.cmpi slt, %rem3A_664, %lt3A_667 : i32
    %lt3A_669 = arith.constant 0 : i32
    %lt3A_670 = arith.cmpi slt, %select_n3A_663, %lt3A_669 : i32
    %ne3A_671 = arith.xori %lt3A_668, %lt3A_670 : i1
    %and3A_672 = arith.andi %ne3A_671, %ne3A_666 : i1
    %add3A_673 = arith.addi %rem3A_664, %select_n3A_663 : i32
    %select_n3A_674 = arith.select %and3A_672, %add3A_673, %rem3A_664 : i32
    %mul3A_675 = arith.constant 16 : i32
    %mul3A_676 = arith.muli %select_n3A_674, %mul3A_675 : i32
    %jit3A_677 = arith.constant 2 : i32
    %div3A_678 = arith.divsi %add3A_658, %jit3A_677 : i32
    %sign3A_679 = arith.constant 0 : i32
    %sign3A_680 = arith.cmpi sgt, %add3A_658, %sign3A_679 : i32
    %sign3A_681 = arith.extui %sign3A_680 : i1 to i32
    %sign3A_682 = arith.constant 0 : i32
    %sign3A_683 = arith.cmpi slt, %add3A_658, %sign3A_682 : i32
    %sign3A_684 = arith.extui %sign3A_683 : i1 to i32
    %sign3A_685 = arith.subi %sign3A_681, %sign3A_684 : i32
    %sign3A_686 = arith.constant 0 : i32
    %sign3A_687 = arith.cmpi sgt, %jit3A_677, %sign3A_686 : i32
    %sign3A_688 = arith.extui %sign3A_687 : i1 to i32
    %sign3A_689 = arith.constant 0 : i32
    %sign3A_690 = arith.cmpi slt, %jit3A_677, %sign3A_689 : i32
    %sign3A_691 = arith.extui %sign3A_690 : i1 to i32
    %sign3A_692 = arith.subi %sign3A_688, %sign3A_691 : i32
    %ne3A_693 = arith.cmpi ne, %sign3A_685, %sign3A_692 : i32
    %rem3A_694 = arith.remsi %add3A_658, %jit3A_677 : i32
    %ne3A_695 = arith.constant 0 : i32
    %ne3A_696 = arith.cmpi ne, %rem3A_694, %ne3A_695 : i32
    %and3A_697 = arith.andi %ne3A_693, %ne3A_696 : i1
    %sub3A_698 = arith.constant 1 : i32
    %sub3A_699 = arith.subi %div3A_678, %sub3A_698 : i32
    %select_n3A_700 = arith.select %and3A_697, %sub3A_699, %div3A_678 : i32
    %mul3A_701 = arith.constant 256 : i32
    %mul3A_702 = arith.muli %select_n3A_700, %mul3A_701 : i32
    %dma_start3A_703 = arith.constant 0 : i32
    %dma_start3A_704 = tpu.memref_slice %arg3[%dma_start3A_703, %mul3A_676, %mul3A_702] : memref<9x32x20000xf32, #tpu.memory_space<hbm>> -> memref<1x16x256xf32, #tpu.memory_space<hbm>>
    %dma_start3A_705 = tpu.memref_squeeze %dma_start3A_704 : memref<1x16x256xf32, #tpu.memory_space<hbm>> -> memref<16x256xf32, #tpu.memory_space<hbm>>
    %dma_start3A_706 = tpu.memref_slice %arg3[%dma_start3A_703, %mul3A_676, %mul3A_702] : memref<9x32x20000xf32, #tpu.memory_space<hbm>> -> memref<1x16x256xf32, #tpu.memory_space<hbm>>
    %dma_start3A_707 = tpu.memref_squeeze %dma_start3A_706 : memref<1x16x256xf32, #tpu.memory_space<hbm>> -> memref<16x256xf32, #tpu.memory_space<hbm>>
    tpu.enqueue_dma source(%arg13 : memref<16x256xf32, #tpu.memory_space<vmem>>) target(%dma_start3A_707 : memref<16x256xf32, #tpu.memory_space<hbm>>) target_semaphore(%arg35 : memref<!tpu.dma_semaphore, #tpu.memory_space<semaphore_mem>>)
    %dma_start3A_708 = arith.constant 1 : i32
    %dma_start3A_709 = tpu.memref_slice %arg3[%dma_start3A_708, %mul3A_676, %mul3A_702] : memref<9x32x20000xf32, #tpu.memory_space<hbm>> -> memref<1x16x256xf32, #tpu.memory_space<hbm>>
    %dma_start3A_710 = tpu.memref_squeeze %dma_start3A_709 : memref<1x16x256xf32, #tpu.memory_space<hbm>> -> memref<16x256xf32, #tpu.memory_space<hbm>>
    %dma_start3A_711 = tpu.memref_slice %arg3[%dma_start3A_708, %mul3A_676, %mul3A_702] : memref<9x32x20000xf32, #tpu.memory_space<hbm>> -> memref<1x16x256xf32, #tpu.memory_space<hbm>>
    %dma_start3A_712 = tpu.memref_squeeze %dma_start3A_711 : memref<1x16x256xf32, #tpu.memory_space<hbm>> -> memref<16x256xf32, #tpu.memory_space<hbm>>
    tpu.enqueue_dma source(%arg14 : memref<16x256xf32, #tpu.memory_space<vmem>>) target(%dma_start3A_712 : memref<16x256xf32, #tpu.memory_space<hbm>>) target_semaphore(%arg35 : memref<!tpu.dma_semaphore, #tpu.memory_space<semaphore_mem>>)
    %dma_start3A_713 = arith.constant 2 : i32
    %dma_start3A_714 = tpu.memref_slice %arg3[%dma_start3A_713, %mul3A_676, %mul3A_702] : memref<9x32x20000xf32, #tpu.memory_space<hbm>> -> memref<1x16x256xf32, #tpu.memory_space<hbm>>
    %dma_start3A_715 = tpu.memref_squeeze %dma_start3A_714 : memref<1x16x256xf32, #tpu.memory_space<hbm>> -> memref<16x256xf32, #tpu.memory_space<hbm>>
    %dma_start3A_716 = tpu.memref_slice %arg3[%dma_start3A_713, %mul3A_676, %mul3A_702] : memref<9x32x20000xf32, #tpu.memory_space<hbm>> -> memref<1x16x256xf32, #tpu.memory_space<hbm>>
    %dma_start3A_717 = tpu.memref_squeeze %dma_start3A_716 : memref<1x16x256xf32, #tpu.memory_space<hbm>> -> memref<16x256xf32, #tpu.memory_space<hbm>>
    tpu.enqueue_dma source(%arg15 : memref<16x256xf32, #tpu.memory_space<vmem>>) target(%dma_start3A_717 : memref<16x256xf32, #tpu.memory_space<hbm>>) target_semaphore(%arg35 : memref<!tpu.dma_semaphore, #tpu.memory_space<semaphore_mem>>)
    %dma_start3A_718 = arith.constant 3 : i32
    %dma_start3A_719 = tpu.memref_slice %arg3[%dma_start3A_718, %mul3A_676, %mul3A_702] : memref<9x32x20000xf32, #tpu.memory_space<hbm>> -> memref<1x16x256xf32, #tpu.memory_space<hbm>>
    %dma_start3A_720 = tpu.memref_squeeze %dma_start3A_719 : memref<1x16x256xf32, #tpu.memory_space<hbm>> -> memref<16x256xf32, #tpu.memory_space<hbm>>
    %dma_start3A_721 = tpu.memref_slice %arg3[%dma_start3A_718, %mul3A_676, %mul3A_702] : memref<9x32x20000xf32, #tpu.memory_space<hbm>> -> memref<1x16x256xf32, #tpu.memory_space<hbm>>
    %dma_start3A_722 = tpu.memref_squeeze %dma_start3A_721 : memref<1x16x256xf32, #tpu.memory_space<hbm>> -> memref<16x256xf32, #tpu.memory_space<hbm>>
    tpu.enqueue_dma source(%arg16 : memref<16x256xf32, #tpu.memory_space<vmem>>) target(%dma_start3A_722 : memref<16x256xf32, #tpu.memory_space<hbm>>) target_semaphore(%arg35 : memref<!tpu.dma_semaphore, #tpu.memory_space<semaphore_mem>>)
    %add3A_723 = arith.constant 0 : i32
    %add3A_724 = arith.addi %add3A, %add3A_723 : i32
    %jit3A_725 = arith.constant 2 : i32
    %eq3A_726 = arith.constant 0 : i32
    %eq3A_727 = arith.cmpi eq, %jit3A_725, %eq3A_726 : i32
    %jit3A_728 = arith.constant 1 : i32
    %select_n3A_729 = arith.select %eq3A_727, %jit3A_728, %jit3A_725 : i32
    %rem3A_730 = arith.remsi %add3A_724, %select_n3A_729 : i32
    %ne3A_731 = arith.constant 0 : i32
    %ne3A_732 = arith.cmpi ne, %rem3A_730, %ne3A_731 : i32
    %lt3A_733 = arith.constant 0 : i32
    %lt3A_734 = arith.cmpi slt, %rem3A_730, %lt3A_733 : i32
    %lt3A_735 = arith.constant 0 : i32
    %lt3A_736 = arith.cmpi slt, %select_n3A_729, %lt3A_735 : i32
    %ne3A_737 = arith.xori %lt3A_734, %lt3A_736 : i1
    %and3A_738 = arith.andi %ne3A_737, %ne3A_732 : i1
    %add3A_739 = arith.addi %rem3A_730, %select_n3A_729 : i32
    %select_n3A_740 = arith.select %and3A_738, %add3A_739, %rem3A_730 : i32
    %mul3A_741 = arith.constant 16 : i32
    %mul3A_742 = arith.muli %select_n3A_740, %mul3A_741 : i32
    %jit3A_743 = arith.constant 2 : i32
    %div3A_744 = arith.divsi %add3A_724, %jit3A_743 : i32
    %sign3A_745 = arith.constant 0 : i32
    %sign3A_746 = arith.cmpi sgt, %add3A_724, %sign3A_745 : i32
    %sign3A_747 = arith.extui %sign3A_746 : i1 to i32
    %sign3A_748 = arith.constant 0 : i32
    %sign3A_749 = arith.cmpi slt, %add3A_724, %sign3A_748 : i32
    %sign3A_750 = arith.extui %sign3A_749 : i1 to i32
    %sign3A_751 = arith.subi %sign3A_747, %sign3A_750 : i32
    %sign3A_752 = arith.constant 0 : i32
    %sign3A_753 = arith.cmpi sgt, %jit3A_743, %sign3A_752 : i32
    %sign3A_754 = arith.extui %sign3A_753 : i1 to i32
    %sign3A_755 = arith.constant 0 : i32
    %sign3A_756 = arith.cmpi slt, %jit3A_743, %sign3A_755 : i32
    %sign3A_757 = arith.extui %sign3A_756 : i1 to i32
    %sign3A_758 = arith.subi %sign3A_754, %sign3A_757 : i32
    %ne3A_759 = arith.cmpi ne, %sign3A_751, %sign3A_758 : i32
    %rem3A_760 = arith.remsi %add3A_724, %jit3A_743 : i32
    %ne3A_761 = arith.constant 0 : i32
    %ne3A_762 = arith.cmpi ne, %rem3A_760, %ne3A_761 : i32
    %and3A_763 = arith.andi %ne3A_759, %ne3A_762 : i1
    %sub3A_764 = arith.constant 1 : i32
    %sub3A_765 = arith.subi %div3A_744, %sub3A_764 : i32
    %select_n3A_766 = arith.select %and3A_763, %sub3A_765, %div3A_744 : i32
    %mul3A_767 = arith.constant 256 : i32
    %mul3A_768 = arith.muli %select_n3A_766, %mul3A_767 : i32
    %dma_wait3A_769 = arith.constant 4 : i32
    %dma_wait3A_770 = tpu.memref_slice %arg3[%dma_wait3A_769, %mul3A_742, %mul3A_768] : memref<9x32x20000xf32, #tpu.memory_space<hbm>> -> memref<1x16x256xf32, #tpu.memory_space<hbm>>
    %dma_wait3A_771 = tpu.memref_squeeze %dma_wait3A_770 : memref<1x16x256xf32, #tpu.memory_space<hbm>> -> memref<16x256xf32, #tpu.memory_space<hbm>>
    %dma_wait3A_772 = tpu.memref_slice %arg3[%dma_wait3A_769, %mul3A_742, %mul3A_768] : memref<9x32x20000xf32, #tpu.memory_space<hbm>> -> memref<1x16x256xf32, #tpu.memory_space<hbm>>
    %dma_wait3A_773 = tpu.memref_squeeze %dma_wait3A_772 : memref<1x16x256xf32, #tpu.memory_space<hbm>> -> memref<16x256xf32, #tpu.memory_space<hbm>>
    tpu.wait_dma2 semaphore(%arg34 : memref<!tpu.dma_semaphore, #tpu.memory_space<semaphore_mem>>) src(%arg9 : memref<16x256xf32, #tpu.memory_space<vmem>>) dst(%dma_wait3A_773 : memref<16x256xf32, #tpu.memory_space<hbm>>)
    %dma_wait3A_774 = arith.constant 5 : i32
    %dma_wait3A_775 = tpu.memref_slice %arg3[%dma_wait3A_774, %mul3A_742, %mul3A_768] : memref<9x32x20000xf32, #tpu.memory_space<hbm>> -> memref<1x16x256xf32, #tpu.memory_space<hbm>>
    %dma_wait3A_776 = tpu.memref_squeeze %dma_wait3A_775 : memref<1x16x256xf32, #tpu.memory_space<hbm>> -> memref<16x256xf32, #tpu.memory_space<hbm>>
    %dma_wait3A_777 = tpu.memref_slice %arg3[%dma_wait3A_774, %mul3A_742, %mul3A_768] : memref<9x32x20000xf32, #tpu.memory_space<hbm>> -> memref<1x16x256xf32, #tpu.memory_space<hbm>>
    %dma_wait3A_778 = tpu.memref_squeeze %dma_wait3A_777 : memref<1x16x256xf32, #tpu.memory_space<hbm>> -> memref<16x256xf32, #tpu.memory_space<hbm>>
    tpu.wait_dma2 semaphore(%arg34 : memref<!tpu.dma_semaphore, #tpu.memory_space<semaphore_mem>>) src(%arg10 : memref<16x256xf32, #tpu.memory_space<vmem>>) dst(%dma_wait3A_778 : memref<16x256xf32, #tpu.memory_space<hbm>>)
    %dma_wait3A_779 = arith.constant 6 : i32
    %dma_wait3A_780 = tpu.memref_slice %arg3[%dma_wait3A_779, %mul3A_742, %mul3A_768] : memref<9x32x20000xf32, #tpu.memory_space<hbm>> -> memref<1x16x256xf32, #tpu.memory_space<hbm>>
    %dma_wait3A_781 = tpu.memref_squeeze %dma_wait3A_780 : memref<1x16x256xf32, #tpu.memory_space<hbm>> -> memref<16x256xf32, #tpu.memory_space<hbm>>
    %dma_wait3A_782 = tpu.memref_slice %arg3[%dma_wait3A_779, %mul3A_742, %mul3A_768] : memref<9x32x20000xf32, #tpu.memory_space<hbm>> -> memref<1x16x256xf32, #tpu.memory_space<hbm>>
    %dma_wait3A_783 = tpu.memref_squeeze %dma_wait3A_782 : memref<1x16x256xf32, #tpu.memory_space<hbm>> -> memref<16x256xf32, #tpu.memory_space<hbm>>
    tpu.wait_dma2 semaphore(%arg34 : memref<!tpu.dma_semaphore, #tpu.memory_space<semaphore_mem>>) src(%arg11 : memref<16x256xf32, #tpu.memory_space<vmem>>) dst(%dma_wait3A_783 : memref<16x256xf32, #tpu.memory_space<hbm>>)
    %dma_wait3A_784 = arith.constant 7 : i32
    %dma_wait3A_785 = tpu.memref_slice %arg3[%dma_wait3A_784, %mul3A_742, %mul3A_768] : memref<9x32x20000xf32, #tpu.memory_space<hbm>> -> memref<1x16x256xf32, #tpu.memory_space<hbm>>
    %dma_wait3A_786 = tpu.memref_squeeze %dma_wait3A_785 : memref<1x16x256xf32, #tpu.memory_space<hbm>> -> memref<16x256xf32, #tpu.memory_space<hbm>>
    %dma_wait3A_787 = tpu.memref_slice %arg3[%dma_wait3A_784, %mul3A_742, %mul3A_768] : memref<9x32x20000xf32, #tpu.memory_space<hbm>> -> memref<1x16x256xf32, #tpu.memory_space<hbm>>
    %dma_wait3A_788 = tpu.memref_squeeze %dma_wait3A_787 : memref<1x16x256xf32, #tpu.memory_space<hbm>> -> memref<16x256xf32, #tpu.memory_space<hbm>>
    tpu.wait_dma2 semaphore(%arg34 : memref<!tpu.dma_semaphore, #tpu.memory_space<semaphore_mem>>) src(%arg12 : memref<16x256xf32, #tpu.memory_space<vmem>>) dst(%dma_wait3A_788 : memref<16x256xf32, #tpu.memory_space<hbm>>)
    %dma_wait3A_789 = arith.constant 8 : i32
    %dma_wait3A_790 = tpu.memref_slice %arg3[%dma_wait3A_789, %mul3A_742, %mul3A_768] : memref<9x32x20000xf32, #tpu.memory_space<hbm>> -> memref<1x16x256xf32, #tpu.memory_space<hbm>>
    %dma_wait3A_791 = tpu.memref_squeeze %dma_wait3A_790 : memref<1x16x256xf32, #tpu.memory_space<hbm>> -> memref<16x256xf32, #tpu.memory_space<hbm>>
    %dma_wait3A_792 = tpu.memref_slice %arg3[%dma_wait3A_789, %mul3A_742, %mul3A_768] : memref<9x32x20000xf32, #tpu.memory_space<hbm>> -> memref<1x16x256xf32, #tpu.memory_space<hbm>>
    %dma_wait3A_793 = tpu.memref_squeeze %dma_wait3A_792 : memref<1x16x256xf32, #tpu.memory_space<hbm>> -> memref<16x256xf32, #tpu.memory_space<hbm>>
    tpu.wait_dma2 semaphore(%arg34 : memref<!tpu.dma_semaphore, #tpu.memory_space<semaphore_mem>>) src(%arg8 : memref<16x256xf32, #tpu.memory_space<vmem>>) dst(%dma_wait3A_793 : memref<16x256xf32, #tpu.memory_space<hbm>>)
    %dma_wait3A_794 = arith.constant 0 : i32
    %dma_wait3A_795 = tpu.memref_slice %arg3[%dma_wait3A_794, %mul3A_742, %mul3A_768] : memref<9x32x20000xf32, #tpu.memory_space<hbm>> -> memref<1x16x256xf32, #tpu.memory_space<hbm>>
    %dma_wait3A_796 = tpu.memref_squeeze %dma_wait3A_795 : memref<1x16x256xf32, #tpu.memory_space<hbm>> -> memref<16x256xf32, #tpu.memory_space<hbm>>
    %dma_wait3A_797 = tpu.memref_slice %arg3[%dma_wait3A_794, %mul3A_742, %mul3A_768] : memref<9x32x20000xf32, #tpu.memory_space<hbm>> -> memref<1x16x256xf32, #tpu.memory_space<hbm>>
    %dma_wait3A_798 = tpu.memref_squeeze %dma_wait3A_797 : memref<1x16x256xf32, #tpu.memory_space<hbm>> -> memref<16x256xf32, #tpu.memory_space<hbm>>
    tpu.wait_dma2 semaphore(%arg34 : memref<!tpu.dma_semaphore, #tpu.memory_space<semaphore_mem>>) src(%arg4 : memref<16x256xf32, #tpu.memory_space<vmem>>) dst(%dma_wait3A_798 : memref<16x256xf32, #tpu.memory_space<hbm>>)
    %dma_wait3A_799 = arith.constant 1 : i32
    %dma_wait3A_800 = tpu.memref_slice %arg3[%dma_wait3A_799, %mul3A_742, %mul3A_768] : memref<9x32x20000xf32, #tpu.memory_space<hbm>> -> memref<1x16x256xf32, #tpu.memory_space<hbm>>
    %dma_wait3A_801 = tpu.memref_squeeze %dma_wait3A_800 : memref<1x16x256xf32, #tpu.memory_space<hbm>> -> memref<16x256xf32, #tpu.memory_space<hbm>>
    %dma_wait3A_802 = tpu.memref_slice %arg3[%dma_wait3A_799, %mul3A_742, %mul3A_768] : memref<9x32x20000xf32, #tpu.memory_space<hbm>> -> memref<1x16x256xf32, #tpu.memory_space<hbm>>
    %dma_wait3A_803 = tpu.memref_squeeze %dma_wait3A_802 : memref<1x16x256xf32, #tpu.memory_space<hbm>> -> memref<16x256xf32, #tpu.memory_space<hbm>>
    tpu.wait_dma2 semaphore(%arg34 : memref<!tpu.dma_semaphore, #tpu.memory_space<semaphore_mem>>) src(%arg5 : memref<16x256xf32, #tpu.memory_space<vmem>>) dst(%dma_wait3A_803 : memref<16x256xf32, #tpu.memory_space<hbm>>)
    %dma_wait3A_804 = arith.constant 2 : i32
    %dma_wait3A_805 = tpu.memref_slice %arg3[%dma_wait3A_804, %mul3A_742, %mul3A_768] : memref<9x32x20000xf32, #tpu.memory_space<hbm>> -> memref<1x16x256xf32, #tpu.memory_space<hbm>>
    %dma_wait3A_806 = tpu.memref_squeeze %dma_wait3A_805 : memref<1x16x256xf32, #tpu.memory_space<hbm>> -> memref<16x256xf32, #tpu.memory_space<hbm>>
    %dma_wait3A_807 = tpu.memref_slice %arg3[%dma_wait3A_804, %mul3A_742, %mul3A_768] : memref<9x32x20000xf32, #tpu.memory_space<hbm>> -> memref<1x16x256xf32, #tpu.memory_space<hbm>>
    %dma_wait3A_808 = tpu.memref_squeeze %dma_wait3A_807 : memref<1x16x256xf32, #tpu.memory_space<hbm>> -> memref<16x256xf32, #tpu.memory_space<hbm>>
    tpu.wait_dma2 semaphore(%arg34 : memref<!tpu.dma_semaphore, #tpu.memory_space<semaphore_mem>>) src(%arg6 : memref<16x256xf32, #tpu.memory_space<vmem>>) dst(%dma_wait3A_808 : memref<16x256xf32, #tpu.memory_space<hbm>>)
    %dma_wait3A_809 = arith.constant 3 : i32
    %dma_wait3A_810 = tpu.memref_slice %arg3[%dma_wait3A_809, %mul3A_742, %mul3A_768] : memref<9x32x20000xf32, #tpu.memory_space<hbm>> -> memref<1x16x256xf32, #tpu.memory_space<hbm>>
    %dma_wait3A_811 = tpu.memref_squeeze %dma_wait3A_810 : memref<1x16x256xf32, #tpu.memory_space<hbm>> -> memref<16x256xf32, #tpu.memory_space<hbm>>
    %dma_wait3A_812 = tpu.memref_slice %arg3[%dma_wait3A_809, %mul3A_742, %mul3A_768] : memref<9x32x20000xf32, #tpu.memory_space<hbm>> -> memref<1x16x256xf32, #tpu.memory_space<hbm>>
    %dma_wait3A_813 = tpu.memref_squeeze %dma_wait3A_812 : memref<1x16x256xf32, #tpu.memory_space<hbm>> -> memref<16x256xf32, #tpu.memory_space<hbm>>
    tpu.wait_dma2 semaphore(%arg34 : memref<!tpu.dma_semaphore, #tpu.memory_space<semaphore_mem>>) src(%arg7 : memref<16x256xf32, #tpu.memory_space<vmem>>) dst(%dma_wait3A_813 : memref<16x256xf32, #tpu.memory_space<hbm>>)
    %add3A_814 = arith.constant 96 : i32
    %add3A_815 = arith.addi %add3A, %add3A_814 : i32
    %jit3A_816 = arith.constant 2 : i32
    %eq3A_817 = arith.constant 0 : i32
    %eq3A_818 = arith.cmpi eq, %jit3A_816, %eq3A_817 : i32
    %jit3A_819 = arith.constant 1 : i32
    %select_n3A_820 = arith.select %eq3A_818, %jit3A_819, %jit3A_816 : i32
    %rem3A_821 = arith.remsi %add3A_815, %select_n3A_820 : i32
    %ne3A_822 = arith.constant 0 : i32
    %ne3A_823 = arith.cmpi ne, %rem3A_821, %ne3A_822 : i32
    %lt3A_824 = arith.constant 0 : i32
    %lt3A_825 = arith.cmpi slt, %rem3A_821, %lt3A_824 : i32
    %lt3A_826 = arith.constant 0 : i32
    %lt3A_827 = arith.cmpi slt, %select_n3A_820, %lt3A_826 : i32
    %ne3A_828 = arith.xori %lt3A_825, %lt3A_827 : i1
    %and3A_829 = arith.andi %ne3A_828, %ne3A_823 : i1
    %add3A_830 = arith.addi %rem3A_821, %select_n3A_820 : i32
    %select_n3A_831 = arith.select %and3A_829, %add3A_830, %rem3A_821 : i32
    %mul3A_832 = arith.constant 16 : i32
    %mul3A_833 = arith.muli %select_n3A_831, %mul3A_832 : i32
    %jit3A_834 = arith.constant 2 : i32
    %div3A_835 = arith.divsi %add3A_815, %jit3A_834 : i32
    %sign3A_836 = arith.constant 0 : i32
    %sign3A_837 = arith.cmpi sgt, %add3A_815, %sign3A_836 : i32
    %sign3A_838 = arith.extui %sign3A_837 : i1 to i32
    %sign3A_839 = arith.constant 0 : i32
    %sign3A_840 = arith.cmpi slt, %add3A_815, %sign3A_839 : i32
    %sign3A_841 = arith.extui %sign3A_840 : i1 to i32
    %sign3A_842 = arith.subi %sign3A_838, %sign3A_841 : i32
    %sign3A_843 = arith.constant 0 : i32
    %sign3A_844 = arith.cmpi sgt, %jit3A_834, %sign3A_843 : i32
    %sign3A_845 = arith.extui %sign3A_844 : i1 to i32
    %sign3A_846 = arith.constant 0 : i32
    %sign3A_847 = arith.cmpi slt, %jit3A_834, %sign3A_846 : i32
    %sign3A_848 = arith.extui %sign3A_847 : i1 to i32
    %sign3A_849 = arith.subi %sign3A_845, %sign3A_848 : i32
    %ne3A_850 = arith.cmpi ne, %sign3A_842, %sign3A_849 : i32
    %rem3A_851 = arith.remsi %add3A_815, %jit3A_834 : i32
    %ne3A_852 = arith.constant 0 : i32
    %ne3A_853 = arith.cmpi ne, %rem3A_851, %ne3A_852 : i32
    %and3A_854 = arith.andi %ne3A_850, %ne3A_853 : i1
    %sub3A_855 = arith.constant 1 : i32
    %sub3A_856 = arith.subi %div3A_835, %sub3A_855 : i32
    %select_n3A_857 = arith.select %and3A_854, %sub3A_856, %div3A_835 : i32
    %mul3A_858 = arith.constant 256 : i32
    %mul3A_859 = arith.muli %select_n3A_857, %mul3A_858 : i32
    %dma_start3A_860 = arith.constant 4 : i32
    %dma_start3A_861 = tpu.memref_slice %arg2[%dma_start3A_860, %mul3A_833, %mul3A_859] : memref<10x32x20000xf32, #tpu.memory_space<hbm>> -> memref<1x16x256xf32, #tpu.memory_space<hbm>>
    %dma_start3A_862 = tpu.memref_squeeze %dma_start3A_861 : memref<1x16x256xf32, #tpu.memory_space<hbm>> -> memref<16x256xf32, #tpu.memory_space<hbm>>
    %dma_start3A_863 = tpu.memref_slice %arg2[%dma_start3A_860, %mul3A_833, %mul3A_859] : memref<10x32x20000xf32, #tpu.memory_space<hbm>> -> memref<1x16x256xf32, #tpu.memory_space<hbm>>
    %dma_start3A_864 = tpu.memref_squeeze %dma_start3A_863 : memref<1x16x256xf32, #tpu.memory_space<hbm>> -> memref<16x256xf32, #tpu.memory_space<hbm>>
    tpu.enqueue_dma source(%dma_start3A_864 : memref<16x256xf32, #tpu.memory_space<hbm>>) target(%arg8 : memref<16x256xf32, #tpu.memory_space<vmem>>) target_semaphore(%arg31 : memref<!tpu.dma_semaphore, #tpu.memory_space<semaphore_mem>>)
    %dma_start3A_865 = arith.constant 6 : i32
    %dma_start3A_866 = tpu.memref_slice %arg2[%dma_start3A_865, %mul3A_833, %mul3A_859] : memref<10x32x20000xf32, #tpu.memory_space<hbm>> -> memref<1x16x256xf32, #tpu.memory_space<hbm>>
    %dma_start3A_867 = tpu.memref_squeeze %dma_start3A_866 : memref<1x16x256xf32, #tpu.memory_space<hbm>> -> memref<16x256xf32, #tpu.memory_space<hbm>>
    %dma_start3A_868 = tpu.memref_slice %arg2[%dma_start3A_865, %mul3A_833, %mul3A_859] : memref<10x32x20000xf32, #tpu.memory_space<hbm>> -> memref<1x16x256xf32, #tpu.memory_space<hbm>>
    %dma_start3A_869 = tpu.memref_squeeze %dma_start3A_868 : memref<1x16x256xf32, #tpu.memory_space<hbm>> -> memref<16x256xf32, #tpu.memory_space<hbm>>
    tpu.enqueue_dma source(%dma_start3A_869 : memref<16x256xf32, #tpu.memory_space<hbm>>) target(%arg9 : memref<16x256xf32, #tpu.memory_space<vmem>>) target_semaphore(%arg31 : memref<!tpu.dma_semaphore, #tpu.memory_space<semaphore_mem>>)
    %dma_start3A_870 = arith.constant 7 : i32
    %dma_start3A_871 = tpu.memref_slice %arg2[%dma_start3A_870, %mul3A_833, %mul3A_859] : memref<10x32x20000xf32, #tpu.memory_space<hbm>> -> memref<1x16x256xf32, #tpu.memory_space<hbm>>
    %dma_start3A_872 = tpu.memref_squeeze %dma_start3A_871 : memref<1x16x256xf32, #tpu.memory_space<hbm>> -> memref<16x256xf32, #tpu.memory_space<hbm>>
    %dma_start3A_873 = tpu.memref_slice %arg2[%dma_start3A_870, %mul3A_833, %mul3A_859] : memref<10x32x20000xf32, #tpu.memory_space<hbm>> -> memref<1x16x256xf32, #tpu.memory_space<hbm>>
    %dma_start3A_874 = tpu.memref_squeeze %dma_start3A_873 : memref<1x16x256xf32, #tpu.memory_space<hbm>> -> memref<16x256xf32, #tpu.memory_space<hbm>>
    tpu.enqueue_dma source(%dma_start3A_874 : memref<16x256xf32, #tpu.memory_space<hbm>>) target(%arg10 : memref<16x256xf32, #tpu.memory_space<vmem>>) target_semaphore(%arg31 : memref<!tpu.dma_semaphore, #tpu.memory_space<semaphore_mem>>)
    %dma_start3A_875 = arith.constant 8 : i32
    %dma_start3A_876 = tpu.memref_slice %arg2[%dma_start3A_875, %mul3A_833, %mul3A_859] : memref<10x32x20000xf32, #tpu.memory_space<hbm>> -> memref<1x16x256xf32, #tpu.memory_space<hbm>>
    %dma_start3A_877 = tpu.memref_squeeze %dma_start3A_876 : memref<1x16x256xf32, #tpu.memory_space<hbm>> -> memref<16x256xf32, #tpu.memory_space<hbm>>
    %dma_start3A_878 = tpu.memref_slice %arg2[%dma_start3A_875, %mul3A_833, %mul3A_859] : memref<10x32x20000xf32, #tpu.memory_space<hbm>> -> memref<1x16x256xf32, #tpu.memory_space<hbm>>
    %dma_start3A_879 = tpu.memref_squeeze %dma_start3A_878 : memref<1x16x256xf32, #tpu.memory_space<hbm>> -> memref<16x256xf32, #tpu.memory_space<hbm>>
    tpu.enqueue_dma source(%dma_start3A_879 : memref<16x256xf32, #tpu.memory_space<hbm>>) target(%arg11 : memref<16x256xf32, #tpu.memory_space<vmem>>) target_semaphore(%arg31 : memref<!tpu.dma_semaphore, #tpu.memory_space<semaphore_mem>>)
    %dma_start3A_880 = arith.constant 9 : i32
    %dma_start3A_881 = tpu.memref_slice %arg2[%dma_start3A_880, %mul3A_833, %mul3A_859] : memref<10x32x20000xf32, #tpu.memory_space<hbm>> -> memref<1x16x256xf32, #tpu.memory_space<hbm>>
    %dma_start3A_882 = tpu.memref_squeeze %dma_start3A_881 : memref<1x16x256xf32, #tpu.memory_space<hbm>> -> memref<16x256xf32, #tpu.memory_space<hbm>>
    %dma_start3A_883 = tpu.memref_slice %arg2[%dma_start3A_880, %mul3A_833, %mul3A_859] : memref<10x32x20000xf32, #tpu.memory_space<hbm>> -> memref<1x16x256xf32, #tpu.memory_space<hbm>>
    %dma_start3A_884 = tpu.memref_squeeze %dma_start3A_883 : memref<1x16x256xf32, #tpu.memory_space<hbm>> -> memref<16x256xf32, #tpu.memory_space<hbm>>
    tpu.enqueue_dma source(%dma_start3A_884 : memref<16x256xf32, #tpu.memory_space<hbm>>) target(%arg12 : memref<16x256xf32, #tpu.memory_space<vmem>>) target_semaphore(%arg31 : memref<!tpu.dma_semaphore, #tpu.memory_space<semaphore_mem>>)
    %dma_start3A_885 = arith.constant 0 : i32
    %dma_start3A_886 = tpu.memref_slice %arg2[%dma_start3A_885, %mul3A_833, %mul3A_859] : memref<10x32x20000xf32, #tpu.memory_space<hbm>> -> memref<1x16x256xf32, #tpu.memory_space<hbm>>
    %dma_start3A_887 = tpu.memref_squeeze %dma_start3A_886 : memref<1x16x256xf32, #tpu.memory_space<hbm>> -> memref<16x256xf32, #tpu.memory_space<hbm>>
    %dma_start3A_888 = tpu.memref_slice %arg2[%dma_start3A_885, %mul3A_833, %mul3A_859] : memref<10x32x20000xf32, #tpu.memory_space<hbm>> -> memref<1x16x256xf32, #tpu.memory_space<hbm>>
    %dma_start3A_889 = tpu.memref_squeeze %dma_start3A_888 : memref<1x16x256xf32, #tpu.memory_space<hbm>> -> memref<16x256xf32, #tpu.memory_space<hbm>>
    tpu.enqueue_dma source(%dma_start3A_889 : memref<16x256xf32, #tpu.memory_space<hbm>>) target(%arg4 : memref<16x256xf32, #tpu.memory_space<vmem>>) target_semaphore(%arg31 : memref<!tpu.dma_semaphore, #tpu.memory_space<semaphore_mem>>)
    %dma_start3A_890 = arith.constant 1 : i32
    %dma_start3A_891 = tpu.memref_slice %arg2[%dma_start3A_890, %mul3A_833, %mul3A_859] : memref<10x32x20000xf32, #tpu.memory_space<hbm>> -> memref<1x16x256xf32, #tpu.memory_space<hbm>>
    %dma_start3A_892 = tpu.memref_squeeze %dma_start3A_891 : memref<1x16x256xf32, #tpu.memory_space<hbm>> -> memref<16x256xf32, #tpu.memory_space<hbm>>
    %dma_start3A_893 = tpu.memref_slice %arg2[%dma_start3A_890, %mul3A_833, %mul3A_859] : memref<10x32x20000xf32, #tpu.memory_space<hbm>> -> memref<1x16x256xf32, #tpu.memory_space<hbm>>
    %dma_start3A_894 = tpu.memref_squeeze %dma_start3A_893 : memref<1x16x256xf32, #tpu.memory_space<hbm>> -> memref<16x256xf32, #tpu.memory_space<hbm>>
    tpu.enqueue_dma source(%dma_start3A_894 : memref<16x256xf32, #tpu.memory_space<hbm>>) target(%arg5 : memref<16x256xf32, #tpu.memory_space<vmem>>) target_semaphore(%arg31 : memref<!tpu.dma_semaphore, #tpu.memory_space<semaphore_mem>>)
    %dma_start3A_895 = arith.constant 2 : i32
    %dma_start3A_896 = tpu.memref_slice %arg2[%dma_start3A_895, %mul3A_833, %mul3A_859] : memref<10x32x20000xf32, #tpu.memory_space<hbm>> -> memref<1x16x256xf32, #tpu.memory_space<hbm>>
    %dma_start3A_897 = tpu.memref_squeeze %dma_start3A_896 : memref<1x16x256xf32, #tpu.memory_space<hbm>> -> memref<16x256xf32, #tpu.memory_space<hbm>>
    %dma_start3A_898 = tpu.memref_slice %arg2[%dma_start3A_895, %mul3A_833, %mul3A_859] : memref<10x32x20000xf32, #tpu.memory_space<hbm>> -> memref<1x16x256xf32, #tpu.memory_space<hbm>>
    %dma_start3A_899 = tpu.memref_squeeze %dma_start3A_898 : memref<1x16x256xf32, #tpu.memory_space<hbm>> -> memref<16x256xf32, #tpu.memory_space<hbm>>
    tpu.enqueue_dma source(%dma_start3A_899 : memref<16x256xf32, #tpu.memory_space<hbm>>) target(%arg6 : memref<16x256xf32, #tpu.memory_space<vmem>>) target_semaphore(%arg31 : memref<!tpu.dma_semaphore, #tpu.memory_space<semaphore_mem>>)
    %dma_start3A_900 = arith.constant 3 : i32
    %dma_start3A_901 = tpu.memref_slice %arg2[%dma_start3A_900, %mul3A_833, %mul3A_859] : memref<10x32x20000xf32, #tpu.memory_space<hbm>> -> memref<1x16x256xf32, #tpu.memory_space<hbm>>
    %dma_start3A_902 = tpu.memref_squeeze %dma_start3A_901 : memref<1x16x256xf32, #tpu.memory_space<hbm>> -> memref<16x256xf32, #tpu.memory_space<hbm>>
    %dma_start3A_903 = tpu.memref_slice %arg2[%dma_start3A_900, %mul3A_833, %mul3A_859] : memref<10x32x20000xf32, #tpu.memory_space<hbm>> -> memref<1x16x256xf32, #tpu.memory_space<hbm>>
    %dma_start3A_904 = tpu.memref_squeeze %dma_start3A_903 : memref<1x16x256xf32, #tpu.memory_space<hbm>> -> memref<16x256xf32, #tpu.memory_space<hbm>>
    tpu.enqueue_dma source(%dma_start3A_904 : memref<16x256xf32, #tpu.memory_space<hbm>>) target(%arg7 : memref<16x256xf32, #tpu.memory_space<vmem>>) target_semaphore(%arg31 : memref<!tpu.dma_semaphore, #tpu.memory_space<semaphore_mem>>)
    %add3A_905 = arith.constant 64 : i32
    %add3A_906 = arith.addi %add3A, %add3A_905 : i32
    %jit3A_907 = arith.constant 2 : i32
    %eq3A_908 = arith.constant 0 : i32
    %eq3A_909 = arith.cmpi eq, %jit3A_907, %eq3A_908 : i32
    %jit3A_910 = arith.constant 1 : i32
    %select_n3A_911 = arith.select %eq3A_909, %jit3A_910, %jit3A_907 : i32
    %rem3A_912 = arith.remsi %add3A_906, %select_n3A_911 : i32
    %ne3A_913 = arith.constant 0 : i32
    %ne3A_914 = arith.cmpi ne, %rem3A_912, %ne3A_913 : i32
    %lt3A_915 = arith.constant 0 : i32
    %lt3A_916 = arith.cmpi slt, %rem3A_912, %lt3A_915 : i32
    %lt3A_917 = arith.constant 0 : i32
    %lt3A_918 = arith.cmpi slt, %select_n3A_911, %lt3A_917 : i32
    %ne3A_919 = arith.xori %lt3A_916, %lt3A_918 : i1
    %and3A_920 = arith.andi %ne3A_919, %ne3A_914 : i1
    %add3A_921 = arith.addi %rem3A_912, %select_n3A_911 : i32
    %select_n3A_922 = arith.select %and3A_920, %add3A_921, %rem3A_912 : i32
    %mul3A_923 = arith.constant 16 : i32
    %mul3A_924 = arith.muli %select_n3A_922, %mul3A_923 : i32
    %jit3A_925 = arith.constant 2 : i32
    %div3A_926 = arith.divsi %add3A_906, %jit3A_925 : i32
    %sign3A_927 = arith.constant 0 : i32
    %sign3A_928 = arith.cmpi sgt, %add3A_906, %sign3A_927 : i32
    %sign3A_929 = arith.extui %sign3A_928 : i1 to i32
    %sign3A_930 = arith.constant 0 : i32
    %sign3A_931 = arith.cmpi slt, %add3A_906, %sign3A_930 : i32
    %sign3A_932 = arith.extui %sign3A_931 : i1 to i32
    %sign3A_933 = arith.subi %sign3A_929, %sign3A_932 : i32
    %sign3A_934 = arith.constant 0 : i32
    %sign3A_935 = arith.cmpi sgt, %jit3A_925, %sign3A_934 : i32
    %sign3A_936 = arith.extui %sign3A_935 : i1 to i32
    %sign3A_937 = arith.constant 0 : i32
    %sign3A_938 = arith.cmpi slt, %jit3A_925, %sign3A_937 : i32
    %sign3A_939 = arith.extui %sign3A_938 : i1 to i32
    %sign3A_940 = arith.subi %sign3A_936, %sign3A_939 : i32
    %ne3A_941 = arith.cmpi ne, %sign3A_933, %sign3A_940 : i32
    %rem3A_942 = arith.remsi %add3A_906, %jit3A_925 : i32
    %ne3A_943 = arith.constant 0 : i32
    %ne3A_944 = arith.cmpi ne, %rem3A_942, %ne3A_943 : i32
    %and3A_945 = arith.andi %ne3A_941, %ne3A_944 : i1
    %sub3A_946 = arith.constant 1 : i32
    %sub3A_947 = arith.subi %div3A_926, %sub3A_946 : i32
    %select_n3A_948 = arith.select %and3A_945, %sub3A_947, %div3A_926 : i32
    %mul3A_949 = arith.constant 256 : i32
    %mul3A_950 = arith.muli %select_n3A_948, %mul3A_949 : i32
    %dma_wait3A_951 = arith.constant 4 : i32
    %dma_wait3A_952 = tpu.memref_slice %arg2[%dma_wait3A_951, %mul3A_924, %mul3A_950] : memref<10x32x20000xf32, #tpu.memory_space<hbm>> -> memref<1x16x256xf32, #tpu.memory_space<hbm>>
    %dma_wait3A_953 = tpu.memref_squeeze %dma_wait3A_952 : memref<1x16x256xf32, #tpu.memory_space<hbm>> -> memref<16x256xf32, #tpu.memory_space<hbm>>
    %dma_wait3A_954 = tpu.memref_slice %arg2[%dma_wait3A_951, %mul3A_924, %mul3A_950] : memref<10x32x20000xf32, #tpu.memory_space<hbm>> -> memref<1x16x256xf32, #tpu.memory_space<hbm>>
    %dma_wait3A_955 = tpu.memref_squeeze %dma_wait3A_954 : memref<1x16x256xf32, #tpu.memory_space<hbm>> -> memref<16x256xf32, #tpu.memory_space<hbm>>
    tpu.wait_dma2 semaphore(%arg33 : memref<!tpu.dma_semaphore, #tpu.memory_space<semaphore_mem>>) src(%dma_wait3A_955 : memref<16x256xf32, #tpu.memory_space<hbm>>) dst(%arg26 : memref<16x256xf32, #tpu.memory_space<vmem>>)
    %dma_wait3A_956 = arith.constant 6 : i32
    %dma_wait3A_957 = tpu.memref_slice %arg2[%dma_wait3A_956, %mul3A_924, %mul3A_950] : memref<10x32x20000xf32, #tpu.memory_space<hbm>> -> memref<1x16x256xf32, #tpu.memory_space<hbm>>
    %dma_wait3A_958 = tpu.memref_squeeze %dma_wait3A_957 : memref<1x16x256xf32, #tpu.memory_space<hbm>> -> memref<16x256xf32, #tpu.memory_space<hbm>>
    %dma_wait3A_959 = tpu.memref_slice %arg2[%dma_wait3A_956, %mul3A_924, %mul3A_950] : memref<10x32x20000xf32, #tpu.memory_space<hbm>> -> memref<1x16x256xf32, #tpu.memory_space<hbm>>
    %dma_wait3A_960 = tpu.memref_squeeze %dma_wait3A_959 : memref<1x16x256xf32, #tpu.memory_space<hbm>> -> memref<16x256xf32, #tpu.memory_space<hbm>>
    tpu.wait_dma2 semaphore(%arg33 : memref<!tpu.dma_semaphore, #tpu.memory_space<semaphore_mem>>) src(%dma_wait3A_960 : memref<16x256xf32, #tpu.memory_space<hbm>>) dst(%arg27 : memref<16x256xf32, #tpu.memory_space<vmem>>)
    %dma_wait3A_961 = arith.constant 7 : i32
    %dma_wait3A_962 = tpu.memref_slice %arg2[%dma_wait3A_961, %mul3A_924, %mul3A_950] : memref<10x32x20000xf32, #tpu.memory_space<hbm>> -> memref<1x16x256xf32, #tpu.memory_space<hbm>>
    %dma_wait3A_963 = tpu.memref_squeeze %dma_wait3A_962 : memref<1x16x256xf32, #tpu.memory_space<hbm>> -> memref<16x256xf32, #tpu.memory_space<hbm>>
    %dma_wait3A_964 = tpu.memref_slice %arg2[%dma_wait3A_961, %mul3A_924, %mul3A_950] : memref<10x32x20000xf32, #tpu.memory_space<hbm>> -> memref<1x16x256xf32, #tpu.memory_space<hbm>>
    %dma_wait3A_965 = tpu.memref_squeeze %dma_wait3A_964 : memref<1x16x256xf32, #tpu.memory_space<hbm>> -> memref<16x256xf32, #tpu.memory_space<hbm>>
    tpu.wait_dma2 semaphore(%arg33 : memref<!tpu.dma_semaphore, #tpu.memory_space<semaphore_mem>>) src(%dma_wait3A_965 : memref<16x256xf32, #tpu.memory_space<hbm>>) dst(%arg28 : memref<16x256xf32, #tpu.memory_space<vmem>>)
    %dma_wait3A_966 = arith.constant 8 : i32
    %dma_wait3A_967 = tpu.memref_slice %arg2[%dma_wait3A_966, %mul3A_924, %mul3A_950] : memref<10x32x20000xf32, #tpu.memory_space<hbm>> -> memref<1x16x256xf32, #tpu.memory_space<hbm>>
    %dma_wait3A_968 = tpu.memref_squeeze %dma_wait3A_967 : memref<1x16x256xf32, #tpu.memory_space<hbm>> -> memref<16x256xf32, #tpu.memory_space<hbm>>
    %dma_wait3A_969 = tpu.memref_slice %arg2[%dma_wait3A_966, %mul3A_924, %mul3A_950] : memref<10x32x20000xf32, #tpu.memory_space<hbm>> -> memref<1x16x256xf32, #tpu.memory_space<hbm>>
    %dma_wait3A_970 = tpu.memref_squeeze %dma_wait3A_969 : memref<1x16x256xf32, #tpu.memory_space<hbm>> -> memref<16x256xf32, #tpu.memory_space<hbm>>
    tpu.wait_dma2 semaphore(%arg33 : memref<!tpu.dma_semaphore, #tpu.memory_space<semaphore_mem>>) src(%dma_wait3A_970 : memref<16x256xf32, #tpu.memory_space<hbm>>) dst(%arg29 : memref<16x256xf32, #tpu.memory_space<vmem>>)
    %dma_wait3A_971 = arith.constant 9 : i32
    %dma_wait3A_972 = tpu.memref_slice %arg2[%dma_wait3A_971, %mul3A_924, %mul3A_950] : memref<10x32x20000xf32, #tpu.memory_space<hbm>> -> memref<1x16x256xf32, #tpu.memory_space<hbm>>
    %dma_wait3A_973 = tpu.memref_squeeze %dma_wait3A_972 : memref<1x16x256xf32, #tpu.memory_space<hbm>> -> memref<16x256xf32, #tpu.memory_space<hbm>>
    %dma_wait3A_974 = tpu.memref_slice %arg2[%dma_wait3A_971, %mul3A_924, %mul3A_950] : memref<10x32x20000xf32, #tpu.memory_space<hbm>> -> memref<1x16x256xf32, #tpu.memory_space<hbm>>
    %dma_wait3A_975 = tpu.memref_squeeze %dma_wait3A_974 : memref<1x16x256xf32, #tpu.memory_space<hbm>> -> memref<16x256xf32, #tpu.memory_space<hbm>>
    tpu.wait_dma2 semaphore(%arg33 : memref<!tpu.dma_semaphore, #tpu.memory_space<semaphore_mem>>) src(%dma_wait3A_975 : memref<16x256xf32, #tpu.memory_space<hbm>>) dst(%arg30 : memref<16x256xf32, #tpu.memory_space<vmem>>)
    %add3A_976 = arith.constant 64 : i32
    %add3A_977 = arith.addi %add3A, %add3A_976 : i32
    %jit3A_978 = arith.constant 2 : i32
    %eq3A_979 = arith.constant 0 : i32
    %eq3A_980 = arith.cmpi eq, %jit3A_978, %eq3A_979 : i32
    %jit3A_981 = arith.constant 1 : i32
    %select_n3A_982 = arith.select %eq3A_980, %jit3A_981, %jit3A_978 : i32
    %rem3A_983 = arith.remsi %add3A_977, %select_n3A_982 : i32
    %ne3A_984 = arith.constant 0 : i32
    %ne3A_985 = arith.cmpi ne, %rem3A_983, %ne3A_984 : i32
    %lt3A_986 = arith.constant 0 : i32
    %lt3A_987 = arith.cmpi slt, %rem3A_983, %lt3A_986 : i32
    %lt3A_988 = arith.constant 0 : i32
    %lt3A_989 = arith.cmpi slt, %select_n3A_982, %lt3A_988 : i32
    %ne3A_990 = arith.xori %lt3A_987, %lt3A_989 : i1
    %and3A_991 = arith.andi %ne3A_990, %ne3A_985 : i1
    %add3A_992 = arith.addi %rem3A_983, %select_n3A_982 : i32
    %select_n3A_993 = arith.select %and3A_991, %add3A_992, %rem3A_983 : i32
    %mul3A_994 = arith.constant 16 : i32
    %mul3A_995 = arith.muli %select_n3A_993, %mul3A_994 : i32
    %jit3A_996 = arith.constant 2 : i32
    %div3A_997 = arith.divsi %add3A_977, %jit3A_996 : i32
    %sign3A_998 = arith.constant 0 : i32
    %sign3A_999 = arith.cmpi sgt, %add3A_977, %sign3A_998 : i32
    %sign3A_1000 = arith.extui %sign3A_999 : i1 to i32
    %sign3A_1001 = arith.constant 0 : i32
    %sign3A_1002 = arith.cmpi slt, %add3A_977, %sign3A_1001 : i32
    %sign3A_1003 = arith.extui %sign3A_1002 : i1 to i32
    %sign3A_1004 = arith.subi %sign3A_1000, %sign3A_1003 : i32
    %sign3A_1005 = arith.constant 0 : i32
    %sign3A_1006 = arith.cmpi sgt, %jit3A_996, %sign3A_1005 : i32
    %sign3A_1007 = arith.extui %sign3A_1006 : i1 to i32
    %sign3A_1008 = arith.constant 0 : i32
    %sign3A_1009 = arith.cmpi slt, %jit3A_996, %sign3A_1008 : i32
    %sign3A_1010 = arith.extui %sign3A_1009 : i1 to i32
    %sign3A_1011 = arith.subi %sign3A_1007, %sign3A_1010 : i32
    %ne3A_1012 = arith.cmpi ne, %sign3A_1004, %sign3A_1011 : i32
    %rem3A_1013 = arith.remsi %add3A_977, %jit3A_996 : i32
    %ne3A_1014 = arith.constant 0 : i32
    %ne3A_1015 = arith.cmpi ne, %rem3A_1013, %ne3A_1014 : i32
    %and3A_1016 = arith.andi %ne3A_1012, %ne3A_1015 : i1
    %sub3A_1017 = arith.constant 1 : i32
    %sub3A_1018 = arith.subi %div3A_997, %sub3A_1017 : i32
    %select_n3A_1019 = arith.select %and3A_1016, %sub3A_1018, %div3A_997 : i32
    %mul3A_1020 = arith.constant 256 : i32
    %mul3A_1021 = arith.muli %select_n3A_1019, %mul3A_1020 : i32
    %dma_start3A_1022 = arith.constant 4 : i32
    %dma_start3A_1023 = tpu.memref_slice %arg3[%dma_start3A_1022, %mul3A_995, %mul3A_1021] : memref<9x32x20000xf32, #tpu.memory_space<hbm>> -> memref<1x16x256xf32, #tpu.memory_space<hbm>>
    %dma_start3A_1024 = tpu.memref_squeeze %dma_start3A_1023 : memref<1x16x256xf32, #tpu.memory_space<hbm>> -> memref<16x256xf32, #tpu.memory_space<hbm>>
    %dma_start3A_1025 = tpu.memref_slice %arg3[%dma_start3A_1022, %mul3A_995, %mul3A_1021] : memref<9x32x20000xf32, #tpu.memory_space<hbm>> -> memref<1x16x256xf32, #tpu.memory_space<hbm>>
    %dma_start3A_1026 = tpu.memref_squeeze %dma_start3A_1025 : memref<1x16x256xf32, #tpu.memory_space<hbm>> -> memref<16x256xf32, #tpu.memory_space<hbm>>
    tpu.enqueue_dma source(%arg27 : memref<16x256xf32, #tpu.memory_space<vmem>>) target(%dma_start3A_1026 : memref<16x256xf32, #tpu.memory_space<hbm>>) target_semaphore(%arg36 : memref<!tpu.dma_semaphore, #tpu.memory_space<semaphore_mem>>)
    %dma_start3A_1027 = arith.constant 5 : i32
    %dma_start3A_1028 = tpu.memref_slice %arg3[%dma_start3A_1027, %mul3A_995, %mul3A_1021] : memref<9x32x20000xf32, #tpu.memory_space<hbm>> -> memref<1x16x256xf32, #tpu.memory_space<hbm>>
    %dma_start3A_1029 = tpu.memref_squeeze %dma_start3A_1028 : memref<1x16x256xf32, #tpu.memory_space<hbm>> -> memref<16x256xf32, #tpu.memory_space<hbm>>
    %dma_start3A_1030 = tpu.memref_slice %arg3[%dma_start3A_1027, %mul3A_995, %mul3A_1021] : memref<9x32x20000xf32, #tpu.memory_space<hbm>> -> memref<1x16x256xf32, #tpu.memory_space<hbm>>
    %dma_start3A_1031 = tpu.memref_squeeze %dma_start3A_1030 : memref<1x16x256xf32, #tpu.memory_space<hbm>> -> memref<16x256xf32, #tpu.memory_space<hbm>>
    tpu.enqueue_dma source(%arg28 : memref<16x256xf32, #tpu.memory_space<vmem>>) target(%dma_start3A_1031 : memref<16x256xf32, #tpu.memory_space<hbm>>) target_semaphore(%arg36 : memref<!tpu.dma_semaphore, #tpu.memory_space<semaphore_mem>>)
    %dma_start3A_1032 = arith.constant 6 : i32
    %dma_start3A_1033 = tpu.memref_slice %arg3[%dma_start3A_1032, %mul3A_995, %mul3A_1021] : memref<9x32x20000xf32, #tpu.memory_space<hbm>> -> memref<1x16x256xf32, #tpu.memory_space<hbm>>
    %dma_start3A_1034 = tpu.memref_squeeze %dma_start3A_1033 : memref<1x16x256xf32, #tpu.memory_space<hbm>> -> memref<16x256xf32, #tpu.memory_space<hbm>>
    %dma_start3A_1035 = tpu.memref_slice %arg3[%dma_start3A_1032, %mul3A_995, %mul3A_1021] : memref<9x32x20000xf32, #tpu.memory_space<hbm>> -> memref<1x16x256xf32, #tpu.memory_space<hbm>>
    %dma_start3A_1036 = tpu.memref_squeeze %dma_start3A_1035 : memref<1x16x256xf32, #tpu.memory_space<hbm>> -> memref<16x256xf32, #tpu.memory_space<hbm>>
    tpu.enqueue_dma source(%arg29 : memref<16x256xf32, #tpu.memory_space<vmem>>) target(%dma_start3A_1036 : memref<16x256xf32, #tpu.memory_space<hbm>>) target_semaphore(%arg36 : memref<!tpu.dma_semaphore, #tpu.memory_space<semaphore_mem>>)
    %dma_start3A_1037 = arith.constant 7 : i32
    %dma_start3A_1038 = tpu.memref_slice %arg3[%dma_start3A_1037, %mul3A_995, %mul3A_1021] : memref<9x32x20000xf32, #tpu.memory_space<hbm>> -> memref<1x16x256xf32, #tpu.memory_space<hbm>>
    %dma_start3A_1039 = tpu.memref_squeeze %dma_start3A_1038 : memref<1x16x256xf32, #tpu.memory_space<hbm>> -> memref<16x256xf32, #tpu.memory_space<hbm>>
    %dma_start3A_1040 = tpu.memref_slice %arg3[%dma_start3A_1037, %mul3A_995, %mul3A_1021] : memref<9x32x20000xf32, #tpu.memory_space<hbm>> -> memref<1x16x256xf32, #tpu.memory_space<hbm>>
    %dma_start3A_1041 = tpu.memref_squeeze %dma_start3A_1040 : memref<1x16x256xf32, #tpu.memory_space<hbm>> -> memref<16x256xf32, #tpu.memory_space<hbm>>
    tpu.enqueue_dma source(%arg30 : memref<16x256xf32, #tpu.memory_space<vmem>>) target(%dma_start3A_1041 : memref<16x256xf32, #tpu.memory_space<hbm>>) target_semaphore(%arg36 : memref<!tpu.dma_semaphore, #tpu.memory_space<semaphore_mem>>)
    %dma_start3A_1042 = arith.constant 8 : i32
    %dma_start3A_1043 = tpu.memref_slice %arg3[%dma_start3A_1042, %mul3A_995, %mul3A_1021] : memref<9x32x20000xf32, #tpu.memory_space<hbm>> -> memref<1x16x256xf32, #tpu.memory_space<hbm>>
    %dma_start3A_1044 = tpu.memref_squeeze %dma_start3A_1043 : memref<1x16x256xf32, #tpu.memory_space<hbm>> -> memref<16x256xf32, #tpu.memory_space<hbm>>
    %dma_start3A_1045 = tpu.memref_slice %arg3[%dma_start3A_1042, %mul3A_995, %mul3A_1021] : memref<9x32x20000xf32, #tpu.memory_space<hbm>> -> memref<1x16x256xf32, #tpu.memory_space<hbm>>
    %dma_start3A_1046 = tpu.memref_squeeze %dma_start3A_1045 : memref<1x16x256xf32, #tpu.memory_space<hbm>> -> memref<16x256xf32, #tpu.memory_space<hbm>>
    tpu.enqueue_dma source(%arg26 : memref<16x256xf32, #tpu.memory_space<vmem>>) target(%dma_start3A_1046 : memref<16x256xf32, #tpu.memory_space<hbm>>) target_semaphore(%arg36 : memref<!tpu.dma_semaphore, #tpu.memory_space<semaphore_mem>>)
    %dma_wait3A_1047 = arith.constant 0 : i32
    %dma_wait3A_1048 = tpu.memref_slice %arg2[%dma_wait3A_1047, %mul3A_924, %mul3A_950] : memref<10x32x20000xf32, #tpu.memory_space<hbm>> -> memref<1x16x256xf32, #tpu.memory_space<hbm>>
    %dma_wait3A_1049 = tpu.memref_squeeze %dma_wait3A_1048 : memref<1x16x256xf32, #tpu.memory_space<hbm>> -> memref<16x256xf32, #tpu.memory_space<hbm>>
    %dma_wait3A_1050 = tpu.memref_slice %arg2[%dma_wait3A_1047, %mul3A_924, %mul3A_950] : memref<10x32x20000xf32, #tpu.memory_space<hbm>> -> memref<1x16x256xf32, #tpu.memory_space<hbm>>
    %dma_wait3A_1051 = tpu.memref_squeeze %dma_wait3A_1050 : memref<1x16x256xf32, #tpu.memory_space<hbm>> -> memref<16x256xf32, #tpu.memory_space<hbm>>
    tpu.wait_dma2 semaphore(%arg33 : memref<!tpu.dma_semaphore, #tpu.memory_space<semaphore_mem>>) src(%dma_wait3A_1051 : memref<16x256xf32, #tpu.memory_space<hbm>>) dst(%arg22 : memref<16x256xf32, #tpu.memory_space<vmem>>)
    %dma_wait3A_1052 = arith.constant 1 : i32
    %dma_wait3A_1053 = tpu.memref_slice %arg2[%dma_wait3A_1052, %mul3A_924, %mul3A_950] : memref<10x32x20000xf32, #tpu.memory_space<hbm>> -> memref<1x16x256xf32, #tpu.memory_space<hbm>>
    %dma_wait3A_1054 = tpu.memref_squeeze %dma_wait3A_1053 : memref<1x16x256xf32, #tpu.memory_space<hbm>> -> memref<16x256xf32, #tpu.memory_space<hbm>>
    %dma_wait3A_1055 = tpu.memref_slice %arg2[%dma_wait3A_1052, %mul3A_924, %mul3A_950] : memref<10x32x20000xf32, #tpu.memory_space<hbm>> -> memref<1x16x256xf32, #tpu.memory_space<hbm>>
    %dma_wait3A_1056 = tpu.memref_squeeze %dma_wait3A_1055 : memref<1x16x256xf32, #tpu.memory_space<hbm>> -> memref<16x256xf32, #tpu.memory_space<hbm>>
    tpu.wait_dma2 semaphore(%arg33 : memref<!tpu.dma_semaphore, #tpu.memory_space<semaphore_mem>>) src(%dma_wait3A_1056 : memref<16x256xf32, #tpu.memory_space<hbm>>) dst(%arg23 : memref<16x256xf32, #tpu.memory_space<vmem>>)
    %dma_wait3A_1057 = arith.constant 2 : i32
    %dma_wait3A_1058 = tpu.memref_slice %arg2[%dma_wait3A_1057, %mul3A_924, %mul3A_950] : memref<10x32x20000xf32, #tpu.memory_space<hbm>> -> memref<1x16x256xf32, #tpu.memory_space<hbm>>
    %dma_wait3A_1059 = tpu.memref_squeeze %dma_wait3A_1058 : memref<1x16x256xf32, #tpu.memory_space<hbm>> -> memref<16x256xf32, #tpu.memory_space<hbm>>
    %dma_wait3A_1060 = tpu.memref_slice %arg2[%dma_wait3A_1057, %mul3A_924, %mul3A_950] : memref<10x32x20000xf32, #tpu.memory_space<hbm>> -> memref<1x16x256xf32, #tpu.memory_space<hbm>>
    %dma_wait3A_1061 = tpu.memref_squeeze %dma_wait3A_1060 : memref<1x16x256xf32, #tpu.memory_space<hbm>> -> memref<16x256xf32, #tpu.memory_space<hbm>>
    tpu.wait_dma2 semaphore(%arg33 : memref<!tpu.dma_semaphore, #tpu.memory_space<semaphore_mem>>) src(%dma_wait3A_1061 : memref<16x256xf32, #tpu.memory_space<hbm>>) dst(%arg24 : memref<16x256xf32, #tpu.memory_space<vmem>>)
    %dma_wait3A_1062 = arith.constant 3 : i32
    %dma_wait3A_1063 = tpu.memref_slice %arg2[%dma_wait3A_1062, %mul3A_924, %mul3A_950] : memref<10x32x20000xf32, #tpu.memory_space<hbm>> -> memref<1x16x256xf32, #tpu.memory_space<hbm>>
    %dma_wait3A_1064 = tpu.memref_squeeze %dma_wait3A_1063 : memref<1x16x256xf32, #tpu.memory_space<hbm>> -> memref<16x256xf32, #tpu.memory_space<hbm>>
    %dma_wait3A_1065 = tpu.memref_slice %arg2[%dma_wait3A_1062, %mul3A_924, %mul3A_950] : memref<10x32x20000xf32, #tpu.memory_space<hbm>> -> memref<1x16x256xf32, #tpu.memory_space<hbm>>
    %dma_wait3A_1066 = tpu.memref_squeeze %dma_wait3A_1065 : memref<1x16x256xf32, #tpu.memory_space<hbm>> -> memref<16x256xf32, #tpu.memory_space<hbm>>
    tpu.wait_dma2 semaphore(%arg33 : memref<!tpu.dma_semaphore, #tpu.memory_space<semaphore_mem>>) src(%dma_wait3A_1066 : memref<16x256xf32, #tpu.memory_space<hbm>>) dst(%arg25 : memref<16x256xf32, #tpu.memory_space<vmem>>)
    %parallel_loop3A_1067 = arith.constant 0 : i32
    %parallel_loop3A_1068 = arith.constant 256 : i32
    %parallel_loop3A_1069 = arith.constant 1 : i32
    scf.for %parallel_loop3A_1653 = %parallel_loop3A_1067 to %parallel_loop3A_1068 step %parallel_loop3A_1069  : i32 {
      %parallel_loop3A_1654 = arith.constant 16 : i32
      %parallel_loop3A_1655 = arith.divsi %parallel_loop3A_1653, %parallel_loop3A_1654 : i32
      %parallel_loop3A_1656 = arith.constant 0 : i32
      %parallel_loop3A_1657 = arith.cmpi sgt, %parallel_loop3A_1653, %parallel_loop3A_1656 : i32
      %parallel_loop3A_1658 = arith.extui %parallel_loop3A_1657 : i1 to i32
      %parallel_loop3A_1659 = arith.constant 0 : i32
      %parallel_loop3A_1660 = arith.cmpi slt, %parallel_loop3A_1653, %parallel_loop3A_1659 : i32
      %parallel_loop3A_1661 = arith.extui %parallel_loop3A_1660 : i1 to i32
      %parallel_loop3A_1662 = arith.subi %parallel_loop3A_1658, %parallel_loop3A_1661 : i32
      %parallel_loop3A_1663 = arith.constant 0 : i32
      %parallel_loop3A_1664 = arith.cmpi sgt, %parallel_loop3A_1654, %parallel_loop3A_1663 : i32
      %parallel_loop3A_1665 = arith.extui %parallel_loop3A_1664 : i1 to i32
      %parallel_loop3A_1666 = arith.constant 0 : i32
      %parallel_loop3A_1667 = arith.cmpi slt, %parallel_loop3A_1654, %parallel_loop3A_1666 : i32
      %parallel_loop3A_1668 = arith.extui %parallel_loop3A_1667 : i1 to i32
      %parallel_loop3A_1669 = arith.subi %parallel_loop3A_1665, %parallel_loop3A_1668 : i32
      %parallel_loop3A_1670 = arith.cmpi ne, %parallel_loop3A_1662, %parallel_loop3A_1669 : i32
      %parallel_loop3A_1671 = arith.remsi %parallel_loop3A_1653, %parallel_loop3A_1654 : i32
      %parallel_loop3A_1672 = arith.constant 0 : i32
      %parallel_loop3A_1673 = arith.cmpi ne, %parallel_loop3A_1671, %parallel_loop3A_1672 : i32
      %parallel_loop3A_1674 = arith.andi %parallel_loop3A_1670, %parallel_loop3A_1673 : i1
      %parallel_loop3A_1675 = arith.constant 1 : i32
      %parallel_loop3A_1676 = arith.subi %parallel_loop3A_1655, %parallel_loop3A_1675 : i32
      %parallel_loop3A_1677 = arith.select %parallel_loop3A_1674, %parallel_loop3A_1676, %parallel_loop3A_1655 : i32
      %parallel_loop3A_1678 = arith.constant 16 : i32
      %parallel_loop3A_1679 = arith.constant 0 : i32
      %parallel_loop3A_1680 = arith.cmpi eq, %parallel_loop3A_1678, %parallel_loop3A_1679 : i32
      %parallel_loop3A_1681 = arith.constant 1 : i32
      %parallel_loop3A_1682 = arith.select %parallel_loop3A_1680, %parallel_loop3A_1681, %parallel_loop3A_1678 : i32
      %parallel_loop3A_1683 = arith.remsi %parallel_loop3A_1653, %parallel_loop3A_1682 : i32
      %parallel_loop3A_1684 = arith.constant 0 : i32
      %parallel_loop3A_1685 = arith.cmpi ne, %parallel_loop3A_1683, %parallel_loop3A_1684 : i32
      %parallel_loop3A_1686 = arith.constant 0 : i32
      %parallel_loop3A_1687 = arith.cmpi slt, %parallel_loop3A_1683, %parallel_loop3A_1686 : i32
      %parallel_loop3A_1688 = arith.constant 0 : i32
      %parallel_loop3A_1689 = arith.cmpi slt, %parallel_loop3A_1682, %parallel_loop3A_1688 : i32
      %parallel_loop3A_1690 = arith.xori %parallel_loop3A_1687, %parallel_loop3A_1689 : i1
      %parallel_loop3A_1691 = arith.andi %parallel_loop3A_1690, %parallel_loop3A_1685 : i1
      %parallel_loop3A_1692 = arith.addi %parallel_loop3A_1683, %parallel_loop3A_1682 : i32
      %parallel_loop3A_1693 = arith.select %parallel_loop3A_1691, %parallel_loop3A_1692, %parallel_loop3A_1683 : i32
      %parallel_loop3A_1694 = arith.constant 16 : i32
      %parallel_loop3A_1695 = arith.muli %parallel_loop3A_1693, %parallel_loop3A_1694 : i32
      %parallel_loop3A_1696 = arith.index_cast %parallel_loop3A_1677 : i32 to index
      %parallel_loop3A_1697 = arith.index_cast %parallel_loop3A_1695 : i32 to index
      %parallel_loop3A_1698 = tpu.vector_load %arg22[%parallel_loop3A_1696, %parallel_loop3A_1697] {strides = array<i32>} : memref<16x256xf32, #tpu.memory_space<vmem>>, vector<16xf32>,
      %parallel_loop3A_1699 = arith.index_cast %parallel_loop3A_1677 : i32 to index
      %parallel_loop3A_1700 = arith.index_cast %parallel_loop3A_1695 : i32 to index
      %parallel_loop3A_1701 = tpu.vector_load %arg23[%parallel_loop3A_1699, %parallel_loop3A_1700] {strides = array<i32>} : memref<16x256xf32, #tpu.memory_space<vmem>>, vector<16xf32>,
      %parallel_loop3A_1702 = arith.index_cast %parallel_loop3A_1677 : i32 to index
      %parallel_loop3A_1703 = arith.index_cast %parallel_loop3A_1695 : i32 to index
      %parallel_loop3A_1704 = tpu.vector_load %arg24[%parallel_loop3A_1702, %parallel_loop3A_1703] {strides = array<i32>} : memref<16x256xf32, #tpu.memory_space<vmem>>, vector<16xf32>,
      %parallel_loop3A_1705 = arith.index_cast %parallel_loop3A_1677 : i32 to index
      %parallel_loop3A_1706 = arith.index_cast %parallel_loop3A_1695 : i32 to index
      %parallel_loop3A_1707 = tpu.vector_load %arg25[%parallel_loop3A_1705, %parallel_loop3A_1706] {strides = array<i32>} : memref<16x256xf32, #tpu.memory_space<vmem>>, vector<16xf32>,
      %parallel_loop3A_1708 = arith.subf %parallel_loop3A_1704, %parallel_loop3A_1698 : vector<16xf32>
      %parallel_loop3A_1709 = arith.constant 1.562500e-03 : f32
      %parallel_loop3A_1710 = vector.broadcast %parallel_loop3A_1709 : f32 to vector<16xf32>
      %parallel_loop3A_1711 = arith.mulf %parallel_loop3A_1708, %parallel_loop3A_1710 : vector<16xf32>
      %parallel_loop3A_1712 = arith.index_cast %parallel_loop3A_1677 : i32 to index
      %parallel_loop3A_1713 = arith.index_cast %parallel_loop3A_1695 : i32 to index
      %parallel_loop3A_1714 = tpu.vector_load %arg24[%parallel_loop3A_1712, %parallel_loop3A_1713] {strides = array<i32>} : memref<16x256xf32, #tpu.memory_space<vmem>>, vector<16xf32>,
      tpu.vector_store %arg24[%parallel_loop3A_1712, %parallel_loop3A_1713], %parallel_loop3A_1711 {strides = array<i32>} : memref<16x256xf32, #tpu.memory_space<vmem>>, vector<16xf32>,
      %parallel_loop3A_1715 = arith.subf %parallel_loop3A_1707, %parallel_loop3A_1701 : vector<16xf32>
      %parallel_loop3A_1716 = arith.constant 1.562500e-03 : f32
      %parallel_loop3A_1717 = vector.broadcast %parallel_loop3A_1716 : f32 to vector<16xf32>
      %parallel_loop3A_1718 = arith.mulf %parallel_loop3A_1715, %parallel_loop3A_1717 : vector<16xf32>
      %parallel_loop3A_1719 = arith.index_cast %parallel_loop3A_1677 : i32 to index
      %parallel_loop3A_1720 = arith.index_cast %parallel_loop3A_1695 : i32 to index
      %parallel_loop3A_1721 = tpu.vector_load %arg25[%parallel_loop3A_1719, %parallel_loop3A_1720] {strides = array<i32>} : memref<16x256xf32, #tpu.memory_space<vmem>>, vector<16xf32>,
      tpu.vector_store %arg25[%parallel_loop3A_1719, %parallel_loop3A_1720], %parallel_loop3A_1718 {strides = array<i32>} : memref<16x256xf32, #tpu.memory_space<vmem>>, vector<16xf32>,
      %parallel_loop3A_1722 = arith.constant 1.562500e-03 : f32
      %parallel_loop3A_1723 = vector.broadcast %parallel_loop3A_1722 : f32 to vector<16xf32>
      %parallel_loop3A_1724 = arith.mulf %parallel_loop3A_1698, %parallel_loop3A_1723 : vector<16xf32>
      %parallel_loop3A_1725 = arith.index_cast %parallel_loop3A_1677 : i32 to index
      %parallel_loop3A_1726 = arith.index_cast %parallel_loop3A_1695 : i32 to index
      %parallel_loop3A_1727 = tpu.vector_load %arg22[%parallel_loop3A_1725, %parallel_loop3A_1726] {strides = array<i32>} : memref<16x256xf32, #tpu.memory_space<vmem>>, vector<16xf32>,
      tpu.vector_store %arg22[%parallel_loop3A_1725, %parallel_loop3A_1726], %parallel_loop3A_1724 {strides = array<i32>} : memref<16x256xf32, #tpu.memory_space<vmem>>, vector<16xf32>,
      %parallel_loop3A_1728 = arith.constant 1.562500e-03 : f32
      %parallel_loop3A_1729 = vector.broadcast %parallel_loop3A_1728 : f32 to vector<16xf32>
      %parallel_loop3A_1730 = arith.mulf %parallel_loop3A_1701, %parallel_loop3A_1729 : vector<16xf32>
      %parallel_loop3A_1731 = arith.index_cast %parallel_loop3A_1677 : i32 to index
      %parallel_loop3A_1732 = arith.index_cast %parallel_loop3A_1695 : i32 to index
      %parallel_loop3A_1733 = tpu.vector_load %arg23[%parallel_loop3A_1731, %parallel_loop3A_1732] {strides = array<i32>} : memref<16x256xf32, #tpu.memory_space<vmem>>, vector<16xf32>,
      tpu.vector_store %arg23[%parallel_loop3A_1731, %parallel_loop3A_1732], %parallel_loop3A_1730 {strides = array<i32>} : memref<16x256xf32, #tpu.memory_space<vmem>>, vector<16xf32>,
    } {sc.loop_unroll_factor = 4 : i64, sc.parallel_access}
    %add3A_1070 = arith.constant 64 : i32
    %add3A_1071 = arith.addi %add3A, %add3A_1070 : i32
    %jit3A_1072 = arith.constant 2 : i32
    %eq3A_1073 = arith.constant 0 : i32
    %eq3A_1074 = arith.cmpi eq, %jit3A_1072, %eq3A_1073 : i32
    %jit3A_1075 = arith.constant 1 : i32
    %select_n3A_1076 = arith.select %eq3A_1074, %jit3A_1075, %jit3A_1072 : i32
    %rem3A_1077 = arith.remsi %add3A_1071, %select_n3A_1076 : i32
    %ne3A_1078 = arith.constant 0 : i32
    %ne3A_1079 = arith.cmpi ne, %rem3A_1077, %ne3A_1078 : i32
    %lt3A_1080 = arith.constant 0 : i32
    %lt3A_1081 = arith.cmpi slt, %rem3A_1077, %lt3A_1080 : i32
    %lt3A_1082 = arith.constant 0 : i32
    %lt3A_1083 = arith.cmpi slt, %select_n3A_1076, %lt3A_1082 : i32
    %ne3A_1084 = arith.xori %lt3A_1081, %lt3A_1083 : i1
    %and3A_1085 = arith.andi %ne3A_1084, %ne3A_1079 : i1
    %add3A_1086 = arith.addi %rem3A_1077, %select_n3A_1076 : i32
    %select_n3A_1087 = arith.select %and3A_1085, %add3A_1086, %rem3A_1077 : i32
    %mul3A_1088 = arith.constant 16 : i32
    %mul3A_1089 = arith.muli %select_n3A_1087, %mul3A_1088 : i32
    %jit3A_1090 = arith.constant 2 : i32
    %div3A_1091 = arith.divsi %add3A_1071, %jit3A_1090 : i32
    %sign3A_1092 = arith.constant 0 : i32
    %sign3A_1093 = arith.cmpi sgt, %add3A_1071, %sign3A_1092 : i32
    %sign3A_1094 = arith.extui %sign3A_1093 : i1 to i32
    %sign3A_1095 = arith.constant 0 : i32
    %sign3A_1096 = arith.cmpi slt, %add3A_1071, %sign3A_1095 : i32
    %sign3A_1097 = arith.extui %sign3A_1096 : i1 to i32
    %sign3A_1098 = arith.subi %sign3A_1094, %sign3A_1097 : i32
    %sign3A_1099 = arith.constant 0 : i32
    %sign3A_1100 = arith.cmpi sgt, %jit3A_1090, %sign3A_1099 : i32
    %sign3A_1101 = arith.extui %sign3A_1100 : i1 to i32
    %sign3A_1102 = arith.constant 0 : i32
    %sign3A_1103 = arith.cmpi slt, %jit3A_1090, %sign3A_1102 : i32
    %sign3A_1104 = arith.extui %sign3A_1103 : i1 to i32
    %sign3A_1105 = arith.subi %sign3A_1101, %sign3A_1104 : i32
    %ne3A_1106 = arith.cmpi ne, %sign3A_1098, %sign3A_1105 : i32
    %rem3A_1107 = arith.remsi %add3A_1071, %jit3A_1090 : i32
    %ne3A_1108 = arith.constant 0 : i32
    %ne3A_1109 = arith.cmpi ne, %rem3A_1107, %ne3A_1108 : i32
    %and3A_1110 = arith.andi %ne3A_1106, %ne3A_1109 : i1
    %sub3A_1111 = arith.constant 1 : i32
    %sub3A_1112 = arith.subi %div3A_1091, %sub3A_1111 : i32
    %select_n3A_1113 = arith.select %and3A_1110, %sub3A_1112, %div3A_1091 : i32
    %mul3A_1114 = arith.constant 256 : i32
    %mul3A_1115 = arith.muli %select_n3A_1113, %mul3A_1114 : i32
    %dma_start3A_1116 = arith.constant 0 : i32
    %dma_start3A_1117 = tpu.memref_slice %arg3[%dma_start3A_1116, %mul3A_1089, %mul3A_1115] : memref<9x32x20000xf32, #tpu.memory_space<hbm>> -> memref<1x16x256xf32, #tpu.memory_space<hbm>>
    %dma_start3A_1118 = tpu.memref_squeeze %dma_start3A_1117 : memref<1x16x256xf32, #tpu.memory_space<hbm>> -> memref<16x256xf32, #tpu.memory_space<hbm>>
    %dma_start3A_1119 = tpu.memref_slice %arg3[%dma_start3A_1116, %mul3A_1089, %mul3A_1115] : memref<9x32x20000xf32, #tpu.memory_space<hbm>> -> memref<1x16x256xf32, #tpu.memory_space<hbm>>
    %dma_start3A_1120 = tpu.memref_squeeze %dma_start3A_1119 : memref<1x16x256xf32, #tpu.memory_space<hbm>> -> memref<16x256xf32, #tpu.memory_space<hbm>>
    tpu.enqueue_dma source(%arg22 : memref<16x256xf32, #tpu.memory_space<vmem>>) target(%dma_start3A_1120 : memref<16x256xf32, #tpu.memory_space<hbm>>) target_semaphore(%arg36 : memref<!tpu.dma_semaphore, #tpu.memory_space<semaphore_mem>>)
    %dma_start3A_1121 = arith.constant 1 : i32
    %dma_start3A_1122 = tpu.memref_slice %arg3[%dma_start3A_1121, %mul3A_1089, %mul3A_1115] : memref<9x32x20000xf32, #tpu.memory_space<hbm>> -> memref<1x16x256xf32, #tpu.memory_space<hbm>>
    %dma_start3A_1123 = tpu.memref_squeeze %dma_start3A_1122 : memref<1x16x256xf32, #tpu.memory_space<hbm>> -> memref<16x256xf32, #tpu.memory_space<hbm>>
    %dma_start3A_1124 = tpu.memref_slice %arg3[%dma_start3A_1121, %mul3A_1089, %mul3A_1115] : memref<9x32x20000xf32, #tpu.memory_space<hbm>> -> memref<1x16x256xf32, #tpu.memory_space<hbm>>
    %dma_start3A_1125 = tpu.memref_squeeze %dma_start3A_1124 : memref<1x16x256xf32, #tpu.memory_space<hbm>> -> memref<16x256xf32, #tpu.memory_space<hbm>>
    tpu.enqueue_dma source(%arg23 : memref<16x256xf32, #tpu.memory_space<vmem>>) target(%dma_start3A_1125 : memref<16x256xf32, #tpu.memory_space<hbm>>) target_semaphore(%arg36 : memref<!tpu.dma_semaphore, #tpu.memory_space<semaphore_mem>>)
    %dma_start3A_1126 = arith.constant 2 : i32
    %dma_start3A_1127 = tpu.memref_slice %arg3[%dma_start3A_1126, %mul3A_1089, %mul3A_1115] : memref<9x32x20000xf32, #tpu.memory_space<hbm>> -> memref<1x16x256xf32, #tpu.memory_space<hbm>>
    %dma_start3A_1128 = tpu.memref_squeeze %dma_start3A_1127 : memref<1x16x256xf32, #tpu.memory_space<hbm>> -> memref<16x256xf32, #tpu.memory_space<hbm>>
    %dma_start3A_1129 = tpu.memref_slice %arg3[%dma_start3A_1126, %mul3A_1089, %mul3A_1115] : memref<9x32x20000xf32, #tpu.memory_space<hbm>> -> memref<1x16x256xf32, #tpu.memory_space<hbm>>
    %dma_start3A_1130 = tpu.memref_squeeze %dma_start3A_1129 : memref<1x16x256xf32, #tpu.memory_space<hbm>> -> memref<16x256xf32, #tpu.memory_space<hbm>>
    tpu.enqueue_dma source(%arg24 : memref<16x256xf32, #tpu.memory_space<vmem>>) target(%dma_start3A_1130 : memref<16x256xf32, #tpu.memory_space<hbm>>) target_semaphore(%arg36 : memref<!tpu.dma_semaphore, #tpu.memory_space<semaphore_mem>>)
    %dma_start3A_1131 = arith.constant 3 : i32
    %dma_start3A_1132 = tpu.memref_slice %arg3[%dma_start3A_1131, %mul3A_1089, %mul3A_1115] : memref<9x32x20000xf32, #tpu.memory_space<hbm>> -> memref<1x16x256xf32, #tpu.memory_space<hbm>>
    %dma_start3A_1133 = tpu.memref_squeeze %dma_start3A_1132 : memref<1x16x256xf32, #tpu.memory_space<hbm>> -> memref<16x256xf32, #tpu.memory_space<hbm>>
    %dma_start3A_1134 = tpu.memref_slice %arg3[%dma_start3A_1131, %mul3A_1089, %mul3A_1115] : memref<9x32x20000xf32, #tpu.memory_space<hbm>> -> memref<1x16x256xf32, #tpu.memory_space<hbm>>
    %dma_start3A_1135 = tpu.memref_squeeze %dma_start3A_1134 : memref<1x16x256xf32, #tpu.memory_space<hbm>> -> memref<16x256xf32, #tpu.memory_space<hbm>>
    tpu.enqueue_dma source(%arg25 : memref<16x256xf32, #tpu.memory_space<vmem>>) target(%dma_start3A_1135 : memref<16x256xf32, #tpu.memory_space<hbm>>) target_semaphore(%arg36 : memref<!tpu.dma_semaphore, #tpu.memory_space<semaphore_mem>>)
    %add3A_1136 = arith.constant 32 : i32
    %add3A_1137 = arith.addi %add3A, %add3A_1136 : i32
    %jit3A_1138 = arith.constant 2 : i32
    %eq3A_1139 = arith.constant 0 : i32
    %eq3A_1140 = arith.cmpi eq, %jit3A_1138, %eq3A_1139 : i32
    %jit3A_1141 = arith.constant 1 : i32
    %select_n3A_1142 = arith.select %eq3A_1140, %jit3A_1141, %jit3A_1138 : i32
    %rem3A_1143 = arith.remsi %add3A_1137, %select_n3A_1142 : i32
    %ne3A_1144 = arith.constant 0 : i32
    %ne3A_1145 = arith.cmpi ne, %rem3A_1143, %ne3A_1144 : i32
    %lt3A_1146 = arith.constant 0 : i32
    %lt3A_1147 = arith.cmpi slt, %rem3A_1143, %lt3A_1146 : i32
    %lt3A_1148 = arith.constant 0 : i32
    %lt3A_1149 = arith.cmpi slt, %select_n3A_1142, %lt3A_1148 : i32
    %ne3A_1150 = arith.xori %lt3A_1147, %lt3A_1149 : i1
    %and3A_1151 = arith.andi %ne3A_1150, %ne3A_1145 : i1
    %add3A_1152 = arith.addi %rem3A_1143, %select_n3A_1142 : i32
    %select_n3A_1153 = arith.select %and3A_1151, %add3A_1152, %rem3A_1143 : i32
    %mul3A_1154 = arith.constant 16 : i32
    %mul3A_1155 = arith.muli %select_n3A_1153, %mul3A_1154 : i32
    %jit3A_1156 = arith.constant 2 : i32
    %div3A_1157 = arith.divsi %add3A_1137, %jit3A_1156 : i32
    %sign3A_1158 = arith.constant 0 : i32
    %sign3A_1159 = arith.cmpi sgt, %add3A_1137, %sign3A_1158 : i32
    %sign3A_1160 = arith.extui %sign3A_1159 : i1 to i32
    %sign3A_1161 = arith.constant 0 : i32
    %sign3A_1162 = arith.cmpi slt, %add3A_1137, %sign3A_1161 : i32
    %sign3A_1163 = arith.extui %sign3A_1162 : i1 to i32
    %sign3A_1164 = arith.subi %sign3A_1160, %sign3A_1163 : i32
    %sign3A_1165 = arith.constant 0 : i32
    %sign3A_1166 = arith.cmpi sgt, %jit3A_1156, %sign3A_1165 : i32
    %sign3A_1167 = arith.extui %sign3A_1166 : i1 to i32
    %sign3A_1168 = arith.constant 0 : i32
    %sign3A_1169 = arith.cmpi slt, %jit3A_1156, %sign3A_1168 : i32
    %sign3A_1170 = arith.extui %sign3A_1169 : i1 to i32
    %sign3A_1171 = arith.subi %sign3A_1167, %sign3A_1170 : i32
    %ne3A_1172 = arith.cmpi ne, %sign3A_1164, %sign3A_1171 : i32
    %rem3A_1173 = arith.remsi %add3A_1137, %jit3A_1156 : i32
    %ne3A_1174 = arith.constant 0 : i32
    %ne3A_1175 = arith.cmpi ne, %rem3A_1173, %ne3A_1174 : i32
    %and3A_1176 = arith.andi %ne3A_1172, %ne3A_1175 : i1
    %sub3A_1177 = arith.constant 1 : i32
    %sub3A_1178 = arith.subi %div3A_1157, %sub3A_1177 : i32
    %select_n3A_1179 = arith.select %and3A_1176, %sub3A_1178, %div3A_1157 : i32
    %mul3A_1180 = arith.constant 256 : i32
    %mul3A_1181 = arith.muli %select_n3A_1179, %mul3A_1180 : i32
    %dma_wait3A_1182 = arith.constant 4 : i32
    %dma_wait3A_1183 = tpu.memref_slice %arg3[%dma_wait3A_1182, %mul3A_1155, %mul3A_1181] : memref<9x32x20000xf32, #tpu.memory_space<hbm>> -> memref<1x16x256xf32, #tpu.memory_space<hbm>>
    %dma_wait3A_1184 = tpu.memref_squeeze %dma_wait3A_1183 : memref<1x16x256xf32, #tpu.memory_space<hbm>> -> memref<16x256xf32, #tpu.memory_space<hbm>>
    %dma_wait3A_1185 = tpu.memref_slice %arg3[%dma_wait3A_1182, %mul3A_1155, %mul3A_1181] : memref<9x32x20000xf32, #tpu.memory_space<hbm>> -> memref<1x16x256xf32, #tpu.memory_space<hbm>>
    %dma_wait3A_1186 = tpu.memref_squeeze %dma_wait3A_1185 : memref<1x16x256xf32, #tpu.memory_space<hbm>> -> memref<16x256xf32, #tpu.memory_space<hbm>>
    tpu.wait_dma2 semaphore(%arg35 : memref<!tpu.dma_semaphore, #tpu.memory_space<semaphore_mem>>) src(%arg18 : memref<16x256xf32, #tpu.memory_space<vmem>>) dst(%dma_wait3A_1186 : memref<16x256xf32, #tpu.memory_space<hbm>>)
    %dma_wait3A_1187 = arith.constant 5 : i32
    %dma_wait3A_1188 = tpu.memref_slice %arg3[%dma_wait3A_1187, %mul3A_1155, %mul3A_1181] : memref<9x32x20000xf32, #tpu.memory_space<hbm>> -> memref<1x16x256xf32, #tpu.memory_space<hbm>>
    %dma_wait3A_1189 = tpu.memref_squeeze %dma_wait3A_1188 : memref<1x16x256xf32, #tpu.memory_space<hbm>> -> memref<16x256xf32, #tpu.memory_space<hbm>>
    %dma_wait3A_1190 = tpu.memref_slice %arg3[%dma_wait3A_1187, %mul3A_1155, %mul3A_1181] : memref<9x32x20000xf32, #tpu.memory_space<hbm>> -> memref<1x16x256xf32, #tpu.memory_space<hbm>>
    %dma_wait3A_1191 = tpu.memref_squeeze %dma_wait3A_1190 : memref<1x16x256xf32, #tpu.memory_space<hbm>> -> memref<16x256xf32, #tpu.memory_space<hbm>>
    tpu.wait_dma2 semaphore(%arg35 : memref<!tpu.dma_semaphore, #tpu.memory_space<semaphore_mem>>) src(%arg19 : memref<16x256xf32, #tpu.memory_space<vmem>>) dst(%dma_wait3A_1191 : memref<16x256xf32, #tpu.memory_space<hbm>>)
    %dma_wait3A_1192 = arith.constant 6 : i32
    %dma_wait3A_1193 = tpu.memref_slice %arg3[%dma_wait3A_1192, %mul3A_1155, %mul3A_1181] : memref<9x32x20000xf32, #tpu.memory_space<hbm>> -> memref<1x16x256xf32, #tpu.memory_space<hbm>>
    %dma_wait3A_1194 = tpu.memref_squeeze %dma_wait3A_1193 : memref<1x16x256xf32, #tpu.memory_space<hbm>> -> memref<16x256xf32, #tpu.memory_space<hbm>>
    %dma_wait3A_1195 = tpu.memref_slice %arg3[%dma_wait3A_1192, %mul3A_1155, %mul3A_1181] : memref<9x32x20000xf32, #tpu.memory_space<hbm>> -> memref<1x16x256xf32, #tpu.memory_space<hbm>>
    %dma_wait3A_1196 = tpu.memref_squeeze %dma_wait3A_1195 : memref<1x16x256xf32, #tpu.memory_space<hbm>> -> memref<16x256xf32, #tpu.memory_space<hbm>>
    tpu.wait_dma2 semaphore(%arg35 : memref<!tpu.dma_semaphore, #tpu.memory_space<semaphore_mem>>) src(%arg20 : memref<16x256xf32, #tpu.memory_space<vmem>>) dst(%dma_wait3A_1196 : memref<16x256xf32, #tpu.memory_space<hbm>>)
    %dma_wait3A_1197 = arith.constant 7 : i32
    %dma_wait3A_1198 = tpu.memref_slice %arg3[%dma_wait3A_1197, %mul3A_1155, %mul3A_1181] : memref<9x32x20000xf32, #tpu.memory_space<hbm>> -> memref<1x16x256xf32, #tpu.memory_space<hbm>>
    %dma_wait3A_1199 = tpu.memref_squeeze %dma_wait3A_1198 : memref<1x16x256xf32, #tpu.memory_space<hbm>> -> memref<16x256xf32, #tpu.memory_space<hbm>>
    %dma_wait3A_1200 = tpu.memref_slice %arg3[%dma_wait3A_1197, %mul3A_1155, %mul3A_1181] : memref<9x32x20000xf32, #tpu.memory_space<hbm>> -> memref<1x16x256xf32, #tpu.memory_space<hbm>>
    %dma_wait3A_1201 = tpu.memref_squeeze %dma_wait3A_1200 : memref<1x16x256xf32, #tpu.memory_space<hbm>> -> memref<16x256xf32, #tpu.memory_space<hbm>>
    tpu.wait_dma2 semaphore(%arg35 : memref<!tpu.dma_semaphore, #tpu.memory_space<semaphore_mem>>) src(%arg21 : memref<16x256xf32, #tpu.memory_space<vmem>>) dst(%dma_wait3A_1201 : memref<16x256xf32, #tpu.memory_space<hbm>>)
    %dma_wait3A_1202 = arith.constant 8 : i32
    %dma_wait3A_1203 = tpu.memref_slice %arg3[%dma_wait3A_1202, %mul3A_1155, %mul3A_1181] : memref<9x32x20000xf32, #tpu.memory_space<hbm>> -> memref<1x16x256xf32, #tpu.memory_space<hbm>>
    %dma_wait3A_1204 = tpu.memref_squeeze %dma_wait3A_1203 : memref<1x16x256xf32, #tpu.memory_space<hbm>> -> memref<16x256xf32, #tpu.memory_space<hbm>>
    %dma_wait3A_1205 = tpu.memref_slice %arg3[%dma_wait3A_1202, %mul3A_1155, %mul3A_1181] : memref<9x32x20000xf32, #tpu.memory_space<hbm>> -> memref<1x16x256xf32, #tpu.memory_space<hbm>>
    %dma_wait3A_1206 = tpu.memref_squeeze %dma_wait3A_1205 : memref<1x16x256xf32, #tpu.memory_space<hbm>> -> memref<16x256xf32, #tpu.memory_space<hbm>>
    tpu.wait_dma2 semaphore(%arg35 : memref<!tpu.dma_semaphore, #tpu.memory_space<semaphore_mem>>) src(%arg17 : memref<16x256xf32, #tpu.memory_space<vmem>>) dst(%dma_wait3A_1206 : memref<16x256xf32, #tpu.memory_space<hbm>>)
    %dma_wait3A_1207 = arith.constant 0 : i32
    %dma_wait3A_1208 = tpu.memref_slice %arg3[%dma_wait3A_1207, %mul3A_1155, %mul3A_1181] : memref<9x32x20000xf32, #tpu.memory_space<hbm>> -> memref<1x16x256xf32, #tpu.memory_space<hbm>>
    %dma_wait3A_1209 = tpu.memref_squeeze %dma_wait3A_1208 : memref<1x16x256xf32, #tpu.memory_space<hbm>> -> memref<16x256xf32, #tpu.memory_space<hbm>>
    %dma_wait3A_1210 = tpu.memref_slice %arg3[%dma_wait3A_1207, %mul3A_1155, %mul3A_1181] : memref<9x32x20000xf32, #tpu.memory_space<hbm>> -> memref<1x16x256xf32, #tpu.memory_space<hbm>>
    %dma_wait3A_1211 = tpu.memref_squeeze %dma_wait3A_1210 : memref<1x16x256xf32, #tpu.memory_space<hbm>> -> memref<16x256xf32, #tpu.memory_space<hbm>>
    tpu.wait_dma2 semaphore(%arg35 : memref<!tpu.dma_semaphore, #tpu.memory_space<semaphore_mem>>) src(%arg13 : memref<16x256xf32, #tpu.memory_space<vmem>>) dst(%dma_wait3A_1211 : memref<16x256xf32, #tpu.memory_space<hbm>>)
    %dma_wait3A_1212 = arith.constant 1 : i32
    %dma_wait3A_1213 = tpu.memref_slice %arg3[%dma_wait3A_1212, %mul3A_1155, %mul3A_1181] : memref<9x32x20000xf32, #tpu.memory_space<hbm>> -> memref<1x16x256xf32, #tpu.memory_space<hbm>>
    %dma_wait3A_1214 = tpu.memref_squeeze %dma_wait3A_1213 : memref<1x16x256xf32, #tpu.memory_space<hbm>> -> memref<16x256xf32, #tpu.memory_space<hbm>>
    %dma_wait3A_1215 = tpu.memref_slice %arg3[%dma_wait3A_1212, %mul3A_1155, %mul3A_1181] : memref<9x32x20000xf32, #tpu.memory_space<hbm>> -> memref<1x16x256xf32, #tpu.memory_space<hbm>>
    %dma_wait3A_1216 = tpu.memref_squeeze %dma_wait3A_1215 : memref<1x16x256xf32, #tpu.memory_space<hbm>> -> memref<16x256xf32, #tpu.memory_space<hbm>>
    tpu.wait_dma2 semaphore(%arg35 : memref<!tpu.dma_semaphore, #tpu.memory_space<semaphore_mem>>) src(%arg14 : memref<16x256xf32, #tpu.memory_space<vmem>>) dst(%dma_wait3A_1216 : memref<16x256xf32, #tpu.memory_space<hbm>>)
    %dma_wait3A_1217 = arith.constant 2 : i32
    %dma_wait3A_1218 = tpu.memref_slice %arg3[%dma_wait3A_1217, %mul3A_1155, %mul3A_1181] : memref<9x32x20000xf32, #tpu.memory_space<hbm>> -> memref<1x16x256xf32, #tpu.memory_space<hbm>>
    %dma_wait3A_1219 = tpu.memref_squeeze %dma_wait3A_1218 : memref<1x16x256xf32, #tpu.memory_space<hbm>> -> memref<16x256xf32, #tpu.memory_space<hbm>>
    %dma_wait3A_1220 = tpu.memref_slice %arg3[%dma_wait3A_1217, %mul3A_1155, %mul3A_1181] : memref<9x32x20000xf32, #tpu.memory_space<hbm>> -> memref<1x16x256xf32, #tpu.memory_space<hbm>>
    %dma_wait3A_1221 = tpu.memref_squeeze %dma_wait3A_1220 : memref<1x16x256xf32, #tpu.memory_space<hbm>> -> memref<16x256xf32, #tpu.memory_space<hbm>>
    tpu.wait_dma2 semaphore(%arg35 : memref<!tpu.dma_semaphore, #tpu.memory_space<semaphore_mem>>) src(%arg15 : memref<16x256xf32, #tpu.memory_space<vmem>>) dst(%dma_wait3A_1221 : memref<16x256xf32, #tpu.memory_space<hbm>>)
    %dma_wait3A_1222 = arith.constant 3 : i32
    %dma_wait3A_1223 = tpu.memref_slice %arg3[%dma_wait3A_1222, %mul3A_1155, %mul3A_1181] : memref<9x32x20000xf32, #tpu.memory_space<hbm>> -> memref<1x16x256xf32, #tpu.memory_space<hbm>>
    %dma_wait3A_1224 = tpu.memref_squeeze %dma_wait3A_1223 : memref<1x16x256xf32, #tpu.memory_space<hbm>> -> memref<16x256xf32, #tpu.memory_space<hbm>>
    %dma_wait3A_1225 = tpu.memref_slice %arg3[%dma_wait3A_1222, %mul3A_1155, %mul3A_1181] : memref<9x32x20000xf32, #tpu.memory_space<hbm>> -> memref<1x16x256xf32, #tpu.memory_space<hbm>>
    %dma_wait3A_1226 = tpu.memref_squeeze %dma_wait3A_1225 : memref<1x16x256xf32, #tpu.memory_space<hbm>> -> memref<16x256xf32, #tpu.memory_space<hbm>>
    tpu.wait_dma2 semaphore(%arg35 : memref<!tpu.dma_semaphore, #tpu.memory_space<semaphore_mem>>) src(%arg16 : memref<16x256xf32, #tpu.memory_space<vmem>>) dst(%dma_wait3A_1226 : memref<16x256xf32, #tpu.memory_space<hbm>>)
    %lt3A_1227 = arith.constant 28 : i32
    %lt3A_1228 = arith.cmpi slt, %add3A, %lt3A_1227 : i32
    %convert_element_type3A = arith.extui %lt3A_1228 : i1 to i32
    %cond3A = arith.constant 0 : i32
    %cond3A_1229 = arith.cmpi ne, %convert_element_type3A, %cond3A : i32
    scf.if %cond3A_1229 {
      %add3A_1653 = arith.constant 128 : i32
      %add3A_1654 = arith.addi %add3A, %add3A_1653 : i32
      %jit3A_1655 = arith.constant 2 : i32
      %eq3A_1656 = arith.constant 0 : i32
      %eq3A_1657 = arith.cmpi eq, %jit3A_1655, %eq3A_1656 : i32
      %jit3A_1658 = arith.constant 1 : i32
      %select_n3A_1659 = arith.select %eq3A_1657, %jit3A_1658, %jit3A_1655 : i32
      %rem3A_1660 = arith.remsi %add3A_1654, %select_n3A_1659 : i32
      %ne3A_1661 = arith.constant 0 : i32
      %ne3A_1662 = arith.cmpi ne, %rem3A_1660, %ne3A_1661 : i32
      %lt3A_1663 = arith.constant 0 : i32
      %lt3A_1664 = arith.cmpi slt, %rem3A_1660, %lt3A_1663 : i32
      %lt3A_1665 = arith.constant 0 : i32
      %lt3A_1666 = arith.cmpi slt, %select_n3A_1659, %lt3A_1665 : i32
      %ne3A_1667 = arith.xori %lt3A_1664, %lt3A_1666 : i1
      %and3A_1668 = arith.andi %ne3A_1667, %ne3A_1662 : i1
      %add3A_1669 = arith.addi %rem3A_1660, %select_n3A_1659 : i32
      %select_n3A_1670 = arith.select %and3A_1668, %add3A_1669, %rem3A_1660 : i32
      %mul3A_1671 = arith.constant 16 : i32
      %mul3A_1672 = arith.muli %select_n3A_1670, %mul3A_1671 : i32
      %jit3A_1673 = arith.constant 2 : i32
      %div3A_1674 = arith.divsi %add3A_1654, %jit3A_1673 : i32
      %sign3A_1675 = arith.constant 0 : i32
      %sign3A_1676 = arith.cmpi sgt, %add3A_1654, %sign3A_1675 : i32
      %sign3A_1677 = arith.extui %sign3A_1676 : i1 to i32
      %sign3A_1678 = arith.constant 0 : i32
      %sign3A_1679 = arith.cmpi slt, %add3A_1654, %sign3A_1678 : i32
      %sign3A_1680 = arith.extui %sign3A_1679 : i1 to i32
      %sign3A_1681 = arith.subi %sign3A_1677, %sign3A_1680 : i32
      %sign3A_1682 = arith.constant 0 : i32
      %sign3A_1683 = arith.cmpi sgt, %jit3A_1673, %sign3A_1682 : i32
      %sign3A_1684 = arith.extui %sign3A_1683 : i1 to i32
      %sign3A_1685 = arith.constant 0 : i32
      %sign3A_1686 = arith.cmpi slt, %jit3A_1673, %sign3A_1685 : i32
      %sign3A_1687 = arith.extui %sign3A_1686 : i1 to i32
      %sign3A_1688 = arith.subi %sign3A_1684, %sign3A_1687 : i32
      %ne3A_1689 = arith.cmpi ne, %sign3A_1681, %sign3A_1688 : i32
      %rem3A_1690 = arith.remsi %add3A_1654, %jit3A_1673 : i32
      %ne3A_1691 = arith.constant 0 : i32
      %ne3A_1692 = arith.cmpi ne, %rem3A_1690, %ne3A_1691 : i32
      %and3A_1693 = arith.andi %ne3A_1689, %ne3A_1692 : i1
      %sub3A_1694 = arith.constant 1 : i32
      %sub3A_1695 = arith.subi %div3A_1674, %sub3A_1694 : i32
      %select_n3A_1696 = arith.select %and3A_1693, %sub3A_1695, %div3A_1674 : i32
      %mul3A_1697 = arith.constant 256 : i32
      %mul3A_1698 = arith.muli %select_n3A_1696, %mul3A_1697 : i32
      %dma_start3A_1699 = arith.constant 4 : i32
      %dma_start3A_1700 = tpu.memref_slice %arg2[%dma_start3A_1699, %mul3A_1672, %mul3A_1698] : memref<10x32x20000xf32, #tpu.memory_space<hbm>> -> memref<1x16x256xf32, #tpu.memory_space<hbm>>
      %dma_start3A_1701 = tpu.memref_squeeze %dma_start3A_1700 : memref<1x16x256xf32, #tpu.memory_space<hbm>> -> memref<16x256xf32, #tpu.memory_space<hbm>>
      %dma_start3A_1702 = tpu.memref_slice %arg2[%dma_start3A_1699, %mul3A_1672, %mul3A_1698] : memref<10x32x20000xf32, #tpu.memory_space<hbm>> -> memref<1x16x256xf32, #tpu.memory_space<hbm>>
      %dma_start3A_1703 = tpu.memref_squeeze %dma_start3A_1702 : memref<1x16x256xf32, #tpu.memory_space<hbm>> -> memref<16x256xf32, #tpu.memory_space<hbm>>
      tpu.enqueue_dma source(%dma_start3A_1703 : memref<16x256xf32, #tpu.memory_space<hbm>>) target(%arg17 : memref<16x256xf32, #tpu.memory_space<vmem>>) target_semaphore(%arg32 : memref<!tpu.dma_semaphore, #tpu.memory_space<semaphore_mem>>)
      %dma_start3A_1704 = arith.constant 6 : i32
      %dma_start3A_1705 = tpu.memref_slice %arg2[%dma_start3A_1704, %mul3A_1672, %mul3A_1698] : memref<10x32x20000xf32, #tpu.memory_space<hbm>> -> memref<1x16x256xf32, #tpu.memory_space<hbm>>
      %dma_start3A_1706 = tpu.memref_squeeze %dma_start3A_1705 : memref<1x16x256xf32, #tpu.memory_space<hbm>> -> memref<16x256xf32, #tpu.memory_space<hbm>>
      %dma_start3A_1707 = tpu.memref_slice %arg2[%dma_start3A_1704, %mul3A_1672, %mul3A_1698] : memref<10x32x20000xf32, #tpu.memory_space<hbm>> -> memref<1x16x256xf32, #tpu.memory_space<hbm>>
      %dma_start3A_1708 = tpu.memref_squeeze %dma_start3A_1707 : memref<1x16x256xf32, #tpu.memory_space<hbm>> -> memref<16x256xf32, #tpu.memory_space<hbm>>
      tpu.enqueue_dma source(%dma_start3A_1708 : memref<16x256xf32, #tpu.memory_space<hbm>>) target(%arg18 : memref<16x256xf32, #tpu.memory_space<vmem>>) target_semaphore(%arg32 : memref<!tpu.dma_semaphore, #tpu.memory_space<semaphore_mem>>)
      %dma_start3A_1709 = arith.constant 7 : i32
      %dma_start3A_1710 = tpu.memref_slice %arg2[%dma_start3A_1709, %mul3A_1672, %mul3A_1698] : memref<10x32x20000xf32, #tpu.memory_space<hbm>> -> memref<1x16x256xf32, #tpu.memory_space<hbm>>
      %dma_start3A_1711 = tpu.memref_squeeze %dma_start3A_1710 : memref<1x16x256xf32, #tpu.memory_space<hbm>> -> memref<16x256xf32, #tpu.memory_space<hbm>>
      %dma_start3A_1712 = tpu.memref_slice %arg2[%dma_start3A_1709, %mul3A_1672, %mul3A_1698] : memref<10x32x20000xf32, #tpu.memory_space<hbm>> -> memref<1x16x256xf32, #tpu.memory_space<hbm>>
      %dma_start3A_1713 = tpu.memref_squeeze %dma_start3A_1712 : memref<1x16x256xf32, #tpu.memory_space<hbm>> -> memref<16x256xf32, #tpu.memory_space<hbm>>
      tpu.enqueue_dma source(%dma_start3A_1713 : memref<16x256xf32, #tpu.memory_space<hbm>>) target(%arg19 : memref<16x256xf32, #tpu.memory_space<vmem>>) target_semaphore(%arg32 : memref<!tpu.dma_semaphore, #tpu.memory_space<semaphore_mem>>)
      %dma_start3A_1714 = arith.constant 8 : i32
      %dma_start3A_1715 = tpu.memref_slice %arg2[%dma_start3A_1714, %mul3A_1672, %mul3A_1698] : memref<10x32x20000xf32, #tpu.memory_space<hbm>> -> memref<1x16x256xf32, #tpu.memory_space<hbm>>
      %dma_start3A_1716 = tpu.memref_squeeze %dma_start3A_1715 : memref<1x16x256xf32, #tpu.memory_space<hbm>> -> memref<16x256xf32, #tpu.memory_space<hbm>>
      %dma_start3A_1717 = tpu.memref_slice %arg2[%dma_start3A_1714, %mul3A_1672, %mul3A_1698] : memref<10x32x20000xf32, #tpu.memory_space<hbm>> -> memref<1x16x256xf32, #tpu.memory_space<hbm>>
      %dma_start3A_1718 = tpu.memref_squeeze %dma_start3A_1717 : memref<1x16x256xf32, #tpu.memory_space<hbm>> -> memref<16x256xf32, #tpu.memory_space<hbm>>
      tpu.enqueue_dma source(%dma_start3A_1718 : memref<16x256xf32, #tpu.memory_space<hbm>>) target(%arg20 : memref<16x256xf32, #tpu.memory_space<vmem>>) target_semaphore(%arg32 : memref<!tpu.dma_semaphore, #tpu.memory_space<semaphore_mem>>)
      %dma_start3A_1719 = arith.constant 9 : i32
      %dma_start3A_1720 = tpu.memref_slice %arg2[%dma_start3A_1719, %mul3A_1672, %mul3A_1698] : memref<10x32x20000xf32, #tpu.memory_space<hbm>> -> memref<1x16x256xf32, #tpu.memory_space<hbm>>
      %dma_start3A_1721 = tpu.memref_squeeze %dma_start3A_1720 : memref<1x16x256xf32, #tpu.memory_space<hbm>> -> memref<16x256xf32, #tpu.memory_space<hbm>>
      %dma_start3A_1722 = tpu.memref_slice %arg2[%dma_start3A_1719, %mul3A_1672, %mul3A_1698] : memref<10x32x20000xf32, #tpu.memory_space<hbm>> -> memref<1x16x256xf32, #tpu.memory_space<hbm>>
      %dma_start3A_1723 = tpu.memref_squeeze %dma_start3A_1722 : memref<1x16x256xf32, #tpu.memory_space<hbm>> -> memref<16x256xf32, #tpu.memory_space<hbm>>
      tpu.enqueue_dma source(%dma_start3A_1723 : memref<16x256xf32, #tpu.memory_space<hbm>>) target(%arg21 : memref<16x256xf32, #tpu.memory_space<vmem>>) target_semaphore(%arg32 : memref<!tpu.dma_semaphore, #tpu.memory_space<semaphore_mem>>)
      %dma_start3A_1724 = arith.constant 0 : i32
      %dma_start3A_1725 = tpu.memref_slice %arg2[%dma_start3A_1724, %mul3A_1672, %mul3A_1698] : memref<10x32x20000xf32, #tpu.memory_space<hbm>> -> memref<1x16x256xf32, #tpu.memory_space<hbm>>
      %dma_start3A_1726 = tpu.memref_squeeze %dma_start3A_1725 : memref<1x16x256xf32, #tpu.memory_space<hbm>> -> memref<16x256xf32, #tpu.memory_space<hbm>>
      %dma_start3A_1727 = tpu.memref_slice %arg2[%dma_start3A_1724, %mul3A_1672, %mul3A_1698] : memref<10x32x20000xf32, #tpu.memory_space<hbm>> -> memref<1x16x256xf32, #tpu.memory_space<hbm>>
      %dma_start3A_1728 = tpu.memref_squeeze %dma_start3A_1727 : memref<1x16x256xf32, #tpu.memory_space<hbm>> -> memref<16x256xf32, #tpu.memory_space<hbm>>
      tpu.enqueue_dma source(%dma_start3A_1728 : memref<16x256xf32, #tpu.memory_space<hbm>>) target(%arg13 : memref<16x256xf32, #tpu.memory_space<vmem>>) target_semaphore(%arg32 : memref<!tpu.dma_semaphore, #tpu.memory_space<semaphore_mem>>)
      %dma_start3A_1729 = arith.constant 1 : i32
      %dma_start3A_1730 = tpu.memref_slice %arg2[%dma_start3A_1729, %mul3A_1672, %mul3A_1698] : memref<10x32x20000xf32, #tpu.memory_space<hbm>> -> memref<1x16x256xf32, #tpu.memory_space<hbm>>
      %dma_start3A_1731 = tpu.memref_squeeze %dma_start3A_1730 : memref<1x16x256xf32, #tpu.memory_space<hbm>> -> memref<16x256xf32, #tpu.memory_space<hbm>>
      %dma_start3A_1732 = tpu.memref_slice %arg2[%dma_start3A_1729, %mul3A_1672, %mul3A_1698] : memref<10x32x20000xf32, #tpu.memory_space<hbm>> -> memref<1x16x256xf32, #tpu.memory_space<hbm>>
      %dma_start3A_1733 = tpu.memref_squeeze %dma_start3A_1732 : memref<1x16x256xf32, #tpu.memory_space<hbm>> -> memref<16x256xf32, #tpu.memory_space<hbm>>
      tpu.enqueue_dma source(%dma_start3A_1733 : memref<16x256xf32, #tpu.memory_space<hbm>>) target(%arg14 : memref<16x256xf32, #tpu.memory_space<vmem>>) target_semaphore(%arg32 : memref<!tpu.dma_semaphore, #tpu.memory_space<semaphore_mem>>)
      %dma_start3A_1734 = arith.constant 2 : i32
      %dma_start3A_1735 = tpu.memref_slice %arg2[%dma_start3A_1734, %mul3A_1672, %mul3A_1698] : memref<10x32x20000xf32, #tpu.memory_space<hbm>> -> memref<1x16x256xf32, #tpu.memory_space<hbm>>
      %dma_start3A_1736 = tpu.memref_squeeze %dma_start3A_1735 : memref<1x16x256xf32, #tpu.memory_space<hbm>> -> memref<16x256xf32, #tpu.memory_space<hbm>>
      %dma_start3A_1737 = tpu.memref_slice %arg2[%dma_start3A_1734, %mul3A_1672, %mul3A_1698] : memref<10x32x20000xf32, #tpu.memory_space<hbm>> -> memref<1x16x256xf32, #tpu.memory_space<hbm>>
      %dma_start3A_1738 = tpu.memref_squeeze %dma_start3A_1737 : memref<1x16x256xf32, #tpu.memory_space<hbm>> -> memref<16x256xf32, #tpu.memory_space<hbm>>
      tpu.enqueue_dma source(%dma_start3A_1738 : memref<16x256xf32, #tpu.memory_space<hbm>>) target(%arg15 : memref<16x256xf32, #tpu.memory_space<vmem>>) target_semaphore(%arg32 : memref<!tpu.dma_semaphore, #tpu.memory_space<semaphore_mem>>)
      %dma_start3A_1739 = arith.constant 3 : i32
      %dma_start3A_1740 = tpu.memref_slice %arg2[%dma_start3A_1739, %mul3A_1672, %mul3A_1698] : memref<10x32x20000xf32, #tpu.memory_space<hbm>> -> memref<1x16x256xf32, #tpu.memory_space<hbm>>
      %dma_start3A_1741 = tpu.memref_squeeze %dma_start3A_1740 : memref<1x16x256xf32, #tpu.memory_space<hbm>> -> memref<16x256xf32, #tpu.memory_space<hbm>>
      %dma_start3A_1742 = tpu.memref_slice %arg2[%dma_start3A_1739, %mul3A_1672, %mul3A_1698] : memref<10x32x20000xf32, #tpu.memory_space<hbm>> -> memref<1x16x256xf32, #tpu.memory_space<hbm>>
      %dma_start3A_1743 = tpu.memref_squeeze %dma_start3A_1742 : memref<1x16x256xf32, #tpu.memory_space<hbm>> -> memref<16x256xf32, #tpu.memory_space<hbm>>
      tpu.enqueue_dma source(%dma_start3A_1743 : memref<16x256xf32, #tpu.memory_space<hbm>>) target(%arg16 : memref<16x256xf32, #tpu.memory_space<vmem>>) target_semaphore(%arg32 : memref<!tpu.dma_semaphore, #tpu.memory_space<semaphore_mem>>)
    } else {
    }
    %add3A_1230 = arith.constant 96 : i32
    %add3A_1231 = arith.addi %add3A, %add3A_1230 : i32
    %jit3A_1232 = arith.constant 2 : i32
    %eq3A_1233 = arith.constant 0 : i32
    %eq3A_1234 = arith.cmpi eq, %jit3A_1232, %eq3A_1233 : i32
    %jit3A_1235 = arith.constant 1 : i32
    %select_n3A_1236 = arith.select %eq3A_1234, %jit3A_1235, %jit3A_1232 : i32
    %rem3A_1237 = arith.remsi %add3A_1231, %select_n3A_1236 : i32
    %ne3A_1238 = arith.constant 0 : i32
    %ne3A_1239 = arith.cmpi ne, %rem3A_1237, %ne3A_1238 : i32
    %lt3A_1240 = arith.constant 0 : i32
    %lt3A_1241 = arith.cmpi slt, %rem3A_1237, %lt3A_1240 : i32
    %lt3A_1242 = arith.constant 0 : i32
    %lt3A_1243 = arith.cmpi slt, %select_n3A_1236, %lt3A_1242 : i32
    %ne3A_1244 = arith.xori %lt3A_1241, %lt3A_1243 : i1
    %and3A_1245 = arith.andi %ne3A_1244, %ne3A_1239 : i1
    %add3A_1246 = arith.addi %rem3A_1237, %select_n3A_1236 : i32
    %select_n3A_1247 = arith.select %and3A_1245, %add3A_1246, %rem3A_1237 : i32
    %mul3A_1248 = arith.constant 16 : i32
    %mul3A_1249 = arith.muli %select_n3A_1247, %mul3A_1248 : i32
    %jit3A_1250 = arith.constant 2 : i32
    %div3A_1251 = arith.divsi %add3A_1231, %jit3A_1250 : i32
    %sign3A_1252 = arith.constant 0 : i32
    %sign3A_1253 = arith.cmpi sgt, %add3A_1231, %sign3A_1252 : i32
    %sign3A_1254 = arith.extui %sign3A_1253 : i1 to i32
    %sign3A_1255 = arith.constant 0 : i32
    %sign3A_1256 = arith.cmpi slt, %add3A_1231, %sign3A_1255 : i32
    %sign3A_1257 = arith.extui %sign3A_1256 : i1 to i32
    %sign3A_1258 = arith.subi %sign3A_1254, %sign3A_1257 : i32
    %sign3A_1259 = arith.constant 0 : i32
    %sign3A_1260 = arith.cmpi sgt, %jit3A_1250, %sign3A_1259 : i32
    %sign3A_1261 = arith.extui %sign3A_1260 : i1 to i32
    %sign3A_1262 = arith.constant 0 : i32
    %sign3A_1263 = arith.cmpi slt, %jit3A_1250, %sign3A_1262 : i32
    %sign3A_1264 = arith.extui %sign3A_1263 : i1 to i32
    %sign3A_1265 = arith.subi %sign3A_1261, %sign3A_1264 : i32
    %ne3A_1266 = arith.cmpi ne, %sign3A_1258, %sign3A_1265 : i32
    %rem3A_1267 = arith.remsi %add3A_1231, %jit3A_1250 : i32
    %ne3A_1268 = arith.constant 0 : i32
    %ne3A_1269 = arith.cmpi ne, %rem3A_1267, %ne3A_1268 : i32
    %and3A_1270 = arith.andi %ne3A_1266, %ne3A_1269 : i1
    %sub3A_1271 = arith.constant 1 : i32
    %sub3A_1272 = arith.subi %div3A_1251, %sub3A_1271 : i32
    %select_n3A_1273 = arith.select %and3A_1270, %sub3A_1272, %div3A_1251 : i32
    %mul3A_1274 = arith.constant 256 : i32
    %mul3A_1275 = arith.muli %select_n3A_1273, %mul3A_1274 : i32
    %dma_wait3A_1276 = arith.constant 4 : i32
    %dma_wait3A_1277 = tpu.memref_slice %arg2[%dma_wait3A_1276, %mul3A_1249, %mul3A_1275] : memref<10x32x20000xf32, #tpu.memory_space<hbm>> -> memref<1x16x256xf32, #tpu.memory_space<hbm>>
    %dma_wait3A_1278 = tpu.memref_squeeze %dma_wait3A_1277 : memref<1x16x256xf32, #tpu.memory_space<hbm>> -> memref<16x256xf32, #tpu.memory_space<hbm>>
    %dma_wait3A_1279 = tpu.memref_slice %arg2[%dma_wait3A_1276, %mul3A_1249, %mul3A_1275] : memref<10x32x20000xf32, #tpu.memory_space<hbm>> -> memref<1x16x256xf32, #tpu.memory_space<hbm>>
    %dma_wait3A_1280 = tpu.memref_squeeze %dma_wait3A_1279 : memref<1x16x256xf32, #tpu.memory_space<hbm>> -> memref<16x256xf32, #tpu.memory_space<hbm>>
    tpu.wait_dma2 semaphore(%arg31 : memref<!tpu.dma_semaphore, #tpu.memory_space<semaphore_mem>>) src(%dma_wait3A_1280 : memref<16x256xf32, #tpu.memory_space<hbm>>) dst(%arg8 : memref<16x256xf32, #tpu.memory_space<vmem>>)
    %dma_wait3A_1281 = arith.constant 6 : i32
    %dma_wait3A_1282 = tpu.memref_slice %arg2[%dma_wait3A_1281, %mul3A_1249, %mul3A_1275] : memref<10x32x20000xf32, #tpu.memory_space<hbm>> -> memref<1x16x256xf32, #tpu.memory_space<hbm>>
    %dma_wait3A_1283 = tpu.memref_squeeze %dma_wait3A_1282 : memref<1x16x256xf32, #tpu.memory_space<hbm>> -> memref<16x256xf32, #tpu.memory_space<hbm>>
    %dma_wait3A_1284 = tpu.memref_slice %arg2[%dma_wait3A_1281, %mul3A_1249, %mul3A_1275] : memref<10x32x20000xf32, #tpu.memory_space<hbm>> -> memref<1x16x256xf32, #tpu.memory_space<hbm>>
    %dma_wait3A_1285 = tpu.memref_squeeze %dma_wait3A_1284 : memref<1x16x256xf32, #tpu.memory_space<hbm>> -> memref<16x256xf32, #tpu.memory_space<hbm>>
    tpu.wait_dma2 semaphore(%arg31 : memref<!tpu.dma_semaphore, #tpu.memory_space<semaphore_mem>>) src(%dma_wait3A_1285 : memref<16x256xf32, #tpu.memory_space<hbm>>) dst(%arg9 : memref<16x256xf32, #tpu.memory_space<vmem>>)
    %dma_wait3A_1286 = arith.constant 7 : i32
    %dma_wait3A_1287 = tpu.memref_slice %arg2[%dma_wait3A_1286, %mul3A_1249, %mul3A_1275] : memref<10x32x20000xf32, #tpu.memory_space<hbm>> -> memref<1x16x256xf32, #tpu.memory_space<hbm>>
    %dma_wait3A_1288 = tpu.memref_squeeze %dma_wait3A_1287 : memref<1x16x256xf32, #tpu.memory_space<hbm>> -> memref<16x256xf32, #tpu.memory_space<hbm>>
    %dma_wait3A_1289 = tpu.memref_slice %arg2[%dma_wait3A_1286, %mul3A_1249, %mul3A_1275] : memref<10x32x20000xf32, #tpu.memory_space<hbm>> -> memref<1x16x256xf32, #tpu.memory_space<hbm>>
    %dma_wait3A_1290 = tpu.memref_squeeze %dma_wait3A_1289 : memref<1x16x256xf32, #tpu.memory_space<hbm>> -> memref<16x256xf32, #tpu.memory_space<hbm>>
    tpu.wait_dma2 semaphore(%arg31 : memref<!tpu.dma_semaphore, #tpu.memory_space<semaphore_mem>>) src(%dma_wait3A_1290 : memref<16x256xf32, #tpu.memory_space<hbm>>) dst(%arg10 : memref<16x256xf32, #tpu.memory_space<vmem>>)
    %dma_wait3A_1291 = arith.constant 8 : i32
    %dma_wait3A_1292 = tpu.memref_slice %arg2[%dma_wait3A_1291, %mul3A_1249, %mul3A_1275] : memref<10x32x20000xf32, #tpu.memory_space<hbm>> -> memref<1x16x256xf32, #tpu.memory_space<hbm>>
    %dma_wait3A_1293 = tpu.memref_squeeze %dma_wait3A_1292 : memref<1x16x256xf32, #tpu.memory_space<hbm>> -> memref<16x256xf32, #tpu.memory_space<hbm>>
    %dma_wait3A_1294 = tpu.memref_slice %arg2[%dma_wait3A_1291, %mul3A_1249, %mul3A_1275] : memref<10x32x20000xf32, #tpu.memory_space<hbm>> -> memref<1x16x256xf32, #tpu.memory_space<hbm>>
    %dma_wait3A_1295 = tpu.memref_squeeze %dma_wait3A_1294 : memref<1x16x256xf32, #tpu.memory_space<hbm>> -> memref<16x256xf32, #tpu.memory_space<hbm>>
    tpu.wait_dma2 semaphore(%arg31 : memref<!tpu.dma_semaphore, #tpu.memory_space<semaphore_mem>>) src(%dma_wait3A_1295 : memref<16x256xf32, #tpu.memory_space<hbm>>) dst(%arg11 : memref<16x256xf32, #tpu.memory_space<vmem>>)
    %dma_wait3A_1296 = arith.constant 9 : i32
    %dma_wait3A_1297 = tpu.memref_slice %arg2[%dma_wait3A_1296, %mul3A_1249, %mul3A_1275] : memref<10x32x20000xf32, #tpu.memory_space<hbm>> -> memref<1x16x256xf32, #tpu.memory_space<hbm>>
    %dma_wait3A_1298 = tpu.memref_squeeze %dma_wait3A_1297 : memref<1x16x256xf32, #tpu.memory_space<hbm>> -> memref<16x256xf32, #tpu.memory_space<hbm>>
    %dma_wait3A_1299 = tpu.memref_slice %arg2[%dma_wait3A_1296, %mul3A_1249, %mul3A_1275] : memref<10x32x20000xf32, #tpu.memory_space<hbm>> -> memref<1x16x256xf32, #tpu.memory_space<hbm>>
    %dma_wait3A_1300 = tpu.memref_squeeze %dma_wait3A_1299 : memref<1x16x256xf32, #tpu.memory_space<hbm>> -> memref<16x256xf32, #tpu.memory_space<hbm>>
    tpu.wait_dma2 semaphore(%arg31 : memref<!tpu.dma_semaphore, #tpu.memory_space<semaphore_mem>>) src(%dma_wait3A_1300 : memref<16x256xf32, #tpu.memory_space<hbm>>) dst(%arg12 : memref<16x256xf32, #tpu.memory_space<vmem>>)
    %add3A_1301 = arith.constant 96 : i32
    %add3A_1302 = arith.addi %add3A, %add3A_1301 : i32
    %jit3A_1303 = arith.constant 2 : i32
    %eq3A_1304 = arith.constant 0 : i32
    %eq3A_1305 = arith.cmpi eq, %jit3A_1303, %eq3A_1304 : i32
    %jit3A_1306 = arith.constant 1 : i32
    %select_n3A_1307 = arith.select %eq3A_1305, %jit3A_1306, %jit3A_1303 : i32
    %rem3A_1308 = arith.remsi %add3A_1302, %select_n3A_1307 : i32
    %ne3A_1309 = arith.constant 0 : i32
    %ne3A_1310 = arith.cmpi ne, %rem3A_1308, %ne3A_1309 : i32
    %lt3A_1311 = arith.constant 0 : i32
    %lt3A_1312 = arith.cmpi slt, %rem3A_1308, %lt3A_1311 : i32
    %lt3A_1313 = arith.constant 0 : i32
    %lt3A_1314 = arith.cmpi slt, %select_n3A_1307, %lt3A_1313 : i32
    %ne3A_1315 = arith.xori %lt3A_1312, %lt3A_1314 : i1
    %and3A_1316 = arith.andi %ne3A_1315, %ne3A_1310 : i1
    %add3A_1317 = arith.addi %rem3A_1308, %select_n3A_1307 : i32
    %select_n3A_1318 = arith.select %and3A_1316, %add3A_1317, %rem3A_1308 : i32
    %mul3A_1319 = arith.constant 16 : i32
    %mul3A_1320 = arith.muli %select_n3A_1318, %mul3A_1319 : i32
    %jit3A_1321 = arith.constant 2 : i32
    %div3A_1322 = arith.divsi %add3A_1302, %jit3A_1321 : i32
    %sign3A_1323 = arith.constant 0 : i32
    %sign3A_1324 = arith.cmpi sgt, %add3A_1302, %sign3A_1323 : i32
    %sign3A_1325 = arith.extui %sign3A_1324 : i1 to i32
    %sign3A_1326 = arith.constant 0 : i32
    %sign3A_1327 = arith.cmpi slt, %add3A_1302, %sign3A_1326 : i32
    %sign3A_1328 = arith.extui %sign3A_1327 : i1 to i32
    %sign3A_1329 = arith.subi %sign3A_1325, %sign3A_1328 : i32
    %sign3A_1330 = arith.constant 0 : i32
    %sign3A_1331 = arith.cmpi sgt, %jit3A_1321, %sign3A_1330 : i32
    %sign3A_1332 = arith.extui %sign3A_1331 : i1 to i32
    %sign3A_1333 = arith.constant 0 : i32
    %sign3A_1334 = arith.cmpi slt, %jit3A_1321, %sign3A_1333 : i32
    %sign3A_1335 = arith.extui %sign3A_1334 : i1 to i32
    %sign3A_1336 = arith.subi %sign3A_1332, %sign3A_1335 : i32
    %ne3A_1337 = arith.cmpi ne, %sign3A_1329, %sign3A_1336 : i32
    %rem3A_1338 = arith.remsi %add3A_1302, %jit3A_1321 : i32
    %ne3A_1339 = arith.constant 0 : i32
    %ne3A_1340 = arith.cmpi ne, %rem3A_1338, %ne3A_1339 : i32
    %and3A_1341 = arith.andi %ne3A_1337, %ne3A_1340 : i1
    %sub3A_1342 = arith.constant 1 : i32
    %sub3A_1343 = arith.subi %div3A_1322, %sub3A_1342 : i32
    %select_n3A_1344 = arith.select %and3A_1341, %sub3A_1343, %div3A_1322 : i32
    %mul3A_1345 = arith.constant 256 : i32
    %mul3A_1346 = arith.muli %select_n3A_1344, %mul3A_1345 : i32
    %dma_start3A_1347 = arith.constant 4 : i32
    %dma_start3A_1348 = tpu.memref_slice %arg3[%dma_start3A_1347, %mul3A_1320, %mul3A_1346] : memref<9x32x20000xf32, #tpu.memory_space<hbm>> -> memref<1x16x256xf32, #tpu.memory_space<hbm>>
    %dma_start3A_1349 = tpu.memref_squeeze %dma_start3A_1348 : memref<1x16x256xf32, #tpu.memory_space<hbm>> -> memref<16x256xf32, #tpu.memory_space<hbm>>
    %dma_start3A_1350 = tpu.memref_slice %arg3[%dma_start3A_1347, %mul3A_1320, %mul3A_1346] : memref<9x32x20000xf32, #tpu.memory_space<hbm>> -> memref<1x16x256xf32, #tpu.memory_space<hbm>>
    %dma_start3A_1351 = tpu.memref_squeeze %dma_start3A_1350 : memref<1x16x256xf32, #tpu.memory_space<hbm>> -> memref<16x256xf32, #tpu.memory_space<hbm>>
    tpu.enqueue_dma source(%arg9 : memref<16x256xf32, #tpu.memory_space<vmem>>) target(%dma_start3A_1351 : memref<16x256xf32, #tpu.memory_space<hbm>>) target_semaphore(%arg34 : memref<!tpu.dma_semaphore, #tpu.memory_space<semaphore_mem>>)
    %dma_start3A_1352 = arith.constant 5 : i32
    %dma_start3A_1353 = tpu.memref_slice %arg3[%dma_start3A_1352, %mul3A_1320, %mul3A_1346] : memref<9x32x20000xf32, #tpu.memory_space<hbm>> -> memref<1x16x256xf32, #tpu.memory_space<hbm>>
    %dma_start3A_1354 = tpu.memref_squeeze %dma_start3A_1353 : memref<1x16x256xf32, #tpu.memory_space<hbm>> -> memref<16x256xf32, #tpu.memory_space<hbm>>
    %dma_start3A_1355 = tpu.memref_slice %arg3[%dma_start3A_1352, %mul3A_1320, %mul3A_1346] : memref<9x32x20000xf32, #tpu.memory_space<hbm>> -> memref<1x16x256xf32, #tpu.memory_space<hbm>>
    %dma_start3A_1356 = tpu.memref_squeeze %dma_start3A_1355 : memref<1x16x256xf32, #tpu.memory_space<hbm>> -> memref<16x256xf32, #tpu.memory_space<hbm>>
    tpu.enqueue_dma source(%arg10 : memref<16x256xf32, #tpu.memory_space<vmem>>) target(%dma_start3A_1356 : memref<16x256xf32, #tpu.memory_space<hbm>>) target_semaphore(%arg34 : memref<!tpu.dma_semaphore, #tpu.memory_space<semaphore_mem>>)
    %dma_start3A_1357 = arith.constant 6 : i32
    %dma_start3A_1358 = tpu.memref_slice %arg3[%dma_start3A_1357, %mul3A_1320, %mul3A_1346] : memref<9x32x20000xf32, #tpu.memory_space<hbm>> -> memref<1x16x256xf32, #tpu.memory_space<hbm>>
    %dma_start3A_1359 = tpu.memref_squeeze %dma_start3A_1358 : memref<1x16x256xf32, #tpu.memory_space<hbm>> -> memref<16x256xf32, #tpu.memory_space<hbm>>
    %dma_start3A_1360 = tpu.memref_slice %arg3[%dma_start3A_1357, %mul3A_1320, %mul3A_1346] : memref<9x32x20000xf32, #tpu.memory_space<hbm>> -> memref<1x16x256xf32, #tpu.memory_space<hbm>>
    %dma_start3A_1361 = tpu.memref_squeeze %dma_start3A_1360 : memref<1x16x256xf32, #tpu.memory_space<hbm>> -> memref<16x256xf32, #tpu.memory_space<hbm>>
    tpu.enqueue_dma source(%arg11 : memref<16x256xf32, #tpu.memory_space<vmem>>) target(%dma_start3A_1361 : memref<16x256xf32, #tpu.memory_space<hbm>>) target_semaphore(%arg34 : memref<!tpu.dma_semaphore, #tpu.memory_space<semaphore_mem>>)
    %dma_start3A_1362 = arith.constant 7 : i32
    %dma_start3A_1363 = tpu.memref_slice %arg3[%dma_start3A_1362, %mul3A_1320, %mul3A_1346] : memref<9x32x20000xf32, #tpu.memory_space<hbm>> -> memref<1x16x256xf32, #tpu.memory_space<hbm>>
    %dma_start3A_1364 = tpu.memref_squeeze %dma_start3A_1363 : memref<1x16x256xf32, #tpu.memory_space<hbm>> -> memref<16x256xf32, #tpu.memory_space<hbm>>
    %dma_start3A_1365 = tpu.memref_slice %arg3[%dma_start3A_1362, %mul3A_1320, %mul3A_1346] : memref<9x32x20000xf32, #tpu.memory_space<hbm>> -> memref<1x16x256xf32, #tpu.memory_space<hbm>>
    %dma_start3A_1366 = tpu.memref_squeeze %dma_start3A_1365 : memref<1x16x256xf32, #tpu.memory_space<hbm>> -> memref<16x256xf32, #tpu.memory_space<hbm>>
    tpu.enqueue_dma source(%arg12 : memref<16x256xf32, #tpu.memory_space<vmem>>) target(%dma_start3A_1366 : memref<16x256xf32, #tpu.memory_space<hbm>>) target_semaphore(%arg34 : memref<!tpu.dma_semaphore, #tpu.memory_space<semaphore_mem>>)
    %dma_start3A_1367 = arith.constant 8 : i32
    %dma_start3A_1368 = tpu.memref_slice %arg3[%dma_start3A_1367, %mul3A_1320, %mul3A_1346] : memref<9x32x20000xf32, #tpu.memory_space<hbm>> -> memref<1x16x256xf32, #tpu.memory_space<hbm>>
    %dma_start3A_1369 = tpu.memref_squeeze %dma_start3A_1368 : memref<1x16x256xf32, #tpu.memory_space<hbm>> -> memref<16x256xf32, #tpu.memory_space<hbm>>
    %dma_start3A_1370 = tpu.memref_slice %arg3[%dma_start3A_1367, %mul3A_1320, %mul3A_1346] : memref<9x32x20000xf32, #tpu.memory_space<hbm>> -> memref<1x16x256xf32, #tpu.memory_space<hbm>>
    %dma_start3A_1371 = tpu.memref_squeeze %dma_start3A_1370 : memref<1x16x256xf32, #tpu.memory_space<hbm>> -> memref<16x256xf32, #tpu.memory_space<hbm>>
    tpu.enqueue_dma source(%arg8 : memref<16x256xf32, #tpu.memory_space<vmem>>) target(%dma_start3A_1371 : memref<16x256xf32, #tpu.memory_space<hbm>>) target_semaphore(%arg34 : memref<!tpu.dma_semaphore, #tpu.memory_space<semaphore_mem>>)
    %dma_wait3A_1372 = arith.constant 0 : i32
    %dma_wait3A_1373 = tpu.memref_slice %arg2[%dma_wait3A_1372, %mul3A_1249, %mul3A_1275] : memref<10x32x20000xf32, #tpu.memory_space<hbm>> -> memref<1x16x256xf32, #tpu.memory_space<hbm>>
    %dma_wait3A_1374 = tpu.memref_squeeze %dma_wait3A_1373 : memref<1x16x256xf32, #tpu.memory_space<hbm>> -> memref<16x256xf32, #tpu.memory_space<hbm>>
    %dma_wait3A_1375 = tpu.memref_slice %arg2[%dma_wait3A_1372, %mul3A_1249, %mul3A_1275] : memref<10x32x20000xf32, #tpu.memory_space<hbm>> -> memref<1x16x256xf32, #tpu.memory_space<hbm>>
    %dma_wait3A_1376 = tpu.memref_squeeze %dma_wait3A_1375 : memref<1x16x256xf32, #tpu.memory_space<hbm>> -> memref<16x256xf32, #tpu.memory_space<hbm>>
    tpu.wait_dma2 semaphore(%arg31 : memref<!tpu.dma_semaphore, #tpu.memory_space<semaphore_mem>>) src(%dma_wait3A_1376 : memref<16x256xf32, #tpu.memory_space<hbm>>) dst(%arg4 : memref<16x256xf32, #tpu.memory_space<vmem>>)
    %dma_wait3A_1377 = arith.constant 1 : i32
    %dma_wait3A_1378 = tpu.memref_slice %arg2[%dma_wait3A_1377, %mul3A_1249, %mul3A_1275] : memref<10x32x20000xf32, #tpu.memory_space<hbm>> -> memref<1x16x256xf32, #tpu.memory_space<hbm>>
    %dma_wait3A_1379 = tpu.memref_squeeze %dma_wait3A_1378 : memref<1x16x256xf32, #tpu.memory_space<hbm>> -> memref<16x256xf32, #tpu.memory_space<hbm>>
    %dma_wait3A_1380 = tpu.memref_slice %arg2[%dma_wait3A_1377, %mul3A_1249, %mul3A_1275] : memref<10x32x20000xf32, #tpu.memory_space<hbm>> -> memref<1x16x256xf32, #tpu.memory_space<hbm>>
    %dma_wait3A_1381 = tpu.memref_squeeze %dma_wait3A_1380 : memref<1x16x256xf32, #tpu.memory_space<hbm>> -> memref<16x256xf32, #tpu.memory_space<hbm>>
    tpu.wait_dma2 semaphore(%arg31 : memref<!tpu.dma_semaphore, #tpu.memory_space<semaphore_mem>>) src(%dma_wait3A_1381 : memref<16x256xf32, #tpu.memory_space<hbm>>) dst(%arg5 : memref<16x256xf32, #tpu.memory_space<vmem>>)
    %dma_wait3A_1382 = arith.constant 2 : i32
    %dma_wait3A_1383 = tpu.memref_slice %arg2[%dma_wait3A_1382, %mul3A_1249, %mul3A_1275] : memref<10x32x20000xf32, #tpu.memory_space<hbm>> -> memref<1x16x256xf32, #tpu.memory_space<hbm>>
    %dma_wait3A_1384 = tpu.memref_squeeze %dma_wait3A_1383 : memref<1x16x256xf32, #tpu.memory_space<hbm>> -> memref<16x256xf32, #tpu.memory_space<hbm>>
    %dma_wait3A_1385 = tpu.memref_slice %arg2[%dma_wait3A_1382, %mul3A_1249, %mul3A_1275] : memref<10x32x20000xf32, #tpu.memory_space<hbm>> -> memref<1x16x256xf32, #tpu.memory_space<hbm>>
    %dma_wait3A_1386 = tpu.memref_squeeze %dma_wait3A_1385 : memref<1x16x256xf32, #tpu.memory_space<hbm>> -> memref<16x256xf32, #tpu.memory_space<hbm>>
    tpu.wait_dma2 semaphore(%arg31 : memref<!tpu.dma_semaphore, #tpu.memory_space<semaphore_mem>>) src(%dma_wait3A_1386 : memref<16x256xf32, #tpu.memory_space<hbm>>) dst(%arg6 : memref<16x256xf32, #tpu.memory_space<vmem>>)
    %dma_wait3A_1387 = arith.constant 3 : i32
    %dma_wait3A_1388 = tpu.memref_slice %arg2[%dma_wait3A_1387, %mul3A_1249, %mul3A_1275] : memref<10x32x20000xf32, #tpu.memory_space<hbm>> -> memref<1x16x256xf32, #tpu.memory_space<hbm>>
    %dma_wait3A_1389 = tpu.memref_squeeze %dma_wait3A_1388 : memref<1x16x256xf32, #tpu.memory_space<hbm>> -> memref<16x256xf32, #tpu.memory_space<hbm>>
    %dma_wait3A_1390 = tpu.memref_slice %arg2[%dma_wait3A_1387, %mul3A_1249, %mul3A_1275] : memref<10x32x20000xf32, #tpu.memory_space<hbm>> -> memref<1x16x256xf32, #tpu.memory_space<hbm>>
    %dma_wait3A_1391 = tpu.memref_squeeze %dma_wait3A_1390 : memref<1x16x256xf32, #tpu.memory_space<hbm>> -> memref<16x256xf32, #tpu.memory_space<hbm>>
    tpu.wait_dma2 semaphore(%arg31 : memref<!tpu.dma_semaphore, #tpu.memory_space<semaphore_mem>>) src(%dma_wait3A_1391 : memref<16x256xf32, #tpu.memory_space<hbm>>) dst(%arg7 : memref<16x256xf32, #tpu.memory_space<vmem>>)
    %parallel_loop3A_1392 = arith.constant 0 : i32
    %parallel_loop3A_1393 = arith.constant 256 : i32
    %parallel_loop3A_1394 = arith.constant 1 : i32
    scf.for %parallel_loop3A_1653 = %parallel_loop3A_1392 to %parallel_loop3A_1393 step %parallel_loop3A_1394  : i32 {
      %parallel_loop3A_1654 = arith.constant 16 : i32
      %parallel_loop3A_1655 = arith.divsi %parallel_loop3A_1653, %parallel_loop3A_1654 : i32
      %parallel_loop3A_1656 = arith.constant 0 : i32
      %parallel_loop3A_1657 = arith.cmpi sgt, %parallel_loop3A_1653, %parallel_loop3A_1656 : i32
      %parallel_loop3A_1658 = arith.extui %parallel_loop3A_1657 : i1 to i32
      %parallel_loop3A_1659 = arith.constant 0 : i32
      %parallel_loop3A_1660 = arith.cmpi slt, %parallel_loop3A_1653, %parallel_loop3A_1659 : i32
      %parallel_loop3A_1661 = arith.extui %parallel_loop3A_1660 : i1 to i32
      %parallel_loop3A_1662 = arith.subi %parallel_loop3A_1658, %parallel_loop3A_1661 : i32
      %parallel_loop3A_1663 = arith.constant 0 : i32
      %parallel_loop3A_1664 = arith.cmpi sgt, %parallel_loop3A_1654, %parallel_loop3A_1663 : i32
      %parallel_loop3A_1665 = arith.extui %parallel_loop3A_1664 : i1 to i32
      %parallel_loop3A_1666 = arith.constant 0 : i32
      %parallel_loop3A_1667 = arith.cmpi slt, %parallel_loop3A_1654, %parallel_loop3A_1666 : i32
      %parallel_loop3A_1668 = arith.extui %parallel_loop3A_1667 : i1 to i32
      %parallel_loop3A_1669 = arith.subi %parallel_loop3A_1665, %parallel_loop3A_1668 : i32
      %parallel_loop3A_1670 = arith.cmpi ne, %parallel_loop3A_1662, %parallel_loop3A_1669 : i32
      %parallel_loop3A_1671 = arith.remsi %parallel_loop3A_1653, %parallel_loop3A_1654 : i32
      %parallel_loop3A_1672 = arith.constant 0 : i32
      %parallel_loop3A_1673 = arith.cmpi ne, %parallel_loop3A_1671, %parallel_loop3A_1672 : i32
      %parallel_loop3A_1674 = arith.andi %parallel_loop3A_1670, %parallel_loop3A_1673 : i1
      %parallel_loop3A_1675 = arith.constant 1 : i32
      %parallel_loop3A_1676 = arith.subi %parallel_loop3A_1655, %parallel_loop3A_1675 : i32
      %parallel_loop3A_1677 = arith.select %parallel_loop3A_1674, %parallel_loop3A_1676, %parallel_loop3A_1655 : i32
      %parallel_loop3A_1678 = arith.constant 16 : i32
      %parallel_loop3A_1679 = arith.constant 0 : i32
      %parallel_loop3A_1680 = arith.cmpi eq, %parallel_loop3A_1678, %parallel_loop3A_1679 : i32
      %parallel_loop3A_1681 = arith.constant 1 : i32
      %parallel_loop3A_1682 = arith.select %parallel_loop3A_1680, %parallel_loop3A_1681, %parallel_loop3A_1678 : i32
      %parallel_loop3A_1683 = arith.remsi %parallel_loop3A_1653, %parallel_loop3A_1682 : i32
      %parallel_loop3A_1684 = arith.constant 0 : i32
      %parallel_loop3A_1685 = arith.cmpi ne, %parallel_loop3A_1683, %parallel_loop3A_1684 : i32
      %parallel_loop3A_1686 = arith.constant 0 : i32
      %parallel_loop3A_1687 = arith.cmpi slt, %parallel_loop3A_1683, %parallel_loop3A_1686 : i32
      %parallel_loop3A_1688 = arith.constant 0 : i32
      %parallel_loop3A_1689 = arith.cmpi slt, %parallel_loop3A_1682, %parallel_loop3A_1688 : i32
      %parallel_loop3A_1690 = arith.xori %parallel_loop3A_1687, %parallel_loop3A_1689 : i1
      %parallel_loop3A_1691 = arith.andi %parallel_loop3A_1690, %parallel_loop3A_1685 : i1
      %parallel_loop3A_1692 = arith.addi %parallel_loop3A_1683, %parallel_loop3A_1682 : i32
      %parallel_loop3A_1693 = arith.select %parallel_loop3A_1691, %parallel_loop3A_1692, %parallel_loop3A_1683 : i32
      %parallel_loop3A_1694 = arith.constant 16 : i32
      %parallel_loop3A_1695 = arith.muli %parallel_loop3A_1693, %parallel_loop3A_1694 : i32
      %parallel_loop3A_1696 = arith.index_cast %parallel_loop3A_1677 : i32 to index
      %parallel_loop3A_1697 = arith.index_cast %parallel_loop3A_1695 : i32 to index
      %parallel_loop3A_1698 = tpu.vector_load %arg4[%parallel_loop3A_1696, %parallel_loop3A_1697] {strides = array<i32>} : memref<16x256xf32, #tpu.memory_space<vmem>>, vector<16xf32>,
      %parallel_loop3A_1699 = arith.index_cast %parallel_loop3A_1677 : i32 to index
      %parallel_loop3A_1700 = arith.index_cast %parallel_loop3A_1695 : i32 to index
      %parallel_loop3A_1701 = tpu.vector_load %arg5[%parallel_loop3A_1699, %parallel_loop3A_1700] {strides = array<i32>} : memref<16x256xf32, #tpu.memory_space<vmem>>, vector<16xf32>,
      %parallel_loop3A_1702 = arith.index_cast %parallel_loop3A_1677 : i32 to index
      %parallel_loop3A_1703 = arith.index_cast %parallel_loop3A_1695 : i32 to index
      %parallel_loop3A_1704 = tpu.vector_load %arg6[%parallel_loop3A_1702, %parallel_loop3A_1703] {strides = array<i32>} : memref<16x256xf32, #tpu.memory_space<vmem>>, vector<16xf32>,
      %parallel_loop3A_1705 = arith.index_cast %parallel_loop3A_1677 : i32 to index
      %parallel_loop3A_1706 = arith.index_cast %parallel_loop3A_1695 : i32 to index
      %parallel_loop3A_1707 = tpu.vector_load %arg7[%parallel_loop3A_1705, %parallel_loop3A_1706] {strides = array<i32>} : memref<16x256xf32, #tpu.memory_space<vmem>>, vector<16xf32>,
      %parallel_loop3A_1708 = arith.subf %parallel_loop3A_1704, %parallel_loop3A_1698 : vector<16xf32>
      %parallel_loop3A_1709 = arith.constant 1.562500e-03 : f32
      %parallel_loop3A_1710 = vector.broadcast %parallel_loop3A_1709 : f32 to vector<16xf32>
      %parallel_loop3A_1711 = arith.mulf %parallel_loop3A_1708, %parallel_loop3A_1710 : vector<16xf32>
      %parallel_loop3A_1712 = arith.index_cast %parallel_loop3A_1677 : i32 to index
      %parallel_loop3A_1713 = arith.index_cast %parallel_loop3A_1695 : i32 to index
      %parallel_loop3A_1714 = tpu.vector_load %arg6[%parallel_loop3A_1712, %parallel_loop3A_1713] {strides = array<i32>} : memref<16x256xf32, #tpu.memory_space<vmem>>, vector<16xf32>,
      tpu.vector_store %arg6[%parallel_loop3A_1712, %parallel_loop3A_1713], %parallel_loop3A_1711 {strides = array<i32>} : memref<16x256xf32, #tpu.memory_space<vmem>>, vector<16xf32>,
      %parallel_loop3A_1715 = arith.subf %parallel_loop3A_1707, %parallel_loop3A_1701 : vector<16xf32>
      %parallel_loop3A_1716 = arith.constant 1.562500e-03 : f32
      %parallel_loop3A_1717 = vector.broadcast %parallel_loop3A_1716 : f32 to vector<16xf32>
      %parallel_loop3A_1718 = arith.mulf %parallel_loop3A_1715, %parallel_loop3A_1717 : vector<16xf32>
      %parallel_loop3A_1719 = arith.index_cast %parallel_loop3A_1677 : i32 to index
      %parallel_loop3A_1720 = arith.index_cast %parallel_loop3A_1695 : i32 to index
      %parallel_loop3A_1721 = tpu.vector_load %arg7[%parallel_loop3A_1719, %parallel_loop3A_1720] {strides = array<i32>} : memref<16x256xf32, #tpu.memory_space<vmem>>, vector<16xf32>,
      tpu.vector_store %arg7[%parallel_loop3A_1719, %parallel_loop3A_1720], %parallel_loop3A_1718 {strides = array<i32>} : memref<16x256xf32, #tpu.memory_space<vmem>>, vector<16xf32>,
      %parallel_loop3A_1722 = arith.constant 1.562500e-03 : f32
      %parallel_loop3A_1723 = vector.broadcast %parallel_loop3A_1722 : f32 to vector<16xf32>
      %parallel_loop3A_1724 = arith.mulf %parallel_loop3A_1698, %parallel_loop3A_1723 : vector<16xf32>
      %parallel_loop3A_1725 = arith.index_cast %parallel_loop3A_1677 : i32 to index
      %parallel_loop3A_1726 = arith.index_cast %parallel_loop3A_1695 : i32 to index
      %parallel_loop3A_1727 = tpu.vector_load %arg4[%parallel_loop3A_1725, %parallel_loop3A_1726] {strides = array<i32>} : memref<16x256xf32, #tpu.memory_space<vmem>>, vector<16xf32>,
      tpu.vector_store %arg4[%parallel_loop3A_1725, %parallel_loop3A_1726], %parallel_loop3A_1724 {strides = array<i32>} : memref<16x256xf32, #tpu.memory_space<vmem>>, vector<16xf32>,
      %parallel_loop3A_1728 = arith.constant 1.562500e-03 : f32
      %parallel_loop3A_1729 = vector.broadcast %parallel_loop3A_1728 : f32 to vector<16xf32>
      %parallel_loop3A_1730 = arith.mulf %parallel_loop3A_1701, %parallel_loop3A_1729 : vector<16xf32>
      %parallel_loop3A_1731 = arith.index_cast %parallel_loop3A_1677 : i32 to index
      %parallel_loop3A_1732 = arith.index_cast %parallel_loop3A_1695 : i32 to index
      %parallel_loop3A_1733 = tpu.vector_load %arg5[%parallel_loop3A_1731, %parallel_loop3A_1732] {strides = array<i32>} : memref<16x256xf32, #tpu.memory_space<vmem>>, vector<16xf32>,
      tpu.vector_store %arg5[%parallel_loop3A_1731, %parallel_loop3A_1732], %parallel_loop3A_1730 {strides = array<i32>} : memref<16x256xf32, #tpu.memory_space<vmem>>, vector<16xf32>,
    } {sc.loop_unroll_factor = 4 : i64, sc.parallel_access}
    %add3A_1395 = arith.constant 96 : i32
    %add3A_1396 = arith.addi %add3A, %add3A_1395 : i32
    %jit3A_1397 = arith.constant 2 : i32
    %eq3A_1398 = arith.constant 0 : i32
    %eq3A_1399 = arith.cmpi eq, %jit3A_1397, %eq3A_1398 : i32
    %jit3A_1400 = arith.constant 1 : i32
    %select_n3A_1401 = arith.select %eq3A_1399, %jit3A_1400, %jit3A_1397 : i32
    %rem3A_1402 = arith.remsi %add3A_1396, %select_n3A_1401 : i32
    %ne3A_1403 = arith.constant 0 : i32
    %ne3A_1404 = arith.cmpi ne, %rem3A_1402, %ne3A_1403 : i32
    %lt3A_1405 = arith.constant 0 : i32
    %lt3A_1406 = arith.cmpi slt, %rem3A_1402, %lt3A_1405 : i32
    %lt3A_1407 = arith.constant 0 : i32
    %lt3A_1408 = arith.cmpi slt, %select_n3A_1401, %lt3A_1407 : i32
    %ne3A_1409 = arith.xori %lt3A_1406, %lt3A_1408 : i1
    %and3A_1410 = arith.andi %ne3A_1409, %ne3A_1404 : i1
    %add3A_1411 = arith.addi %rem3A_1402, %select_n3A_1401 : i32
    %select_n3A_1412 = arith.select %and3A_1410, %add3A_1411, %rem3A_1402 : i32
    %mul3A_1413 = arith.constant 16 : i32
    %mul3A_1414 = arith.muli %select_n3A_1412, %mul3A_1413 : i32
    %jit3A_1415 = arith.constant 2 : i32
    %div3A_1416 = arith.divsi %add3A_1396, %jit3A_1415 : i32
    %sign3A_1417 = arith.constant 0 : i32
    %sign3A_1418 = arith.cmpi sgt, %add3A_1396, %sign3A_1417 : i32
    %sign3A_1419 = arith.extui %sign3A_1418 : i1 to i32
    %sign3A_1420 = arith.constant 0 : i32
    %sign3A_1421 = arith.cmpi slt, %add3A_1396, %sign3A_1420 : i32
    %sign3A_1422 = arith.extui %sign3A_1421 : i1 to i32
    %sign3A_1423 = arith.subi %sign3A_1419, %sign3A_1422 : i32
    %sign3A_1424 = arith.constant 0 : i32
    %sign3A_1425 = arith.cmpi sgt, %jit3A_1415, %sign3A_1424 : i32
    %sign3A_1426 = arith.extui %sign3A_1425 : i1 to i32
    %sign3A_1427 = arith.constant 0 : i32
    %sign3A_1428 = arith.cmpi slt, %jit3A_1415, %sign3A_1427 : i32
    %sign3A_1429 = arith.extui %sign3A_1428 : i1 to i32
    %sign3A_1430 = arith.subi %sign3A_1426, %sign3A_1429 : i32
    %ne3A_1431 = arith.cmpi ne, %sign3A_1423, %sign3A_1430 : i32
    %rem3A_1432 = arith.remsi %add3A_1396, %jit3A_1415 : i32
    %ne3A_1433 = arith.constant 0 : i32
    %ne3A_1434 = arith.cmpi ne, %rem3A_1432, %ne3A_1433 : i32
    %and3A_1435 = arith.andi %ne3A_1431, %ne3A_1434 : i1
    %sub3A_1436 = arith.constant 1 : i32
    %sub3A_1437 = arith.subi %div3A_1416, %sub3A_1436 : i32
    %select_n3A_1438 = arith.select %and3A_1435, %sub3A_1437, %div3A_1416 : i32
    %mul3A_1439 = arith.constant 256 : i32
    %mul3A_1440 = arith.muli %select_n3A_1438, %mul3A_1439 : i32
    %dma_start3A_1441 = arith.constant 0 : i32
    %dma_start3A_1442 = tpu.memref_slice %arg3[%dma_start3A_1441, %mul3A_1414, %mul3A_1440] : memref<9x32x20000xf32, #tpu.memory_space<hbm>> -> memref<1x16x256xf32, #tpu.memory_space<hbm>>
    %dma_start3A_1443 = tpu.memref_squeeze %dma_start3A_1442 : memref<1x16x256xf32, #tpu.memory_space<hbm>> -> memref<16x256xf32, #tpu.memory_space<hbm>>
    %dma_start3A_1444 = tpu.memref_slice %arg3[%dma_start3A_1441, %mul3A_1414, %mul3A_1440] : memref<9x32x20000xf32, #tpu.memory_space<hbm>> -> memref<1x16x256xf32, #tpu.memory_space<hbm>>
    %dma_start3A_1445 = tpu.memref_squeeze %dma_start3A_1444 : memref<1x16x256xf32, #tpu.memory_space<hbm>> -> memref<16x256xf32, #tpu.memory_space<hbm>>
    tpu.enqueue_dma source(%arg4 : memref<16x256xf32, #tpu.memory_space<vmem>>) target(%dma_start3A_1445 : memref<16x256xf32, #tpu.memory_space<hbm>>) target_semaphore(%arg34 : memref<!tpu.dma_semaphore, #tpu.memory_space<semaphore_mem>>)
    %dma_start3A_1446 = arith.constant 1 : i32
    %dma_start3A_1447 = tpu.memref_slice %arg3[%dma_start3A_1446, %mul3A_1414, %mul3A_1440] : memref<9x32x20000xf32, #tpu.memory_space<hbm>> -> memref<1x16x256xf32, #tpu.memory_space<hbm>>
    %dma_start3A_1448 = tpu.memref_squeeze %dma_start3A_1447 : memref<1x16x256xf32, #tpu.memory_space<hbm>> -> memref<16x256xf32, #tpu.memory_space<hbm>>
    %dma_start3A_1449 = tpu.memref_slice %arg3[%dma_start3A_1446, %mul3A_1414, %mul3A_1440] : memref<9x32x20000xf32, #tpu.memory_space<hbm>> -> memref<1x16x256xf32, #tpu.memory_space<hbm>>
    %dma_start3A_1450 = tpu.memref_squeeze %dma_start3A_1449 : memref<1x16x256xf32, #tpu.memory_space<hbm>> -> memref<16x256xf32, #tpu.memory_space<hbm>>
    tpu.enqueue_dma source(%arg5 : memref<16x256xf32, #tpu.memory_space<vmem>>) target(%dma_start3A_1450 : memref<16x256xf32, #tpu.memory_space<hbm>>) target_semaphore(%arg34 : memref<!tpu.dma_semaphore, #tpu.memory_space<semaphore_mem>>)
    %dma_start3A_1451 = arith.constant 2 : i32
    %dma_start3A_1452 = tpu.memref_slice %arg3[%dma_start3A_1451, %mul3A_1414, %mul3A_1440] : memref<9x32x20000xf32, #tpu.memory_space<hbm>> -> memref<1x16x256xf32, #tpu.memory_space<hbm>>
    %dma_start3A_1453 = tpu.memref_squeeze %dma_start3A_1452 : memref<1x16x256xf32, #tpu.memory_space<hbm>> -> memref<16x256xf32, #tpu.memory_space<hbm>>
    %dma_start3A_1454 = tpu.memref_slice %arg3[%dma_start3A_1451, %mul3A_1414, %mul3A_1440] : memref<9x32x20000xf32, #tpu.memory_space<hbm>> -> memref<1x16x256xf32, #tpu.memory_space<hbm>>
    %dma_start3A_1455 = tpu.memref_squeeze %dma_start3A_1454 : memref<1x16x256xf32, #tpu.memory_space<hbm>> -> memref<16x256xf32, #tpu.memory_space<hbm>>
    tpu.enqueue_dma source(%arg6 : memref<16x256xf32, #tpu.memory_space<vmem>>) target(%dma_start3A_1455 : memref<16x256xf32, #tpu.memory_space<hbm>>) target_semaphore(%arg34 : memref<!tpu.dma_semaphore, #tpu.memory_space<semaphore_mem>>)
    %dma_start3A_1456 = arith.constant 3 : i32
    %dma_start3A_1457 = tpu.memref_slice %arg3[%dma_start3A_1456, %mul3A_1414, %mul3A_1440] : memref<9x32x20000xf32, #tpu.memory_space<hbm>> -> memref<1x16x256xf32, #tpu.memory_space<hbm>>
    %dma_start3A_1458 = tpu.memref_squeeze %dma_start3A_1457 : memref<1x16x256xf32, #tpu.memory_space<hbm>> -> memref<16x256xf32, #tpu.memory_space<hbm>>
    %dma_start3A_1459 = tpu.memref_slice %arg3[%dma_start3A_1456, %mul3A_1414, %mul3A_1440] : memref<9x32x20000xf32, #tpu.memory_space<hbm>> -> memref<1x16x256xf32, #tpu.memory_space<hbm>>
    %dma_start3A_1460 = tpu.memref_squeeze %dma_start3A_1459 : memref<1x16x256xf32, #tpu.memory_space<hbm>> -> memref<16x256xf32, #tpu.memory_space<hbm>>
    tpu.enqueue_dma source(%arg7 : memref<16x256xf32, #tpu.memory_space<vmem>>) target(%dma_start3A_1460 : memref<16x256xf32, #tpu.memory_space<hbm>>) target_semaphore(%arg34 : memref<!tpu.dma_semaphore, #tpu.memory_space<semaphore_mem>>)
    %lt3A_1461 = arith.constant 28 : i32
    %lt3A_1462 = arith.cmpi slt, %add3A, %lt3A_1461 : i32
    %convert_element_type3A_1463 = arith.extui %lt3A_1462 : i1 to i32
    %cond3A_1464 = arith.constant 0 : i32
    %cond3A_1465 = arith.cmpi ne, %convert_element_type3A_1463, %cond3A_1464 : i32
    scf.if %cond3A_1465 {
      %add3A_1653 = arith.constant 128 : i32
      %add3A_1654 = arith.addi %add3A, %add3A_1653 : i32
      %jit3A_1655 = arith.constant 2 : i32
      %eq3A_1656 = arith.constant 0 : i32
      %eq3A_1657 = arith.cmpi eq, %jit3A_1655, %eq3A_1656 : i32
      %jit3A_1658 = arith.constant 1 : i32
      %select_n3A_1659 = arith.select %eq3A_1657, %jit3A_1658, %jit3A_1655 : i32
      %rem3A_1660 = arith.remsi %add3A_1654, %select_n3A_1659 : i32
      %ne3A_1661 = arith.constant 0 : i32
      %ne3A_1662 = arith.cmpi ne, %rem3A_1660, %ne3A_1661 : i32
      %lt3A_1663 = arith.constant 0 : i32
      %lt3A_1664 = arith.cmpi slt, %rem3A_1660, %lt3A_1663 : i32
      %lt3A_1665 = arith.constant 0 : i32
      %lt3A_1666 = arith.cmpi slt, %select_n3A_1659, %lt3A_1665 : i32
      %ne3A_1667 = arith.xori %lt3A_1664, %lt3A_1666 : i1
      %and3A_1668 = arith.andi %ne3A_1667, %ne3A_1662 : i1
      %add3A_1669 = arith.addi %rem3A_1660, %select_n3A_1659 : i32
      %select_n3A_1670 = arith.select %and3A_1668, %add3A_1669, %rem3A_1660 : i32
      %mul3A_1671 = arith.constant 16 : i32
      %mul3A_1672 = arith.muli %select_n3A_1670, %mul3A_1671 : i32
      %jit3A_1673 = arith.constant 2 : i32
      %div3A_1674 = arith.divsi %add3A_1654, %jit3A_1673 : i32
      %sign3A_1675 = arith.constant 0 : i32
      %sign3A_1676 = arith.cmpi sgt, %add3A_1654, %sign3A_1675 : i32
      %sign3A_1677 = arith.extui %sign3A_1676 : i1 to i32
      %sign3A_1678 = arith.constant 0 : i32
      %sign3A_1679 = arith.cmpi slt, %add3A_1654, %sign3A_1678 : i32
      %sign3A_1680 = arith.extui %sign3A_1679 : i1 to i32
      %sign3A_1681 = arith.subi %sign3A_1677, %sign3A_1680 : i32
      %sign3A_1682 = arith.constant 0 : i32
      %sign3A_1683 = arith.cmpi sgt, %jit3A_1673, %sign3A_1682 : i32
      %sign3A_1684 = arith.extui %sign3A_1683 : i1 to i32
      %sign3A_1685 = arith.constant 0 : i32
      %sign3A_1686 = arith.cmpi slt, %jit3A_1673, %sign3A_1685 : i32
      %sign3A_1687 = arith.extui %sign3A_1686 : i1 to i32
      %sign3A_1688 = arith.subi %sign3A_1684, %sign3A_1687 : i32
      %ne3A_1689 = arith.cmpi ne, %sign3A_1681, %sign3A_1688 : i32
      %rem3A_1690 = arith.remsi %add3A_1654, %jit3A_1673 : i32
      %ne3A_1691 = arith.constant 0 : i32
      %ne3A_1692 = arith.cmpi ne, %rem3A_1690, %ne3A_1691 : i32
      %and3A_1693 = arith.andi %ne3A_1689, %ne3A_1692 : i1
      %sub3A_1694 = arith.constant 1 : i32
      %sub3A_1695 = arith.subi %div3A_1674, %sub3A_1694 : i32
      %select_n3A_1696 = arith.select %and3A_1693, %sub3A_1695, %div3A_1674 : i32
      %mul3A_1697 = arith.constant 256 : i32
      %mul3A_1698 = arith.muli %select_n3A_1696, %mul3A_1697 : i32
      %dma_wait3A_1699 = arith.constant 4 : i32
      %dma_wait3A_1700 = tpu.memref_slice %arg2[%dma_wait3A_1699, %mul3A_1672, %mul3A_1698] : memref<10x32x20000xf32, #tpu.memory_space<hbm>> -> memref<1x16x256xf32, #tpu.memory_space<hbm>>
      %dma_wait3A_1701 = tpu.memref_squeeze %dma_wait3A_1700 : memref<1x16x256xf32, #tpu.memory_space<hbm>> -> memref<16x256xf32, #tpu.memory_space<hbm>>
      %dma_wait3A_1702 = tpu.memref_slice %arg2[%dma_wait3A_1699, %mul3A_1672, %mul3A_1698] : memref<10x32x20000xf32, #tpu.memory_space<hbm>> -> memref<1x16x256xf32, #tpu.memory_space<hbm>>
      %dma_wait3A_1703 = tpu.memref_squeeze %dma_wait3A_1702 : memref<1x16x256xf32, #tpu.memory_space<hbm>> -> memref<16x256xf32, #tpu.memory_space<hbm>>
      tpu.wait_dma2 semaphore(%arg32 : memref<!tpu.dma_semaphore, #tpu.memory_space<semaphore_mem>>) src(%dma_wait3A_1703 : memref<16x256xf32, #tpu.memory_space<hbm>>) dst(%arg17 : memref<16x256xf32, #tpu.memory_space<vmem>>)
      %dma_wait3A_1704 = arith.constant 6 : i32
      %dma_wait3A_1705 = tpu.memref_slice %arg2[%dma_wait3A_1704, %mul3A_1672, %mul3A_1698] : memref<10x32x20000xf32, #tpu.memory_space<hbm>> -> memref<1x16x256xf32, #tpu.memory_space<hbm>>
      %dma_wait3A_1706 = tpu.memref_squeeze %dma_wait3A_1705 : memref<1x16x256xf32, #tpu.memory_space<hbm>> -> memref<16x256xf32, #tpu.memory_space<hbm>>
      %dma_wait3A_1707 = tpu.memref_slice %arg2[%dma_wait3A_1704, %mul3A_1672, %mul3A_1698] : memref<10x32x20000xf32, #tpu.memory_space<hbm>> -> memref<1x16x256xf32, #tpu.memory_space<hbm>>
      %dma_wait3A_1708 = tpu.memref_squeeze %dma_wait3A_1707 : memref<1x16x256xf32, #tpu.memory_space<hbm>> -> memref<16x256xf32, #tpu.memory_space<hbm>>
      tpu.wait_dma2 semaphore(%arg32 : memref<!tpu.dma_semaphore, #tpu.memory_space<semaphore_mem>>) src(%dma_wait3A_1708 : memref<16x256xf32, #tpu.memory_space<hbm>>) dst(%arg18 : memref<16x256xf32, #tpu.memory_space<vmem>>)
      %dma_wait3A_1709 = arith.constant 7 : i32
      %dma_wait3A_1710 = tpu.memref_slice %arg2[%dma_wait3A_1709, %mul3A_1672, %mul3A_1698] : memref<10x32x20000xf32, #tpu.memory_space<hbm>> -> memref<1x16x256xf32, #tpu.memory_space<hbm>>
      %dma_wait3A_1711 = tpu.memref_squeeze %dma_wait3A_1710 : memref<1x16x256xf32, #tpu.memory_space<hbm>> -> memref<16x256xf32, #tpu.memory_space<hbm>>
      %dma_wait3A_1712 = tpu.memref_slice %arg2[%dma_wait3A_1709, %mul3A_1672, %mul3A_1698] : memref<10x32x20000xf32, #tpu.memory_space<hbm>> -> memref<1x16x256xf32, #tpu.memory_space<hbm>>
      %dma_wait3A_1713 = tpu.memref_squeeze %dma_wait3A_1712 : memref<1x16x256xf32, #tpu.memory_space<hbm>> -> memref<16x256xf32, #tpu.memory_space<hbm>>
      tpu.wait_dma2 semaphore(%arg32 : memref<!tpu.dma_semaphore, #tpu.memory_space<semaphore_mem>>) src(%dma_wait3A_1713 : memref<16x256xf32, #tpu.memory_space<hbm>>) dst(%arg19 : memref<16x256xf32, #tpu.memory_space<vmem>>)
      %dma_wait3A_1714 = arith.constant 8 : i32
      %dma_wait3A_1715 = tpu.memref_slice %arg2[%dma_wait3A_1714, %mul3A_1672, %mul3A_1698] : memref<10x32x20000xf32, #tpu.memory_space<hbm>> -> memref<1x16x256xf32, #tpu.memory_space<hbm>>
      %dma_wait3A_1716 = tpu.memref_squeeze %dma_wait3A_1715 : memref<1x16x256xf32, #tpu.memory_space<hbm>> -> memref<16x256xf32, #tpu.memory_space<hbm>>
      %dma_wait3A_1717 = tpu.memref_slice %arg2[%dma_wait3A_1714, %mul3A_1672, %mul3A_1698] : memref<10x32x20000xf32, #tpu.memory_space<hbm>> -> memref<1x16x256xf32, #tpu.memory_space<hbm>>
      %dma_wait3A_1718 = tpu.memref_squeeze %dma_wait3A_1717 : memref<1x16x256xf32, #tpu.memory_space<hbm>> -> memref<16x256xf32, #tpu.memory_space<hbm>>
      tpu.wait_dma2 semaphore(%arg32 : memref<!tpu.dma_semaphore, #tpu.memory_space<semaphore_mem>>) src(%dma_wait3A_1718 : memref<16x256xf32, #tpu.memory_space<hbm>>) dst(%arg20 : memref<16x256xf32, #tpu.memory_space<vmem>>)
      %dma_wait3A_1719 = arith.constant 9 : i32
      %dma_wait3A_1720 = tpu.memref_slice %arg2[%dma_wait3A_1719, %mul3A_1672, %mul3A_1698] : memref<10x32x20000xf32, #tpu.memory_space<hbm>> -> memref<1x16x256xf32, #tpu.memory_space<hbm>>
      %dma_wait3A_1721 = tpu.memref_squeeze %dma_wait3A_1720 : memref<1x16x256xf32, #tpu.memory_space<hbm>> -> memref<16x256xf32, #tpu.memory_space<hbm>>
      %dma_wait3A_1722 = tpu.memref_slice %arg2[%dma_wait3A_1719, %mul3A_1672, %mul3A_1698] : memref<10x32x20000xf32, #tpu.memory_space<hbm>> -> memref<1x16x256xf32, #tpu.memory_space<hbm>>
      %dma_wait3A_1723 = tpu.memref_squeeze %dma_wait3A_1722 : memref<1x16x256xf32, #tpu.memory_space<hbm>> -> memref<16x256xf32, #tpu.memory_space<hbm>>
      tpu.wait_dma2 semaphore(%arg32 : memref<!tpu.dma_semaphore, #tpu.memory_space<semaphore_mem>>) src(%dma_wait3A_1723 : memref<16x256xf32, #tpu.memory_space<hbm>>) dst(%arg21 : memref<16x256xf32, #tpu.memory_space<vmem>>)
      %add3A_1724 = arith.constant 128 : i32
      %add3A_1725 = arith.addi %add3A, %add3A_1724 : i32
      %jit3A_1726 = arith.constant 2 : i32
      %eq3A_1727 = arith.constant 0 : i32
      %eq3A_1728 = arith.cmpi eq, %jit3A_1726, %eq3A_1727 : i32
      %jit3A_1729 = arith.constant 1 : i32
      %select_n3A_1730 = arith.select %eq3A_1728, %jit3A_1729, %jit3A_1726 : i32
      %rem3A_1731 = arith.remsi %add3A_1725, %select_n3A_1730 : i32
      %ne3A_1732 = arith.constant 0 : i32
      %ne3A_1733 = arith.cmpi ne, %rem3A_1731, %ne3A_1732 : i32
      %lt3A_1734 = arith.constant 0 : i32
      %lt3A_1735 = arith.cmpi slt, %rem3A_1731, %lt3A_1734 : i32
      %lt3A_1736 = arith.constant 0 : i32
      %lt3A_1737 = arith.cmpi slt, %select_n3A_1730, %lt3A_1736 : i32
      %ne3A_1738 = arith.xori %lt3A_1735, %lt3A_1737 : i1
      %and3A_1739 = arith.andi %ne3A_1738, %ne3A_1733 : i1
      %add3A_1740 = arith.addi %rem3A_1731, %select_n3A_1730 : i32
      %select_n3A_1741 = arith.select %and3A_1739, %add3A_1740, %rem3A_1731 : i32
      %mul3A_1742 = arith.constant 16 : i32
      %mul3A_1743 = arith.muli %select_n3A_1741, %mul3A_1742 : i32
      %jit3A_1744 = arith.constant 2 : i32
      %div3A_1745 = arith.divsi %add3A_1725, %jit3A_1744 : i32
      %sign3A_1746 = arith.constant 0 : i32
      %sign3A_1747 = arith.cmpi sgt, %add3A_1725, %sign3A_1746 : i32
      %sign3A_1748 = arith.extui %sign3A_1747 : i1 to i32
      %sign3A_1749 = arith.constant 0 : i32
      %sign3A_1750 = arith.cmpi slt, %add3A_1725, %sign3A_1749 : i32
      %sign3A_1751 = arith.extui %sign3A_1750 : i1 to i32
      %sign3A_1752 = arith.subi %sign3A_1748, %sign3A_1751 : i32
      %sign3A_1753 = arith.constant 0 : i32
      %sign3A_1754 = arith.cmpi sgt, %jit3A_1744, %sign3A_1753 : i32
      %sign3A_1755 = arith.extui %sign3A_1754 : i1 to i32
      %sign3A_1756 = arith.constant 0 : i32
      %sign3A_1757 = arith.cmpi slt, %jit3A_1744, %sign3A_1756 : i32
      %sign3A_1758 = arith.extui %sign3A_1757 : i1 to i32
      %sign3A_1759 = arith.subi %sign3A_1755, %sign3A_1758 : i32
      %ne3A_1760 = arith.cmpi ne, %sign3A_1752, %sign3A_1759 : i32
      %rem3A_1761 = arith.remsi %add3A_1725, %jit3A_1744 : i32
      %ne3A_1762 = arith.constant 0 : i32
      %ne3A_1763 = arith.cmpi ne, %rem3A_1761, %ne3A_1762 : i32
      %and3A_1764 = arith.andi %ne3A_1760, %ne3A_1763 : i1
      %sub3A_1765 = arith.constant 1 : i32
      %sub3A_1766 = arith.subi %div3A_1745, %sub3A_1765 : i32
      %select_n3A_1767 = arith.select %and3A_1764, %sub3A_1766, %div3A_1745 : i32
      %mul3A_1768 = arith.constant 256 : i32
      %mul3A_1769 = arith.muli %select_n3A_1767, %mul3A_1768 : i32
      %dma_start3A_1770 = arith.constant 4 : i32
      %dma_start3A_1771 = tpu.memref_slice %arg3[%dma_start3A_1770, %mul3A_1743, %mul3A_1769] : memref<9x32x20000xf32, #tpu.memory_space<hbm>> -> memref<1x16x256xf32, #tpu.memory_space<hbm>>
      %dma_start3A_1772 = tpu.memref_squeeze %dma_start3A_1771 : memref<1x16x256xf32, #tpu.memory_space<hbm>> -> memref<16x256xf32, #tpu.memory_space<hbm>>
      %dma_start3A_1773 = tpu.memref_slice %arg3[%dma_start3A_1770, %mul3A_1743, %mul3A_1769] : memref<9x32x20000xf32, #tpu.memory_space<hbm>> -> memref<1x16x256xf32, #tpu.memory_space<hbm>>
      %dma_start3A_1774 = tpu.memref_squeeze %dma_start3A_1773 : memref<1x16x256xf32, #tpu.memory_space<hbm>> -> memref<16x256xf32, #tpu.memory_space<hbm>>
      tpu.enqueue_dma source(%arg18 : memref<16x256xf32, #tpu.memory_space<vmem>>) target(%dma_start3A_1774 : memref<16x256xf32, #tpu.memory_space<hbm>>) target_semaphore(%arg35 : memref<!tpu.dma_semaphore, #tpu.memory_space<semaphore_mem>>)
      %dma_start3A_1775 = arith.constant 5 : i32
      %dma_start3A_1776 = tpu.memref_slice %arg3[%dma_start3A_1775, %mul3A_1743, %mul3A_1769] : memref<9x32x20000xf32, #tpu.memory_space<hbm>> -> memref<1x16x256xf32, #tpu.memory_space<hbm>>
      %dma_start3A_1777 = tpu.memref_squeeze %dma_start3A_1776 : memref<1x16x256xf32, #tpu.memory_space<hbm>> -> memref<16x256xf32, #tpu.memory_space<hbm>>
      %dma_start3A_1778 = tpu.memref_slice %arg3[%dma_start3A_1775, %mul3A_1743, %mul3A_1769] : memref<9x32x20000xf32, #tpu.memory_space<hbm>> -> memref<1x16x256xf32, #tpu.memory_space<hbm>>
      %dma_start3A_1779 = tpu.memref_squeeze %dma_start3A_1778 : memref<1x16x256xf32, #tpu.memory_space<hbm>> -> memref<16x256xf32, #tpu.memory_space<hbm>>
      tpu.enqueue_dma source(%arg19 : memref<16x256xf32, #tpu.memory_space<vmem>>) target(%dma_start3A_1779 : memref<16x256xf32, #tpu.memory_space<hbm>>) target_semaphore(%arg35 : memref<!tpu.dma_semaphore, #tpu.memory_space<semaphore_mem>>)
      %dma_start3A_1780 = arith.constant 6 : i32
      %dma_start3A_1781 = tpu.memref_slice %arg3[%dma_start3A_1780, %mul3A_1743, %mul3A_1769] : memref<9x32x20000xf32, #tpu.memory_space<hbm>> -> memref<1x16x256xf32, #tpu.memory_space<hbm>>
      %dma_start3A_1782 = tpu.memref_squeeze %dma_start3A_1781 : memref<1x16x256xf32, #tpu.memory_space<hbm>> -> memref<16x256xf32, #tpu.memory_space<hbm>>
      %dma_start3A_1783 = tpu.memref_slice %arg3[%dma_start3A_1780, %mul3A_1743, %mul3A_1769] : memref<9x32x20000xf32, #tpu.memory_space<hbm>> -> memref<1x16x256xf32, #tpu.memory_space<hbm>>
      %dma_start3A_1784 = tpu.memref_squeeze %dma_start3A_1783 : memref<1x16x256xf32, #tpu.memory_space<hbm>> -> memref<16x256xf32, #tpu.memory_space<hbm>>
      tpu.enqueue_dma source(%arg20 : memref<16x256xf32, #tpu.memory_space<vmem>>) target(%dma_start3A_1784 : memref<16x256xf32, #tpu.memory_space<hbm>>) target_semaphore(%arg35 : memref<!tpu.dma_semaphore, #tpu.memory_space<semaphore_mem>>)
      %dma_start3A_1785 = arith.constant 7 : i32
      %dma_start3A_1786 = tpu.memref_slice %arg3[%dma_start3A_1785, %mul3A_1743, %mul3A_1769] : memref<9x32x20000xf32, #tpu.memory_space<hbm>> -> memref<1x16x256xf32, #tpu.memory_space<hbm>>
      %dma_start3A_1787 = tpu.memref_squeeze %dma_start3A_1786 : memref<1x16x256xf32, #tpu.memory_space<hbm>> -> memref<16x256xf32, #tpu.memory_space<hbm>>
      %dma_start3A_1788 = tpu.memref_slice %arg3[%dma_start3A_1785, %mul3A_1743, %mul3A_1769] : memref<9x32x20000xf32, #tpu.memory_space<hbm>> -> memref<1x16x256xf32, #tpu.memory_space<hbm>>
      %dma_start3A_1789 = tpu.memref_squeeze %dma_start3A_1788 : memref<1x16x256xf32, #tpu.memory_space<hbm>> -> memref<16x256xf32, #tpu.memory_space<hbm>>
      tpu.enqueue_dma source(%arg21 : memref<16x256xf32, #tpu.memory_space<vmem>>) target(%dma_start3A_1789 : memref<16x256xf32, #tpu.memory_space<hbm>>) target_semaphore(%arg35 : memref<!tpu.dma_semaphore, #tpu.memory_space<semaphore_mem>>)
      %dma_start3A_1790 = arith.constant 8 : i32
      %dma_start3A_1791 = tpu.memref_slice %arg3[%dma_start3A_1790, %mul3A_1743, %mul3A_1769] : memref<9x32x20000xf32, #tpu.memory_space<hbm>> -> memref<1x16x256xf32, #tpu.memory_space<hbm>>
      %dma_start3A_1792 = tpu.memref_squeeze %dma_start3A_1791 : memref<1x16x256xf32, #tpu.memory_space<hbm>> -> memref<16x256xf32, #tpu.memory_space<hbm>>
      %dma_start3A_1793 = tpu.memref_slice %arg3[%dma_start3A_1790, %mul3A_1743, %mul3A_1769] : memref<9x32x20000xf32, #tpu.memory_space<hbm>> -> memref<1x16x256xf32, #tpu.memory_space<hbm>>
      %dma_start3A_1794 = tpu.memref_squeeze %dma_start3A_1793 : memref<1x16x256xf32, #tpu.memory_space<hbm>> -> memref<16x256xf32, #tpu.memory_space<hbm>>
      tpu.enqueue_dma source(%arg17 : memref<16x256xf32, #tpu.memory_space<vmem>>) target(%dma_start3A_1794 : memref<16x256xf32, #tpu.memory_space<hbm>>) target_semaphore(%arg35 : memref<!tpu.dma_semaphore, #tpu.memory_space<semaphore_mem>>)
      %dma_wait3A_1795 = arith.constant 0 : i32
      %dma_wait3A_1796 = tpu.memref_slice %arg2[%dma_wait3A_1795, %mul3A_1672, %mul3A_1698] : memref<10x32x20000xf32, #tpu.memory_space<hbm>> -> memref<1x16x256xf32, #tpu.memory_space<hbm>>
      %dma_wait3A_1797 = tpu.memref_squeeze %dma_wait3A_1796 : memref<1x16x256xf32, #tpu.memory_space<hbm>> -> memref<16x256xf32, #tpu.memory_space<hbm>>
      %dma_wait3A_1798 = tpu.memref_slice %arg2[%dma_wait3A_1795, %mul3A_1672, %mul3A_1698] : memref<10x32x20000xf32, #tpu.memory_space<hbm>> -> memref<1x16x256xf32, #tpu.memory_space<hbm>>
      %dma_wait3A_1799 = tpu.memref_squeeze %dma_wait3A_1798 : memref<1x16x256xf32, #tpu.memory_space<hbm>> -> memref<16x256xf32, #tpu.memory_space<hbm>>
      tpu.wait_dma2 semaphore(%arg32 : memref<!tpu.dma_semaphore, #tpu.memory_space<semaphore_mem>>) src(%dma_wait3A_1799 : memref<16x256xf32, #tpu.memory_space<hbm>>) dst(%arg13 : memref<16x256xf32, #tpu.memory_space<vmem>>)
      %dma_wait3A_1800 = arith.constant 1 : i32
      %dma_wait3A_1801 = tpu.memref_slice %arg2[%dma_wait3A_1800, %mul3A_1672, %mul3A_1698] : memref<10x32x20000xf32, #tpu.memory_space<hbm>> -> memref<1x16x256xf32, #tpu.memory_space<hbm>>
      %dma_wait3A_1802 = tpu.memref_squeeze %dma_wait3A_1801 : memref<1x16x256xf32, #tpu.memory_space<hbm>> -> memref<16x256xf32, #tpu.memory_space<hbm>>
      %dma_wait3A_1803 = tpu.memref_slice %arg2[%dma_wait3A_1800, %mul3A_1672, %mul3A_1698] : memref<10x32x20000xf32, #tpu.memory_space<hbm>> -> memref<1x16x256xf32, #tpu.memory_space<hbm>>
      %dma_wait3A_1804 = tpu.memref_squeeze %dma_wait3A_1803 : memref<1x16x256xf32, #tpu.memory_space<hbm>> -> memref<16x256xf32, #tpu.memory_space<hbm>>
      tpu.wait_dma2 semaphore(%arg32 : memref<!tpu.dma_semaphore, #tpu.memory_space<semaphore_mem>>) src(%dma_wait3A_1804 : memref<16x256xf32, #tpu.memory_space<hbm>>) dst(%arg14 : memref<16x256xf32, #tpu.memory_space<vmem>>)
      %dma_wait3A_1805 = arith.constant 2 : i32
      %dma_wait3A_1806 = tpu.memref_slice %arg2[%dma_wait3A_1805, %mul3A_1672, %mul3A_1698] : memref<10x32x20000xf32, #tpu.memory_space<hbm>> -> memref<1x16x256xf32, #tpu.memory_space<hbm>>
      %dma_wait3A_1807 = tpu.memref_squeeze %dma_wait3A_1806 : memref<1x16x256xf32, #tpu.memory_space<hbm>> -> memref<16x256xf32, #tpu.memory_space<hbm>>
      %dma_wait3A_1808 = tpu.memref_slice %arg2[%dma_wait3A_1805, %mul3A_1672, %mul3A_1698] : memref<10x32x20000xf32, #tpu.memory_space<hbm>> -> memref<1x16x256xf32, #tpu.memory_space<hbm>>
      %dma_wait3A_1809 = tpu.memref_squeeze %dma_wait3A_1808 : memref<1x16x256xf32, #tpu.memory_space<hbm>> -> memref<16x256xf32, #tpu.memory_space<hbm>>
      tpu.wait_dma2 semaphore(%arg32 : memref<!tpu.dma_semaphore, #tpu.memory_space<semaphore_mem>>) src(%dma_wait3A_1809 : memref<16x256xf32, #tpu.memory_space<hbm>>) dst(%arg15 : memref<16x256xf32, #tpu.memory_space<vmem>>)
      %dma_wait3A_1810 = arith.constant 3 : i32
      %dma_wait3A_1811 = tpu.memref_slice %arg2[%dma_wait3A_1810, %mul3A_1672, %mul3A_1698] : memref<10x32x20000xf32, #tpu.memory_space<hbm>> -> memref<1x16x256xf32, #tpu.memory_space<hbm>>
      %dma_wait3A_1812 = tpu.memref_squeeze %dma_wait3A_1811 : memref<1x16x256xf32, #tpu.memory_space<hbm>> -> memref<16x256xf32, #tpu.memory_space<hbm>>
      %dma_wait3A_1813 = tpu.memref_slice %arg2[%dma_wait3A_1810, %mul3A_1672, %mul3A_1698] : memref<10x32x20000xf32, #tpu.memory_space<hbm>> -> memref<1x16x256xf32, #tpu.memory_space<hbm>>
      %dma_wait3A_1814 = tpu.memref_squeeze %dma_wait3A_1813 : memref<1x16x256xf32, #tpu.memory_space<hbm>> -> memref<16x256xf32, #tpu.memory_space<hbm>>
      tpu.wait_dma2 semaphore(%arg32 : memref<!tpu.dma_semaphore, #tpu.memory_space<semaphore_mem>>) src(%dma_wait3A_1814 : memref<16x256xf32, #tpu.memory_space<hbm>>) dst(%arg16 : memref<16x256xf32, #tpu.memory_space<vmem>>)
      %parallel_loop3A_1815 = arith.constant 0 : i32
      %parallel_loop3A_1816 = arith.constant 256 : i32
      %parallel_loop3A_1817 = arith.constant 1 : i32
      scf.for %parallel_loop3A_1884 = %parallel_loop3A_1815 to %parallel_loop3A_1816 step %parallel_loop3A_1817  : i32 {
        %parallel_loop3A_1885 = arith.constant 16 : i32
        %parallel_loop3A_1886 = arith.divsi %parallel_loop3A_1884, %parallel_loop3A_1885 : i32
        %parallel_loop3A_1887 = arith.constant 0 : i32
        %parallel_loop3A_1888 = arith.cmpi sgt, %parallel_loop3A_1884, %parallel_loop3A_1887 : i32
        %parallel_loop3A_1889 = arith.extui %parallel_loop3A_1888 : i1 to i32
        %parallel_loop3A_1890 = arith.constant 0 : i32
        %parallel_loop3A_1891 = arith.cmpi slt, %parallel_loop3A_1884, %parallel_loop3A_1890 : i32
        %parallel_loop3A_1892 = arith.extui %parallel_loop3A_1891 : i1 to i32
        %parallel_loop3A_1893 = arith.subi %parallel_loop3A_1889, %parallel_loop3A_1892 : i32
        %parallel_loop3A_1894 = arith.constant 0 : i32
        %parallel_loop3A_1895 = arith.cmpi sgt, %parallel_loop3A_1885, %parallel_loop3A_1894 : i32
        %parallel_loop3A_1896 = arith.extui %parallel_loop3A_1895 : i1 to i32
        %parallel_loop3A_1897 = arith.constant 0 : i32
        %parallel_loop3A_1898 = arith.cmpi slt, %parallel_loop3A_1885, %parallel_loop3A_1897 : i32
        %parallel_loop3A_1899 = arith.extui %parallel_loop3A_1898 : i1 to i32
        %parallel_loop3A_1900 = arith.subi %parallel_loop3A_1896, %parallel_loop3A_1899 : i32
        %parallel_loop3A_1901 = arith.cmpi ne, %parallel_loop3A_1893, %parallel_loop3A_1900 : i32
        %parallel_loop3A_1902 = arith.remsi %parallel_loop3A_1884, %parallel_loop3A_1885 : i32
        %parallel_loop3A_1903 = arith.constant 0 : i32
        %parallel_loop3A_1904 = arith.cmpi ne, %parallel_loop3A_1902, %parallel_loop3A_1903 : i32
        %parallel_loop3A_1905 = arith.andi %parallel_loop3A_1901, %parallel_loop3A_1904 : i1
        %parallel_loop3A_1906 = arith.constant 1 : i32
        %parallel_loop3A_1907 = arith.subi %parallel_loop3A_1886, %parallel_loop3A_1906 : i32
        %parallel_loop3A_1908 = arith.select %parallel_loop3A_1905, %parallel_loop3A_1907, %parallel_loop3A_1886 : i32
        %parallel_loop3A_1909 = arith.constant 16 : i32
        %parallel_loop3A_1910 = arith.constant 0 : i32
        %parallel_loop3A_1911 = arith.cmpi eq, %parallel_loop3A_1909, %parallel_loop3A_1910 : i32
        %parallel_loop3A_1912 = arith.constant 1 : i32
        %parallel_loop3A_1913 = arith.select %parallel_loop3A_1911, %parallel_loop3A_1912, %parallel_loop3A_1909 : i32
        %parallel_loop3A_1914 = arith.remsi %parallel_loop3A_1884, %parallel_loop3A_1913 : i32
        %parallel_loop3A_1915 = arith.constant 0 : i32
        %parallel_loop3A_1916 = arith.cmpi ne, %parallel_loop3A_1914, %parallel_loop3A_1915 : i32
        %parallel_loop3A_1917 = arith.constant 0 : i32
        %parallel_loop3A_1918 = arith.cmpi slt, %parallel_loop3A_1914, %parallel_loop3A_1917 : i32
        %parallel_loop3A_1919 = arith.constant 0 : i32
        %parallel_loop3A_1920 = arith.cmpi slt, %parallel_loop3A_1913, %parallel_loop3A_1919 : i32
        %parallel_loop3A_1921 = arith.xori %parallel_loop3A_1918, %parallel_loop3A_1920 : i1
        %parallel_loop3A_1922 = arith.andi %parallel_loop3A_1921, %parallel_loop3A_1916 : i1
        %parallel_loop3A_1923 = arith.addi %parallel_loop3A_1914, %parallel_loop3A_1913 : i32
        %parallel_loop3A_1924 = arith.select %parallel_loop3A_1922, %parallel_loop3A_1923, %parallel_loop3A_1914 : i32
        %parallel_loop3A_1925 = arith.constant 16 : i32
        %parallel_loop3A_1926 = arith.muli %parallel_loop3A_1924, %parallel_loop3A_1925 : i32
        %parallel_loop3A_1927 = arith.index_cast %parallel_loop3A_1908 : i32 to index
        %parallel_loop3A_1928 = arith.index_cast %parallel_loop3A_1926 : i32 to index
        %parallel_loop3A_1929 = tpu.vector_load %arg13[%parallel_loop3A_1927, %parallel_loop3A_1928] {strides = array<i32>} : memref<16x256xf32, #tpu.memory_space<vmem>>, vector<16xf32>,
        %parallel_loop3A_1930 = arith.index_cast %parallel_loop3A_1908 : i32 to index
        %parallel_loop3A_1931 = arith.index_cast %parallel_loop3A_1926 : i32 to index
        %parallel_loop3A_1932 = tpu.vector_load %arg14[%parallel_loop3A_1930, %parallel_loop3A_1931] {strides = array<i32>} : memref<16x256xf32, #tpu.memory_space<vmem>>, vector<16xf32>,
        %parallel_loop3A_1933 = arith.index_cast %parallel_loop3A_1908 : i32 to index
        %parallel_loop3A_1934 = arith.index_cast %parallel_loop3A_1926 : i32 to index
        %parallel_loop3A_1935 = tpu.vector_load %arg15[%parallel_loop3A_1933, %parallel_loop3A_1934] {strides = array<i32>} : memref<16x256xf32, #tpu.memory_space<vmem>>, vector<16xf32>,
        %parallel_loop3A_1936 = arith.index_cast %parallel_loop3A_1908 : i32 to index
        %parallel_loop3A_1937 = arith.index_cast %parallel_loop3A_1926 : i32 to index
        %parallel_loop3A_1938 = tpu.vector_load %arg16[%parallel_loop3A_1936, %parallel_loop3A_1937] {strides = array<i32>} : memref<16x256xf32, #tpu.memory_space<vmem>>, vector<16xf32>,
        %parallel_loop3A_1939 = arith.subf %parallel_loop3A_1935, %parallel_loop3A_1929 : vector<16xf32>
        %parallel_loop3A_1940 = arith.constant 1.562500e-03 : f32
        %parallel_loop3A_1941 = vector.broadcast %parallel_loop3A_1940 : f32 to vector<16xf32>
        %parallel_loop3A_1942 = arith.mulf %parallel_loop3A_1939, %parallel_loop3A_1941 : vector<16xf32>
        %parallel_loop3A_1943 = arith.index_cast %parallel_loop3A_1908 : i32 to index
        %parallel_loop3A_1944 = arith.index_cast %parallel_loop3A_1926 : i32 to index
        %parallel_loop3A_1945 = tpu.vector_load %arg15[%parallel_loop3A_1943, %parallel_loop3A_1944] {strides = array<i32>} : memref<16x256xf32, #tpu.memory_space<vmem>>, vector<16xf32>,
        tpu.vector_store %arg15[%parallel_loop3A_1943, %parallel_loop3A_1944], %parallel_loop3A_1942 {strides = array<i32>} : memref<16x256xf32, #tpu.memory_space<vmem>>, vector<16xf32>,
        %parallel_loop3A_1946 = arith.subf %parallel_loop3A_1938, %parallel_loop3A_1932 : vector<16xf32>
        %parallel_loop3A_1947 = arith.constant 1.562500e-03 : f32
        %parallel_loop3A_1948 = vector.broadcast %parallel_loop3A_1947 : f32 to vector<16xf32>
        %parallel_loop3A_1949 = arith.mulf %parallel_loop3A_1946, %parallel_loop3A_1948 : vector<16xf32>
        %parallel_loop3A_1950 = arith.index_cast %parallel_loop3A_1908 : i32 to index
        %parallel_loop3A_1951 = arith.index_cast %parallel_loop3A_1926 : i32 to index
        %parallel_loop3A_1952 = tpu.vector_load %arg16[%parallel_loop3A_1950, %parallel_loop3A_1951] {strides = array<i32>} : memref<16x256xf32, #tpu.memory_space<vmem>>, vector<16xf32>,
        tpu.vector_store %arg16[%parallel_loop3A_1950, %parallel_loop3A_1951], %parallel_loop3A_1949 {strides = array<i32>} : memref<16x256xf32, #tpu.memory_space<vmem>>, vector<16xf32>,
        %parallel_loop3A_1953 = arith.constant 1.562500e-03 : f32
        %parallel_loop3A_1954 = vector.broadcast %parallel_loop3A_1953 : f32 to vector<16xf32>
        %parallel_loop3A_1955 = arith.mulf %parallel_loop3A_1929, %parallel_loop3A_1954 : vector<16xf32>
        %parallel_loop3A_1956 = arith.index_cast %parallel_loop3A_1908 : i32 to index
        %parallel_loop3A_1957 = arith.index_cast %parallel_loop3A_1926 : i32 to index
        %parallel_loop3A_1958 = tpu.vector_load %arg13[%parallel_loop3A_1956, %parallel_loop3A_1957] {strides = array<i32>} : memref<16x256xf32, #tpu.memory_space<vmem>>, vector<16xf32>,
        tpu.vector_store %arg13[%parallel_loop3A_1956, %parallel_loop3A_1957], %parallel_loop3A_1955 {strides = array<i32>} : memref<16x256xf32, #tpu.memory_space<vmem>>, vector<16xf32>,
        %parallel_loop3A_1959 = arith.constant 1.562500e-03 : f32
        %parallel_loop3A_1960 = vector.broadcast %parallel_loop3A_1959 : f32 to vector<16xf32>
        %parallel_loop3A_1961 = arith.mulf %parallel_loop3A_1932, %parallel_loop3A_1960 : vector<16xf32>
        %parallel_loop3A_1962 = arith.index_cast %parallel_loop3A_1908 : i32 to index
        %parallel_loop3A_1963 = arith.index_cast %parallel_loop3A_1926 : i32 to index
        %parallel_loop3A_1964 = tpu.vector_load %arg14[%parallel_loop3A_1962, %parallel_loop3A_1963] {strides = array<i32>} : memref<16x256xf32, #tpu.memory_space<vmem>>, vector<16xf32>,
        tpu.vector_store %arg14[%parallel_loop3A_1962, %parallel_loop3A_1963], %parallel_loop3A_1961 {strides = array<i32>} : memref<16x256xf32, #tpu.memory_space<vmem>>, vector<16xf32>,
      } {sc.loop_unroll_factor = 4 : i64, sc.parallel_access}
      %add3A_1818 = arith.constant 128 : i32
      %add3A_1819 = arith.addi %add3A, %add3A_1818 : i32
      %jit3A_1820 = arith.constant 2 : i32
      %eq3A_1821 = arith.constant 0 : i32
      %eq3A_1822 = arith.cmpi eq, %jit3A_1820, %eq3A_1821 : i32
      %jit3A_1823 = arith.constant 1 : i32
      %select_n3A_1824 = arith.select %eq3A_1822, %jit3A_1823, %jit3A_1820 : i32
      %rem3A_1825 = arith.remsi %add3A_1819, %select_n3A_1824 : i32
      %ne3A_1826 = arith.constant 0 : i32
      %ne3A_1827 = arith.cmpi ne, %rem3A_1825, %ne3A_1826 : i32
      %lt3A_1828 = arith.constant 0 : i32
      %lt3A_1829 = arith.cmpi slt, %rem3A_1825, %lt3A_1828 : i32
      %lt3A_1830 = arith.constant 0 : i32
      %lt3A_1831 = arith.cmpi slt, %select_n3A_1824, %lt3A_1830 : i32
      %ne3A_1832 = arith.xori %lt3A_1829, %lt3A_1831 : i1
      %and3A_1833 = arith.andi %ne3A_1832, %ne3A_1827 : i1
      %add3A_1834 = arith.addi %rem3A_1825, %select_n3A_1824 : i32
      %select_n3A_1835 = arith.select %and3A_1833, %add3A_1834, %rem3A_1825 : i32
      %mul3A_1836 = arith.constant 16 : i32
      %mul3A_1837 = arith.muli %select_n3A_1835, %mul3A_1836 : i32
      %jit3A_1838 = arith.constant 2 : i32
      %div3A_1839 = arith.divsi %add3A_1819, %jit3A_1838 : i32
      %sign3A_1840 = arith.constant 0 : i32
      %sign3A_1841 = arith.cmpi sgt, %add3A_1819, %sign3A_1840 : i32
      %sign3A_1842 = arith.extui %sign3A_1841 : i1 to i32
      %sign3A_1843 = arith.constant 0 : i32
      %sign3A_1844 = arith.cmpi slt, %add3A_1819, %sign3A_1843 : i32
      %sign3A_1845 = arith.extui %sign3A_1844 : i1 to i32
      %sign3A_1846 = arith.subi %sign3A_1842, %sign3A_1845 : i32
      %sign3A_1847 = arith.constant 0 : i32
      %sign3A_1848 = arith.cmpi sgt, %jit3A_1838, %sign3A_1847 : i32
      %sign3A_1849 = arith.extui %sign3A_1848 : i1 to i32
      %sign3A_1850 = arith.constant 0 : i32
      %sign3A_1851 = arith.cmpi slt, %jit3A_1838, %sign3A_1850 : i32
      %sign3A_1852 = arith.extui %sign3A_1851 : i1 to i32
      %sign3A_1853 = arith.subi %sign3A_1849, %sign3A_1852 : i32
      %ne3A_1854 = arith.cmpi ne, %sign3A_1846, %sign3A_1853 : i32
      %rem3A_1855 = arith.remsi %add3A_1819, %jit3A_1838 : i32
      %ne3A_1856 = arith.constant 0 : i32
      %ne3A_1857 = arith.cmpi ne, %rem3A_1855, %ne3A_1856 : i32
      %and3A_1858 = arith.andi %ne3A_1854, %ne3A_1857 : i1
      %sub3A_1859 = arith.constant 1 : i32
      %sub3A_1860 = arith.subi %div3A_1839, %sub3A_1859 : i32
      %select_n3A_1861 = arith.select %and3A_1858, %sub3A_1860, %div3A_1839 : i32
      %mul3A_1862 = arith.constant 256 : i32
      %mul3A_1863 = arith.muli %select_n3A_1861, %mul3A_1862 : i32
      %dma_start3A_1864 = arith.constant 0 : i32
      %dma_start3A_1865 = tpu.memref_slice %arg3[%dma_start3A_1864, %mul3A_1837, %mul3A_1863] : memref<9x32x20000xf32, #tpu.memory_space<hbm>> -> memref<1x16x256xf32, #tpu.memory_space<hbm>>
      %dma_start3A_1866 = tpu.memref_squeeze %dma_start3A_1865 : memref<1x16x256xf32, #tpu.memory_space<hbm>> -> memref<16x256xf32, #tpu.memory_space<hbm>>
      %dma_start3A_1867 = tpu.memref_slice %arg3[%dma_start3A_1864, %mul3A_1837, %mul3A_1863] : memref<9x32x20000xf32, #tpu.memory_space<hbm>> -> memref<1x16x256xf32, #tpu.memory_space<hbm>>
      %dma_start3A_1868 = tpu.memref_squeeze %dma_start3A_1867 : memref<1x16x256xf32, #tpu.memory_space<hbm>> -> memref<16x256xf32, #tpu.memory_space<hbm>>
      tpu.enqueue_dma source(%arg13 : memref<16x256xf32, #tpu.memory_space<vmem>>) target(%dma_start3A_1868 : memref<16x256xf32, #tpu.memory_space<hbm>>) target_semaphore(%arg35 : memref<!tpu.dma_semaphore, #tpu.memory_space<semaphore_mem>>)
      %dma_start3A_1869 = arith.constant 1 : i32
      %dma_start3A_1870 = tpu.memref_slice %arg3[%dma_start3A_1869, %mul3A_1837, %mul3A_1863] : memref<9x32x20000xf32, #tpu.memory_space<hbm>> -> memref<1x16x256xf32, #tpu.memory_space<hbm>>
      %dma_start3A_1871 = tpu.memref_squeeze %dma_start3A_1870 : memref<1x16x256xf32, #tpu.memory_space<hbm>> -> memref<16x256xf32, #tpu.memory_space<hbm>>
      %dma_start3A_1872 = tpu.memref_slice %arg3[%dma_start3A_1869, %mul3A_1837, %mul3A_1863] : memref<9x32x20000xf32, #tpu.memory_space<hbm>> -> memref<1x16x256xf32, #tpu.memory_space<hbm>>
      %dma_start3A_1873 = tpu.memref_squeeze %dma_start3A_1872 : memref<1x16x256xf32, #tpu.memory_space<hbm>> -> memref<16x256xf32, #tpu.memory_space<hbm>>
      tpu.enqueue_dma source(%arg14 : memref<16x256xf32, #tpu.memory_space<vmem>>) target(%dma_start3A_1873 : memref<16x256xf32, #tpu.memory_space<hbm>>) target_semaphore(%arg35 : memref<!tpu.dma_semaphore, #tpu.memory_space<semaphore_mem>>)
      %dma_start3A_1874 = arith.constant 2 : i32
      %dma_start3A_1875 = tpu.memref_slice %arg3[%dma_start3A_1874, %mul3A_1837, %mul3A_1863] : memref<9x32x20000xf32, #tpu.memory_space<hbm>> -> memref<1x16x256xf32, #tpu.memory_space<hbm>>
      %dma_start3A_1876 = tpu.memref_squeeze %dma_start3A_1875 : memref<1x16x256xf32, #tpu.memory_space<hbm>> -> memref<16x256xf32, #tpu.memory_space<hbm>>
      %dma_start3A_1877 = tpu.memref_slice %arg3[%dma_start3A_1874, %mul3A_1837, %mul3A_1863] : memref<9x32x20000xf32, #tpu.memory_space<hbm>> -> memref<1x16x256xf32, #tpu.memory_space<hbm>>
      %dma_start3A_1878 = tpu.memref_squeeze %dma_start3A_1877 : memref<1x16x256xf32, #tpu.memory_space<hbm>> -> memref<16x256xf32, #tpu.memory_space<hbm>>
      tpu.enqueue_dma source(%arg15 : memref<16x256xf32, #tpu.memory_space<vmem>>) target(%dma_start3A_1878 : memref<16x256xf32, #tpu.memory_space<hbm>>) target_semaphore(%arg35 : memref<!tpu.dma_semaphore, #tpu.memory_space<semaphore_mem>>)
      %dma_start3A_1879 = arith.constant 3 : i32
      %dma_start3A_1880 = tpu.memref_slice %arg3[%dma_start3A_1879, %mul3A_1837, %mul3A_1863] : memref<9x32x20000xf32, #tpu.memory_space<hbm>> -> memref<1x16x256xf32, #tpu.memory_space<hbm>>
      %dma_start3A_1881 = tpu.memref_squeeze %dma_start3A_1880 : memref<1x16x256xf32, #tpu.memory_space<hbm>> -> memref<16x256xf32, #tpu.memory_space<hbm>>
      %dma_start3A_1882 = tpu.memref_slice %arg3[%dma_start3A_1879, %mul3A_1837, %mul3A_1863] : memref<9x32x20000xf32, #tpu.memory_space<hbm>> -> memref<1x16x256xf32, #tpu.memory_space<hbm>>
      %dma_start3A_1883 = tpu.memref_squeeze %dma_start3A_1882 : memref<1x16x256xf32, #tpu.memory_space<hbm>> -> memref<16x256xf32, #tpu.memory_space<hbm>>
      tpu.enqueue_dma source(%arg16 : memref<16x256xf32, #tpu.memory_space<vmem>>) target(%dma_start3A_1883 : memref<16x256xf32, #tpu.memory_space<hbm>>) target_semaphore(%arg35 : memref<!tpu.dma_semaphore, #tpu.memory_space<semaphore_mem>>)
    } else {
    }
    %add3A_1466 = arith.constant 64 : i32
    %add3A_1467 = arith.addi %add3A, %add3A_1466 : i32
    %jit3A_1468 = arith.constant 2 : i32
    %eq3A_1469 = arith.constant 0 : i32
    %eq3A_1470 = arith.cmpi eq, %jit3A_1468, %eq3A_1469 : i32
    %jit3A_1471 = arith.constant 1 : i32
    %select_n3A_1472 = arith.select %eq3A_1470, %jit3A_1471, %jit3A_1468 : i32
    %rem3A_1473 = arith.remsi %add3A_1467, %select_n3A_1472 : i32
    %ne3A_1474 = arith.constant 0 : i32
    %ne3A_1475 = arith.cmpi ne, %rem3A_1473, %ne3A_1474 : i32
    %lt3A_1476 = arith.constant 0 : i32
    %lt3A_1477 = arith.cmpi slt, %rem3A_1473, %lt3A_1476 : i32
    %lt3A_1478 = arith.constant 0 : i32
    %lt3A_1479 = arith.cmpi slt, %select_n3A_1472, %lt3A_1478 : i32
    %ne3A_1480 = arith.xori %lt3A_1477, %lt3A_1479 : i1
    %and3A_1481 = arith.andi %ne3A_1480, %ne3A_1475 : i1
    %add3A_1482 = arith.addi %rem3A_1473, %select_n3A_1472 : i32
    %select_n3A_1483 = arith.select %and3A_1481, %add3A_1482, %rem3A_1473 : i32
    %mul3A_1484 = arith.constant 16 : i32
    %mul3A_1485 = arith.muli %select_n3A_1483, %mul3A_1484 : i32
    %jit3A_1486 = arith.constant 2 : i32
    %div3A_1487 = arith.divsi %add3A_1467, %jit3A_1486 : i32
    %sign3A_1488 = arith.constant 0 : i32
    %sign3A_1489 = arith.cmpi sgt, %add3A_1467, %sign3A_1488 : i32
    %sign3A_1490 = arith.extui %sign3A_1489 : i1 to i32
    %sign3A_1491 = arith.constant 0 : i32
    %sign3A_1492 = arith.cmpi slt, %add3A_1467, %sign3A_1491 : i32
    %sign3A_1493 = arith.extui %sign3A_1492 : i1 to i32
    %sign3A_1494 = arith.subi %sign3A_1490, %sign3A_1493 : i32
    %sign3A_1495 = arith.constant 0 : i32
    %sign3A_1496 = arith.cmpi sgt, %jit3A_1486, %sign3A_1495 : i32
    %sign3A_1497 = arith.extui %sign3A_1496 : i1 to i32
    %sign3A_1498 = arith.constant 0 : i32
    %sign3A_1499 = arith.cmpi slt, %jit3A_1486, %sign3A_1498 : i32
    %sign3A_1500 = arith.extui %sign3A_1499 : i1 to i32
    %sign3A_1501 = arith.subi %sign3A_1497, %sign3A_1500 : i32
    %ne3A_1502 = arith.cmpi ne, %sign3A_1494, %sign3A_1501 : i32
    %rem3A_1503 = arith.remsi %add3A_1467, %jit3A_1486 : i32
    %ne3A_1504 = arith.constant 0 : i32
    %ne3A_1505 = arith.cmpi ne, %rem3A_1503, %ne3A_1504 : i32
    %and3A_1506 = arith.andi %ne3A_1502, %ne3A_1505 : i1
    %sub3A_1507 = arith.constant 1 : i32
    %sub3A_1508 = arith.subi %div3A_1487, %sub3A_1507 : i32
    %select_n3A_1509 = arith.select %and3A_1506, %sub3A_1508, %div3A_1487 : i32
    %mul3A_1510 = arith.constant 256 : i32
    %mul3A_1511 = arith.muli %select_n3A_1509, %mul3A_1510 : i32
    %dma_wait3A_1512 = arith.constant 4 : i32
    %dma_wait3A_1513 = tpu.memref_slice %arg3[%dma_wait3A_1512, %mul3A_1485, %mul3A_1511] : memref<9x32x20000xf32, #tpu.memory_space<hbm>> -> memref<1x16x256xf32, #tpu.memory_space<hbm>>
    %dma_wait3A_1514 = tpu.memref_squeeze %dma_wait3A_1513 : memref<1x16x256xf32, #tpu.memory_space<hbm>> -> memref<16x256xf32, #tpu.memory_space<hbm>>
    %dma_wait3A_1515 = tpu.memref_slice %arg3[%dma_wait3A_1512, %mul3A_1485, %mul3A_1511] : memref<9x32x20000xf32, #tpu.memory_space<hbm>> -> memref<1x16x256xf32, #tpu.memory_space<hbm>>
    %dma_wait3A_1516 = tpu.memref_squeeze %dma_wait3A_1515 : memref<1x16x256xf32, #tpu.memory_space<hbm>> -> memref<16x256xf32, #tpu.memory_space<hbm>>
    tpu.wait_dma2 semaphore(%arg36 : memref<!tpu.dma_semaphore, #tpu.memory_space<semaphore_mem>>) src(%arg27 : memref<16x256xf32, #tpu.memory_space<vmem>>) dst(%dma_wait3A_1516 : memref<16x256xf32, #tpu.memory_space<hbm>>)
    %dma_wait3A_1517 = arith.constant 5 : i32
    %dma_wait3A_1518 = tpu.memref_slice %arg3[%dma_wait3A_1517, %mul3A_1485, %mul3A_1511] : memref<9x32x20000xf32, #tpu.memory_space<hbm>> -> memref<1x16x256xf32, #tpu.memory_space<hbm>>
    %dma_wait3A_1519 = tpu.memref_squeeze %dma_wait3A_1518 : memref<1x16x256xf32, #tpu.memory_space<hbm>> -> memref<16x256xf32, #tpu.memory_space<hbm>>
    %dma_wait3A_1520 = tpu.memref_slice %arg3[%dma_wait3A_1517, %mul3A_1485, %mul3A_1511] : memref<9x32x20000xf32, #tpu.memory_space<hbm>> -> memref<1x16x256xf32, #tpu.memory_space<hbm>>
    %dma_wait3A_1521 = tpu.memref_squeeze %dma_wait3A_1520 : memref<1x16x256xf32, #tpu.memory_space<hbm>> -> memref<16x256xf32, #tpu.memory_space<hbm>>
    tpu.wait_dma2 semaphore(%arg36 : memref<!tpu.dma_semaphore, #tpu.memory_space<semaphore_mem>>) src(%arg28 : memref<16x256xf32, #tpu.memory_space<vmem>>) dst(%dma_wait3A_1521 : memref<16x256xf32, #tpu.memory_space<hbm>>)
    %dma_wait3A_1522 = arith.constant 6 : i32
    %dma_wait3A_1523 = tpu.memref_slice %arg3[%dma_wait3A_1522, %mul3A_1485, %mul3A_1511] : memref<9x32x20000xf32, #tpu.memory_space<hbm>> -> memref<1x16x256xf32, #tpu.memory_space<hbm>>
    %dma_wait3A_1524 = tpu.memref_squeeze %dma_wait3A_1523 : memref<1x16x256xf32, #tpu.memory_space<hbm>> -> memref<16x256xf32, #tpu.memory_space<hbm>>
    %dma_wait3A_1525 = tpu.memref_slice %arg3[%dma_wait3A_1522, %mul3A_1485, %mul3A_1511] : memref<9x32x20000xf32, #tpu.memory_space<hbm>> -> memref<1x16x256xf32, #tpu.memory_space<hbm>>
    %dma_wait3A_1526 = tpu.memref_squeeze %dma_wait3A_1525 : memref<1x16x256xf32, #tpu.memory_space<hbm>> -> memref<16x256xf32, #tpu.memory_space<hbm>>
    tpu.wait_dma2 semaphore(%arg36 : memref<!tpu.dma_semaphore, #tpu.memory_space<semaphore_mem>>) src(%arg29 : memref<16x256xf32, #tpu.memory_space<vmem>>) dst(%dma_wait3A_1526 : memref<16x256xf32, #tpu.memory_space<hbm>>)
    %dma_wait3A_1527 = arith.constant 7 : i32
    %dma_wait3A_1528 = tpu.memref_slice %arg3[%dma_wait3A_1527, %mul3A_1485, %mul3A_1511] : memref<9x32x20000xf32, #tpu.memory_space<hbm>> -> memref<1x16x256xf32, #tpu.memory_space<hbm>>
    %dma_wait3A_1529 = tpu.memref_squeeze %dma_wait3A_1528 : memref<1x16x256xf32, #tpu.memory_space<hbm>> -> memref<16x256xf32, #tpu.memory_space<hbm>>
    %dma_wait3A_1530 = tpu.memref_slice %arg3[%dma_wait3A_1527, %mul3A_1485, %mul3A_1511] : memref<9x32x20000xf32, #tpu.memory_space<hbm>> -> memref<1x16x256xf32, #tpu.memory_space<hbm>>
    %dma_wait3A_1531 = tpu.memref_squeeze %dma_wait3A_1530 : memref<1x16x256xf32, #tpu.memory_space<hbm>> -> memref<16x256xf32, #tpu.memory_space<hbm>>
    tpu.wait_dma2 semaphore(%arg36 : memref<!tpu.dma_semaphore, #tpu.memory_space<semaphore_mem>>) src(%arg30 : memref<16x256xf32, #tpu.memory_space<vmem>>) dst(%dma_wait3A_1531 : memref<16x256xf32, #tpu.memory_space<hbm>>)
    %dma_wait3A_1532 = arith.constant 8 : i32
    %dma_wait3A_1533 = tpu.memref_slice %arg3[%dma_wait3A_1532, %mul3A_1485, %mul3A_1511] : memref<9x32x20000xf32, #tpu.memory_space<hbm>> -> memref<1x16x256xf32, #tpu.memory_space<hbm>>
    %dma_wait3A_1534 = tpu.memref_squeeze %dma_wait3A_1533 : memref<1x16x256xf32, #tpu.memory_space<hbm>> -> memref<16x256xf32, #tpu.memory_space<hbm>>
    %dma_wait3A_1535 = tpu.memref_slice %arg3[%dma_wait3A_1532, %mul3A_1485, %mul3A_1511] : memref<9x32x20000xf32, #tpu.memory_space<hbm>> -> memref<1x16x256xf32, #tpu.memory_space<hbm>>
    %dma_wait3A_1536 = tpu.memref_squeeze %dma_wait3A_1535 : memref<1x16x256xf32, #tpu.memory_space<hbm>> -> memref<16x256xf32, #tpu.memory_space<hbm>>
    tpu.wait_dma2 semaphore(%arg36 : memref<!tpu.dma_semaphore, #tpu.memory_space<semaphore_mem>>) src(%arg26 : memref<16x256xf32, #tpu.memory_space<vmem>>) dst(%dma_wait3A_1536 : memref<16x256xf32, #tpu.memory_space<hbm>>)
    %dma_wait3A_1537 = arith.constant 0 : i32
    %dma_wait3A_1538 = tpu.memref_slice %arg3[%dma_wait3A_1537, %mul3A_1485, %mul3A_1511] : memref<9x32x20000xf32, #tpu.memory_space<hbm>> -> memref<1x16x256xf32, #tpu.memory_space<hbm>>
    %dma_wait3A_1539 = tpu.memref_squeeze %dma_wait3A_1538 : memref<1x16x256xf32, #tpu.memory_space<hbm>> -> memref<16x256xf32, #tpu.memory_space<hbm>>
    %dma_wait3A_1540 = tpu.memref_slice %arg3[%dma_wait3A_1537, %mul3A_1485, %mul3A_1511] : memref<9x32x20000xf32, #tpu.memory_space<hbm>> -> memref<1x16x256xf32, #tpu.memory_space<hbm>>
    %dma_wait3A_1541 = tpu.memref_squeeze %dma_wait3A_1540 : memref<1x16x256xf32, #tpu.memory_space<hbm>> -> memref<16x256xf32, #tpu.memory_space<hbm>>
    tpu.wait_dma2 semaphore(%arg36 : memref<!tpu.dma_semaphore, #tpu.memory_space<semaphore_mem>>) src(%arg22 : memref<16x256xf32, #tpu.memory_space<vmem>>) dst(%dma_wait3A_1541 : memref<16x256xf32, #tpu.memory_space<hbm>>)
    %dma_wait3A_1542 = arith.constant 1 : i32
    %dma_wait3A_1543 = tpu.memref_slice %arg3[%dma_wait3A_1542, %mul3A_1485, %mul3A_1511] : memref<9x32x20000xf32, #tpu.memory_space<hbm>> -> memref<1x16x256xf32, #tpu.memory_space<hbm>>
    %dma_wait3A_1544 = tpu.memref_squeeze %dma_wait3A_1543 : memref<1x16x256xf32, #tpu.memory_space<hbm>> -> memref<16x256xf32, #tpu.memory_space<hbm>>
    %dma_wait3A_1545 = tpu.memref_slice %arg3[%dma_wait3A_1542, %mul3A_1485, %mul3A_1511] : memref<9x32x20000xf32, #tpu.memory_space<hbm>> -> memref<1x16x256xf32, #tpu.memory_space<hbm>>
    %dma_wait3A_1546 = tpu.memref_squeeze %dma_wait3A_1545 : memref<1x16x256xf32, #tpu.memory_space<hbm>> -> memref<16x256xf32, #tpu.memory_space<hbm>>
    tpu.wait_dma2 semaphore(%arg36 : memref<!tpu.dma_semaphore, #tpu.memory_space<semaphore_mem>>) src(%arg23 : memref<16x256xf32, #tpu.memory_space<vmem>>) dst(%dma_wait3A_1546 : memref<16x256xf32, #tpu.memory_space<hbm>>)
    %dma_wait3A_1547 = arith.constant 2 : i32
    %dma_wait3A_1548 = tpu.memref_slice %arg3[%dma_wait3A_1547, %mul3A_1485, %mul3A_1511] : memref<9x32x20000xf32, #tpu.memory_space<hbm>> -> memref<1x16x256xf32, #tpu.memory_space<hbm>>
    %dma_wait3A_1549 = tpu.memref_squeeze %dma_wait3A_1548 : memref<1x16x256xf32, #tpu.memory_space<hbm>> -> memref<16x256xf32, #tpu.memory_space<hbm>>
    %dma_wait3A_1550 = tpu.memref_slice %arg3[%dma_wait3A_1547, %mul3A_1485, %mul3A_1511] : memref<9x32x20000xf32, #tpu.memory_space<hbm>> -> memref<1x16x256xf32, #tpu.memory_space<hbm>>
    %dma_wait3A_1551 = tpu.memref_squeeze %dma_wait3A_1550 : memref<1x16x256xf32, #tpu.memory_space<hbm>> -> memref<16x256xf32, #tpu.memory_space<hbm>>
    tpu.wait_dma2 semaphore(%arg36 : memref<!tpu.dma_semaphore, #tpu.memory_space<semaphore_mem>>) src(%arg24 : memref<16x256xf32, #tpu.memory_space<vmem>>) dst(%dma_wait3A_1551 : memref<16x256xf32, #tpu.memory_space<hbm>>)
    %dma_wait3A_1552 = arith.constant 3 : i32
    %dma_wait3A_1553 = tpu.memref_slice %arg3[%dma_wait3A_1552, %mul3A_1485, %mul3A_1511] : memref<9x32x20000xf32, #tpu.memory_space<hbm>> -> memref<1x16x256xf32, #tpu.memory_space<hbm>>
    %dma_wait3A_1554 = tpu.memref_squeeze %dma_wait3A_1553 : memref<1x16x256xf32, #tpu.memory_space<hbm>> -> memref<16x256xf32, #tpu.memory_space<hbm>>
    %dma_wait3A_1555 = tpu.memref_slice %arg3[%dma_wait3A_1552, %mul3A_1485, %mul3A_1511] : memref<9x32x20000xf32, #tpu.memory_space<hbm>> -> memref<1x16x256xf32, #tpu.memory_space<hbm>>
    %dma_wait3A_1556 = tpu.memref_squeeze %dma_wait3A_1555 : memref<1x16x256xf32, #tpu.memory_space<hbm>> -> memref<16x256xf32, #tpu.memory_space<hbm>>
    tpu.wait_dma2 semaphore(%arg36 : memref<!tpu.dma_semaphore, #tpu.memory_space<semaphore_mem>>) src(%arg25 : memref<16x256xf32, #tpu.memory_space<vmem>>) dst(%dma_wait3A_1556 : memref<16x256xf32, #tpu.memory_space<hbm>>)
    %add3A_1557 = arith.constant 96 : i32
    %add3A_1558 = arith.addi %add3A, %add3A_1557 : i32
    %jit3A_1559 = arith.constant 2 : i32
    %eq3A_1560 = arith.constant 0 : i32
    %eq3A_1561 = arith.cmpi eq, %jit3A_1559, %eq3A_1560 : i32
    %jit3A_1562 = arith.constant 1 : i32
    %select_n3A_1563 = arith.select %eq3A_1561, %jit3A_1562, %jit3A_1559 : i32
    %rem3A_1564 = arith.remsi %add3A_1558, %select_n3A_1563 : i32
    %ne3A_1565 = arith.constant 0 : i32
    %ne3A_1566 = arith.cmpi ne, %rem3A_1564, %ne3A_1565 : i32
    %lt3A_1567 = arith.constant 0 : i32
    %lt3A_1568 = arith.cmpi slt, %rem3A_1564, %lt3A_1567 : i32
    %lt3A_1569 = arith.constant 0 : i32
    %lt3A_1570 = arith.cmpi slt, %select_n3A_1563, %lt3A_1569 : i32
    %ne3A_1571 = arith.xori %lt3A_1568, %lt3A_1570 : i1
    %and3A_1572 = arith.andi %ne3A_1571, %ne3A_1566 : i1
    %add3A_1573 = arith.addi %rem3A_1564, %select_n3A_1563 : i32
    %select_n3A_1574 = arith.select %and3A_1572, %add3A_1573, %rem3A_1564 : i32
    %mul3A_1575 = arith.constant 16 : i32
    %mul3A_1576 = arith.muli %select_n3A_1574, %mul3A_1575 : i32
    %jit3A_1577 = arith.constant 2 : i32
    %div3A_1578 = arith.divsi %add3A_1558, %jit3A_1577 : i32
    %sign3A_1579 = arith.constant 0 : i32
    %sign3A_1580 = arith.cmpi sgt, %add3A_1558, %sign3A_1579 : i32
    %sign3A_1581 = arith.extui %sign3A_1580 : i1 to i32
    %sign3A_1582 = arith.constant 0 : i32
    %sign3A_1583 = arith.cmpi slt, %add3A_1558, %sign3A_1582 : i32
    %sign3A_1584 = arith.extui %sign3A_1583 : i1 to i32
    %sign3A_1585 = arith.subi %sign3A_1581, %sign3A_1584 : i32
    %sign3A_1586 = arith.constant 0 : i32
    %sign3A_1587 = arith.cmpi sgt, %jit3A_1577, %sign3A_1586 : i32
    %sign3A_1588 = arith.extui %sign3A_1587 : i1 to i32
    %sign3A_1589 = arith.constant 0 : i32
    %sign3A_1590 = arith.cmpi slt, %jit3A_1577, %sign3A_1589 : i32
    %sign3A_1591 = arith.extui %sign3A_1590 : i1 to i32
    %sign3A_1592 = arith.subi %sign3A_1588, %sign3A_1591 : i32
    %ne3A_1593 = arith.cmpi ne, %sign3A_1585, %sign3A_1592 : i32
    %rem3A_1594 = arith.remsi %add3A_1558, %jit3A_1577 : i32
    %ne3A_1595 = arith.constant 0 : i32
    %ne3A_1596 = arith.cmpi ne, %rem3A_1594, %ne3A_1595 : i32
    %and3A_1597 = arith.andi %ne3A_1593, %ne3A_1596 : i1
    %sub3A_1598 = arith.constant 1 : i32
    %sub3A_1599 = arith.subi %div3A_1578, %sub3A_1598 : i32
    %select_n3A_1600 = arith.select %and3A_1597, %sub3A_1599, %div3A_1578 : i32
    %mul3A_1601 = arith.constant 256 : i32
    %mul3A_1602 = arith.muli %select_n3A_1600, %mul3A_1601 : i32
    %dma_wait3A_1603 = arith.constant 4 : i32
    %dma_wait3A_1604 = tpu.memref_slice %arg3[%dma_wait3A_1603, %mul3A_1576, %mul3A_1602] : memref<9x32x20000xf32, #tpu.memory_space<hbm>> -> memref<1x16x256xf32, #tpu.memory_space<hbm>>
    %dma_wait3A_1605 = tpu.memref_squeeze %dma_wait3A_1604 : memref<1x16x256xf32, #tpu.memory_space<hbm>> -> memref<16x256xf32, #tpu.memory_space<hbm>>
    %dma_wait3A_1606 = tpu.memref_slice %arg3[%dma_wait3A_1603, %mul3A_1576, %mul3A_1602] : memref<9x32x20000xf32, #tpu.memory_space<hbm>> -> memref<1x16x256xf32, #tpu.memory_space<hbm>>
    %dma_wait3A_1607 = tpu.memref_squeeze %dma_wait3A_1606 : memref<1x16x256xf32, #tpu.memory_space<hbm>> -> memref<16x256xf32, #tpu.memory_space<hbm>>
    tpu.wait_dma2 semaphore(%arg34 : memref<!tpu.dma_semaphore, #tpu.memory_space<semaphore_mem>>) src(%arg9 : memref<16x256xf32, #tpu.memory_space<vmem>>) dst(%dma_wait3A_1607 : memref<16x256xf32, #tpu.memory_space<hbm>>)
    %dma_wait3A_1608 = arith.constant 5 : i32
    %dma_wait3A_1609 = tpu.memref_slice %arg3[%dma_wait3A_1608, %mul3A_1576, %mul3A_1602] : memref<9x32x20000xf32, #tpu.memory_space<hbm>> -> memref<1x16x256xf32, #tpu.memory_space<hbm>>
    %dma_wait3A_1610 = tpu.memref_squeeze %dma_wait3A_1609 : memref<1x16x256xf32, #tpu.memory_space<hbm>> -> memref<16x256xf32, #tpu.memory_space<hbm>>
    %dma_wait3A_1611 = tpu.memref_slice %arg3[%dma_wait3A_1608, %mul3A_1576, %mul3A_1602] : memref<9x32x20000xf32, #tpu.memory_space<hbm>> -> memref<1x16x256xf32, #tpu.memory_space<hbm>>
    %dma_wait3A_1612 = tpu.memref_squeeze %dma_wait3A_1611 : memref<1x16x256xf32, #tpu.memory_space<hbm>> -> memref<16x256xf32, #tpu.memory_space<hbm>>
    tpu.wait_dma2 semaphore(%arg34 : memref<!tpu.dma_semaphore, #tpu.memory_space<semaphore_mem>>) src(%arg10 : memref<16x256xf32, #tpu.memory_space<vmem>>) dst(%dma_wait3A_1612 : memref<16x256xf32, #tpu.memory_space<hbm>>)
    %dma_wait3A_1613 = arith.constant 6 : i32
    %dma_wait3A_1614 = tpu.memref_slice %arg3[%dma_wait3A_1613, %mul3A_1576, %mul3A_1602] : memref<9x32x20000xf32, #tpu.memory_space<hbm>> -> memref<1x16x256xf32, #tpu.memory_space<hbm>>
    %dma_wait3A_1615 = tpu.memref_squeeze %dma_wait3A_1614 : memref<1x16x256xf32, #tpu.memory_space<hbm>> -> memref<16x256xf32, #tpu.memory_space<hbm>>
    %dma_wait3A_1616 = tpu.memref_slice %arg3[%dma_wait3A_1613, %mul3A_1576, %mul3A_1602] : memref<9x32x20000xf32, #tpu.memory_space<hbm>> -> memref<1x16x256xf32, #tpu.memory_space<hbm>>
    %dma_wait3A_1617 = tpu.memref_squeeze %dma_wait3A_1616 : memref<1x16x256xf32, #tpu.memory_space<hbm>> -> memref<16x256xf32, #tpu.memory_space<hbm>>
    tpu.wait_dma2 semaphore(%arg34 : memref<!tpu.dma_semaphore, #tpu.memory_space<semaphore_mem>>) src(%arg11 : memref<16x256xf32, #tpu.memory_space<vmem>>) dst(%dma_wait3A_1617 : memref<16x256xf32, #tpu.memory_space<hbm>>)
    %dma_wait3A_1618 = arith.constant 7 : i32
    %dma_wait3A_1619 = tpu.memref_slice %arg3[%dma_wait3A_1618, %mul3A_1576, %mul3A_1602] : memref<9x32x20000xf32, #tpu.memory_space<hbm>> -> memref<1x16x256xf32, #tpu.memory_space<hbm>>
    %dma_wait3A_1620 = tpu.memref_squeeze %dma_wait3A_1619 : memref<1x16x256xf32, #tpu.memory_space<hbm>> -> memref<16x256xf32, #tpu.memory_space<hbm>>
    %dma_wait3A_1621 = tpu.memref_slice %arg3[%dma_wait3A_1618, %mul3A_1576, %mul3A_1602] : memref<9x32x20000xf32, #tpu.memory_space<hbm>> -> memref<1x16x256xf32, #tpu.memory_space<hbm>>
    %dma_wait3A_1622 = tpu.memref_squeeze %dma_wait3A_1621 : memref<1x16x256xf32, #tpu.memory_space<hbm>> -> memref<16x256xf32, #tpu.memory_space<hbm>>
    tpu.wait_dma2 semaphore(%arg34 : memref<!tpu.dma_semaphore, #tpu.memory_space<semaphore_mem>>) src(%arg12 : memref<16x256xf32, #tpu.memory_space<vmem>>) dst(%dma_wait3A_1622 : memref<16x256xf32, #tpu.memory_space<hbm>>)
    %dma_wait3A_1623 = arith.constant 8 : i32
    %dma_wait3A_1624 = tpu.memref_slice %arg3[%dma_wait3A_1623, %mul3A_1576, %mul3A_1602] : memref<9x32x20000xf32, #tpu.memory_space<hbm>> -> memref<1x16x256xf32, #tpu.memory_space<hbm>>
    %dma_wait3A_1625 = tpu.memref_squeeze %dma_wait3A_1624 : memref<1x16x256xf32, #tpu.memory_space<hbm>> -> memref<16x256xf32, #tpu.memory_space<hbm>>
    %dma_wait3A_1626 = tpu.memref_slice %arg3[%dma_wait3A_1623, %mul3A_1576, %mul3A_1602] : memref<9x32x20000xf32, #tpu.memory_space<hbm>> -> memref<1x16x256xf32, #tpu.memory_space<hbm>>
    %dma_wait3A_1627 = tpu.memref_squeeze %dma_wait3A_1626 : memref<1x16x256xf32, #tpu.memory_space<hbm>> -> memref<16x256xf32, #tpu.memory_space<hbm>>
    tpu.wait_dma2 semaphore(%arg34 : memref<!tpu.dma_semaphore, #tpu.memory_space<semaphore_mem>>) src(%arg8 : memref<16x256xf32, #tpu.memory_space<vmem>>) dst(%dma_wait3A_1627 : memref<16x256xf32, #tpu.memory_space<hbm>>)
    %dma_wait3A_1628 = arith.constant 0 : i32
    %dma_wait3A_1629 = tpu.memref_slice %arg3[%dma_wait3A_1628, %mul3A_1576, %mul3A_1602] : memref<9x32x20000xf32, #tpu.memory_space<hbm>> -> memref<1x16x256xf32, #tpu.memory_space<hbm>>
    %dma_wait3A_1630 = tpu.memref_squeeze %dma_wait3A_1629 : memref<1x16x256xf32, #tpu.memory_space<hbm>> -> memref<16x256xf32, #tpu.memory_space<hbm>>
    %dma_wait3A_1631 = tpu.memref_slice %arg3[%dma_wait3A_1628, %mul3A_1576, %mul3A_1602] : memref<9x32x20000xf32, #tpu.memory_space<hbm>> -> memref<1x16x256xf32, #tpu.memory_space<hbm>>
    %dma_wait3A_1632 = tpu.memref_squeeze %dma_wait3A_1631 : memref<1x16x256xf32, #tpu.memory_space<hbm>> -> memref<16x256xf32, #tpu.memory_space<hbm>>
    tpu.wait_dma2 semaphore(%arg34 : memref<!tpu.dma_semaphore, #tpu.memory_space<semaphore_mem>>) src(%arg4 : memref<16x256xf32, #tpu.memory_space<vmem>>) dst(%dma_wait3A_1632 : memref<16x256xf32, #tpu.memory_space<hbm>>)
    %dma_wait3A_1633 = arith.constant 1 : i32
    %dma_wait3A_1634 = tpu.memref_slice %arg3[%dma_wait3A_1633, %mul3A_1576, %mul3A_1602] : memref<9x32x20000xf32, #tpu.memory_space<hbm>> -> memref<1x16x256xf32, #tpu.memory_space<hbm>>
    %dma_wait3A_1635 = tpu.memref_squeeze %dma_wait3A_1634 : memref<1x16x256xf32, #tpu.memory_space<hbm>> -> memref<16x256xf32, #tpu.memory_space<hbm>>
    %dma_wait3A_1636 = tpu.memref_slice %arg3[%dma_wait3A_1633, %mul3A_1576, %mul3A_1602] : memref<9x32x20000xf32, #tpu.memory_space<hbm>> -> memref<1x16x256xf32, #tpu.memory_space<hbm>>
    %dma_wait3A_1637 = tpu.memref_squeeze %dma_wait3A_1636 : memref<1x16x256xf32, #tpu.memory_space<hbm>> -> memref<16x256xf32, #tpu.memory_space<hbm>>
    tpu.wait_dma2 semaphore(%arg34 : memref<!tpu.dma_semaphore, #tpu.memory_space<semaphore_mem>>) src(%arg5 : memref<16x256xf32, #tpu.memory_space<vmem>>) dst(%dma_wait3A_1637 : memref<16x256xf32, #tpu.memory_space<hbm>>)
    %dma_wait3A_1638 = arith.constant 2 : i32
    %dma_wait3A_1639 = tpu.memref_slice %arg3[%dma_wait3A_1638, %mul3A_1576, %mul3A_1602] : memref<9x32x20000xf32, #tpu.memory_space<hbm>> -> memref<1x16x256xf32, #tpu.memory_space<hbm>>
    %dma_wait3A_1640 = tpu.memref_squeeze %dma_wait3A_1639 : memref<1x16x256xf32, #tpu.memory_space<hbm>> -> memref<16x256xf32, #tpu.memory_space<hbm>>
    %dma_wait3A_1641 = tpu.memref_slice %arg3[%dma_wait3A_1638, %mul3A_1576, %mul3A_1602] : memref<9x32x20000xf32, #tpu.memory_space<hbm>> -> memref<1x16x256xf32, #tpu.memory_space<hbm>>
    %dma_wait3A_1642 = tpu.memref_squeeze %dma_wait3A_1641 : memref<1x16x256xf32, #tpu.memory_space<hbm>> -> memref<16x256xf32, #tpu.memory_space<hbm>>
    tpu.wait_dma2 semaphore(%arg34 : memref<!tpu.dma_semaphore, #tpu.memory_space<semaphore_mem>>) src(%arg6 : memref<16x256xf32, #tpu.memory_space<vmem>>) dst(%dma_wait3A_1642 : memref<16x256xf32, #tpu.memory_space<hbm>>)
    %dma_wait3A_1643 = arith.constant 3 : i32
    %dma_wait3A_1644 = tpu.memref_slice %arg3[%dma_wait3A_1643, %mul3A_1576, %mul3A_1602] : memref<9x32x20000xf32, #tpu.memory_space<hbm>> -> memref<1x16x256xf32, #tpu.memory_space<hbm>>
    %dma_wait3A_1645 = tpu.memref_squeeze %dma_wait3A_1644 : memref<1x16x256xf32, #tpu.memory_space<hbm>> -> memref<16x256xf32, #tpu.memory_space<hbm>>
    %dma_wait3A_1646 = tpu.memref_slice %arg3[%dma_wait3A_1643, %mul3A_1576, %mul3A_1602] : memref<9x32x20000xf32, #tpu.memory_space<hbm>> -> memref<1x16x256xf32, #tpu.memory_space<hbm>>
    %dma_wait3A_1647 = tpu.memref_squeeze %dma_wait3A_1646 : memref<1x16x256xf32, #tpu.memory_space<hbm>> -> memref<16x256xf32, #tpu.memory_space<hbm>>
    tpu.wait_dma2 semaphore(%arg34 : memref<!tpu.dma_semaphore, #tpu.memory_space<semaphore_mem>>) src(%arg7 : memref<16x256xf32, #tpu.memory_space<vmem>>) dst(%dma_wait3A_1647 : memref<16x256xf32, #tpu.memory_space<hbm>>)
    %lt3A_1648 = arith.constant 28 : i32
    %lt3A_1649 = arith.cmpi slt, %add3A, %lt3A_1648 : i32
    %convert_element_type3A_1650 = arith.extui %lt3A_1649 : i1 to i32
    %cond3A_1651 = arith.constant 0 : i32
    %cond3A_1652 = arith.cmpi ne, %convert_element_type3A_1650, %cond3A_1651 : i32
    scf.if %cond3A_1652 {
      %add3A_1653 = arith.constant 128 : i32
      %add3A_1654 = arith.addi %add3A, %add3A_1653 : i32
      %jit3A_1655 = arith.constant 2 : i32
      %eq3A_1656 = arith.constant 0 : i32
      %eq3A_1657 = arith.cmpi eq, %jit3A_1655, %eq3A_1656 : i32
      %jit3A_1658 = arith.constant 1 : i32
      %select_n3A_1659 = arith.select %eq3A_1657, %jit3A_1658, %jit3A_1655 : i32
      %rem3A_1660 = arith.remsi %add3A_1654, %select_n3A_1659 : i32
      %ne3A_1661 = arith.constant 0 : i32
      %ne3A_1662 = arith.cmpi ne, %rem3A_1660, %ne3A_1661 : i32
      %lt3A_1663 = arith.constant 0 : i32
      %lt3A_1664 = arith.cmpi slt, %rem3A_1660, %lt3A_1663 : i32
      %lt3A_1665 = arith.constant 0 : i32
      %lt3A_1666 = arith.cmpi slt, %select_n3A_1659, %lt3A_1665 : i32
      %ne3A_1667 = arith.xori %lt3A_1664, %lt3A_1666 : i1
      %and3A_1668 = arith.andi %ne3A_1667, %ne3A_1662 : i1
      %add3A_1669 = arith.addi %rem3A_1660, %select_n3A_1659 : i32
      %select_n3A_1670 = arith.select %and3A_1668, %add3A_1669, %rem3A_1660 : i32
      %mul3A_1671 = arith.constant 16 : i32
      %mul3A_1672 = arith.muli %select_n3A_1670, %mul3A_1671 : i32
      %jit3A_1673 = arith.constant 2 : i32
      %div3A_1674 = arith.divsi %add3A_1654, %jit3A_1673 : i32
      %sign3A_1675 = arith.constant 0 : i32
      %sign3A_1676 = arith.cmpi sgt, %add3A_1654, %sign3A_1675 : i32
      %sign3A_1677 = arith.extui %sign3A_1676 : i1 to i32
      %sign3A_1678 = arith.constant 0 : i32
      %sign3A_1679 = arith.cmpi slt, %add3A_1654, %sign3A_1678 : i32
      %sign3A_1680 = arith.extui %sign3A_1679 : i1 to i32
      %sign3A_1681 = arith.subi %sign3A_1677, %sign3A_1680 : i32
      %sign3A_1682 = arith.constant 0 : i32
      %sign3A_1683 = arith.cmpi sgt, %jit3A_1673, %sign3A_1682 : i32
      %sign3A_1684 = arith.extui %sign3A_1683 : i1 to i32
      %sign3A_1685 = arith.constant 0 : i32
      %sign3A_1686 = arith.cmpi slt, %jit3A_1673, %sign3A_1685 : i32
      %sign3A_1687 = arith.extui %sign3A_1686 : i1 to i32
      %sign3A_1688 = arith.subi %sign3A_1684, %sign3A_1687 : i32
      %ne3A_1689 = arith.cmpi ne, %sign3A_1681, %sign3A_1688 : i32
      %rem3A_1690 = arith.remsi %add3A_1654, %jit3A_1673 : i32
      %ne3A_1691 = arith.constant 0 : i32
      %ne3A_1692 = arith.cmpi ne, %rem3A_1690, %ne3A_1691 : i32
      %and3A_1693 = arith.andi %ne3A_1689, %ne3A_1692 : i1
      %sub3A_1694 = arith.constant 1 : i32
      %sub3A_1695 = arith.subi %div3A_1674, %sub3A_1694 : i32
      %select_n3A_1696 = arith.select %and3A_1693, %sub3A_1695, %div3A_1674 : i32
      %mul3A_1697 = arith.constant 256 : i32
      %mul3A_1698 = arith.muli %select_n3A_1696, %mul3A_1697 : i32
      %dma_wait3A_1699 = arith.constant 4 : i32
      %dma_wait3A_1700 = tpu.memref_slice %arg3[%dma_wait3A_1699, %mul3A_1672, %mul3A_1698] : memref<9x32x20000xf32, #tpu.memory_space<hbm>> -> memref<1x16x256xf32, #tpu.memory_space<hbm>>
      %dma_wait3A_1701 = tpu.memref_squeeze %dma_wait3A_1700 : memref<1x16x256xf32, #tpu.memory_space<hbm>> -> memref<16x256xf32, #tpu.memory_space<hbm>>
      %dma_wait3A_1702 = tpu.memref_slice %arg3[%dma_wait3A_1699, %mul3A_1672, %mul3A_1698] : memref<9x32x20000xf32, #tpu.memory_space<hbm>> -> memref<1x16x256xf32, #tpu.memory_space<hbm>>
      %dma_wait3A_1703 = tpu.memref_squeeze %dma_wait3A_1702 : memref<1x16x256xf32, #tpu.memory_space<hbm>> -> memref<16x256xf32, #tpu.memory_space<hbm>>
      tpu.wait_dma2 semaphore(%arg35 : memref<!tpu.dma_semaphore, #tpu.memory_space<semaphore_mem>>) src(%arg18 : memref<16x256xf32, #tpu.memory_space<vmem>>) dst(%dma_wait3A_1703 : memref<16x256xf32, #tpu.memory_space<hbm>>)
      %dma_wait3A_1704 = arith.constant 5 : i32
      %dma_wait3A_1705 = tpu.memref_slice %arg3[%dma_wait3A_1704, %mul3A_1672, %mul3A_1698] : memref<9x32x20000xf32, #tpu.memory_space<hbm>> -> memref<1x16x256xf32, #tpu.memory_space<hbm>>
      %dma_wait3A_1706 = tpu.memref_squeeze %dma_wait3A_1705 : memref<1x16x256xf32, #tpu.memory_space<hbm>> -> memref<16x256xf32, #tpu.memory_space<hbm>>
      %dma_wait3A_1707 = tpu.memref_slice %arg3[%dma_wait3A_1704, %mul3A_1672, %mul3A_1698] : memref<9x32x20000xf32, #tpu.memory_space<hbm>> -> memref<1x16x256xf32, #tpu.memory_space<hbm>>
      %dma_wait3A_1708 = tpu.memref_squeeze %dma_wait3A_1707 : memref<1x16x256xf32, #tpu.memory_space<hbm>> -> memref<16x256xf32, #tpu.memory_space<hbm>>
      tpu.wait_dma2 semaphore(%arg35 : memref<!tpu.dma_semaphore, #tpu.memory_space<semaphore_mem>>) src(%arg19 : memref<16x256xf32, #tpu.memory_space<vmem>>) dst(%dma_wait3A_1708 : memref<16x256xf32, #tpu.memory_space<hbm>>)
      %dma_wait3A_1709 = arith.constant 6 : i32
      %dma_wait3A_1710 = tpu.memref_slice %arg3[%dma_wait3A_1709, %mul3A_1672, %mul3A_1698] : memref<9x32x20000xf32, #tpu.memory_space<hbm>> -> memref<1x16x256xf32, #tpu.memory_space<hbm>>
      %dma_wait3A_1711 = tpu.memref_squeeze %dma_wait3A_1710 : memref<1x16x256xf32, #tpu.memory_space<hbm>> -> memref<16x256xf32, #tpu.memory_space<hbm>>
      %dma_wait3A_1712 = tpu.memref_slice %arg3[%dma_wait3A_1709, %mul3A_1672, %mul3A_1698] : memref<9x32x20000xf32, #tpu.memory_space<hbm>> -> memref<1x16x256xf32, #tpu.memory_space<hbm>>
      %dma_wait3A_1713 = tpu.memref_squeeze %dma_wait3A_1712 : memref<1x16x256xf32, #tpu.memory_space<hbm>> -> memref<16x256xf32, #tpu.memory_space<hbm>>
      tpu.wait_dma2 semaphore(%arg35 : memref<!tpu.dma_semaphore, #tpu.memory_space<semaphore_mem>>) src(%arg20 : memref<16x256xf32, #tpu.memory_space<vmem>>) dst(%dma_wait3A_1713 : memref<16x256xf32, #tpu.memory_space<hbm>>)
      %dma_wait3A_1714 = arith.constant 7 : i32
      %dma_wait3A_1715 = tpu.memref_slice %arg3[%dma_wait3A_1714, %mul3A_1672, %mul3A_1698] : memref<9x32x20000xf32, #tpu.memory_space<hbm>> -> memref<1x16x256xf32, #tpu.memory_space<hbm>>
      %dma_wait3A_1716 = tpu.memref_squeeze %dma_wait3A_1715 : memref<1x16x256xf32, #tpu.memory_space<hbm>> -> memref<16x256xf32, #tpu.memory_space<hbm>>
      %dma_wait3A_1717 = tpu.memref_slice %arg3[%dma_wait3A_1714, %mul3A_1672, %mul3A_1698] : memref<9x32x20000xf32, #tpu.memory_space<hbm>> -> memref<1x16x256xf32, #tpu.memory_space<hbm>>
      %dma_wait3A_1718 = tpu.memref_squeeze %dma_wait3A_1717 : memref<1x16x256xf32, #tpu.memory_space<hbm>> -> memref<16x256xf32, #tpu.memory_space<hbm>>
      tpu.wait_dma2 semaphore(%arg35 : memref<!tpu.dma_semaphore, #tpu.memory_space<semaphore_mem>>) src(%arg21 : memref<16x256xf32, #tpu.memory_space<vmem>>) dst(%dma_wait3A_1718 : memref<16x256xf32, #tpu.memory_space<hbm>>)
      %dma_wait3A_1719 = arith.constant 8 : i32
      %dma_wait3A_1720 = tpu.memref_slice %arg3[%dma_wait3A_1719, %mul3A_1672, %mul3A_1698] : memref<9x32x20000xf32, #tpu.memory_space<hbm>> -> memref<1x16x256xf32, #tpu.memory_space<hbm>>
      %dma_wait3A_1721 = tpu.memref_squeeze %dma_wait3A_1720 : memref<1x16x256xf32, #tpu.memory_space<hbm>> -> memref<16x256xf32, #tpu.memory_space<hbm>>
      %dma_wait3A_1722 = tpu.memref_slice %arg3[%dma_wait3A_1719, %mul3A_1672, %mul3A_1698] : memref<9x32x20000xf32, #tpu.memory_space<hbm>> -> memref<1x16x256xf32, #tpu.memory_space<hbm>>
      %dma_wait3A_1723 = tpu.memref_squeeze %dma_wait3A_1722 : memref<1x16x256xf32, #tpu.memory_space<hbm>> -> memref<16x256xf32, #tpu.memory_space<hbm>>
      tpu.wait_dma2 semaphore(%arg35 : memref<!tpu.dma_semaphore, #tpu.memory_space<semaphore_mem>>) src(%arg17 : memref<16x256xf32, #tpu.memory_space<vmem>>) dst(%dma_wait3A_1723 : memref<16x256xf32, #tpu.memory_space<hbm>>)
      %dma_wait3A_1724 = arith.constant 0 : i32
      %dma_wait3A_1725 = tpu.memref_slice %arg3[%dma_wait3A_1724, %mul3A_1672, %mul3A_1698] : memref<9x32x20000xf32, #tpu.memory_space<hbm>> -> memref<1x16x256xf32, #tpu.memory_space<hbm>>
      %dma_wait3A_1726 = tpu.memref_squeeze %dma_wait3A_1725 : memref<1x16x256xf32, #tpu.memory_space<hbm>> -> memref<16x256xf32, #tpu.memory_space<hbm>>
      %dma_wait3A_1727 = tpu.memref_slice %arg3[%dma_wait3A_1724, %mul3A_1672, %mul3A_1698] : memref<9x32x20000xf32, #tpu.memory_space<hbm>> -> memref<1x16x256xf32, #tpu.memory_space<hbm>>
      %dma_wait3A_1728 = tpu.memref_squeeze %dma_wait3A_1727 : memref<1x16x256xf32, #tpu.memory_space<hbm>> -> memref<16x256xf32, #tpu.memory_space<hbm>>
      tpu.wait_dma2 semaphore(%arg35 : memref<!tpu.dma_semaphore, #tpu.memory_space<semaphore_mem>>) src(%arg13 : memref<16x256xf32, #tpu.memory_space<vmem>>) dst(%dma_wait3A_1728 : memref<16x256xf32, #tpu.memory_space<hbm>>)
      %dma_wait3A_1729 = arith.constant 1 : i32
      %dma_wait3A_1730 = tpu.memref_slice %arg3[%dma_wait3A_1729, %mul3A_1672, %mul3A_1698] : memref<9x32x20000xf32, #tpu.memory_space<hbm>> -> memref<1x16x256xf32, #tpu.memory_space<hbm>>
      %dma_wait3A_1731 = tpu.memref_squeeze %dma_wait3A_1730 : memref<1x16x256xf32, #tpu.memory_space<hbm>> -> memref<16x256xf32, #tpu.memory_space<hbm>>
      %dma_wait3A_1732 = tpu.memref_slice %arg3[%dma_wait3A_1729, %mul3A_1672, %mul3A_1698] : memref<9x32x20000xf32, #tpu.memory_space<hbm>> -> memref<1x16x256xf32, #tpu.memory_space<hbm>>
      %dma_wait3A_1733 = tpu.memref_squeeze %dma_wait3A_1732 : memref<1x16x256xf32, #tpu.memory_space<hbm>> -> memref<16x256xf32, #tpu.memory_space<hbm>>
      tpu.wait_dma2 semaphore(%arg35 : memref<!tpu.dma_semaphore, #tpu.memory_space<semaphore_mem>>) src(%arg14 : memref<16x256xf32, #tpu.memory_space<vmem>>) dst(%dma_wait3A_1733 : memref<16x256xf32, #tpu.memory_space<hbm>>)
      %dma_wait3A_1734 = arith.constant 2 : i32
      %dma_wait3A_1735 = tpu.memref_slice %arg3[%dma_wait3A_1734, %mul3A_1672, %mul3A_1698] : memref<9x32x20000xf32, #tpu.memory_space<hbm>> -> memref<1x16x256xf32, #tpu.memory_space<hbm>>
      %dma_wait3A_1736 = tpu.memref_squeeze %dma_wait3A_1735 : memref<1x16x256xf32, #tpu.memory_space<hbm>> -> memref<16x256xf32, #tpu.memory_space<hbm>>
      %dma_wait3A_1737 = tpu.memref_slice %arg3[%dma_wait3A_1734, %mul3A_1672, %mul3A_1698] : memref<9x32x20000xf32, #tpu.memory_space<hbm>> -> memref<1x16x256xf32, #tpu.memory_space<hbm>>
      %dma_wait3A_1738 = tpu.memref_squeeze %dma_wait3A_1737 : memref<1x16x256xf32, #tpu.memory_space<hbm>> -> memref<16x256xf32, #tpu.memory_space<hbm>>
      tpu.wait_dma2 semaphore(%arg35 : memref<!tpu.dma_semaphore, #tpu.memory_space<semaphore_mem>>) src(%arg15 : memref<16x256xf32, #tpu.memory_space<vmem>>) dst(%dma_wait3A_1738 : memref<16x256xf32, #tpu.memory_space<hbm>>)
      %dma_wait3A_1739 = arith.constant 3 : i32
      %dma_wait3A_1740 = tpu.memref_slice %arg3[%dma_wait3A_1739, %mul3A_1672, %mul3A_1698] : memref<9x32x20000xf32, #tpu.memory_space<hbm>> -> memref<1x16x256xf32, #tpu.memory_space<hbm>>
      %dma_wait3A_1741 = tpu.memref_squeeze %dma_wait3A_1740 : memref<1x16x256xf32, #tpu.memory_space<hbm>> -> memref<16x256xf32, #tpu.memory_space<hbm>>
      %dma_wait3A_1742 = tpu.memref_slice %arg3[%dma_wait3A_1739, %mul3A_1672, %mul3A_1698] : memref<9x32x20000xf32, #tpu.memory_space<hbm>> -> memref<1x16x256xf32, #tpu.memory_space<hbm>>
      %dma_wait3A_1743 = tpu.memref_squeeze %dma_wait3A_1742 : memref<1x16x256xf32, #tpu.memory_space<hbm>> -> memref<16x256xf32, #tpu.memory_space<hbm>>
      tpu.wait_dma2 semaphore(%arg35 : memref<!tpu.dma_semaphore, #tpu.memory_space<semaphore_mem>>) src(%arg16 : memref<16x256xf32, #tpu.memory_space<vmem>>) dst(%dma_wait3A_1743 : memref<16x256xf32, #tpu.memory_space<hbm>>)
    } else {
    }
    return
  }
}

module attributes {stable_mosaic.version = 14 : i64} {
  func.func @_tail_body(%arg0: i32, %arg1: memref<10x32x128xf32, #tpu.memory_space<vmem>>, %arg2: memref<9x32x20000xf32, #tpu.memory_space<any>>, %arg3: memref<9x32x128xf32, #tpu.memory_space<vmem>>) attributes {dimension_semantics = [#tpu.dimension_semantics<arbitrary>], iteration_bounds = array<i64: 1>, scalar_prefetch = 0 : i64, scratch_operands = 0 : i64, tpu.core_type = #tpu.core_type<tc>, window_params = [{transform_indices = @transform_0, window_bounds = array<i64: 10, 32, 128>}, {}, {transform_indices = @transform_2, window_bounds = array<i64: 9, 32, 128>}]} {
    %get3A = arith.constant 0 : index
    %get3A_0 = arith.constant 0 : index
    %get3A_1 = arith.constant 0 : index
    %get3A_2 = vector.load %arg1[%get3A, %get3A_0, %get3A_1] : memref<10x32x128xf32, #tpu.memory_space<vmem>>, vector<10x32x128xf32>
    %slice3A = vector.extract_strided_slice %get3A_2 {offsets = [0, 0, 0], sizes = [4, 32, 128], strides = [1, 1, 1]} : vector<10x32x128xf32> to vector<4x32x128xf32>
    %slice3A_3 = vector.extract_strided_slice %slice3A {offsets = [2, 0, 0], sizes = [2, 32, 128], strides = [1, 1, 1]} : vector<4x32x128xf32> to vector<2x32x128xf32>
    %slice3A_4 = vector.extract_strided_slice %slice3A {offsets = [0, 0, 0], sizes = [2, 32, 128], strides = [1, 1, 1]} : vector<4x32x128xf32> to vector<2x32x128xf32>
    %sub3A = arith.subf %slice3A_3, %slice3A_4 : vector<2x32x128xf32>
    %slice3A_5 = vector.extract_strided_slice %slice3A {offsets = [0, 0, 0], sizes = [2, 32, 128], strides = [1, 1, 1]} : vector<4x32x128xf32> to vector<2x32x128xf32>
    %mul3A = arith.constant 1.562500e-03 : f32
    %mul3A_6 = vector.broadcast %mul3A : f32 to vector<2x32x128xf32>
    %mul3A_7 = arith.mulf %slice3A_5, %mul3A_6 : vector<2x32x128xf32>
    %mul3A_8 = arith.constant 1.562500e-03 : f32
    %mul3A_9 = vector.broadcast %mul3A_8 : f32 to vector<2x32x128xf32>
    %mul3A_10 = arith.mulf %sub3A, %mul3A_9 : vector<2x32x128xf32>
    %slice3A_11 = vector.extract_strided_slice %get3A_2 {offsets = [6, 0, 0], sizes = [4, 32, 128], strides = [1, 1, 1]} : vector<10x32x128xf32> to vector<4x32x128xf32>
    %slice3A_12 = vector.extract_strided_slice %get3A_2 {offsets = [4, 0, 0], sizes = [1, 32, 128], strides = [1, 1, 1]} : vector<10x32x128xf32> to vector<1x32x128xf32>
    %concatenate3A = tpu.concatenate %mul3A_7, %mul3A_10, %slice3A_11, %slice3A_12 in 0 : vector<2x32x128xf32>, vector<2x32x128xf32>, vector<4x32x128xf32>, vector<1x32x128xf32> -> vector<9x32x128xf32>
    %swap3A = arith.constant 0 : index
    %swap3A_13 = arith.constant 0 : index
    %swap3A_14 = arith.constant 0 : index
    %swap3A_15 = vector.load %arg3[%swap3A, %swap3A_13, %swap3A_14] : memref<9x32x128xf32, #tpu.memory_space<vmem>>, vector<9x32x128xf32>
    tpu.vector_store %arg3[%swap3A, %swap3A_13, %swap3A_14], %concatenate3A {strides = array<i32>} : memref<9x32x128xf32, #tpu.memory_space<vmem>>, vector<9x32x128xf32>,
    return
  }
  func.func @transform_0(%arg0: i32) -> (i32, i32, i32) {
    %c0_i32 = arith.constant 0 : i32
    %c0_i32_0 = arith.constant 0 : i32
    %c156_i32 = arith.constant 156 : i32
    %c0_i32_1 = arith.constant 0 : i32
    return %c0_i32, %c0_i32_0, %c156_i32 : i32, i32, i32
  }
  func.func @transform_2(%arg0: i32) -> (i32, i32, i32) {
    %c0_i32 = arith.constant 0 : i32
    %c0_i32_0 = arith.constant 0 : i32
    %c156_i32 = arith.constant 156 : i32
    %c0_i32_1 = arith.constant 0 : i32
    return %c0_i32, %c0_i32_0, %c156_i32 : i32, i32, i32
  }
}

</mosaic_0001>

<sc_bundles>
// kernel: kernel.4.cloned.1.call-start
scs
__scs_entry_jumppad:
0x0: {  	(pc) =	sbr.rel $0x88, $3  }
0x1: {  	(tag) =	ssettag $0x0;
	lr =	simm.s32 $0x1  }
0x2: {  	[smem:$0x3FA0] =	sst lr;
	_ =	strace $0xD0000000  }
0x3: {  	_ = 	snop  }
0x4: {  	_ = 	snop  }
0x5: {  	_ = 	snop  }
0x6: {  	_ = 	snop  }
0x7: {  	_ = 	snop  }
__scs_overlays_trampoline_lowered:
0x8: {  	[smem:$0x3FAF] =	sst s0  }
0x9: {  	[smem:$0x3FB0] =	sst s1  }
0xa: {  	[smem:$0x3FB1] =	sst s2  }
0xb: {  	[smem:$0x3FB2] =	sst s3  }
0xc: {  	[smem:$0x3FB3] =	sst s4  }
0xd: {  	[smem:$0x3FB4] =	sst s5  }
0xe: {  	[smem:$0x3FB5] =	sst s6  }
0xf: {  	[smem:$0x3FB6] =	sst s7  }
0x10: {  	[smem:$0x3FB7] =	sst s8  }
0x11: {  	[smem:$0x3FB8] =	sst s9;
	s0 =	simm.s32 @!p0 $0x0  }
0x12: {  	s1 =	sld [smem:$0x3F9E];
	s0 =	simm.s32 @p0 $0x1  }
0x13: {  	[smem:$0x3FB9] =	sst s0;
	s0 =	simm.s32 @!p1 $0x0  }
0x14: {  	s2 =	sld [smem:$0x3F9D];
	s0 =	simm.s32 @p1 $0x1  }
0x15: {  	[smem:$0x3FBA] =	sst s0;
	s0 =	simm.s32 @!p2 $0x0  }
0x16: {  	s3 =	sld [smem:$0x3FDB];
	s0 =	simm.s32 @p2 $0x1  }
0x17: {  	s4 =	simm.s32 $0x1BF5;
	[smem:$0x3FBC] =	sst s0  }
0x18: {  	s0 =	sld [smem:$0x3F9F];
	_ =	swait.ge [sflag:s4], $0x0  }
0x19: {  	s7 =	sld [smem:$0x3FA0]  }
0x1a: {  	s8 =	sadd.s32 $0xFFFFE003, lr  }
0x1b: {  	s9 =	sadd.s32 $0xFFFFFEF7, lr;
	s5 =	simm.s32 $0xFFFFFFFF;
	p2 =	slt.u32 s8, $0xFFFFF086  }
0x1c: {  	p1 =	slt.u32 s9, $0xF7A;
	s5 =	simm.s32 @!p2 $0x0  }
0x1d: {  	s5 =	simm.s32 @p1 $0x1;
	p0 =	seq.s32 s7, s2  }
0x1e: {  	s7 =	smul.u32 @!p0 $0xF7A, s2;
	p2 =	seq.s32 @!p0 s5, $0x0  }
0x1f: {  	s9 =	smul.u32 $0xF7A, s1;
	s8 =	simm.s32 @!p0 $0x1BF5;
	p2 =	por !p2, p0  }
0x20: {  	[sflag:s8] =	ssyncset.s32 @!p0 $0xFFFFF086;
	s6 =	sadd.s32 @!p0 s3, s7;
	s7 =	simm.s32 @!p0 $0x108  }
0x21: {  	s3 =	sadd.s32 s3, s9;
	s6 =	sadd.s32 @!p0 $0x88, s6;
	s7 =	simm.s32 @p2 $0x1082  }
0x22: {  	[simem:s7], [sflag:s8] =	dma.local @!p0 [hbm:s6], $0xF7A  }
0x23: {  	s9 =	sor.u32 $0xD0000000, s2;
	s6 =	simm.s32 $0x108;
	_ =	swait.ge @!p0 [sflag:s8], $0x0  }
0x24: {  	s3 =	sadd.s32 $0x88, s3;
	s6 =	simm.s32 @!p1 $0x1082;
	[sflag:s4] =	ssyncset.s32 $0xFFFFF086  }
0x25: {  	[simem:s6], [sflag:s4] =	dma.local [hbm:s3], $0xF7A  }
0x26: {  	[smem:$0x3FA0] =	sst s1;
	(tag) =	ssettag s2;
	_ =	strace s9  }
0x27: {  	s1 =	sld [smem:$0x3FB0]  }
0x28: {  	s2 =	sld [smem:$0x3FB1]  }
0x29: {  	s4 =	sld [smem:$0x3FB3]  }
0x2a: {  	p0 =	seq.s32 s5, $0x0;
	s5 =	sld [smem:$0x3FB4]  }
0x2b: {  	s6 =	sld [smem:$0x3FB5]  }
0x2c: {  	s7 =	sld [smem:$0x3FB6]  }
0x2d: {  	s3 =	simm.s32 $0x108;
	s8 =	sld [smem:$0x3FB7]  }
0x2e: {  	s3 =	simm.s32 @!p0 $0x1082;
	s9 =	sld [smem:$0x3FB8]  }
0x2f: {  	lr =	sadd.s32 s0, s3;
	s0 =	sld [smem:$0x3FAF]  }
0x30: {  	s3 =	sld [smem:$0x3FB2]  }
0x31: {  	[smem:$0x3FBB] =	sst s10  }
0x32: {  	s10 =	sld [smem:$0x3FB9];
	_ =	sdelay $0x3  }
0x33: {  	p0 =	seq.s32 s10, $0x1;
	s10 =	sld [smem:$0x3FBB];
	_ =	sdelay $0x3  }
0x34: {  	[smem:$0x3FBB] =	sst s10  }
0x35: {  	s10 =	sld [smem:$0x3FBA];
	_ =	sdelay $0x3  }
0x36: {  	p1 =	seq.s32 s10, $0x1;
	s10 =	sld [smem:$0x3FBB];
	_ =	sdelay $0x3  }
0x37: {  	[smem:$0x3FBB] =	sst s10  }
0x38: {  	s10 =	sld [smem:$0x3FBC]  }
0x39: {  	_ = 	snop;
	(pc) =	sbr.ind lr, $3  }
0x3a: {  	_ = 	snop  }
0x3b: {  	_ = 	snop  }
0x3c: {  	p2 =	seq.s32 s10, $0x1;
	s10 =	sld [smem:$0x3FBB]  }
0x3d: {  	_ =	shalt  }
0x3e: {  	_ =	shalt  }
0x3f: {  	_ =	shalt  }
0x40: {  	_ =	shalt  }
0x41: {  	_ =	shalt  }
0x42: {  	_ =	shalt  }
0x43: {  	_ =	shalt  }
0x44: {  	_ =	shalt  }
0x45: {  	_ =	shalt  }
0x46: {  	_ =	shalt  }
0x47: {  	_ =	shalt  }
0x48: {  	_ =	shalt  }
0x49: {  	_ =	shalt  }
0x4a: {  	_ =	shalt  }
0x4b: {  	_ =	shalt  }
0x4c: {  	_ =	shalt  }
0x4d: {  	_ =	shalt  }
0x4e: {  	_ =	shalt  }
0x4f: {  	_ =	shalt  }
0x50: {  	_ =	shalt  }
0x51: {  	_ =	shalt  }
0x52: {  	_ =	shalt  }
0x53: {  	_ =	shalt  }
0x54: {  	_ =	shalt  }
0x55: {  	_ =	shalt  }
0x56: {  	_ =	shalt  }
0x57: {  	_ =	shalt  }
0x58: {  	_ =	shalt  }
0x59: {  	_ =	shalt  }
0x5a: {  	_ =	shalt  }
0x5b: {  	_ =	shalt  }
0x5c: {  	_ =	shalt  }
0x5d: {  	_ =	shalt  }
0x5e: {  	_ =	shalt  }
0x5f: {  	_ =	shalt  }
0x60: {  	_ =	shalt  }
0x61: {  	_ =	shalt  }
0x62: {  	_ =	shalt  }
0x63: {  	_ =	shalt  }
0x64: {  	_ =	shalt  }
0x65: {  	_ =	shalt  }
0x66: {  	_ =	shalt  }
0x67: {  	_ =	shalt  }
0x68: {  	_ =	shalt  }
0x69: {  	_ =	shalt  }
0x6a: {  	_ =	shalt  }
0x6b: {  	_ =	shalt  }
0x6c: {  	_ =	shalt  }
0x6d: {  	_ =	shalt  }
0x6e: {  	_ =	shalt  }
0x6f: {  	_ =	shalt  }
0x70: {  	_ =	shalt  }
0x71: {  	_ =	shalt  }
0x72: {  	_ =	shalt  }
0x73: {  	_ =	shalt  }
0x74: {  	_ =	shalt  }
0x75: {  	_ =	shalt  }
0x76: {  	_ =	shalt  }
0x77: {  	_ =	shalt  }
0x78: {  	_ =	shalt  }
0x79: {  	_ =	shalt  }
0x7a: {  	_ =	shalt  }
0x7b: {  	_ =	shalt  }
0x7c: {  	_ =	shalt  }
0x7d: {  	_ =	shalt  }
0x7e: {  	_ =	shalt  }
0x7f: {  	_ =	shalt  }
0x80: {  	_ =	shalt  }
0x81: {  	_ =	shalt  }
0x82: {  	_ =	shalt  }
0x83: {  	_ =	shalt  }
0x84: {  	_ =	shalt  }
0x85: {  	_ =	shalt  }
0x86: {  	_ =	shalt  }
0x87: {  	_ =	shalt  }
.Lfunc_end0:
.L_simem_size_0:
called_computation_lowered:
.L_overlay_start_0:
0x88: {  	s2 =	sld [smem:$0x3FD9]  }
0x89: {  	s3 =	sld [smem:$0x3FFE];
	_ =	sdelay $0x1  }
0x8a: {  	s1 =	srdreg.scid  }
0x8b: {  	s0 =	sand.u32 $0x1, s1  }
0x8c: {  	s18 =	sshll.u32 s0, $0xA;
	s2 =	sadd.s32 s3, s2  }
0x8d: {  	s2 =	sadd.s32 s2, s18  }
0x8e: {  	[smem:$0x3FC7] =	sst s2  }
0x8f: {  	_ = 	snop  }
0x90: {  	s2 =	sld [smem:$0x3FC9]  }
0x91: {  	s19 =	sld [smem:$0x3FD0];
	(tm) =	ssettm $0x1  }
0x92: {  	s4 =	sld [smem:$0x3FFB];
	_ =	sdelay $0x3  }
0x93: {  	_ =	strace s4  }
0x94: {  	s4 =	sld [smem:$0x3FFC];
	_ =	sdelay $0x3  }
0x95: {  	_ =	strace s4  }
0x96: {  	s4 =	sld [smem:$0x3FFD];
	_ =	sdelay $0x3  }
0x97: {  	_ =	strace s4  }
0x98: {  	_ =	strace $0x8FFFFFFF  }
0x99: {  	s20 =	sld [smem:$0x3FDB];
	_ =	sdelay $0x1  }
0x9a: {  	s5 =	simm.s32 $_scs_section_size  }
0x9b: {  	s6 =	simm.s32 $_size__tile_overlayer_lowered;
	s7 =	simm.s32 $_tile_overlayer_lowered  }
0x9c: {  	s23 =	simm.s32 $0x1BFF;
	s22 =	sshll.u32 s7, $0x1;
	s4 =	sadd.s32 s5, s20  }
0x9d: {  	s8 =	simm.s32 $0x0;
	s21 =	sshll.u32 s6, $0x1;
	s6 =	sadd.s32 s22, s4  }
0x9e: {  	[timem:s8], [sflag:s23] =	dma.local [hbm:s6], s21  }
0x9f: {  	_ =	swait.ge [sflag:s23], s21  }
0xa0: {  	s5 =	ssub.s32 $0x0, s21;
	[sflag:s23] =	ssyncset.done $0x0  }
0xa1: {  	[sflag:s23] =	ssyncadd.s32 s5;
	_ =	sdelay $0x1  }
0xa2: {  	s24 =	simm.s32 $0x1B8B  }
0xa3: {  	_ =	swait.ge [sflag:s24], $0x1  }
0xa4: {  	[sflag:s24] =	ssyncset.done $0x0  }
0xa5: {  	s25 =	simm.s32 $0x1B8E;
	[sflag:s24] =	ssyncadd.s32 $0xFFFFFFFF  }
0xa6: {  	s26 =	simm.s32 $execute0_lowered;
	[smem:$0x3FD2] =	sst s25  }
0xa7: {  	s5 =	sshll.u32 s26, $0x1;
	_ =	strace $0x80000046;
	[dreg:$0x1] =	wrdreg $0xFFFFFFFF  }
0xa8: {  	s28 =	simm.s32 $_size_execute0_lowered;
	s4 =	sadd.s32 s4, s5;
	[dreg:$0x0] =	wrdreg $0x0  }
0xa9: {  	s5 =	sshll.u32 s28, $0x1;
	[dreg:$0x2] =	wrdreg s4  }
0xaa: {  	[dreg:$0x3] =	wrdreg s5  }
0xab: {  	[dreg:$0x4] =	wrdreg $0xC0  }
0xac: {  	_ =	task [dreg:s8], $0x5FFFF  }
0xad: {  	[dreg:$0x1] =	wrdreg $0xFFFFFFFF  }
0xae: {  	[dreg:$0x0] =	wrdreg $0x60  }
0xaf: {  	[dreg:$0x2] =	wrdreg s2  }
0xb0: {  	[dreg:$0x3] =	wrdreg s19  }
0xb1: {  	[dreg:$0x4] =	wrdreg $0x9  }
0xb2: {  	_ =	task.clear_ibuf [dreg:s8], $0x5FFFF;
	_ =	strace $0x90000046  }
0xb3: {  	s29 =	simm.s32 $0x9;
	_ =	strace $0x80000048  }
0xb4: {  	_ =	swait.ge [sflag:s29], $0x1  }
0xb5: {  	[sflag:s29] =	ssyncadd.s32 $0xFFFFFFFF  }
0xb6: {  	_ =	strace $0x90000048  }
0xb7: {  	_ =	sfence  }
0xb8: {  	s30 =	sld [smem:$0x0];
	_ =	sdelay $0x2  }
0xb9: {  	s31 =	sshll.u32 s1, $0xD;
	s1 =	sshrl.u32 s1, $0x2  }
0xba: {  	s3 =	sand.u32 $0x4000, s31;
	s1 =	sadd.s32 s1, s30  }
0xbb: {  	s0 =	sor.u32 s3, s0;
	s1 =	sshll.u32 s1, $0x11  }
0xbc: {  	s0 =	sor.u32 s1, s0  }
0xbd: {  	s0 =	sadd.s32 $0x8F2B, s0  }
0xbe: {  	[sflag:s0] =	ssyncadd.remote.s32 $0x1  }
0xbf: {  	_ =	sfence.sel $0xFFFF  }
0xc0: {  	[dreg:$0x0] =	wrdreg $0xFFFFFFFF;
	(pc) =	sbr.abs _section_cstart, $3  }
0xc1: {  	[dreg:$0x1] =	wrdreg $0xFFFFFFFF  }
0xc2: {  	_ =	task.clear_ibuf [dreg:s8], $0x2FFFF;
	_ =	strace $0x9FFFFFFF  }
0xc3: {  	(tm) =	ssettm $0x7FFFFFFF  }
tec
execute0_lowered:
.L_overlay_start_1:
0x0: {  	(tag) =	ssettag $0x1  }
0x1: {  	s0 =	srdreg.scid  }
0x2: {  	s20 =	stileid.u32;
	s2 =	sand.u32 $0x1, s0  }
0x3: {  	s0 =	sor.u32 s2, s20  }
0x4: {  	p0 =	seq.s32 s2, $0x1;
	p1 =	seq.s32 s0, $0x0  }
0x5: {  	p0 =	por !p1, !p0  }
0x6: {  	s0 =	simm.s32 $0x1;
	p0 =	por !p0, !p0  }
0x7: {  	s4 =	smul.u32 $0x4E800, s2;
	s2 =	ssub.s32 $0x2, s2;
	s0 =	simm.s32 @!p0 $0x0  }
0x8: {  	s3 =	rddreg [dreg:$0x0];
	s6 =	sshrl.u32 s2, $0x1;
	s1 =	ssub.s32 s20, s0  }
0x9: {  	s0 =	rddreg [dreg:$0x1];
	s5 =	sshll.u32 s1, $0xB;
	s1 =	simm.s32 $0x0  }
0xa: {  	s2 =	ssub.s32 s2, s6;
	s5 =	sadd.s32 s4, s5;
	[smem:$0x7FF] =	sst s1  }
0xb: {  	s7 =	sadd.s32 $0x274000, s5;
	s24 =	sadd.s32 $0x3AE000, s5;
	s25 =	sadd.s32 $0x44B000, s5  }
0xc: {  	s26 =	sadd.s32 $0x4E8000, s5;
	s28 =	sadd.s32 $0x585000, s5;
	s30 =	sshrl.u32 s5, $0x3  }
0xd: {  	s13 =	sadd.s32 $0x9D000, s5;
	s15 =	sadd.s32 $0x1D7000, s5;
	s12 =	sadd.s32 s3, s30  }
0xe: {  	s23 =	sshrl.u32 s7, $0x3;
	s22 =	sadd.s32 s0, s30;
	[dreg:$0x8] =	wrdreg s12  }
0xf: {  	s7 =	sshrl.u32 s24, $0x3;
	s8 =	sadd.s32 s3, s23;
	[dreg:$0x11] =	wrdreg s22  }
0x10: {  	s9 =	sadd.s32 s3, s7;
	s12 =	sadd.s32 $0x13A000, s5;
	[dreg:$0x3] =	wrdreg s8  }
0x11: {  	s5 =	sadd.s32 $0x311000, s5;
	s6 =	sadd.s32 s0, s23;
	[dreg:$0x4] =	wrdreg s9  }
0x12: {  	s18 =	sadd.s32 s0, s7;
	s8 =	sshrl.u32 s25, $0x3;
	[dreg:$0xc] =	wrdreg s6  }
0x13: {  	s9 =	sshrl.u32 s26, $0x3;
	[dreg:$0xe] =	wrdreg s18;
	s10 =	sadd.s32 s3, s8  }
0x14: {  	s5 =	sshrl.u32 s5, $0x3;
	s11 =	sadd.s32 s3, s9;
	[dreg:$0x5] =	wrdreg s10  }
0x15: {  	s5 =	sadd.s32 s0, s5;
	[dreg:$0x6] =	wrdreg s11  }
0x16: {  	s12 =	sshrl.u32 s12, $0x3;
	s19 =	sadd.s32 s0, s8;
	[dreg:$0xd] =	wrdreg s5  }
0x17: {  	s21 =	sadd.s32 s0, s9;
	s10 =	sshrl.u32 s28, $0x3;
	[dreg:$0xf] =	wrdreg s19  }
0x18: {  	s24 =	sadd.s32 s0, s12;
	[dreg:$0x10] =	wrdreg s21;
	s10 =	sadd.s32 s3, s10  }
0x19: {  	[dreg:$0x7] =	wrdreg s10;
	s10 =	sshrl.u32 s13, $0x3;
	s13 =	sshll.u32 s20, $0xB  }
0x1a: {  	[dreg:$0x13] =	wrdreg s24;
	s14 =	sadd.s32 s3, s10;
	s4 =	sadd.s32 s13, s4  }
0x1b: {  	s13 =	sshrl.u32 s15, $0x3;
	s23 =	sadd.s32 s0, s10;
	[dreg:$0x9] =	wrdreg s14  }
0x1c: {  	s14 =	sadd.s32 s3, s12;
	s16 =	sadd.s32 $0x8000, s4;
	[dreg:$0x12] =	wrdreg s23  }
0x1d: {  	s15 =	sadd.s32 s3, s13;
	[dreg:$0xa] =	wrdreg s14;
	s14 =	sshrl.u32 s16, $0x3  }
0x1e: {  	s26 =	sadd.s32 s0, s13;
	[dreg:$0xb] =	wrdreg s15;
	s17 =	sadd.s32 $0x4E800, s14  }
0x1f: {  	[dreg:$0x14] =	wrdreg s26;
	s28 =	sadd.s32 s3, s17  }
0x20: {  	s7 =	sadd.s32 $0x75C00, s14;
	s30 =	sadd.s32 s0, s17;
	[dreg:$0x15] =	wrdreg s28  }
0x21: {  	s15 =	sadd.s32 s3, s7;
	[dreg:$0x16] =	wrdreg s30  }
0x22: {  	s8 =	sadd.s32 $0x89600, s14;
	s6 =	sadd.s32 s0, s7;
	[dreg:$0x19] =	wrdreg s15  }
0x23: {  	s16 =	sadd.s32 s3, s8;
	[dreg:$0x1a] =	wrdreg s6  }
0x24: {  	s9 =	sadd.s32 $0x9D000, s14;
	s17 =	sadd.s32 s0, s8;
	[dreg:$0x1b] =	wrdreg s16  }
0x25: {  	s18 =	sadd.s32 s3, s9;
	[dreg:$0x1c] =	wrdreg s17  }
0x26: {  	s10 =	sadd.s32 $0x13A00, s14;
	s19 =	sadd.s32 s0, s9;
	[dreg:$0x1d] =	wrdreg s18  }
0x27: {  	s25 =	sadd.s32 $0x10000, s4;
	s23 =	sadd.s32 s3, s10;
	[dreg:$0x1e] =	wrdreg s19  }
0x28: {  	s11 =	sadd.s32 $0x27400, s14;
	s24 =	sadd.s32 s0, s10;
	[dreg:$0x1f] =	wrdreg s23  }
0x29: {  	s5 =	sshrl.u32 s25, $0x3;
	s25 =	sadd.s32 s3, s11;
	[smem:$0x7C0] =	sst s24  }
0x2a: {  	s13 =	sadd.s32 $0x3AE00, s14;
	s26 =	sadd.s32 s0, s11;
	[smem:$0x7C1] =	sst s25  }
0x2b: {  	s8 =	sadd.s32 s0, s13;
	[smem:$0x7C2] =	sst s26  }
0x2c: {  	s9 =	sadd.s32 $0x4E800, s5;
	s28 =	sadd.s32 s3, s13;
	[smem:$0x7C4] =	sst s8  }
0x2d: {  	s10 =	sadd.s32 s3, s9;
	[smem:$0x7C3] =	sst s28  }
0x2e: {  	s11 =	sadd.s32 $0x75C00, s5;
	s7 =	sadd.s32 s0, s9;
	[smem:$0x7C5] =	sst s10  }
0x2f: {  	s21 =	sadd.s32 s3, s14;
	s17 =	sadd.s32 s3, s11;
	[smem:$0x7C6] =	sst s7  }
0x30: {  	s12 =	sadd.s32 $0x89600, s5;
	s18 =	sadd.s32 s0, s11;
	[smem:$0x7C7] =	sst s17  }
0x31: {  	s22 =	sadd.s32 s0, s14;
	s19 =	sadd.s32 s3, s12;
	[smem:$0x7C8] =	sst s18  }
0x32: {  	s13 =	sadd.s32 $0x9D000, s5;
	s25 =	sadd.s32 s0, s12;
	[smem:$0x7C9] =	sst s19  }
0x33: {  	s14 =	sadd.s32 $0x13A00, s5;
	[smem:$0x7CA] =	sst s25;
	s26 =	sadd.s32 s3, s13  }
0x34: {  	s30 =	sadd.s32 $0x18000, s4;
	s28 =	sadd.s32 s0, s13;
	[smem:$0x7CB] =	sst s26  }
0x35: {  	s6 =	sshrl.u32 s30, $0x3;
	s30 =	sadd.s32 s3, s14;
	[smem:$0x7CC] =	sst s28  }
0x36: {  	s15 =	sadd.s32 $0x27400, s5;
	s7 =	sadd.s32 s0, s14;
	[smem:$0x7CD] =	sst s30  }
0x37: {  	s23 =	sadd.s32 s3, s5;
	s8 =	sadd.s32 s3, s15;
	[smem:$0x7CE] =	sst s7  }
0x38: {  	s16 =	sadd.s32 $0x3AE00, s5;
	s9 =	sadd.s32 s0, s15;
	[smem:$0x7CF] =	sst s8  }
0x39: {  	s24 =	sadd.s32 s0, s5;
	s10 =	sadd.s32 s3, s16;
	[smem:$0x7D0] =	sst s9  }
0x3a: {  	s4 =	sadd.s32 $0x20000, s4;
	s11 =	sadd.s32 s0, s16;
	[smem:$0x7D1] =	sst s10  }
0x3b: {  	s4 =	sshrl.u32 s4, $0x3;
	[smem:$0x7D2] =	sst s11;
	s5 =	sadd.s32 $0x4E800, s6  }
0x3c: {  	s7 =	sadd.s32 $0x75C00, s6;
	s8 =	sadd.s32 $0x89600, s6;
	s12 =	sadd.s32 s3, s5  }
0x3d: {  	s9 =	sadd.s32 $0x9D000, s6;
	s13 =	sadd.s32 s3, s7;
	[smem:$0x7D3] =	sst s12  }
0x3e: {  	s10 =	sadd.s32 $0x13A00, s6;
	s14 =	sadd.s32 s3, s8;
	[smem:$0x7D4] =	sst s13  }
0x3f: {  	s25 =	sadd.s32 s3, s6;
	s15 =	sadd.s32 s3, s9;
	[smem:$0x7D5] =	sst s14  }
0x40: {  	s11 =	sadd.s32 $0x27400, s6;
	s16 =	sadd.s32 s3, s10;
	[smem:$0x7D6] =	sst s15  }
0x41: {  	s17 =	sadd.s32 s3, s11;
	[smem:$0x7D7] =	sst s16;
	s12 =	sadd.s32 $0x3AE00, s6  }
0x42: {  	[smem:$0x7D8] =	sst s17;
	s13 =	sadd.s32 $0x4E800, s4;
	s18 =	sadd.s32 s3, s12  }
0x43: {  	s14 =	sadd.s32 $0x75C00, s4;
	s19 =	sadd.s32 s3, s13;
	[smem:$0x7D9] =	sst s18  }
0x44: {  	s15 =	sadd.s32 $0x89600, s4;
	s26 =	sadd.s32 s3, s14;
	[smem:$0x7DA] =	sst s19  }
0x45: {  	s16 =	sadd.s32 $0x9D000, s4;
	s17 =	sadd.s32 s3, s15;
	[smem:$0x7DB] =	sst s26  }
0x46: {  	s28 =	sadd.s32 s3, s16;
	[smem:$0x7DC] =	sst s17;
	s17 =	sadd.s32 $0x13A00, s4  }
0x47: {  	[smem:$0x7DD] =	sst s28;
	s18 =	sadd.s32 $0x27400, s4;
	s28 =	sadd.s32 s3, s17  }
0x48: {  	s19 =	sadd.s32 $0x3AE00, s4;
	s30 =	sadd.s32 s3, s18;
	[smem:$0x7DE] =	sst s28  }
0x49: {  	s26 =	sadd.s32 s3, s4;
	s3 =	sadd.s32 s3, s19;
	[smem:$0x7DF] =	sst s30  }
0x4a: {  	[smem:$0x7E0] =	sst s3;
	s28 =	sadd.s32 s0, s5  }
0x4b: {  	s30 =	sadd.s32 s0, s6;
	s6 =	sadd.s32 s0, s7;
	[smem:$0x7E1] =	sst s28  }
0x4c: {  	s7 =	sadd.s32 s0, s8;
	[smem:$0x7E2] =	sst s6  }
0x4d: {  	s8 =	sadd.s32 s0, s9;
	[smem:$0x7E3] =	sst s7  }
0x4e: {  	s9 =	sadd.s32 s0, s10;
	[smem:$0x7E4] =	sst s8  }
0x4f: {  	s10 =	sadd.s32 s0, s11;
	[smem:$0x7E5] =	sst s9  }
0x50: {  	s11 =	sadd.s32 s0, s12;
	[smem:$0x7E6] =	sst s10  }
0x51: {  	s12 =	sadd.s32 s0, s13;
	[smem:$0x7E7] =	sst s11  }
0x52: {  	s13 =	sadd.s32 s0, s14;
	[smem:$0x7E8] =	sst s12  }
0x53: {  	s14 =	sadd.s32 s0, s15;
	[smem:$0x7E9] =	sst s13  }
0x54: {  	s15 =	sadd.s32 s0, s16;
	[smem:$0x7EA] =	sst s14  }
0x55: {  	s16 =	sadd.s32 s0, s17;
	[smem:$0x7EB] =	sst s15  }
0x56: {  	s17 =	sadd.s32 s0, s18;
	[smem:$0x7EC] =	sst s16  }
0x57: {  	s4 =	sadd.s32 s0, s4;
	s0 =	sadd.s32 s0, s19;
	[smem:$0x7ED] =	sst s17  }
0x58: {  	s18 =	smax.u32 s2, $0x1;
	[smem:$0x7EE] =	sst s0  }
0x59: {  	_ =	strace $0x80000047;
	[smem:$0x7EF] =	sst s18  }
0x5a: {  	s19 =	sadd.s32 $0xB0A00, s21;
	[dreg:$0x17] =	wrdreg s21  }
0x5b: {  	s31 =	simm.s32 $0x800;
	[smem:$0x7F0] =	sst s19  }
0x5c: {  	s29 =	simm.s32 $0xC000;
	p0 =	sgt.u32 s20, $0xD;
	[smem:$0x7F1] =	sst s23  }
0x5d: {  	s20 =	simm.s32 $0x1;
	s2 =	simm.s32 $0x4000;
	[dreg:$0x18] =	wrdreg s22  }
0x5e: {  	s3 =	simm.s32 $0x5000;
	s5 =	simm.s32 $0x8000;
	[smem:$0x7F4] =	sst s25  }
0x5f: {  	s28 =	sadd.s32 $0x62200, s30;
	s0 =	simm.s32 $0x27400;
	[smem:$0x7F6] =	sst s24  }
0x60: {  	s8 =	simm.s32 $0x6000;
	s9 =	simm.s32 $0x1000;
	[smem:$0x7F8] =	sst s26  }
0x61: {  	s7 =	simm.s32 $0x2000;
	s10 =	simm.s32 $0x3000;
	[smem:$0x7FA] =	sst s30  }
0x62: {  	s15 =	simm.s32 $0x10000;
	s16 =	simm.s32 $0x11000;
	[smem:$0x7FB] =	sst s28  }
0x63: {  	s17 =	simm.s32 $0x9000;
	s21 =	sadd.s32 $0xB0A00, s23;
	[smem:$0x7FC] =	sst s4  }
0x64: {  	s6 =	simm.s32 $0x2;
	s22 =	sadd.s32 $0x62200, s22;
	[smem:$0x7F2] =	sst s21  }
0x65: {  	s23 =	sadd.s32 $0xB0A00, s25;
	s25 =	sadd.s32 $0x62200, s24;
	[smem:$0x7F3] =	sst s22  }
.Ltmp0:
0x66: {  	s26 =	sadd.s32 $0xB0A00, s26;
	[smem:$0x7F5] =	sst s23;
	(pc) =	sbr.rel .LBB2_1-.Ltmp0, $4  }
0x67: {  	s30 =	sadd.s32 $0x62200, s4;
	s4 =	simm.s32 $0x7000;
	[smem:$0x7F7] =	sst s25  }
0x68: {  	s18 =	simm.s32 $0xA000;
	s19 =	simm.s32 $0xB000;
	[smem:$0x7F9] =	sst s26  }
0x69: {  	s24 =	simm.s32 $0x5;
	[smem:$0x7FD] =	sst s30;
	s21 =	simm.s32 $0x4  }
0x6a: {  	s23 =	simm.s32 $0x3;
	s25 =	simm.s32 $0x6;
	s26 =	simm.s32 $0x0  }
.LBB2_12:
0x6b: {  	v47 =	vld [tilespmem:s28+$0x9020];
	[tilespmem:s28+$0xC030] =	vst v8  }
0x6c: {  	v48 =	vmul.f32 $1.562500020e-03, v9;
	[tilespmem:s28+$0xA000] =	vst v7;
	v49 =	vld [tilespmem:s28+$0xA020]  }
0x6d: {  	v4 =	vsub.f32 v6, v4;
	v50 =	vld [tilespmem:s28+$0xB020];
	[tilespmem:s28+$0xA030] =	vst v2;
	v51 =	vmul.f32 $1.562500020e-03, v1  }
0x6e: {  	v52 =	vsub.f32 v3, v1;
	v53 =	vld [tilespmem:s28+$0xC020];
	v54 =	vmul.f32 $1.562500020e-03, v0;
	[tilespmem:s28+$0xB000] =	vst v48  }
0x6f: {  	v55 =	vsub.f32 v5, v0;
	v56 =	vld [tilespmem:s28+$0x9030];
	v4 =	vmul.f32 $1.562500020e-03, v4;
	[tilespmem:s28+$0x9010] =	vst v51  }
0x70: {  	v57 =	vld [tilespmem:s28+$0xB030];
	v1 =	vmul.f32 $1.562500020e-03, v52;
	[tilespmem:s28+$0xA010] =	vst v54  }
0x71: {  	v0 =	vmul.f32 $1.562500020e-03, v55;
	[tilespmem:s28+$0xC000] =	vst v4  }
0x72: {  	[tilespmem:s28+$0xB010] =	vst v1;
	v58 =	vmul.f32 $1.562500020e-03, v47  }
0x73: {  	[tilespmem:s28+$0xC010] =	vst v0;
	v59 =	vsub.f32 v50, v47;
	v60 =	vmul.f32 $1.562500020e-03, v49  }
0x74: {  	v61 =	vsub.f32 v53, v49;
	v62 =	vmul.f32 $1.562500020e-03, v56;
	[tilespmem:s28+$0x9020] =	vst v58  }
0x75: {  	v2 =	vsub.f32 v57, v56;
	v1 =	vmul.f32 $1.562500020e-03, v59;
	[tilespmem:s28+$0xA020] =	vst v60  }
0x76: {  	v0 =	vmul.f32 $1.562500020e-03, v61;
	[tilespmem:s28+$0x9030] =	vst v62  }
0x77: {  	v63 =	vmul.f32 $1.562500020e-03, v2;
	[tilespmem:s28+$0xB020] =	vst v1  }
0x78: {  	[tilespmem:s28+$0xC020] =	vst v0  }
0x79: {  	[tilespmem:s28+$0xB030] =	vst v63  }
0x7a: {  	s11 =	sld [smem:$0x7FC];
	_ =	sdelay $0x1  }
0x7b: {  	s22 =	sld [smem:$0x7EC]  }
0x7c: {  	[hbm4b:s11+s31] =	stream.strided.scatter [tilespmem:s17], [sflag:$0x5], $0x1000, s0, s31, $0x38;
	[tilespmem:$0x1B000] =	vst v63  }
0x7d: {  	s28 =	sld [smem:$0x7ED]  }
0x7e: {  	[hbm4b:s22+s31] =	stream.strided.scatter [tilespmem:s18], [sflag:$0x5], $0x1000, s0, s31, $0x38;
	[tilespmem:$0x1B000] =	vst v63  }
0x7f: {  	s30 =	sld [smem:$0x7EE]  }
0x80: {  	[hbm4b:s28+s31] =	stream.strided.scatter [tilespmem:s19], [sflag:$0x5], $0x1000, s0, s31, $0x38;
	[tilespmem:$0x1B000] =	vst v63  }
0x81: {  	_ = 	snop  }
0x82: {  	[hbm4b:s30+s31] =	stream.strided.scatter [tilespmem:s29], [sflag:$0x5], $0x1000, s0, s31, $0x38;
	[tilespmem:$0x1B000] =	vst v63  }
.LBB2_13:
0x83: {  	_ =	swait.ge [sflag:s25], $0x1000  }
0x84: {  	[sflag:s25] =	ssyncset.done $0x0  }
0x85: {  	[sflag:s25] =	ssyncadd.s32 $0xFFFFF000  }
0x86: {  	_ =	swait.ge [sflag:s25], $0x1000  }
0x87: {  	[sflag:s25] =	ssyncset.done $0x0  }
0x88: {  	[sflag:s25] =	ssyncadd.s32 $0xFFFFF000  }
0x89: {  	_ =	swait.ge [sflag:s25], $0x1000  }
0x8a: {  	[sflag:s25] =	ssyncset.done $0x0  }
0x8b: {  	[sflag:s25] =	ssyncadd.s32 $0xFFFFF000  }
0x8c: {  	_ =	swait.ge [sflag:s25], $0x1000  }
0x8d: {  	[sflag:s25] =	ssyncset.done $0x0  }
0x8e: {  	[sflag:s25] =	ssyncadd.s32 $0xFFFFF000  }
0x8f: {  	_ =	swait.ge [sflag:s25], $0x1000  }
0x90: {  	[sflag:s25] =	ssyncset.done $0x0  }
0x91: {  	[sflag:s25] =	ssyncadd.s32 $0xFFFFF000  }
0x92: {  	_ =	swait.ge [sflag:s25], $0x1000  }
0x93: {  	[sflag:s25] =	ssyncset.done $0x0  }
0x94: {  	[sflag:s25] =	ssyncadd.s32 $0xFFFFF000  }
0x95: {  	_ =	swait.ge [sflag:s25], $0x1000  }
0x96: {  	[sflag:s25] =	ssyncset.done $0x0  }
0x97: {  	[sflag:s25] =	ssyncadd.s32 $0xFFFFF000  }
0x98: {  	_ =	swait.ge [sflag:s25], $0x1000  }
0x99: {  	[sflag:s25] =	ssyncset.done $0x0  }
0x9a: {  	[sflag:s25] =	ssyncadd.s32 $0xFFFFF000  }
0x9b: {  	_ =	swait.ge [sflag:s25], $0x1000  }
0x9c: {  	[sflag:s25] =	ssyncset.done $0x0  }
0x9d: {  	[sflag:s25] =	ssyncadd.s32 $0xFFFFF000  }
0x9e: {  	_ =	swait.ge [sflag:s21], $0x1000  }
0x9f: {  	[sflag:s21] =	ssyncset.done $0x0  }
0xa0: {  	[sflag:s21] =	ssyncadd.s32 $0xFFFFF000  }
0xa1: {  	_ =	swait.ge [sflag:s21], $0x1000  }
0xa2: {  	[sflag:s21] =	ssyncset.done $0x0  }
0xa3: {  	[sflag:s21] =	ssyncadd.s32 $0xFFFFF000  }
0xa4: {  	_ =	swait.ge [sflag:s21], $0x1000  }
0xa5: {  	[sflag:s21] =	ssyncset.done $0x0  }
0xa6: {  	[sflag:s21] =	ssyncadd.s32 $0xFFFFF000  }
0xa7: {  	_ =	swait.ge [sflag:s21], $0x1000  }
0xa8: {  	[sflag:s21] =	ssyncset.done $0x0  }
0xa9: {  	[sflag:s21] =	ssyncadd.s32 $0xFFFFF000  }
0xaa: {  	_ =	swait.ge [sflag:s21], $0x1000  }
0xab: {  	[sflag:s21] =	ssyncset.done $0x0  }
0xac: {  	[sflag:s21] =	ssyncadd.s32 $0xFFFFF000  }
0xad: {  	_ =	swait.ge [sflag:s21], $0x1000  }
0xae: {  	[sflag:s21] =	ssyncset.done $0x0  }
0xaf: {  	[sflag:s21] =	ssyncadd.s32 $0xFFFFF000  }
0xb0: {  	_ =	swait.ge [sflag:s21], $0x1000  }
0xb1: {  	[sflag:s21] =	ssyncset.done $0x0  }
0xb2: {  	[sflag:s21] =	ssyncadd.s32 $0xFFFFF000  }
0xb3: {  	_ =	swait.ge [sflag:s21], $0x1000  }
0xb4: {  	[sflag:s21] =	ssyncset.done $0x0  }
0xb5: {  	[sflag:s21] =	ssyncadd.s32 $0xFFFFF000  }
0xb6: {  	_ =	swait.ge [sflag:s21], $0x1000  }
0xb7: {  	[sflag:s21] =	ssyncset.done $0x0  }
0xb8: {  	s11 =	simm.s32 @!p0 $0x5;
	[sflag:s21] =	ssyncadd.s32 $0xFFFFF000  }
0xb9: {  	_ =	swait.ge @!p0 [sflag:s11], $0x1000  }
0xba: {  	[sflag:s11] =	ssyncset.done @!p0 $0x0  }
0xbb: {  	[sflag:s11] =	ssyncadd.s32 @!p0 $0xFFFFF000  }
0xbc: {  	_ =	swait.ge @!p0 [sflag:s11], $0x1000  }
0xbd: {  	[sflag:s11] =	ssyncset.done @!p0 $0x0  }
0xbe: {  	[sflag:s11] =	ssyncadd.s32 @!p0 $0xFFFFF000  }
0xbf: {  	_ =	swait.ge @!p0 [sflag:s11], $0x1000  }
0xc0: {  	[sflag:s11] =	ssyncset.done @!p0 $0x0  }
0xc1: {  	[sflag:s11] =	ssyncadd.s32 @!p0 $0xFFFFF000  }
0xc2: {  	_ =	swait.ge @!p0 [sflag:s11], $0x1000  }
0xc3: {  	[sflag:s11] =	ssyncset.done @!p0 $0x0  }
0xc4: {  	[sflag:s11] =	ssyncadd.s32 @!p0 $0xFFFFF000  }
0xc5: {  	_ =	swait.ge @!p0 [sflag:s11], $0x1000  }
0xc6: {  	[sflag:s11] =	ssyncset.done @!p0 $0x0  }
0xc7: {  	[sflag:s11] =	ssyncadd.s32 @!p0 $0xFFFFF000  }
0xc8: {  	_ =	swait.ge @!p0 [sflag:s11], $0x1000  }
0xc9: {  	[sflag:s11] =	ssyncset.done @!p0 $0x0  }
0xca: {  	[sflag:s11] =	ssyncadd.s32 @!p0 $0xFFFFF000  }
0xcb: {  	_ =	swait.ge @!p0 [sflag:s11], $0x1000  }
0xcc: {  	[sflag:s11] =	ssyncset.done @!p0 $0x0  }
0xcd: {  	[sflag:s11] =	ssyncadd.s32 @!p0 $0xFFFFF000  }
0xce: {  	_ =	swait.ge @!p0 [sflag:s11], $0x1000  }
0xcf: {  	[sflag:s11] =	ssyncset.done @!p0 $0x0  }
0xd0: {  	[sflag:s11] =	ssyncadd.s32 @!p0 $0xFFFFF000  }
0xd1: {  	_ =	swait.ge @!p0 [sflag:s11], $0x1000  }
0xd2: {  	s12 =	sld [smem:$0x7EF];
	_ =	sdelay $0x1  }
0xd3: {  	s26 =	sadd.s32 $0x1, s26  }
0xd4: {  	p1 =	sne.s32 s26, s12  }
.Ltmp1:
0xd5: {  	_ = 	snop;
	(pc) =	sbr.rel @!p1 .LBB2_14-.Ltmp1, $3  }
0xd6: {  	_ =	sdelay $0x1  }
0xd7: {  	[sflag:s11] =	ssyncset.done @!p0 $0x0  }
0xd8: {  	[sflag:s11] =	ssyncadd.s32 @!p0 $0xFFFFF000  }
.LBB2_1:
0xd9: {  	s11 =	rddreg [dreg:$0x3]  }
0xda: {  	s13 =	rddreg [dreg:$0x4]  }
0xdb: {  	[tilespmem:s2], [sflag:$0x1] =	stream.strided.gather [hbm4b:s11+s31], $0x1000, s0, s31, $0x38;
	[tilespmem:$0x1B000] =	vst v63  }
0xdc: {  	s14 =	rddreg [dreg:$0x5]  }
0xdd: {  	[tilespmem:s3], [sflag:$0x1] =	stream.strided.gather [hbm4b:s13+s31], $0x1000, s0, s31, $0x38;
	[tilespmem:$0x1B000] =	vst v63  }
0xde: {  	s22 =	rddreg [dreg:$0x6]  }
0xdf: {  	[tilespmem:s8], [sflag:$0x1] =	stream.strided.gather [hbm4b:s14+s31], $0x1000, s0, s31, $0x38;
	[tilespmem:$0x1B000] =	vst v63  }
0xe0: {  	s12 =	rddreg [dreg:$0x7]  }
0xe1: {  	[tilespmem:s4], [sflag:$0x1] =	stream.strided.gather [hbm4b:s22+s31], $0x1000, s0, s31, $0x38;
	[tilespmem:$0x1B000] =	vst v63  }
0xe2: {  	s13 =	rddreg [dreg:$0x8]  }
0xe3: {  	[tilespmem:s5], [sflag:$0x1] =	stream.strided.gather [hbm4b:s12+s31], $0x1000, s0, s31, $0x38;
	[tilespmem:$0x1B000] =	vst v63  }
0xe4: {  	s14 =	rddreg [dreg:$0x9]  }
0xe5: {  	[tilespmem:s1], [sflag:$0x1] =	stream.strided.gather [hbm4b:s13+s31], $0x1000, s0, s31, $0x38;
	[tilespmem:$0x1B000] =	vst v63  }
0xe6: {  	s22 =	rddreg [dreg:$0xa]  }
0xe7: {  	[tilespmem:s9], [sflag:$0x1] =	stream.strided.gather [hbm4b:s14+s31], $0x1000, s0, s31, $0x38;
	[tilespmem:$0x1B000] =	vst v63  }
0xe8: {  	s12 =	rddreg [dreg:$0xb]  }
0xe9: {  	[tilespmem:s7], [sflag:$0x1] =	stream.strided.gather [hbm4b:s22+s31], $0x1000, s0, s31, $0x38;
	[tilespmem:$0x1B000] =	vst v63  }
0xea: {  	s13 =	rddreg [dreg:$0x15]  }
0xeb: {  	[tilespmem:s10], [sflag:$0x1] =	stream.strided.gather [hbm4b:s12+s31], $0x1000, s0, s31, $0x38;
	[tilespmem:$0x1B000] =	vst v63  }
0xec: {  	s14 =	rddreg [dreg:$0x19];
	s12 =	simm.s32 $0xD000  }
0xed: {  	[tilespmem:s12], [sflag:$0x2] =	stream.strided.gather [hbm4b:s13+s31], $0x1000, s0, s31, $0x38;
	[tilespmem:$0x1B000] =	vst v63  }
0xee: {  	s22 =	simm.s32 $0xE000;
	s13 =	rddreg [dreg:$0x1b]  }
0xef: {  	[tilespmem:s22], [sflag:$0x2] =	stream.strided.gather [hbm4b:s14+s31], $0x1000, s0, s31, $0x38;
	[tilespmem:$0x1B000] =	vst v63  }
0xf0: {  	s12 =	sld [smem:$0x7F0];
	s14 =	simm.s32 $0xF000  }
0xf1: {  	[tilespmem:s14], [sflag:$0x2] =	stream.strided.gather [hbm4b:s13+s31], $0x1000, s0, s31, $0x38;
	[tilespmem:$0x1B000] =	vst v63  }
0xf2: {  	s22 =	rddreg [dreg:$0x1d]  }
0xf3: {  	[tilespmem:s15], [sflag:$0x2] =	stream.strided.gather [hbm4b:s22+s31], $0x1000, s0, s31, $0x38;
	[tilespmem:$0x1B000] =	vst v63  }
0xf4: {  	s13 =	rddreg [dreg:$0x17]  }
0xf5: {  	[tilespmem:s16], [sflag:$0x2] =	stream.strided.gather [hbm4b:s12+s31], $0x1000, s0, s31, $0x38;
	[tilespmem:$0x1B000] =	vst v63  }
0xf6: {  	s14 =	rddreg [dreg:$0x1f]  }
0xf7: {  	[tilespmem:s17], [sflag:$0x2] =	stream.strided.gather [hbm4b:s13+s31], $0x1000, s0, s31, $0x38;
	[tilespmem:$0x1B000] =	vst v63  }
0xf8: {  	s22 =	sld [smem:$0x7C1]  }
0xf9: {  	[tilespmem:s18], [sflag:$0x2] =	stream.strided.gather [hbm4b:s14+s31], $0x1000, s0, s31, $0x38;
	[tilespmem:$0x1B000] =	vst v63  }
0xfa: {  	s12 =	sld [smem:$0x7C3]  }
0xfb: {  	[tilespmem:s19], [sflag:$0x2] =	stream.strided.gather [hbm4b:s22+s31], $0x1000, s0, s31, $0x38;
	[tilespmem:$0x1B000] =	vst v63  }
0xfc: {  	_ = 	snop  }
0xfd: {  	[tilespmem:s29], [sflag:$0x2] =	stream.strided.gather [hbm4b:s12+s31], $0x1000, s0, s31, $0x38;
	[tilespmem:$0x1B000] =	vst v63  }
0xfe: {  	_ =	swait.ge [sflag:s20], $0x1000  }
0xff: {  	[sflag:s20] =	ssyncset.done $0x0  }
0x100: {  	[sflag:s20] =	ssyncadd.s32 $0xFFFFF000  }
0x101: {  	_ =	swait.ge [sflag:s20], $0x1000  }
0x102: {  	[sflag:s20] =	ssyncset.done $0x0  }
0x103: {  	[sflag:s20] =	ssyncadd.s32 $0xFFFFF000  }
0x104: {  	_ =	swait.ge [sflag:s20], $0x1000  }
0x105: {  	[sflag:s20] =	ssyncset.done $0x0  }
0x106: {  	[sflag:s20] =	ssyncadd.s32 $0xFFFFF000  }
0x107: {  	_ =	swait.ge [sflag:s20], $0x1000  }
0x108: {  	[sflag:s20] =	ssyncset.done $0x0  }
0x109: {  	[sflag:s20] =	ssyncadd.s32 $0xFFFFF000  }
0x10a: {  	_ =	swait.ge [sflag:s20], $0x1000  }
0x10b: {  	[sflag:s20] =	ssyncset.done $0x0  }
0x10c: {  	s13 =	rddreg [dreg:$0xc];
	[sflag:s20] =	ssyncadd.s32 $0xFFFFF000  }
0x10d: {  	[hbm4b:s13+s31] =	stream.strided.scatter [tilespmem:s3], [sflag:$0x4], $0x1000, s0, s31, $0x38;
	[tilespmem:$0x1B000] =	vst v63  }
0x10e: {  	s14 =	rddreg [dreg:$0xd]  }
0x10f: {  	[hbm4b:s14+s31] =	stream.strided.scatter [tilespmem:s8], [sflag:$0x4], $0x1000, s0, s31, $0x38;
	[tilespmem:$0x1B000] =	vst v63  }
0x110: {  	s22 =	rddreg [dreg:$0xe]  }
0x111: {  	[hbm4b:s22+s31] =	stream.strided.scatter [tilespmem:s4], [sflag:$0x4], $0x1000, s0, s31, $0x38;
	[tilespmem:$0x1B000] =	vst v63  }
0x112: {  	s12 =	rddreg [dreg:$0xf]  }
0x113: {  	[hbm4b:s12+s31] =	stream.strided.scatter [tilespmem:s5], [sflag:$0x4], $0x1000, s0, s31, $0x38;
	[tilespmem:$0x1B000] =	vst v63  }
0x114: {  	s13 =	rddreg [dreg:$0x10]  }
0x115: {  	[hbm4b:s13+s31] =	stream.strided.scatter [tilespmem:s2], [sflag:$0x4], $0x1000, s0, s31, $0x38;
	[tilespmem:$0x1B000] =	vst v63  }
0x116: {  	_ =	swait.ge [sflag:s20], $0x1000  }
0x117: {  	[sflag:s20] =	ssyncset.done $0x0  }
0x118: {  	[sflag:s20] =	ssyncadd.s32 $0xFFFFF000  }
0x119: {  	_ =	swait.ge [sflag:s20], $0x1000  }
0x11a: {  	[sflag:s20] =	ssyncset.done $0x0  }
0x11b: {  	[sflag:s20] =	ssyncadd.s32 $0xFFFFF000  }
0x11c: {  	_ =	swait.ge [sflag:s20], $0x1000  }
0x11d: {  	s28 =	simm.s32 $0x0;
	s13 =	simm.s32 $0x0;
	[sflag:s20] =	ssyncset.done $0x0  }
0x11e: {  	s22 =	sand.u32 $0x400, s1;
	s13 =	sand.u32 $0x800, s13;
	[sflag:s20] =	ssyncadd.s32 $0xFFFFF000  }
0x11f: {  	s14 =	sand.u32 $0x380, s28;
	s13 =	sor.u32 s22, s13;
	_ =	swait.ge [sflag:s20], $0x1000  }
0x120: {  	s28 =	sand.u32 $0x40, s1;
	s13 =	sor.u32 s14, s13;
	[sflag:s20] =	ssyncset.done $0x0  }
0x121: {  	s28 =	sor.u32 s28, s13;
	[sflag:s20] =	ssyncadd.s32 $0xFFFFF000  }
0x122: {  	v2 =	vld [tilespmem:s28+$0x1030]  }
0x123: {  	v0 =	vld [tilespmem:s28+$0x3030]  }
0x124: {  	v5 =	vld [tilespmem:s28+$0x0]  }
0x125: {  	v4 =	vld [tilespmem:s28+$0x1000]  }
0x126: {  	v9 =	vld [tilespmem:s28+$0x2000]  }
0x127: {  	v6 =	vld [tilespmem:s28+$0x3000]  }
0x128: {  	v1 =	vld [tilespmem:s28+$0x10];
	v8 =	vsub.f32 v0, v2  }
0x129: {  	v10 =	vmul.f32 $1.562500020e-03, v5;
	v0 =	vld [tilespmem:s28+$0x1010]  }
0x12a: {  	v3 =	vld [tilespmem:s28+$0x2010];
	v8 =	vmul.f32 $1.562500020e-03, v8  }
0x12b: {  	s30 =	simm.s32 $0x0;
	s22 =	simm.s32 $0x0;
	s13 =	simm.s32 $0x0;
	v2 =	vmul.f32 $1.562500020e-03, v2;
	v7 =	vmul.f32 $1.562500020e-03, v4;
	v9 =	vsub.f32 v9, v5;
	v5 =	vld [tilespmem:s28+$0x3010];
	[tilespmem:s28+$0x0] =	vst v10  }
.LBB2_2:
0x12c: {  	s30 =	sadd.s32 $0x4, s30;
	v4 =	vsub.f32 v6, v4;
	v6 =	vld [tilespmem:s28+$0x20];
	[tilespmem:s28+$0x3030] =	vst v8  }
0x12d: {  	s22 =	sadd.s32 $0x200, s22;
	s11 =	sshll.u32 s30, $0x4;
	p1 =	slt.u32 s30, $0xFC;
	v8 =	vmul.f32 $1.562500020e-03, v9;
	[tilespmem:s28+$0x1000] =	vst v7;
	v7 =	vmul.f32 $1.562500020e-03, v1;
	v9 =	vld [tilespmem:s28+$0x1020]  }
0x12e: {  	s12 =	sand.u32 $0x400, s22;
	s14 =	sshll.u32 s30, $0x3;
	s11 =	sand.u32 $0x800, s11;
	v4 =	vmul.f32 $1.562500020e-03, v4;
	v10 =	vmul.f32 $1.562500020e-03, v0;
	v11 =	vld [tilespmem:s28+$0x2020];
	[tilespmem:s28+$0x1030] =	vst v2  }
0x12f: {  	s13 =	sadd.s32 $0x40, s13;
	s11 =	sor.u32 s12, s11;
	s12 =	sand.u32 $0x380, s14;
	[tilespmem:s28+$0x2000] =	vst v8;
	v1 =	vsub.f32 v3, v1;
	v2 =	vld [tilespmem:s28+$0x3020]  }
0x130: {  	s14 =	sand.u32 $0x40, s13;
	s11 =	sor.u32 s12, s11;
	[tilespmem:s28+$0x3000] =	vst v4;
	v0 =	vsub.f32 v5, v0;
	v3 =	vld [tilespmem:s28+$0x30]  }
0x131: {  	s11 =	sor.u32 s14, s11;
	v1 =	vmul.f32 $1.562500020e-03, v1;
	[tilespmem:s28+$0x10] =	vst v7;
	v5 =	vmul.f32 $1.562500020e-03, v6;
	v7 =	vld [tilespmem:s28+$0x2030]  }
0x132: {  	v8 =	vld [tilespmem:s11+$0x1030];
	v0 =	vmul.f32 $1.562500020e-03, v0;
	[tilespmem:s28+$0x1010] =	vst v10;
	v10 =	vmul.f32 $1.562500020e-03, v9  }
0x133: {  	v12 =	vld [tilespmem:s11+$0x3030];
	[tilespmem:s28+$0x2010] =	vst v1;
	v1 =	vsub.f32 v11, v6  }
0x134: {  	v11 =	vld [tilespmem:s11+$0x0];
	[tilespmem:s28+$0x3010] =	vst v0;
	v0 =	vsub.f32 v2, v9  }
0x135: {  	v4 =	vld [tilespmem:s11+$0x1000];
	v1 =	vmul.f32 $1.562500020e-03, v1;
	[tilespmem:s28+$0x20] =	vst v5;
	v5 =	vmul.f32 $1.562500020e-03, v3  }
0x136: {  	v9 =	vld [tilespmem:s11+$0x2000];
	v0 =	vmul.f32 $1.562500020e-03, v0;
	[tilespmem:s28+$0x1020] =	vst v10;
	v3 =	vsub.f32 v7, v3  }
.Ltmp2:
0x137: {  	v6 =	vld [tilespmem:s11+$0x3000];
	v2 =	vmul.f32 $1.562500020e-03, v8;
	[tilespmem:s28+$0x2020] =	vst v1;
	(pc) =	sbr.rel @p1 .LBB2_2-.Ltmp2, $4  }
0x138: {  	v1 =	vld [tilespmem:s11+$0x10];
	v8 =	vsub.f32 v12, v8;
	[tilespmem:s28+$0x3020] =	vst v0;
	v10 =	vmul.f32 $1.562500020e-03, v3  }
0x139: {  	v12 =	vmul.f32 $1.562500020e-03, v11;
	v0 =	vld [tilespmem:s11+$0x1010];
	[tilespmem:s28+$0x30] =	vst v5  }
0x13a: {  	v7 =	vmul.f32 $1.562500020e-03, v4;
	v3 =	vld [tilespmem:s11+$0x2010];
	v8 =	vmul.f32 $1.562500020e-03, v8;
	[tilespmem:s28+$0x2030] =	vst v10;
	s28 =	smov.u32 s11  }
0x13b: {  	v9 =	vsub.f32 v9, v11;
	[tilespmem:s28+$0x0] =	vst v12;
	v5 =	vld [tilespmem:s28+$0x3010]  }
0x13c: {  	v4 =	vsub.f32 v6, v4;
	v6 =	vld [tilespmem:s28+$0x20];
	[tilespmem:s28+$0x3030] =	vst v8  }
0x13d: {  	[tilespmem:s28+$0x1000] =	vst v7;
	v7 =	vld [tilespmem:s28+$0x1020];
	v8 =	vmul.f32 $1.562500020e-03, v9  }
0x13e: {  	[tilespmem:s28+$0x1030] =	vst v2;
	v9 =	vld [tilespmem:s28+$0x2020];
	v2 =	vmul.f32 $1.562500020e-03, v1  }
0x13f: {  	v4 =	vmul.f32 $1.562500020e-03, v4;
	[tilespmem:s28+$0x2000] =	vst v8;
	v1 =	vsub.f32 v3, v1;
	v3 =	vld [tilespmem:s28+$0x3020]  }
0x140: {  	v8 =	vmul.f32 $1.562500020e-03, v0;
	[tilespmem:s28+$0x10] =	vst v2;
	v2 =	vld [tilespmem:s28+$0x2030];
	v0 =	vsub.f32 v5, v0  }
0x141: {  	[tilespmem:s28+$0x3000] =	vst v4;
	v4 =	vld [tilespmem:s28+$0x30];
	v1 =	vmul.f32 $1.562500020e-03, v1  }
0x142: {  	[tilespmem:s28+$0x1010] =	vst v8;
	v0 =	vmul.f32 $1.562500020e-03, v0  }
0x143: {  	v5 =	vmul.f32 $1.562500020e-03, v6;
	[tilespmem:s28+$0x2010] =	vst v1;
	v1 =	vsub.f32 v9, v6  }
0x144: {  	v6 =	vmul.f32 $1.562500020e-03, v7;
	[tilespmem:s28+$0x3010] =	vst v0;
	v0 =	vsub.f32 v3, v7  }
0x145: {  	[tilespmem:s28+$0x20] =	vst v5;
	v1 =	vmul.f32 $1.562500020e-03, v1  }
0x146: {  	[tilespmem:s28+$0x1020] =	vst v6;
	v2 =	vsub.f32 v2, v4;
	v0 =	vmul.f32 $1.562500020e-03, v0  }
0x147: {  	v3 =	vmul.f32 $1.562500020e-03, v4;
	[tilespmem:s28+$0x2020] =	vst v1  }
0x148: {  	[tilespmem:s28+$0x3020] =	vst v0;
	v0 =	vmul.f32 $1.562500020e-03, v2  }
0x149: {  	[tilespmem:s28+$0x30] =	vst v3  }
0x14a: {  	[tilespmem:s28+$0x2030] =	vst v0  }
0x14b: {  	s11 =	rddreg [dreg:$0x11]  }
0x14c: {  	s28 =	simm.s32 $0x0;
	s14 =	rddreg [dreg:$0x12]  }
0x14d: {  	[hbm4b:s11+s31] =	stream.strided.scatter [tilespmem:s28], [sflag:$0x4], $0x1000, s0, s31, $0x38;
	[tilespmem:$0x1B000] =	vst v63  }
0x14e: {  	s22 =	rddreg [dreg:$0x13]  }
0x14f: {  	[hbm4b:s14+s31] =	stream.strided.scatter [tilespmem:s9], [sflag:$0x4], $0x1000, s0, s31, $0x38;
	[tilespmem:$0x1B000] =	vst v63  }
0x150: {  	s12 =	rddreg [dreg:$0x14]  }
0x151: {  	[hbm4b:s22+s31] =	stream.strided.scatter [tilespmem:s7], [sflag:$0x4], $0x1000, s0, s31, $0x38;
	[tilespmem:$0x1B000] =	vst v63  }
0x152: {  	s13 =	sld [smem:$0x7C5]  }
0x153: {  	[hbm4b:s12+s31] =	stream.strided.scatter [tilespmem:s10], [sflag:$0x4], $0x1000, s0, s31, $0x38;
	[tilespmem:$0x1B000] =	vst v63  }
0x154: {  	s14 =	sld [smem:$0x7C7];
	s12 =	simm.s32 $0x16000  }
0x155: {  	[tilespmem:s12], [sflag:$0x3] =	stream.strided.gather [hbm4b:s13+s31], $0x1000, s0, s31, $0x38;
	[tilespmem:$0x1B000] =	vst v63  }
0x156: {  	s22 =	simm.s32 $0x17000;
	s12 =	sld [smem:$0x7C9]  }
0x157: {  	[tilespmem:s22], [sflag:$0x3] =	stream.strided.gather [hbm4b:s14+s31], $0x1000, s0, s31, $0x38;
	[tilespmem:$0x1B000] =	vst v63  }
0x158: {  	s13 =	simm.s32 $0x18000;
	s14 =	sld [smem:$0x7CB]  }
0x159: {  	[tilespmem:s13], [sflag:$0x3] =	stream.strided.gather [hbm4b:s12+s31], $0x1000, s0, s31, $0x38;
	[tilespmem:$0x1B000] =	vst v63  }
0x15a: {  	s22 =	simm.s32 $0x19000;
	s12 =	sld [smem:$0x7F2]  }
0x15b: {  	[tilespmem:s22], [sflag:$0x3] =	stream.strided.gather [hbm4b:s14+s31], $0x1000, s0, s31, $0x38;
	[tilespmem:$0x1B000] =	vst v63  }
0x15c: {  	s13 =	simm.s32 $0x1A000;
	s14 =	sld [smem:$0x7F1]  }
0x15d: {  	[tilespmem:s13], [sflag:$0x3] =	stream.strided.gather [hbm4b:s12+s31], $0x1000, s0, s31, $0x38;
	[tilespmem:$0x1B000] =	vst v63  }
0x15e: {  	s22 =	simm.s32 $0x12000;
	s12 =	sld [smem:$0x7CD]  }
0x15f: {  	[tilespmem:s22], [sflag:$0x3] =	stream.strided.gather [hbm4b:s14+s31], $0x1000, s0, s31, $0x38;
	[tilespmem:$0x1B000] =	vst v63  }
0x160: {  	s13 =	simm.s32 $0x13000;
	s14 =	sld [smem:$0x7CF]  }
0x161: {  	[tilespmem:s13], [sflag:$0x3] =	stream.strided.gather [hbm4b:s12+s31], $0x1000, s0, s31, $0x38;
	[tilespmem:$0x1B000] =	vst v63  }
0x162: {  	s22 =	simm.s32 $0x14000;
	s12 =	sld [smem:$0x7D1]  }
0x163: {  	[tilespmem:s22], [sflag:$0x3] =	stream.strided.gather [hbm4b:s14+s31], $0x1000, s0, s31, $0x38;
	[tilespmem:$0x1B000] =	vst v63  }
0x164: {  	s13 =	simm.s32 $0x15000  }
0x165: {  	[tilespmem:s13], [sflag:$0x3] =	stream.strided.gather [hbm4b:s12+s31], $0x1000, s0, s31, $0x38;
	[tilespmem:$0x1B000] =	vst v63  }
0x166: {  	_ =	swait.ge [sflag:s6], $0x1000  }
0x167: {  	[sflag:s6] =	ssyncset.done $0x0  }
0x168: {  	[sflag:s6] =	ssyncadd.s32 $0xFFFFF000  }
0x169: {  	_ =	swait.ge [sflag:s6], $0x1000  }
0x16a: {  	[sflag:s6] =	ssyncset.done $0x0  }
0x16b: {  	[sflag:s6] =	ssyncadd.s32 $0xFFFFF000  }
0x16c: {  	_ =	swait.ge [sflag:s6], $0x1000  }
0x16d: {  	[sflag:s6] =	ssyncset.done $0x0  }
0x16e: {  	[sflag:s6] =	ssyncadd.s32 $0xFFFFF000  }
0x16f: {  	_ =	swait.ge [sflag:s6], $0x1000  }
0x170: {  	[sflag:s6] =	ssyncset.done $0x0  }
0x171: {  	[sflag:s6] =	ssyncadd.s32 $0xFFFFF000  }
0x172: {  	_ =	swait.ge [sflag:s6], $0x1000  }
0x173: {  	[sflag:s6] =	ssyncset.done $0x0;
	s14 =	rddreg [dreg:$0x16]  }
0x174: {  	s22 =	simm.s32 $0xE000;
	s12 =	sld [smem:$0x7F3];
	[sflag:s6] =	ssyncadd.s32 $0xFFFFF000  }
0x175: {  	[hbm4b:s14+s31] =	stream.strided.scatter [tilespmem:s22], [sflag:$0x5], $0x1000, s0, s31, $0x38;
	[tilespmem:$0x1B000] =	vst v63  }
0x176: {  	s13 =	simm.s32 $0xF000  }
0x177: {  	[hbm4b:s12+s31] =	stream.strided.scatter [tilespmem:s13], [sflag:$0x5], $0x1000, s0, s31, $0x38;
	[tilespmem:$0x1B000] =	vst v63  }
0x178: {  	s14 =	rddreg [dreg:$0x1a]  }
0x179: {  	[hbm4b:s14+s31] =	stream.strided.scatter [tilespmem:s15], [sflag:$0x5], $0x1000, s0, s31, $0x38;
	[tilespmem:$0x1B000] =	vst v63  }
0x17a: {  	s22 =	rddreg [dreg:$0x1c]  }
0x17b: {  	[hbm4b:s22+s31] =	stream.strided.scatter [tilespmem:s16], [sflag:$0x5], $0x1000, s0, s31, $0x38;
	[tilespmem:$0x1B000] =	vst v63  }
0x17c: {  	s12 =	rddreg [dreg:$0x1e];
	s13 =	simm.s32 $0xD000  }
0x17d: {  	[hbm4b:s12+s31] =	stream.strided.scatter [tilespmem:s13], [sflag:$0x5], $0x1000, s0, s31, $0x38;
	[tilespmem:$0x1B000] =	vst v63  }
0x17e: {  	_ =	swait.ge [sflag:s6], $0x1000  }
0x17f: {  	[sflag:s6] =	ssyncset.done $0x0  }
0x180: {  	[sflag:s6] =	ssyncadd.s32 $0xFFFFF000  }
0x181: {  	_ =	swait.ge [sflag:s6], $0x1000  }
0x182: {  	[sflag:s6] =	ssyncset.done $0x0  }
0x183: {  	[sflag:s6] =	ssyncadd.s32 $0xFFFFF000  }
0x184: {  	s14 =	simm.s32 $0x0;
	_ =	swait.ge [sflag:s6], $0x1000  }
0x185: {  	s11 =	sand.u32 $0x800, s14;
	[sflag:s6] =	ssyncset.done $0x0  }
0x186: {  	s22 =	sand.u32 $0x400, s28;
	s13 =	simm.s32 $0x0;
	[sflag:s6] =	ssyncadd.s32 $0xFFFFF000  }
0x187: {  	s11 =	sor.u32 s22, s11;
	s14 =	sand.u32 $0x380, s13;
	_ =	swait.ge [sflag:s6], $0x1000  }
0x188: {  	s22 =	sand.u32 $0x40, s28;
	s11 =	sor.u32 s14, s11;
	[sflag:s6] =	ssyncset.done $0x0  }
0x189: {  	s30 =	sor.u32 s22, s11;
	[sflag:s6] =	ssyncadd.s32 $0xFFFFF000  }
0x18a: {  	v2 =	vld [tilespmem:s30+$0xA030]  }
0x18b: {  	v0 =	vld [tilespmem:s30+$0xC030]  }
0x18c: {  	v5 =	vld [tilespmem:s30+$0x9000]  }
0x18d: {  	v4 =	vld [tilespmem:s30+$0xA000]  }
0x18e: {  	v9 =	vld [tilespmem:s30+$0xB000]  }
0x18f: {  	v6 =	vld [tilespmem:s30+$0xC000]  }
0x190: {  	v1 =	vld [tilespmem:s30+$0x9010];
	v8 =	vsub.f32 v0, v2  }
0x191: {  	v10 =	vmul.f32 $1.562500020e-03, v5;
	v0 =	vld [tilespmem:s30+$0xA010]  }
0x192: {  	v3 =	vld [tilespmem:s30+$0xB010];
	v8 =	vmul.f32 $1.562500020e-03, v8  }
0x193: {  	s13 =	simm.s32 $0x0;
	s22 =	simm.s32 $0x0;
	v2 =	vmul.f32 $1.562500020e-03, v2;
	v7 =	vmul.f32 $1.562500020e-03, v4;
	v9 =	vsub.f32 v9, v5;
	v5 =	vld [tilespmem:s30+$0xC010];
	[tilespmem:s30+$0x9000] =	vst v10  }
.LBB2_4:
0x194: {  	s22 =	sadd.s32 $0x4, s22;
	v4 =	vsub.f32 v6, v4;
	v6 =	vld [tilespmem:s30+$0x9020];
	[tilespmem:s30+$0xC030] =	vst v8  }
0x195: {  	s28 =	sadd.s32 $0x200, s28;
	s11 =	sshll.u32 s22, $0x4;
	p1 =	slt.u32 s22, $0xFC;
	v8 =	vmul.f32 $1.562500020e-03, v9;
	[tilespmem:s30+$0xA000] =	vst v7;
	v7 =	vmul.f32 $1.562500020e-03, v1;
	v9 =	vld [tilespmem:s30+$0xA020]  }
0x196: {  	s12 =	sand.u32 $0x400, s28;
	s14 =	sshll.u32 s22, $0x3;
	s11 =	sand.u32 $0x800, s11;
	v4 =	vmul.f32 $1.562500020e-03, v4;
	v10 =	vmul.f32 $1.562500020e-03, v0;
	v11 =	vld [tilespmem:s30+$0xB020];
	[tilespmem:s30+$0xA030] =	vst v2  }
0x197: {  	s13 =	sadd.s32 $0x40, s13;
	s11 =	sor.u32 s12, s11;
	s12 =	sand.u32 $0x380, s14;
	[tilespmem:s30+$0xB000] =	vst v8;
	v1 =	vsub.f32 v3, v1;
	v2 =	vld [tilespmem:s30+$0xC020]  }
0x198: {  	s14 =	sand.u32 $0x40, s13;
	s11 =	sor.u32 s12, s11;
	[tilespmem:s30+$0xC000] =	vst v4;
	v0 =	vsub.f32 v5, v0;
	v3 =	vld [tilespmem:s30+$0x9030]  }
0x199: {  	s11 =	sor.u32 s14, s11;
	v1 =	vmul.f32 $1.562500020e-03, v1;
	[tilespmem:s30+$0x9010] =	vst v7;
	v5 =	vmul.f32 $1.562500020e-03, v6;
	v7 =	vld [tilespmem:s30+$0xB030]  }
0x19a: {  	v8 =	vld [tilespmem:s11+$0xA030];
	v0 =	vmul.f32 $1.562500020e-03, v0;
	[tilespmem:s30+$0xA010] =	vst v10;
	v10 =	vmul.f32 $1.562500020e-03, v9  }
0x19b: {  	v12 =	vld [tilespmem:s11+$0xC030];
	[tilespmem:s30+$0xB010] =	vst v1;
	v1 =	vsub.f32 v11, v6  }
0x19c: {  	v11 =	vld [tilespmem:s11+$0x9000];
	[tilespmem:s30+$0xC010] =	vst v0;
	v0 =	vsub.f32 v2, v9  }
0x19d: {  	v4 =	vld [tilespmem:s11+$0xA000];
	v1 =	vmul.f32 $1.562500020e-03, v1;
	[tilespmem:s30+$0x9020] =	vst v5;
	v5 =	vmul.f32 $1.562500020e-03, v3  }
0x19e: {  	v9 =	vld [tilespmem:s11+$0xB000];
	v0 =	vmul.f32 $1.562500020e-03, v0;
	[tilespmem:s30+$0xA020] =	vst v10;
	v3 =	vsub.f32 v7, v3  }
.Ltmp3:
0x19f: {  	v6 =	vld [tilespmem:s11+$0xC000];
	v2 =	vmul.f32 $1.562500020e-03, v8;
	[tilespmem:s30+$0xB020] =	vst v1;
	(pc) =	sbr.rel @p1 .LBB2_4-.Ltmp3, $4  }
0x1a0: {  	v1 =	vld [tilespmem:s11+$0x9010];
	v8 =	vsub.f32 v12, v8;
	[tilespmem:s30+$0xC020] =	vst v0;
	v10 =	vmul.f32 $1.562500020e-03, v3  }
0x1a1: {  	v12 =	vmul.f32 $1.562500020e-03, v11;
	v0 =	vld [tilespmem:s11+$0xA010];
	[tilespmem:s30+$0x9030] =	vst v5  }
0x1a2: {  	v7 =	vmul.f32 $1.562500020e-03, v4;
	v3 =	vld [tilespmem:s11+$0xB010];
	v8 =	vmul.f32 $1.562500020e-03, v8;
	[tilespmem:s30+$0xB030] =	vst v10;
	s30 =	smov.u32 s11  }
0x1a3: {  	v9 =	vsub.f32 v9, v11;
	[tilespmem:s30+$0x9000] =	vst v12;
	v5 =	vld [tilespmem:s30+$0xC010]  }
0x1a4: {  	v4 =	vsub.f32 v6, v4;
	v6 =	vld [tilespmem:s30+$0x9020];
	[tilespmem:s30+$0xC030] =	vst v8  }
0x1a5: {  	[tilespmem:s30+$0xA000] =	vst v7;
	v7 =	vld [tilespmem:s30+$0xA020];
	v8 =	vmul.f32 $1.562500020e-03, v9  }
0x1a6: {  	[tilespmem:s30+$0xA030] =	vst v2;
	v9 =	vld [tilespmem:s30+$0xB020];
	v2 =	vmul.f32 $1.562500020e-03, v1  }
0x1a7: {  	v4 =	vmul.f32 $1.562500020e-03, v4;
	[tilespmem:s30+$0xB000] =	vst v8;
	v1 =	vsub.f32 v3, v1;
	v3 =	vld [tilespmem:s30+$0xC020]  }
0x1a8: {  	v8 =	vmul.f32 $1.562500020e-03, v0;
	[tilespmem:s30+$0x9010] =	vst v2;
	v2 =	vld [tilespmem:s30+$0xB030];
	v0 =	vsub.f32 v5, v0  }
0x1a9: {  	[tilespmem:s30+$0xC000] =	vst v4;
	v4 =	vld [tilespmem:s30+$0x9030];
	v1 =	vmul.f32 $1.562500020e-03, v1  }
0x1aa: {  	[tilespmem:s30+$0xA010] =	vst v8;
	v0 =	vmul.f32 $1.562500020e-03, v0  }
0x1ab: {  	v5 =	vmul.f32 $1.562500020e-03, v6;
	[tilespmem:s30+$0xB010] =	vst v1;
	v1 =	vsub.f32 v9, v6  }
0x1ac: {  	v6 =	vmul.f32 $1.562500020e-03, v7;
	[tilespmem:s30+$0xC010] =	vst v0;
	v0 =	vsub.f32 v3, v7  }
0x1ad: {  	[tilespmem:s30+$0x9020] =	vst v5;
	v1 =	vmul.f32 $1.562500020e-03, v1  }
0x1ae: {  	[tilespmem:s30+$0xA020] =	vst v6;
	v2 =	vsub.f32 v2, v4;
	v0 =	vmul.f32 $1.562500020e-03, v0  }
0x1af: {  	v3 =	vmul.f32 $1.562500020e-03, v4;
	[tilespmem:s30+$0xB020] =	vst v1  }
0x1b0: {  	[tilespmem:s30+$0xC020] =	vst v0;
	v0 =	vmul.f32 $1.562500020e-03, v2  }
0x1b1: {  	[tilespmem:s30+$0x9030] =	vst v3  }
0x1b2: {  	[tilespmem:s30+$0xB030] =	vst v0  }
0x1b3: {  	s11 =	rddreg [dreg:$0x18]  }
0x1b4: {  	s13 =	sld [smem:$0x7C0]  }
0x1b5: {  	[hbm4b:s11+s31] =	stream.strided.scatter [tilespmem:s17], [sflag:$0x5], $0x1000, s0, s31, $0x38;
	[tilespmem:$0x1B000] =	vst v63  }
0x1b6: {  	s14 =	sld [smem:$0x7C2]  }
0x1b7: {  	[hbm4b:s13+s31] =	stream.strided.scatter [tilespmem:s18], [sflag:$0x5], $0x1000, s0, s31, $0x38;
	[tilespmem:$0x1B000] =	vst v63  }
0x1b8: {  	s22 =	sld [smem:$0x7C4]  }
0x1b9: {  	[hbm4b:s14+s31] =	stream.strided.scatter [tilespmem:s19], [sflag:$0x5], $0x1000, s0, s31, $0x38;
	[tilespmem:$0x1B000] =	vst v63  }
0x1ba: {  	_ = 	snop  }
0x1bb: {  	[hbm4b:s22+s31] =	stream.strided.scatter [tilespmem:s29], [sflag:$0x5], $0x1000, s0, s31, $0x38;
	[tilespmem:$0x1B000] =	vst v63  }
0x1bc: {  	_ =	swait.ge [sflag:s21], $0x1000  }
0x1bd: {  	[sflag:s21] =	ssyncset.done $0x0  }
0x1be: {  	[sflag:s21] =	ssyncadd.s32 $0xFFFFF000  }
0x1bf: {  	_ =	swait.ge [sflag:s21], $0x1000  }
0x1c0: {  	[sflag:s21] =	ssyncset.done $0x0  }
0x1c1: {  	[sflag:s21] =	ssyncadd.s32 $0xFFFFF000  }
0x1c2: {  	_ =	swait.ge [sflag:s21], $0x1000  }
0x1c3: {  	[sflag:s21] =	ssyncset.done $0x0  }
0x1c4: {  	[sflag:s21] =	ssyncadd.s32 $0xFFFFF000  }
0x1c5: {  	_ =	swait.ge [sflag:s21], $0x1000  }
0x1c6: {  	[sflag:s21] =	ssyncset.done $0x0  }
0x1c7: {  	[sflag:s21] =	ssyncadd.s32 $0xFFFFF000  }
0x1c8: {  	_ =	swait.ge [sflag:s21], $0x1000  }
0x1c9: {  	[sflag:s21] =	ssyncset.done $0x0  }
0x1ca: {  	[sflag:s21] =	ssyncadd.s32 $0xFFFFF000  }
0x1cb: {  	_ =	swait.ge [sflag:s21], $0x1000  }
0x1cc: {  	[sflag:s21] =	ssyncset.done $0x0  }
0x1cd: {  	[sflag:s21] =	ssyncadd.s32 $0xFFFFF000  }
0x1ce: {  	_ =	swait.ge [sflag:s21], $0x1000  }
0x1cf: {  	[sflag:s21] =	ssyncset.done $0x0  }
0x1d0: {  	[sflag:s21] =	ssyncadd.s32 $0xFFFFF000  }
0x1d1: {  	_ =	swait.ge [sflag:s21], $0x1000  }
0x1d2: {  	[sflag:s21] =	ssyncset.done $0x0  }
0x1d3: {  	[sflag:s21] =	ssyncadd.s32 $0xFFFFF000  }
0x1d4: {  	_ =	swait.ge [sflag:s21], $0x1000  }
0x1d5: {  	s12 =	sld [smem:$0x7D3]  }
0x1d6: {  	[sflag:s21] =	ssyncset.done $0x0  }
0x1d7: {  	s13 =	sld [smem:$0x7D4];
	[sflag:s21] =	ssyncadd.s32 $0xFFFFF000  }
0x1d8: {  	[tilespmem:s2], [sflag:$0x1] =	stream.strided.gather [hbm4b:s12+s31], $0x1000, s0, s31, $0x38;
	[tilespmem:$0x1B000] =	vst v63  }
0x1d9: {  	s14 =	sld [smem:$0x7D5]  }
0x1da: {  	[tilespmem:s3], [sflag:$0x1] =	stream.strided.gather [hbm4b:s13+s31], $0x1000, s0, s31, $0x38;
	[tilespmem:$0x1B000] =	vst v63  }
0x1db: {  	s22 =	sld [smem:$0x7D6]  }
0x1dc: {  	[tilespmem:s8], [sflag:$0x1] =	stream.strided.gather [hbm4b:s14+s31], $0x1000, s0, s31, $0x38;
	[tilespmem:$0x1B000] =	vst v63  }
0x1dd: {  	s12 =	sld [smem:$0x7F5]  }
0x1de: {  	[tilespmem:s4], [sflag:$0x1] =	stream.strided.gather [hbm4b:s22+s31], $0x1000, s0, s31, $0x38;
	[tilespmem:$0x1B000] =	vst v63  }
0x1df: {  	s13 =	sld [smem:$0x7F4]  }
0x1e0: {  	[tilespmem:s5], [sflag:$0x1] =	stream.strided.gather [hbm4b:s12+s31], $0x1000, s0, s31, $0x38;
	[tilespmem:$0x1B000] =	vst v63  }
0x1e1: {  	s28 =	simm.s32 $0x0;
	s14 =	sld [smem:$0x7D7]  }
0x1e2: {  	[tilespmem:s28], [sflag:$0x1] =	stream.strided.gather [hbm4b:s13+s31], $0x1000, s0, s31, $0x38;
	[tilespmem:$0x1B000] =	vst v63  }
0x1e3: {  	s22 =	sld [smem:$0x7D8]  }
0x1e4: {  	[tilespmem:s9], [sflag:$0x1] =	stream.strided.gather [hbm4b:s14+s31], $0x1000, s0, s31, $0x38;
	[tilespmem:$0x1B000] =	vst v63  }
0x1e5: {  	s12 =	sld [smem:$0x7D9]  }
0x1e6: {  	[tilespmem:s7], [sflag:$0x1] =	stream.strided.gather [hbm4b:s22+s31], $0x1000, s0, s31, $0x38;
	[tilespmem:$0x1B000] =	vst v63  }
0x1e7: {  	_ = 	snop  }
0x1e8: {  	[tilespmem:s10], [sflag:$0x1] =	stream.strided.gather [hbm4b:s12+s31], $0x1000, s0, s31, $0x38;
	[tilespmem:$0x1B000] =	vst v63  }
0x1e9: {  	_ =	swait.ge [sflag:s23], $0x1000  }
0x1ea: {  	[sflag:s23] =	ssyncset.done $0x0  }
0x1eb: {  	[sflag:s23] =	ssyncadd.s32 $0xFFFFF000  }
0x1ec: {  	_ =	swait.ge [sflag:s23], $0x1000  }
0x1ed: {  	[sflag:s23] =	ssyncset.done $0x0  }
0x1ee: {  	[sflag:s23] =	ssyncadd.s32 $0xFFFFF000  }
0x1ef: {  	_ =	swait.ge [sflag:s23], $0x1000  }
0x1f0: {  	[sflag:s23] =	ssyncset.done $0x0  }
0x1f1: {  	[sflag:s23] =	ssyncadd.s32 $0xFFFFF000  }
0x1f2: {  	_ =	swait.ge [sflag:s23], $0x1000  }
0x1f3: {  	[sflag:s23] =	ssyncset.done $0x0  }
0x1f4: {  	[sflag:s23] =	ssyncadd.s32 $0xFFFFF000  }
0x1f5: {  	_ =	swait.ge [sflag:s23], $0x1000  }
0x1f6: {  	s13 =	sld [smem:$0x7C6]  }
0x1f7: {  	[sflag:s23] =	ssyncset.done $0x0  }
0x1f8: {  	s12 =	simm.s32 $0x17000;
	s14 =	sld [smem:$0x7F7];
	[sflag:s23] =	ssyncadd.s32 $0xFFFFF000  }
0x1f9: {  	[hbm4b:s13+s31] =	stream.strided.scatter [tilespmem:s12], [sflag:$0x6], $0x1000, s0, s31, $0x38;
	[tilespmem:$0x1B000] =	vst v63  }
0x1fa: {  	s22 =	simm.s32 $0x18000;
	s12 =	sld [smem:$0x7C8]  }
0x1fb: {  	[hbm4b:s14+s31] =	stream.strided.scatter [tilespmem:s22], [sflag:$0x6], $0x1000, s0, s31, $0x38;
	[tilespmem:$0x1B000] =	vst v63  }
0x1fc: {  	s13 =	simm.s32 $0x19000;
	s14 =	sld [smem:$0x7CA]  }
0x1fd: {  	[hbm4b:s12+s31] =	stream.strided.scatter [tilespmem:s13], [sflag:$0x6], $0x1000, s0, s31, $0x38;
	[tilespmem:$0x1B000] =	vst v63  }
0x1fe: {  	s22 =	simm.s32 $0x1A000;
	s12 =	sld [smem:$0x7CC]  }
0x1ff: {  	[hbm4b:s14+s31] =	stream.strided.scatter [tilespmem:s22], [sflag:$0x6], $0x1000, s0, s31, $0x38;
	[tilespmem:$0x1B000] =	vst v63  }
0x200: {  	s13 =	simm.s32 $0x16000  }
0x201: {  	[hbm4b:s12+s31] =	stream.strided.scatter [tilespmem:s13], [sflag:$0x6], $0x1000, s0, s31, $0x38;
	[tilespmem:$0x1B000] =	vst v63  }
0x202: {  	_ =	swait.ge [sflag:s23], $0x1000  }
0x203: {  	[sflag:s23] =	ssyncset.done $0x0  }
0x204: {  	[sflag:s23] =	ssyncadd.s32 $0xFFFFF000  }
0x205: {  	_ =	swait.ge [sflag:s23], $0x1000  }
0x206: {  	[sflag:s23] =	ssyncset.done $0x0  }
0x207: {  	[sflag:s23] =	ssyncadd.s32 $0xFFFFF000  }
0x208: {  	_ =	swait.ge [sflag:s23], $0x1000  }
0x209: {  	s14 =	simm.s32 $0x0;
	s22 =	sand.u32 $0x400, s28;
	[sflag:s23] =	ssyncset.done $0x0  }
0x20a: {  	s11 =	sand.u32 $0x800, s14;
	s13 =	simm.s32 $0x0;
	[sflag:s23] =	ssyncadd.s32 $0xFFFFF000  }
0x20b: {  	s11 =	sor.u32 s22, s11;
	s14 =	sand.u32 $0x380, s13;
	_ =	swait.ge [sflag:s23], $0x1000  }
0x20c: {  	s22 =	sand.u32 $0x40, s28;
	s11 =	sor.u32 s14, s11;
	[sflag:s23] =	ssyncset.done $0x0  }
0x20d: {  	s30 =	sor.u32 s22, s11;
	[sflag:s23] =	ssyncadd.s32 $0xFFFFF000  }
0x20e: {  	v2 =	vld [tilespmem:s30+$0x13030]  }
0x20f: {  	v0 =	vld [tilespmem:s30+$0x15030]  }
0x210: {  	v5 =	vld [tilespmem:s30+$0x12000]  }
0x211: {  	v4 =	vld [tilespmem:s30+$0x13000]  }
0x212: {  	v9 =	vld [tilespmem:s30+$0x14000]  }
0x213: {  	v6 =	vld [tilespmem:s30+$0x15000]  }
0x214: {  	v1 =	vld [tilespmem:s30+$0x12010];
	v8 =	vsub.f32 v0, v2  }
0x215: {  	v10 =	vmul.f32 $1.562500020e-03, v5;
	v0 =	vld [tilespmem:s30+$0x13010]  }
0x216: {  	v3 =	vld [tilespmem:s30+$0x14010];
	v8 =	vmul.f32 $1.562500020e-03, v8  }
0x217: {  	s13 =	simm.s32 $0x0;
	s22 =	simm.s32 $0x0;
	v2 =	vmul.f32 $1.562500020e-03, v2;
	v7 =	vmul.f32 $1.562500020e-03, v4;
	v9 =	vsub.f32 v9, v5;
	v5 =	vld [tilespmem:s30+$0x15010];
	[tilespmem:s30+$0x12000] =	vst v10  }
.LBB2_6:
0x218: {  	s22 =	sadd.s32 $0x4, s22;
	v4 =	vsub.f32 v6, v4;
	v6 =	vld [tilespmem:s30+$0x12020];
	[tilespmem:s30+$0x15030] =	vst v8  }
0x219: {  	s28 =	sadd.s32 $0x200, s28;
	s11 =	sshll.u32 s22, $0x4;
	p1 =	slt.u32 s22, $0xFC;
	v8 =	vmul.f32 $1.562500020e-03, v9;
	[tilespmem:s30+$0x13000] =	vst v7;
	v7 =	vmul.f32 $1.562500020e-03, v1;
	v9 =	vld [tilespmem:s30+$0x13020]  }
0x21a: {  	s12 =	sand.u32 $0x400, s28;
	s14 =	sshll.u32 s22, $0x3;
	s11 =	sand.u32 $0x800, s11;
	v4 =	vmul.f32 $1.562500020e-03, v4;
	v10 =	vmul.f32 $1.562500020e-03, v0;
	v11 =	vld [tilespmem:s30+$0x14020];
	[tilespmem:s30+$0x13030] =	vst v2  }
0x21b: {  	s13 =	sadd.s32 $0x40, s13;
	s11 =	sor.u32 s12, s11;
	s12 =	sand.u32 $0x380, s14;
	[tilespmem:s30+$0x14000] =	vst v8;
	v1 =	vsub.f32 v3, v1;
	v2 =	vld [tilespmem:s30+$0x15020]  }
0x21c: {  	s14 =	sand.u32 $0x40, s13;
	s11 =	sor.u32 s12, s11;
	[tilespmem:s30+$0x15000] =	vst v4;
	v0 =	vsub.f32 v5, v0;
	v3 =	vld [tilespmem:s30+$0x12030]  }
0x21d: {  	s11 =	sor.u32 s14, s11;
	v1 =	vmul.f32 $1.562500020e-03, v1;
	[tilespmem:s30+$0x12010] =	vst v7;
	v5 =	vmul.f32 $1.562500020e-03, v6;
	v7 =	vld [tilespmem:s30+$0x14030]  }
0x21e: {  	v8 =	vld [tilespmem:s11+$0x13030];
	v0 =	vmul.f32 $1.562500020e-03, v0;
	[tilespmem:s30+$0x13010] =	vst v10;
	v10 =	vmul.f32 $1.562500020e-03, v9  }
0x21f: {  	v12 =	vld [tilespmem:s11+$0x15030];
	[tilespmem:s30+$0x14010] =	vst v1;
	v1 =	vsub.f32 v11, v6  }
0x220: {  	v11 =	vld [tilespmem:s11+$0x12000];
	[tilespmem:s30+$0x15010] =	vst v0;
	v0 =	vsub.f32 v2, v9  }
0x221: {  	v4 =	vld [tilespmem:s11+$0x13000];
	v1 =	vmul.f32 $1.562500020e-03, v1;
	[tilespmem:s30+$0x12020] =	vst v5;
	v5 =	vmul.f32 $1.562500020e-03, v3  }
0x222: {  	v9 =	vld [tilespmem:s11+$0x14000];
	v0 =	vmul.f32 $1.562500020e-03, v0;
	[tilespmem:s30+$0x13020] =	vst v10;
	v3 =	vsub.f32 v7, v3  }
.Ltmp4:
0x223: {  	v6 =	vld [tilespmem:s11+$0x15000];
	v2 =	vmul.f32 $1.562500020e-03, v8;
	[tilespmem:s30+$0x14020] =	vst v1;
	(pc) =	sbr.rel @p1 .LBB2_6-.Ltmp4, $4  }
0x224: {  	v1 =	vld [tilespmem:s11+$0x12010];
	v8 =	vsub.f32 v12, v8;
	[tilespmem:s30+$0x15020] =	vst v0;
	v10 =	vmul.f32 $1.562500020e-03, v3  }
0x225: {  	v12 =	vmul.f32 $1.562500020e-03, v11;
	v0 =	vld [tilespmem:s11+$0x13010];
	[tilespmem:s30+$0x12030] =	vst v5  }
0x226: {  	v7 =	vmul.f32 $1.562500020e-03, v4;
	v3 =	vld [tilespmem:s11+$0x14010];
	v8 =	vmul.f32 $1.562500020e-03, v8;
	[tilespmem:s30+$0x14030] =	vst v10;
	s30 =	smov.u32 s11  }
0x227: {  	v9 =	vsub.f32 v9, v11;
	[tilespmem:s30+$0x12000] =	vst v12;
	v5 =	vld [tilespmem:s30+$0x15010]  }
0x228: {  	v4 =	vsub.f32 v6, v4;
	v6 =	vld [tilespmem:s30+$0x12020];
	[tilespmem:s30+$0x15030] =	vst v8  }
0x229: {  	[tilespmem:s30+$0x13000] =	vst v7;
	v7 =	vld [tilespmem:s30+$0x13020];
	v8 =	vmul.f32 $1.562500020e-03, v9  }
0x22a: {  	[tilespmem:s30+$0x13030] =	vst v2;
	v9 =	vld [tilespmem:s30+$0x14020];
	v2 =	vmul.f32 $1.562500020e-03, v1  }
0x22b: {  	v4 =	vmul.f32 $1.562500020e-03, v4;
	[tilespmem:s30+$0x14000] =	vst v8;
	v1 =	vsub.f32 v3, v1;
	v3 =	vld [tilespmem:s30+$0x15020]  }
0x22c: {  	v8 =	vmul.f32 $1.562500020e-03, v0;
	[tilespmem:s30+$0x12010] =	vst v2;
	v2 =	vld [tilespmem:s30+$0x14030];
	v0 =	vsub.f32 v5, v0  }
0x22d: {  	[tilespmem:s30+$0x15000] =	vst v4;
	v4 =	vld [tilespmem:s30+$0x12030];
	v1 =	vmul.f32 $1.562500020e-03, v1  }
0x22e: {  	[tilespmem:s30+$0x13010] =	vst v8;
	v0 =	vmul.f32 $1.562500020e-03, v0  }
0x22f: {  	v5 =	vmul.f32 $1.562500020e-03, v6;
	[tilespmem:s30+$0x14010] =	vst v1;
	v1 =	vsub.f32 v9, v6  }
0x230: {  	v6 =	vmul.f32 $1.562500020e-03, v7;
	[tilespmem:s30+$0x15010] =	vst v0;
	v0 =	vsub.f32 v3, v7  }
0x231: {  	[tilespmem:s30+$0x12020] =	vst v5;
	v1 =	vmul.f32 $1.562500020e-03, v1  }
0x232: {  	[tilespmem:s30+$0x13020] =	vst v6;
	v2 =	vsub.f32 v2, v4;
	v0 =	vmul.f32 $1.562500020e-03, v0  }
0x233: {  	v3 =	vmul.f32 $1.562500020e-03, v4;
	[tilespmem:s30+$0x14020] =	vst v1  }
0x234: {  	[tilespmem:s30+$0x15020] =	vst v0;
	v0 =	vmul.f32 $1.562500020e-03, v2  }
0x235: {  	[tilespmem:s30+$0x12030] =	vst v3  }
0x236: {  	[tilespmem:s30+$0x14030] =	vst v0  }
0x237: {  	s11 =	sld [smem:$0x7F6];
	_ =	sdelay $0x1  }
0x238: {  	s12 =	simm.s32 $0x12000;
	s14 =	sld [smem:$0x7CE]  }
0x239: {  	[hbm4b:s11+s31] =	stream.strided.scatter [tilespmem:s12], [sflag:$0x6], $0x1000, s0, s31, $0x38;
	[tilespmem:$0x1B000] =	vst v63  }
0x23a: {  	s22 =	simm.s32 $0x13000;
	s12 =	sld [smem:$0x7D0]  }
0x23b: {  	[hbm4b:s14+s31] =	stream.strided.scatter [tilespmem:s22], [sflag:$0x6], $0x1000, s0, s31, $0x38;
	[tilespmem:$0x1B000] =	vst v63  }
0x23c: {  	s13 =	simm.s32 $0x14000;
	s14 =	sld [smem:$0x7D2]  }
0x23d: {  	[hbm4b:s12+s31] =	stream.strided.scatter [tilespmem:s13], [sflag:$0x6], $0x1000, s0, s31, $0x38;
	[tilespmem:$0x1B000] =	vst v63  }
0x23e: {  	s22 =	simm.s32 $0x15000  }
0x23f: {  	[hbm4b:s14+s31] =	stream.strided.scatter [tilespmem:s22], [sflag:$0x6], $0x1000, s0, s31, $0x38;
	[tilespmem:$0x1B000] =	vst v63  }
0x240: {  	_ =	swait.ge [sflag:s24], $0x1000  }
0x241: {  	[sflag:s24] =	ssyncset.done $0x0  }
0x242: {  	[sflag:s24] =	ssyncadd.s32 $0xFFFFF000  }
0x243: {  	_ =	swait.ge [sflag:s24], $0x1000  }
0x244: {  	[sflag:s24] =	ssyncset.done $0x0  }
0x245: {  	[sflag:s24] =	ssyncadd.s32 $0xFFFFF000  }
0x246: {  	_ =	swait.ge [sflag:s24], $0x1000  }
0x247: {  	[sflag:s24] =	ssyncset.done $0x0  }
0x248: {  	[sflag:s24] =	ssyncadd.s32 $0xFFFFF000  }
0x249: {  	_ =	swait.ge [sflag:s24], $0x1000  }
0x24a: {  	[sflag:s24] =	ssyncset.done $0x0  }
0x24b: {  	[sflag:s24] =	ssyncadd.s32 $0xFFFFF000  }
0x24c: {  	_ =	swait.ge [sflag:s24], $0x1000  }
0x24d: {  	[sflag:s24] =	ssyncset.done $0x0  }
0x24e: {  	[sflag:s24] =	ssyncadd.s32 $0xFFFFF000  }
0x24f: {  	_ =	swait.ge [sflag:s24], $0x1000  }
0x250: {  	[sflag:s24] =	ssyncset.done $0x0  }
0x251: {  	[sflag:s24] =	ssyncadd.s32 $0xFFFFF000  }
0x252: {  	_ =	swait.ge [sflag:s24], $0x1000  }
0x253: {  	[sflag:s24] =	ssyncset.done $0x0  }
0x254: {  	[sflag:s24] =	ssyncadd.s32 $0xFFFFF000  }
0x255: {  	_ =	swait.ge [sflag:s24], $0x1000  }
0x256: {  	[sflag:s24] =	ssyncset.done $0x0  }
0x257: {  	[sflag:s24] =	ssyncadd.s32 $0xFFFFF000  }
0x258: {  	_ =	swait.ge [sflag:s24], $0x1000  }
0x259: {  	s14 =	sld [smem:$0x7DA]  }
0x25a: {  	s11 =	simm.s32 @!p0 $0x800;
	[sflag:s24] =	ssyncset.done $0x0  }
0x25b: {  	s12 =	simm.s32 @!p0 $0x27400;
	s13 =	simm.s32 @!p0 $0xD000;
	[sflag:s24] =	ssyncadd.s32 $0xFFFFF000  }
0x25c: {  	[tilespmem:s13], [sflag:$0x2] =	stream.strided.gather @!p0 [hbm4b:s14+s11], $0x1000, s12, s11, $0x38;
	[tilespmem:$0x1B000] =	vst v63  }
0x25d: {  	s14 =	sld [smem:$0x7DB];
	_ =	sdelay $0x1  }
0x25e: {  	s13 =	simm.s32 @!p0 $0xE000  }
0x25f: {  	[tilespmem:s13], [sflag:$0x2] =	stream.strided.gather @!p0 [hbm4b:s14+s11], $0x1000, s12, s11, $0x38;
	[tilespmem:$0x1B000] =	vst v63  }
0x260: {  	s14 =	sld [smem:$0x7DC];
	_ =	sdelay $0x1  }
0x261: {  	s13 =	simm.s32 @!p0 $0xF000  }
0x262: {  	[tilespmem:s13], [sflag:$0x2] =	stream.strided.gather @!p0 [hbm4b:s14+s11], $0x1000, s12, s11, $0x38;
	[tilespmem:$0x1B000] =	vst v63  }
0x263: {  	s14 =	sld [smem:$0x7DD];
	_ =	sdelay $0x1  }
0x264: {  	s13 =	simm.s32 @!p0 $0x10000  }
0x265: {  	[tilespmem:s13], [sflag:$0x2] =	stream.strided.gather @!p0 [hbm4b:s14+s11], $0x1000, s12, s11, $0x38;
	[tilespmem:$0x1B000] =	vst v63  }
0x266: {  	s14 =	sld [smem:$0x7F9];
	_ =	sdelay $0x1  }
0x267: {  	s13 =	simm.s32 @!p0 $0x11000  }
0x268: {  	[tilespmem:s13], [sflag:$0x2] =	stream.strided.gather @!p0 [hbm4b:s14+s11], $0x1000, s12, s11, $0x38;
	[tilespmem:$0x1B000] =	vst v63  }
0x269: {  	s14 =	sld [smem:$0x7F8];
	_ =	sdelay $0x1  }
0x26a: {  	s13 =	simm.s32 @!p0 $0x9000  }
0x26b: {  	[tilespmem:s13], [sflag:$0x2] =	stream.strided.gather @!p0 [hbm4b:s14+s11], $0x1000, s12, s11, $0x38;
	[tilespmem:$0x1B000] =	vst v63  }
0x26c: {  	s14 =	sld [smem:$0x7DE];
	_ =	sdelay $0x1  }
0x26d: {  	s13 =	simm.s32 @!p0 $0xA000  }
0x26e: {  	[tilespmem:s13], [sflag:$0x2] =	stream.strided.gather @!p0 [hbm4b:s14+s11], $0x1000, s12, s11, $0x38;
	[tilespmem:$0x1B000] =	vst v63  }
0x26f: {  	s14 =	sld [smem:$0x7DF];
	_ =	sdelay $0x1  }
0x270: {  	s13 =	simm.s32 @!p0 $0xB000  }
0x271: {  	[tilespmem:s13], [sflag:$0x2] =	stream.strided.gather @!p0 [hbm4b:s14+s11], $0x1000, s12, s11, $0x38;
	[tilespmem:$0x1B000] =	vst v63  }
0x272: {  	s14 =	sld [smem:$0x7E0];
	_ =	sdelay $0x1  }
0x273: {  	s13 =	simm.s32 @!p0 $0xC000  }
0x274: {  	[tilespmem:s13], [sflag:$0x2] =	stream.strided.gather @!p0 [hbm4b:s14+s11], $0x1000, s12, s11, $0x38;
	[tilespmem:$0x1B000] =	vst v63  }
0x275: {  	_ =	swait.ge [sflag:s20], $0x1000  }
0x276: {  	[sflag:s20] =	ssyncset.done $0x0  }
0x277: {  	[sflag:s20] =	ssyncadd.s32 $0xFFFFF000  }
0x278: {  	_ =	swait.ge [sflag:s20], $0x1000  }
0x279: {  	[sflag:s20] =	ssyncset.done $0x0  }
0x27a: {  	[sflag:s20] =	ssyncadd.s32 $0xFFFFF000  }
0x27b: {  	_ =	swait.ge [sflag:s20], $0x1000  }
0x27c: {  	[sflag:s20] =	ssyncset.done $0x0  }
0x27d: {  	[sflag:s20] =	ssyncadd.s32 $0xFFFFF000  }
0x27e: {  	_ =	swait.ge [sflag:s20], $0x1000  }
0x27f: {  	[sflag:s20] =	ssyncset.done $0x0  }
0x280: {  	[sflag:s20] =	ssyncadd.s32 $0xFFFFF000  }
0x281: {  	_ =	swait.ge [sflag:s20], $0x1000  }
0x282: {  	s12 =	sld [smem:$0x7E1]  }
0x283: {  	[sflag:s20] =	ssyncset.done $0x0  }
0x284: {  	s13 =	sld [smem:$0x7FB];
	[sflag:s20] =	ssyncadd.s32 $0xFFFFF000  }
0x285: {  	[hbm4b:s12+s31] =	stream.strided.scatter [tilespmem:s3], [sflag:$0x4], $0x1000, s0, s31, $0x38;
	[tilespmem:$0x1B000] =	vst v63  }
0x286: {  	s14 =	sld [smem:$0x7E2]  }
0x287: {  	[hbm4b:s13+s31] =	stream.strided.scatter [tilespmem:s8], [sflag:$0x4], $0x1000, s0, s31, $0x38;
	[tilespmem:$0x1B000] =	vst v63  }
0x288: {  	s22 =	sld [smem:$0x7E3]  }
0x289: {  	[hbm4b:s14+s31] =	stream.strided.scatter [tilespmem:s4], [sflag:$0x4], $0x1000, s0, s31, $0x38;
	[tilespmem:$0x1B000] =	vst v63  }
0x28a: {  	s12 =	sld [smem:$0x7E4]  }
0x28b: {  	[hbm4b:s22+s31] =	stream.strided.scatter [tilespmem:s5], [sflag:$0x4], $0x1000, s0, s31, $0x38;
	[tilespmem:$0x1B000] =	vst v63  }
0x28c: {  	_ = 	snop  }
0x28d: {  	[hbm4b:s12+s31] =	stream.strided.scatter [tilespmem:s2], [sflag:$0x4], $0x1000, s0, s31, $0x38;
	[tilespmem:$0x1B000] =	vst v63  }
0x28e: {  	_ =	swait.ge [sflag:s20], $0x1000  }
0x28f: {  	[sflag:s20] =	ssyncset.done $0x0  }
0x290: {  	[sflag:s20] =	ssyncadd.s32 $0xFFFFF000  }
0x291: {  	_ =	swait.ge [sflag:s20], $0x1000  }
0x292: {  	[sflag:s20] =	ssyncset.done $0x0  }
0x293: {  	[sflag:s20] =	ssyncadd.s32 $0xFFFFF000  }
0x294: {  	s13 =	simm.s32 $0x0;
	_ =	swait.ge [sflag:s20], $0x1000  }
0x295: {  	s30 =	simm.s32 $0x0;
	s11 =	sand.u32 $0x800, s13;
	[sflag:s20] =	ssyncset.done $0x0  }
0x296: {  	s14 =	sand.u32 $0x400, s30;
	s22 =	simm.s32 $0x0;
	[sflag:s20] =	ssyncadd.s32 $0xFFFFF000  }
0x297: {  	s11 =	sor.u32 s14, s11;
	s14 =	sand.u32 $0x380, s22;
	_ =	swait.ge [sflag:s20], $0x1000  }
0x298: {  	s22 =	sand.u32 $0x40, s30;
	s11 =	sor.u32 s14, s11;
	[sflag:s20] =	ssyncset.done $0x0  }
0x299: {  	s28 =	sor.u32 s22, s11;
	[sflag:s20] =	ssyncadd.s32 $0xFFFFF000  }
0x29a: {  	v2 =	vld [tilespmem:s28+$0x1030]  }
0x29b: {  	v0 =	vld [tilespmem:s28+$0x3030]  }
0x29c: {  	v5 =	vld [tilespmem:s28+$0x0]  }
0x29d: {  	v4 =	vld [tilespmem:s28+$0x1000]  }
0x29e: {  	v9 =	vld [tilespmem:s28+$0x2000]  }
0x29f: {  	v6 =	vld [tilespmem:s28+$0x3000]  }
0x2a0: {  	v1 =	vld [tilespmem:s28+$0x10];
	v8 =	vsub.f32 v0, v2  }
0x2a1: {  	v10 =	vmul.f32 $1.562500020e-03, v5;
	v0 =	vld [tilespmem:s28+$0x1010]  }
0x2a2: {  	v3 =	vld [tilespmem:s28+$0x2010];
	v8 =	vmul.f32 $1.562500020e-03, v8  }
0x2a3: {  	s13 =	simm.s32 $0x0;
	s22 =	simm.s32 $0x0;
	v2 =	vmul.f32 $1.562500020e-03, v2;
	v7 =	vmul.f32 $1.562500020e-03, v4;
	v9 =	vsub.f32 v9, v5;
	v5 =	vld [tilespmem:s28+$0x3010];
	[tilespmem:s28+$0x0] =	vst v10  }
.LBB2_8:
0x2a4: {  	s22 =	sadd.s32 $0x4, s22;
	v4 =	vsub.f32 v6, v4;
	v6 =	vld [tilespmem:s28+$0x20];
	[tilespmem:s28+$0x3030] =	vst v8  }
0x2a5: {  	s30 =	sadd.s32 $0x200, s30;
	s11 =	sshll.u32 s22, $0x4;
	p1 =	slt.u32 s22, $0xFC;
	v8 =	vmul.f32 $1.562500020e-03, v9;
	[tilespmem:s28+$0x1000] =	vst v7;
	v7 =	vmul.f32 $1.562500020e-03, v1;
	v9 =	vld [tilespmem:s28+$0x1020]  }
0x2a6: {  	s12 =	sand.u32 $0x400, s30;
	s14 =	sshll.u32 s22, $0x3;
	s11 =	sand.u32 $0x800, s11;
	v4 =	vmul.f32 $1.562500020e-03, v4;
	v10 =	vmul.f32 $1.562500020e-03, v0;
	v11 =	vld [tilespmem:s28+$0x2020];
	[tilespmem:s28+$0x1030] =	vst v2  }
0x2a7: {  	s13 =	sadd.s32 $0x40, s13;
	s11 =	sor.u32 s12, s11;
	s12 =	sand.u32 $0x380, s14;
	[tilespmem:s28+$0x2000] =	vst v8;
	v1 =	vsub.f32 v3, v1;
	v2 =	vld [tilespmem:s28+$0x3020]  }
0x2a8: {  	s14 =	sand.u32 $0x40, s13;
	s11 =	sor.u32 s12, s11;
	[tilespmem:s28+$0x3000] =	vst v4;
	v0 =	vsub.f32 v5, v0;
	v3 =	vld [tilespmem:s28+$0x30]  }
0x2a9: {  	s11 =	sor.u32 s14, s11;
	v1 =	vmul.f32 $1.562500020e-03, v1;
	[tilespmem:s28+$0x10] =	vst v7;
	v5 =	vmul.f32 $1.562500020e-03, v6;
	v7 =	vld [tilespmem:s28+$0x2030]  }
0x2aa: {  	v8 =	vld [tilespmem:s11+$0x1030];
	v0 =	vmul.f32 $1.562500020e-03, v0;
	[tilespmem:s28+$0x1010] =	vst v10;
	v10 =	vmul.f32 $1.562500020e-03, v9  }
0x2ab: {  	v12 =	vld [tilespmem:s11+$0x3030];
	[tilespmem:s28+$0x2010] =	vst v1;
	v1 =	vsub.f32 v11, v6  }
0x2ac: {  	v11 =	vld [tilespmem:s11+$0x0];
	[tilespmem:s28+$0x3010] =	vst v0;
	v0 =	vsub.f32 v2, v9  }
0x2ad: {  	v4 =	vld [tilespmem:s11+$0x1000];
	v1 =	vmul.f32 $1.562500020e-03, v1;
	[tilespmem:s28+$0x20] =	vst v5;
	v5 =	vmul.f32 $1.562500020e-03, v3  }
0x2ae: {  	v9 =	vld [tilespmem:s11+$0x2000];
	v0 =	vmul.f32 $1.562500020e-03, v0;
	[tilespmem:s28+$0x1020] =	vst v10;
	v3 =	vsub.f32 v7, v3  }
.Ltmp5:
0x2af: {  	v6 =	vld [tilespmem:s11+$0x3000];
	v2 =	vmul.f32 $1.562500020e-03, v8;
	[tilespmem:s28+$0x2020] =	vst v1;
	(pc) =	sbr.rel @p1 .LBB2_8-.Ltmp5, $4  }
0x2b0: {  	v1 =	vld [tilespmem:s11+$0x10];
	v8 =	vsub.f32 v12, v8;
	[tilespmem:s28+$0x3020] =	vst v0;
	v10 =	vmul.f32 $1.562500020e-03, v3  }
0x2b1: {  	v12 =	vmul.f32 $1.562500020e-03, v11;
	v0 =	vld [tilespmem:s11+$0x1010];
	[tilespmem:s28+$0x30] =	vst v5  }
0x2b2: {  	v7 =	vmul.f32 $1.562500020e-03, v4;
	v3 =	vld [tilespmem:s11+$0x2010];
	v8 =	vmul.f32 $1.562500020e-03, v8;
	[tilespmem:s28+$0x2030] =	vst v10;
	s28 =	smov.u32 s11  }
0x2b3: {  	v9 =	vsub.f32 v9, v11;
	[tilespmem:s28+$0x0] =	vst v12;
	v5 =	vld [tilespmem:s28+$0x3010]  }
0x2b4: {  	v47 =	vld [tilespmem:s28+$0x20];
	[tilespmem:s28+$0x3030] =	vst v8  }
0x2b5: {  	v4 =	vsub.f32 v6, v4;
	[tilespmem:s28+$0x1000] =	vst v7;
	v49 =	vld [tilespmem:s28+$0x1020];
	v48 =	vmul.f32 $1.562500020e-03, v9  }
0x2b6: {  	v50 =	vld [tilespmem:s28+$0x2020];
	[tilespmem:s28+$0x1030] =	vst v2;
	v51 =	vmul.f32 $1.562500020e-03, v1  }
0x2b7: {  	v56 =	vld [tilespmem:s28+$0x30];
	v4 =	vmul.f32 $1.562500020e-03, v4;
	[tilespmem:s28+$0x2000] =	vst v48;
	v52 =	vsub.f32 v3, v1  }
0x2b8: {  	v57 =	vld [tilespmem:s28+$0x2030];
	v54 =	vmul.f32 $1.562500020e-03, v0;
	[tilespmem:s28+$0x10] =	vst v51  }
0x2b9: {  	v53 =	vld [tilespmem:s28+$0x3020];
	[tilespmem:s28+$0x3000] =	vst v4;
	v1 =	vmul.f32 $1.562500020e-03, v52  }
0x2ba: {  	[tilespmem:s28+$0x1010] =	vst v54;
	v58 =	vmul.f32 $1.562500020e-03, v47  }
0x2bb: {  	v55 =	vsub.f32 v5, v0;
	v60 =	vmul.f32 $1.562500020e-03, v49;
	[tilespmem:s28+$0x2010] =	vst v1  }
0x2bc: {  	v59 =	vsub.f32 v50, v47;
	v62 =	vmul.f32 $1.562500020e-03, v56;
	[tilespmem:s28+$0x20] =	vst v58  }
0x2bd: {  	v2 =	vsub.f32 v57, v56;
	v0 =	vmul.f32 $1.562500020e-03, v55;
	[tilespmem:s28+$0x1020] =	vst v60  }
0x2be: {  	v61 =	vsub.f32 v53, v49;
	v1 =	vmul.f32 $1.562500020e-03, v59;
	[tilespmem:s28+$0x30] =	vst v62  }
0x2bf: {  	v63 =	vmul.f32 $1.562500020e-03, v2;
	[tilespmem:s28+$0x3010] =	vst v0  }
0x2c0: {  	v0 =	vmul.f32 $1.562500020e-03, v61;
	[tilespmem:s28+$0x2020] =	vst v1  }
0x2c1: {  	[tilespmem:s28+$0x2030] =	vst v63  }
0x2c2: {  	[tilespmem:s28+$0x3020] =	vst v0  }
0x2c3: {  	s11 =	sld [smem:$0x7FA];
	_ =	sdelay $0x1  }
0x2c4: {  	s22 =	sld [smem:$0x7E5]  }
0x2c5: {  	[hbm4b:s11+s31] =	stream.strided.scatter [tilespmem:s1], [sflag:$0x4], $0x1000, s0, s31, $0x38;
	[tilespmem:$0x1B000] =	vst v63  }
0x2c6: {  	s28 =	sld [smem:$0x7E6]  }
0x2c7: {  	[hbm4b:s22+s31] =	stream.strided.scatter [tilespmem:s9], [sflag:$0x4], $0x1000, s0, s31, $0x38;
	[tilespmem:$0x1B000] =	vst v63  }
.Ltmp6:
0x2c8: {  	_ = 	snop;
	(pc) =	sbr.rel @p0 .LBB2_13-.Ltmp6, $4  }
0x2c9: {  	s30 =	sld [smem:$0x7E7]  }
0x2ca: {  	[hbm4b:s28+s31] =	stream.strided.scatter [tilespmem:s7], [sflag:$0x4], $0x1000, s0, s31, $0x38;
	[tilespmem:$0x1B000] =	vst v63  }
0x2cb: {  	_ = 	snop  }
0x2cc: {  	[hbm4b:s30+s31] =	stream.strided.scatter [tilespmem:s10], [sflag:$0x4], $0x1000, s0, s31, $0x38;
	[tilespmem:$0x1B000] =	vst v63  }
0x2cd: {  	_ =	swait.ge [sflag:s6], $0x1000  }
0x2ce: {  	[sflag:s6] =	ssyncset.done $0x0  }
0x2cf: {  	[sflag:s6] =	ssyncadd.s32 $0xFFFFF000  }
0x2d0: {  	_ =	swait.ge [sflag:s6], $0x1000  }
0x2d1: {  	[sflag:s6] =	ssyncset.done $0x0  }
0x2d2: {  	[sflag:s6] =	ssyncadd.s32 $0xFFFFF000  }
0x2d3: {  	_ =	swait.ge [sflag:s6], $0x1000  }
0x2d4: {  	[sflag:s6] =	ssyncset.done $0x0  }
0x2d5: {  	[sflag:s6] =	ssyncadd.s32 $0xFFFFF000  }
0x2d6: {  	_ =	swait.ge [sflag:s6], $0x1000  }
0x2d7: {  	[sflag:s6] =	ssyncset.done $0x0  }
0x2d8: {  	[sflag:s6] =	ssyncadd.s32 $0xFFFFF000  }
0x2d9: {  	_ =	swait.ge [sflag:s6], $0x1000  }
0x2da: {  	s11 =	sld [smem:$0x7E8]  }
0x2db: {  	[sflag:s6] =	ssyncset.done $0x0  }
0x2dc: {  	s12 =	simm.s32 $0xE000;
	[sflag:s6] =	ssyncadd.s32 $0xFFFFF000  }
0x2dd: {  	[hbm4b:s11+s31] =	stream.strided.scatter [tilespmem:s12], [sflag:$0x5], $0x1000, s0, s31, $0x38;
	[tilespmem:$0x1B000] =	vst v63  }
0x2de: {  	s12 =	sld [smem:$0x7FD];
	_ =	sdelay $0x1  }
0x2df: {  	s13 =	simm.s32 $0xF000;
	s14 =	sld [smem:$0x7E9]  }
0x2e0: {  	[hbm4b:s12+s31] =	stream.strided.scatter [tilespmem:s13], [sflag:$0x5], $0x1000, s0, s31, $0x38;
	[tilespmem:$0x1B000] =	vst v63  }
0x2e1: {  	s22 =	sld [smem:$0x7EA]  }
0x2e2: {  	[hbm4b:s14+s31] =	stream.strided.scatter [tilespmem:s15], [sflag:$0x5], $0x1000, s0, s31, $0x38;
	[tilespmem:$0x1B000] =	vst v63  }
0x2e3: {  	s12 =	sld [smem:$0x7EB]  }
0x2e4: {  	[hbm4b:s22+s31] =	stream.strided.scatter [tilespmem:s16], [sflag:$0x5], $0x1000, s0, s31, $0x38;
	[tilespmem:$0x1B000] =	vst v63  }
0x2e5: {  	s13 =	simm.s32 $0xD000  }
0x2e6: {  	[hbm4b:s12+s31] =	stream.strided.scatter [tilespmem:s13], [sflag:$0x5], $0x1000, s0, s31, $0x38;
	[tilespmem:$0x1B000] =	vst v63  }
0x2e7: {  	_ =	swait.ge [sflag:s6], $0x1000  }
0x2e8: {  	[sflag:s6] =	ssyncset.done $0x0  }
0x2e9: {  	[sflag:s6] =	ssyncadd.s32 $0xFFFFF000  }
0x2ea: {  	_ =	swait.ge [sflag:s6], $0x1000  }
0x2eb: {  	[sflag:s6] =	ssyncset.done $0x0  }
0x2ec: {  	[sflag:s6] =	ssyncadd.s32 $0xFFFFF000  }
0x2ed: {  	s14 =	simm.s32 $0x0;
	_ =	swait.ge [sflag:s6], $0x1000  }
0x2ee: {  	s30 =	simm.s32 $0x0;
	s11 =	sand.u32 $0x800, s14;
	[sflag:s6] =	ssyncset.done $0x0  }
0x2ef: {  	s22 =	sand.u32 $0x400, s30;
	s13 =	simm.s32 $0x0;
	[sflag:s6] =	ssyncadd.s32 $0xFFFFF000  }
0x2f0: {  	s11 =	sor.u32 s22, s11;
	s14 =	sand.u32 $0x380, s13;
	_ =	swait.ge [sflag:s6], $0x1000  }
0x2f1: {  	s22 =	sand.u32 $0x40, s30;
	s11 =	sor.u32 s14, s11;
	[sflag:s6] =	ssyncset.done $0x0  }
0x2f2: {  	s28 =	sor.u32 s22, s11;
	[sflag:s6] =	ssyncadd.s32 $0xFFFFF000  }
0x2f3: {  	v2 =	vld [tilespmem:s28+$0xA030]  }
0x2f4: {  	v0 =	vld [tilespmem:s28+$0xC030]  }
0x2f5: {  	v5 =	vld [tilespmem:s28+$0x9000]  }
0x2f6: {  	v4 =	vld [tilespmem:s28+$0xA000]  }
0x2f7: {  	v9 =	vld [tilespmem:s28+$0xB000]  }
0x2f8: {  	v6 =	vld [tilespmem:s28+$0xC000]  }
0x2f9: {  	v1 =	vld [tilespmem:s28+$0x9010];
	v8 =	vsub.f32 v0, v2  }
0x2fa: {  	v10 =	vmul.f32 $1.562500020e-03, v5;
	v0 =	vld [tilespmem:s28+$0xA010]  }
0x2fb: {  	v3 =	vld [tilespmem:s28+$0xB010];
	v8 =	vmul.f32 $1.562500020e-03, v8  }
0x2fc: {  	s13 =	simm.s32 $0x0;
	s22 =	simm.s32 $0x0;
	v2 =	vmul.f32 $1.562500020e-03, v2;
	v7 =	vmul.f32 $1.562500020e-03, v4;
	v9 =	vsub.f32 v9, v5;
	v5 =	vld [tilespmem:s28+$0xC010];
	[tilespmem:s28+$0x9000] =	vst v10  }
.LBB2_11:
0x2fd: {  	s22 =	sadd.s32 $0x4, s22;
	v4 =	vsub.f32 v6, v4;
	v6 =	vld [tilespmem:s28+$0x9020];
	[tilespmem:s28+$0xC030] =	vst v8  }
0x2fe: {  	v8 =	vmul.f32 $1.562500020e-03, v9;
	s30 =	sadd.s32 $0x200, s30;
	s11 =	sshll.u32 s22, $0x4;
	p1 =	slt.u32 s22, $0xFC;
	[tilespmem:s28+$0xA000] =	vst v7;
	v7 =	vmul.f32 $1.562500020e-03, v1;
	v9 =	vld [tilespmem:s28+$0xA020]  }
0x2ff: {  	v10 =	vmul.f32 $1.562500020e-03, v0;
	s12 =	sand.u32 $0x400, s30;
	s14 =	sshll.u32 s22, $0x3;
	s11 =	sand.u32 $0x800, s11;
	v4 =	vmul.f32 $1.562500020e-03, v4;
	v11 =	vld [tilespmem:s28+$0xB020];
	[tilespmem:s28+$0xA030] =	vst v2  }
0x300: {  	s13 =	sadd.s32 $0x40, s13;
	v1 =	vsub.f32 v3, v1;
	s11 =	sor.u32 s12, s11;
	s12 =	sand.u32 $0x380, s14;
	[tilespmem:s28+$0xB000] =	vst v8;
	v2 =	vld [tilespmem:s28+$0xC020]  }
0x301: {  	v0 =	vsub.f32 v5, v0;
	s14 =	sand.u32 $0x40, s13;
	s11 =	sor.u32 s12, s11;
	[tilespmem:s28+$0xC000] =	vst v4;
	v3 =	vld [tilespmem:s28+$0x9030]  }
0x302: {  	v1 =	vmul.f32 $1.562500020e-03, v1;
	s11 =	sor.u32 s14, s11;
	[tilespmem:s28+$0x9010] =	vst v7;
	v5 =	vmul.f32 $1.562500020e-03, v6;
	v7 =	vld [tilespmem:s28+$0xB030]  }
0x303: {  	v0 =	vmul.f32 $1.562500020e-03, v0;
	v8 =	vld [tilespmem:s11+$0xA030];
	[tilespmem:s28+$0xA010] =	vst v10;
	v10 =	vmul.f32 $1.562500020e-03, v9  }
0x304: {  	v12 =	vld [tilespmem:s11+$0xC030];
	[tilespmem:s28+$0xB010] =	vst v1;
	v1 =	vsub.f32 v11, v6  }
0x305: {  	v11 =	vld [tilespmem:s11+$0x9000];
	[tilespmem:s28+$0xC010] =	vst v0;
	v0 =	vsub.f32 v2, v9  }
0x306: {  	v4 =	vld [tilespmem:s11+$0xA000];
	v1 =	vmul.f32 $1.562500020e-03, v1;
	[tilespmem:s28+$0x9020] =	vst v5;
	v5 =	vmul.f32 $1.562500020e-03, v3  }
0x307: {  	v9 =	vld [tilespmem:s11+$0xB000];
	v0 =	vmul.f32 $1.562500020e-03, v0;
	[tilespmem:s28+$0xA020] =	vst v10;
	v3 =	vsub.f32 v7, v3  }
.Ltmp7:
0x308: {  	v6 =	vld [tilespmem:s11+$0xC000];
	v2 =	vmul.f32 $1.562500020e-03, v8;
	[tilespmem:s28+$0xB020] =	vst v1;
	(pc) =	sbr.rel @p1 .LBB2_11-.Ltmp7, $4  }
0x309: {  	v1 =	vld [tilespmem:s11+$0x9010];
	v8 =	vsub.f32 v12, v8;
	[tilespmem:s28+$0xC020] =	vst v0;
	v10 =	vmul.f32 $1.562500020e-03, v3  }
0x30a: {  	v12 =	vmul.f32 $1.562500020e-03, v11;
	v0 =	vld [tilespmem:s11+$0xA010];
	[tilespmem:s28+$0x9030] =	vst v5  }
0x30b: {  	v7 =	vmul.f32 $1.562500020e-03, v4;
	v3 =	vld [tilespmem:s11+$0xB010];
	v8 =	vmul.f32 $1.562500020e-03, v8;
	[tilespmem:s28+$0xB030] =	vst v10;
	s28 =	smov.u32 s11  }
0x30c: {  	v9 =	vsub.f32 v9, v11;
	[tilespmem:s28+$0x9000] =	vst v12;
	v5 =	vld [tilespmem:s28+$0xC010]  }
.Ltmp8:
0x30d: {  	_ = 	snop;
	(pc) =	sbr.rel .LBB2_12-.Ltmp8, $1  }
0x30e: {  	_ =	sdelay $0x3  }
.LBB2_14:
0x30f: {  	_ =	sfence.sel $0x180000  }
0x310: {  	[bflag:$0x0] =	sbarrier.arrive $0xFFFF  }
0x311: {  	_ =	strace $0x90000047  }
0x312: {  	s0 =	stileid.u32;
	[bflag:$0x2] =	sbarrier.arrive $0xFFFF  }
0x313: {  	p0 =	sne.s32 s0, $0x0;
	s0 =	rddreg [dreg:$0x2]  }
0x314: {  	s0 =	sadd.s32 @!p0 $0x100000, s0  }
0x315: {  	[sflag:s0] =	ssyncadd.tile.s32 @!p0 $0x1;
	_ =	shalt  }
.Lfunc_end2:
_tile_overlayer_lowered:
.L_overlay_start_2:
0x316: {  	(tag) =	ssettag $0x2  }
0x317: {  	s0 =	rddreg [dreg:$0x0];
	s2 =	stileid.u32  }
0x318: {  	s1 =	rddreg [dreg:$0x1];
	p0 =	sne.s32 s2, $0x0  }
0x319: {  	s3 =	rddreg [dreg:$0x2];
	[bflag:$0x3] =	sbarrier.arrive $0xFFFF;
	s2 =	simm.s32 @!p0 $0x1C07  }
0x31a: {  	[timem:s3], [sflag:s2] =	dma.local @!p0 [hbm:s0], s1  }
0x31b: {  	s0 =	simm.s32 @!p0 $0x7  }
0x31c: {  	_ =	swait.ge @!p0 [sflag:s0], s1  }
0x31d: {  	s1 =	ssub.s32 @!p0 $0x0, s1;
	[sflag:s0] =	ssyncset.done @!p0 $0x0  }
0x31e: {  	[sflag:s0] =	ssyncadd.s32 @!p0 s1  }
0x31f: {  	[bflag:$0x3] =	sbarrier.arrive $0xFFFF  }
0x320: {  	_ =	shalt  }

</sc_bundles>
